<compile_context>
chip_gen: v7x
topology: tpu7x:2x2x1
jax: 0.10.2.dev20260603
libtpu: 0.0.44.dev20260713+nightly
codegen_flags: <defaults>
</compile_context>

<pallas_src>
import dataclasses
import functools

import jax
import jax.numpy as jnp
from jax import lax
from jax.experimental import pallas as pl
from jax.experimental.pallas import tpu as pltpu
from jax.experimental.pallas import tpu_sc as plsc

N = 10000
D = 128
DFF = 256
OFF = 36
E = 320000

NC = 2
NS = 16
NW = NC * NS
EBLK = 128
K = 80
KD = K
E_PAD = NW * K * EBLK
N_PAD = 10240
NWIN = 3
WROWS = 3456
DUMMY = N

BR = 1024


def _mesh():
    return plsc.VectorSubcoreMesh(core_axis_name="c", subcore_axis_name="s")


def _sc_params():
    cp = pltpu.CompilerParams()
    if "needs_layout_passes" in pltpu.CompilerParams.__dataclass_fields__:
        cp = dataclasses.replace(cp, needs_layout_passes=False)
    return cp



def _zero_fill(buf, rows, width, value=0.0):
    vec = jnp.full((16,), value, jnp.float32)

    @pl.loop(0, rows)
    def _(r):
        @pl.loop(0, width, step=16)
        def _(j):
            buf[r, pl.ds(j, 16)] = vec


@functools.cache
def _sc_segment_sum_kernel():

    @functools.partial(
        pl.kernel,
        out_type=jax.ShapeDtypeStruct((NC, N_PAD, D), jnp.float32),
        mesh=_mesh(),
        scratch_types=[
            pltpu.VMEM((K, EBLK), jnp.int32),
            pltpu.VMEM((K, EBLK), jnp.int32),
            pltpu.VMEM((K, EBLK), jnp.int32),
            pltpu.VMEM((K, EBLK), jnp.int32),
            pltpu.VMEM((K, EBLK), jnp.int32),
            pltpu.VMEM((K, EBLK), jnp.int32),
            pltpu.VMEM((EBLK, D), jnp.float32),
            pltpu.VMEM((EBLK, D), jnp.float32),
            pltpu.VMEM_SHARED((WROWS + 8, D), jnp.float32),
            pltpu.SMEM((NWIN + 1,), jnp.int32),
            pltpu.SemaphoreType.DMA,
            pltpu.SemaphoreType.DMA,
        ],
        compiler_params=_sc_params(),
    )
    def k(vals_hbm, idx_hbm, out_hbm,
          idx_v, sb0, sb1, db0, db1, db2, buf_a, buf_b, acc, off_ref, sem_g, sem_s):
        c = lax.axis_index("c")
        s = lax.axis_index("s")
        wid = s * NC + c
        pltpu.sync_copy(idx_hbm.at[wid], idx_v)
        sbufs = [sb0, sb1, idx_v]
        dbufs = [db0, db1, db2]
        dummy_src = jnp.full((16,), DUMMY, jnp.int32)
        dummy_dst = jnp.full((16,), WROWS, jnp.int32)

        for w in range(NWIN):
            off_ref[w] = 0

        @pl.loop(0, K)
        def _(kk):
            @pl.loop(0, EBLK, step=16)
            def _(j):
                for w in range(NWIN):
                    if w < 2:
                        sbufs[w][kk, pl.ds(j, 16)] = dummy_src
                    dbufs[w][kk, pl.ds(j, 16)] = dummy_dst

        @pl.loop(0, K)
        def _(kk):
            @pl.loop(0, EBLK, step=16)
            def _(j):
                v = idx_v[kk, pl.ds(j, 16)]
                src16 = v & 0xFFFF
                d16 = lax.shift_right_logical(v, 16)
                for w in range(NWIN):
                    wlo = w * WROWS
                    rows_w = min(WROWS, N_PAD - wlo)
                    lv = d16 - wlo
                    m = (lv >= 0) & (lv < rows_w)
                    mi = m.astype(jnp.int32)
                    offw = off_ref[w]
                    pos = offw + plsc.cumsum(mi) - 1
                    pos = jnp.where(m, pos, 0)
                    row = lax.shift_right_logical(pos, 7)
                    col = pos & (EBLK - 1)
                    plsc.store_scatter(sbufs[w], [row, col], src16, mask=m)
                    plsc.store_scatter(dbufs[w], [row, col], lv, mask=m)
                    off_ref[w] = offw + jnp.sum(mi)

        off2 = off_ref[2]

        @pl.when(off2 < K * EBLK)
        def _():
            kk_last = lax.shift_right_logical(off2, 7)

            @pl.loop(0, EBLK, step=16)
            def _(j):
                slot = kk_last * EBLK + j + lax.iota(jnp.int32, 16)
                keep = slot < off2
                cur = idx_v[kk_last, pl.ds(j, 16)]
                idx_v[kk_last, pl.ds(j, 16)] = jnp.where(keep, cur, DUMMY)

        for w in range(NWIN):
            wlo = w * WROWS
            rows_w = min(WROWS, N_PAD - wlo)
            rpw = rows_w // NS
            sbuf = sbufs[w]
            dbuf = dbufs[w]
            nblk = (off_ref[w] + (EBLK - 1)) // EBLK

            _zero_fill(buf_a, EBLK, D)
            for off in range(0, rpw, EBLK):
                sz = min(EBLK, rpw - off)
                pltpu.sync_copy(buf_a.at[pl.ds(0, sz)],
                                acc.at[pl.ds(s * rpw + off, sz)])
            plsc.subcore_barrier()

            @pl.when(nblk > 0)
            def _():
                pltpu.async_copy(vals_hbm.at[sbuf.at[0]], buf_a, sem_g)

            @pl.loop(0, K, step=2)
            def _(kk):
                @pl.when(kk < nblk)
                def _():
                    @pl.when(kk + 1 < nblk)
                    def _():
                        pltpu.async_copy(vals_hbm.at[sbuf.at[kk + 1]], buf_b, sem_s)

                    pltpu.make_async_copy(vals_hbm.at[sbuf.at[kk]], buf_a, sem_g).wait()
                    pltpu.sync_copy(buf_a, acc.at[dbuf.at[kk]], add=True)

                    @pl.when(kk + 2 < nblk)
                    def _():
                        pltpu.async_copy(vals_hbm.at[sbuf.at[kk + 2]], buf_a, sem_g)

                    @pl.when(kk + 1 < nblk)
                    def _():
                        pltpu.make_async_copy(vals_hbm.at[sbuf.at[kk + 1]], buf_b, sem_s).wait()
                        pltpu.sync_copy(buf_b, acc.at[dbuf.at[kk + 1]], add=True)

            plsc.subcore_barrier()
            pltpu.sync_copy(acc.at[pl.ds(s * rpw, rpw)],
                            out_hbm.at[c].at[pl.ds(wlo + s * rpw, rpw)])

    return k


def _sc_segment_sum(vals_pad, idx3):
    return _sc_segment_sum_kernel()(vals_pad, idx3)


def _sc_degree(idx4):

    @functools.partial(
        pl.kernel,
        out_type=jax.ShapeDtypeStruct((NW, N_PAD), jnp.float32),
        mesh=_mesh(),
        scratch_types=[
            pltpu.VMEM((KD, EBLK), jnp.int32),
            pltpu.VMEM((N_PAD,), jnp.float32),
        ],
        compiler_params=_sc_params(),
    )
    def k(idx_hbm, out_hbm, idx_v, hist):
        c = lax.axis_index("c")
        s = lax.axis_index("s")
        wid = s * NC + c
        pltpu.sync_copy(idx_hbm.at[wid], idx_v)
        zvec = jnp.zeros((16,), jnp.float32)

        @pl.loop(0, N_PAD, step=16)
        def _(j):
            hist[pl.ds(j, 16)] = zvec

        ones = jnp.ones((16,), jnp.float32)

        @pl.loop(0, KD)
        def _(kk):
            @pl.loop(0, EBLK, step=16)
            def _(j):
                dv = lax.shift_right_logical(idx_v[kk, pl.ds(j, 16)], 16)
                plsc.addupdate_scatter(hist, [dv], ones)

        pltpu.sync_copy(hist, out_hbm.at[wid])

    return k(idx4)



def _ln(v, s, b):
    m = jnp.mean(v, axis=-1, keepdims=True)
    c = v - m
    var = jnp.mean(c * c, axis=-1, keepdims=True)
    return c * lax.rsqrt(var + 1e-5) * s + b


def _dot(x, w):
    return jnp.dot(x, w, preferred_element_type=jnp.float32,
                   precision=lax.Precision.HIGHEST)


def _a_from_deg(deg_ref):
    deg = jnp.sum(deg_ref[...], axis=0)[:, None] + 1.0
    return lax.rsqrt(deg)


def _row_mask(i):
    rows = i * BR + lax.broadcasted_iota(jnp.int32, (BR, 1), 0)
    return rows < N


_W_SPEC = lambda r, c: pl.BlockSpec((r, c), lambda i: (0, 0))
_DEG_SPEC = pl.BlockSpec((NW, BR), lambda i: (0, i))
_ROW_SPEC = lambda w: pl.BlockSpec((BR, w), lambda i: (i, 0))
_PART_SPEC = pl.BlockSpec((NC, BR, D), lambda i: (0, i, 0))


def _tc_prep(x_pad, deg_parts, wg):

    def body(x_ref, deg_ref, wg_ref, g_ref):
        i = pl.program_id(0)
        a = _a_from_deg(deg_ref)
        g = _dot(x_ref[...], wg_ref[...]) * a
        g_ref[...] = jnp.where(_row_mask(i), g, 0.0)

    return pl.pallas_call(
        body,
        grid=(N_PAD // BR,),
        in_specs=[_ROW_SPEC(D), _DEG_SPEC, _W_SPEC(D, D)],
        out_specs=_ROW_SPEC(D),
        out_shape=jax.ShapeDtypeStruct((N_PAD, D), jnp.float32),
    )(x_pad, deg_parts, wg)


def _tc_layer(h_pad, g_pad, s_parts, deg_parts, p, wg_next, woff, boff):
    last = woff is not None

    def body(h_ref, g_ref, s_ref, deg_ref, wg2_ref,
             bg_ref, l1s_ref, l1b_ref, wf1_ref, bf1_ref, wf2_ref, bf2_ref,
             l2s_ref, l2b_ref, boff_ref, h2_ref, aux_ref):
        i = pl.program_id(0)
        a = _a_from_deg(deg_ref)
        h = h_ref[...]
        h_local = a * (s_ref[0] + s_ref[1] + g_ref[...]) + bg_ref[...]
        t = _ln(h + h_local, l1s_ref[...], l1b_ref[...])
        u = jnp.maximum(_dot(t, wf1_ref[...]) + bf1_ref[...], 0.0)
        ff = _dot(u, wf2_ref[...]) + bf2_ref[...]
        h2 = _ln(t + ff, l2s_ref[...], l2b_ref[...])
        h2_ref[...] = h2
        if last:
            aux_ref[...] = _dot(h + h2, wg2_ref[...]) + 2.0 * boff_ref[...]
        else:
            g2 = _dot(h2, wg2_ref[...]) * a
            aux_ref[...] = jnp.where(_row_mask(i), g2, 0.0)

    aux_w = OFF if last else D
    w2 = woff if last else wg_next
    return pl.pallas_call(
        body,
        grid=(N_PAD // BR,),
        in_specs=[
            _ROW_SPEC(D), _ROW_SPEC(D), _PART_SPEC, _DEG_SPEC,
            _W_SPEC(D, aux_w),
            _W_SPEC(1, D), _W_SPEC(1, D), _W_SPEC(1, D),
            _W_SPEC(D, DFF), _W_SPEC(1, DFF), _W_SPEC(DFF, D), _W_SPEC(1, D),
            _W_SPEC(1, D), _W_SPEC(1, D), _W_SPEC(1, aux_w),
        ],
        out_specs=[_ROW_SPEC(D), _ROW_SPEC(aux_w)],
        out_shape=[
            jax.ShapeDtypeStruct((N_PAD, D), jnp.float32),
            jax.ShapeDtypeStruct((N_PAD, aux_w), jnp.float32),
        ],
    )(h_pad, g_pad, s_parts, deg_parts, w2,
      p['bg'].reshape(1, D), p['ln1s'].reshape(1, D), p['ln1b'].reshape(1, D),
      p['Wf1'], p['bf1'].reshape(1, DFF), p['Wf2'], p['bf2'].reshape(1, D),
      p['ln2s'].reshape(1, D), p['ln2b'].reshape(1, D),
      (boff if last else jnp.zeros((aux_w,), jnp.float32)).reshape(1, aux_w))



def kernel(x, edge_index, node_indices, params):
    src = edge_index[0]
    dst = edge_index[1]
    pad = jnp.full((E_PAD - E,), DUMMY, jnp.int32)
    srcp = jnp.concatenate([src, pad])
    dstp = jnp.concatenate([dst, pad])
    idx3 = ((dstp << 16) | srcp).reshape(NW, K, EBLK)
    x_pad = jnp.pad(x, ((0, N_PAD - N), (0, 0)))

    p0 = params['layer0']
    p1 = params['layer1']

    deg_full = _sc_degree(idx3)
    g0 = _tc_prep(x_pad, deg_full, p0['Wg'])
    s0 = _sc_segment_sum(g0, idx3)
    h1, g1 = _tc_layer(x_pad, g0, s0, deg_full, p0,
                       wg_next=p1['Wg'], woff=None, boff=None)
    s1 = _sc_segment_sum(g1, idx3)
    h2, pz = _tc_layer(h1, g1, s1, deg_full, p1,
                       wg_next=None, woff=params['Woff'], boff=params['boff'])
    return h2[:N], pz[:N]

# --- scband reference (transcript-rebuilt; emitter-appended) ---
"""Pipeline reference for scband-gpsmodel-anchor-voting-76209899700959 (READ-ONLY COPY).

The authoritative reference and input builder live on the scoring server;
editing this copy changes nothing except your own understanding.
"""

import jax, jax.numpy as jnp
import numpy as np

N = 10000
E = 320000
D = 128
DFF = 256
LAYERS = 2
OFF = 36  # 4 * 9 offset head output


def _dense(k, fan_in, fan_out):
    return jax.random.normal(k, (fan_in, fan_out), dtype=jnp.float32) / np.sqrt(fan_in)


def setup_inputs(seed: int = 0) -> dict:
    key = jax.random.key(seed)
    ks = jax.random.split(key, 32)
    inp = {}
    inp['x'] = jax.random.normal(ks[0], (N, D), dtype=jnp.float32)
    inp['edge_index'] = jax.random.randint(ks[1], (2, E), 0, N, dtype=jnp.int32)
    inp['node_indices'] = jnp.arange(N, dtype=jnp.int32)
    params = {}
    ki = 2
    for l in range(LAYERS):
        p = {}
        p['Wg'] = _dense(ks[ki], D, D); ki += 1
        p['bg'] = jnp.zeros((D,), jnp.float32)
        p['ln1s'] = jnp.ones((D,), jnp.float32)
        p['ln1b'] = jnp.zeros((D,), jnp.float32)
        p['Wf1'] = _dense(ks[ki], D, DFF); ki += 1
        p['bf1'] = jnp.zeros((DFF,), jnp.float32)
        p['Wf2'] = _dense(ks[ki], DFF, D); ki += 1
        p['bf2'] = jnp.zeros((D,), jnp.float32)
        p['ln2s'] = jnp.ones((D,), jnp.float32)
        p['ln2b'] = jnp.zeros((D,), jnp.float32)
        params['layer%d' % l] = p
    params['Woff'] = _dense(ks[ki], D, OFF); ki += 1
    params['boff'] = jnp.zeros((OFF,), jnp.float32)
    inp['params'] = params
    return inp


def layer_norm(v, s, b):
    m = jnp.mean(v, axis=-1, keepdims=True)
    var = jnp.var(v, axis=-1, keepdims=True)
    return (v - m) / jnp.sqrt(var + 1e-5) * s + b


def gcn_conv(x, W, b, src, dst, n):
    # GCN local message passing with self-loops and symmetric degree norm
    h = x @ W
    deg = jnp.zeros((n,), x.dtype).at[dst].add(1.0) + 1.0
    norm = 1.0 / jnp.sqrt(deg[src] * deg[dst])
    agg = jnp.zeros_like(h).at[dst].add(h[src] * norm[:, None])
    agg = agg + h / deg[:, None]
    return agg + b


def _forward(x, src, dst, params):
    n = x.shape[0]
    pz = jnp.zeros((n, OFF), x.dtype)  # padding_zeros accumulator
    h = x
    for l in range(LAYERS):
        p = params['layer%d' % l]
        # GPSLayer: local GNN (GCN) + residual + LayerNorm
        h_local = gcn_conv(h, p['Wg'], p['bg'], src, dst, n)
        h = layer_norm(h + h_local, p['ln1s'], p['ln1b'])
        # FFN block + residual + LayerNorm (global_model_type == 'None')
        ff = jax.nn.relu(h @ p['Wf1'] + p['bf1']) @ p['Wf2'] + p['bf2']
        h = layer_norm(h + ff, p['ln2s'], p['ln2b'])
        # anchor-voting: padding_zeros += offset_head(x) after each GPS layer
        pz = pz + h @ params['Woff'] + params['boff']
    return (h, pz)


def reference(x, edge_index, node_indices, params):
    src = edge_index[0]
    dst = edge_index[1]
    return _forward(x, src, dst, params)

if __name__ == "__main__":
    import jax
    _d = setup_inputs()
    print(jax.jit(kernel)(*tuple(_d.values())))

</pallas_src>

<mosaic_0001>
#map = affine_map<(d0, d1) -> (0, 0, 0)>
#map1 = affine_map<(d0, d1) -> (0, 0)>
module attributes {stable_mosaic.version = 14 : i64} {
  func.func @k(%arg0: i32, %arg1: i32, %arg2: memref<32x80x128xi32, #tpu.memory_space<hbm>>, %arg3: memref<32x10240xf32, #tpu.memory_space<hbm>>, %arg4: memref<80x128xi32, #tpu.memory_space<vmem>>, %arg5: memref<10240xf32, #tpu.memory_space<vmem>>) attributes {dimension_semantics = [#tpu.dimension_semantics<core_parallel>, #tpu.dimension_semantics<subcore_parallel>], iteration_bounds = array<i64: 2, 16>, scalar_prefetch = 0 : i64, scratch_operands = 2 : i64, tpu.core_type = #tpu.core_type<sc_vector_subcore>, window_params = [{transform_indices = #map}, {transform_indices = #map1}]} {
    %mul3A = arith.constant 2 : i32
    %mul3A_0 = arith.muli %arg1, %mul3A : i32
    %add3A = arith.addi %mul3A_0, %arg0 : i32
    "tpu.region"() ({
      %run_scoped3A = tpu.sem_alloc : memref<!tpu.dma_semaphore, #tpu.memory_space<semaphore_mem>>
      %dma_start3A = arith.constant 0 : i32
      %dma_start3A_13 = arith.constant 0 : i32
      %dma_start3A_14 = tpu.memref_slice %arg2[%add3A, %dma_start3A, %dma_start3A_13] : memref<32x80x128xi32, #tpu.memory_space<hbm>> -> memref<1x80x128xi32, #tpu.memory_space<hbm>>
      %dma_start3A_15 = tpu.memref_squeeze %dma_start3A_14 : memref<1x80x128xi32, #tpu.memory_space<hbm>> -> memref<80x128xi32, #tpu.memory_space<hbm>>
      %dma_start3A_16 = arith.constant 0 : i32
      %dma_start3A_17 = arith.constant 0 : i32
      %dma_start3A_18 = tpu.memref_slice %arg2[%add3A, %dma_start3A_16, %dma_start3A_17] : memref<32x80x128xi32, #tpu.memory_space<hbm>> -> memref<1x80x128xi32, #tpu.memory_space<hbm>>
      %dma_start3A_19 = tpu.memref_squeeze %dma_start3A_18 : memref<1x80x128xi32, #tpu.memory_space<hbm>> -> memref<80x128xi32, #tpu.memory_space<hbm>>
      tpu.enqueue_dma source(%dma_start3A_19 : memref<80x128xi32, #tpu.memory_space<hbm>>) target(%arg4 : memref<80x128xi32, #tpu.memory_space<vmem>>) target_semaphore(%run_scoped3A : memref<!tpu.dma_semaphore, #tpu.memory_space<semaphore_mem>>)
      %dma_wait3A = arith.constant 0 : i32
      %dma_wait3A_20 = arith.constant 0 : i32
      %dma_wait3A_21 = tpu.memref_slice %arg2[%add3A, %dma_wait3A, %dma_wait3A_20] : memref<32x80x128xi32, #tpu.memory_space<hbm>> -> memref<1x80x128xi32, #tpu.memory_space<hbm>>
      %dma_wait3A_22 = tpu.memref_squeeze %dma_wait3A_21 : memref<1x80x128xi32, #tpu.memory_space<hbm>> -> memref<80x128xi32, #tpu.memory_space<hbm>>
      %dma_wait3A_23 = arith.constant 0 : i32
      %dma_wait3A_24 = arith.constant 0 : i32
      %dma_wait3A_25 = tpu.memref_slice %arg2[%add3A, %dma_wait3A_23, %dma_wait3A_24] : memref<32x80x128xi32, #tpu.memory_space<hbm>> -> memref<1x80x128xi32, #tpu.memory_space<hbm>>
      %dma_wait3A_26 = tpu.memref_squeeze %dma_wait3A_25 : memref<1x80x128xi32, #tpu.memory_space<hbm>> -> memref<80x128xi32, #tpu.memory_space<hbm>>
      tpu.wait_dma2 semaphore(%run_scoped3A : memref<!tpu.dma_semaphore, #tpu.memory_space<semaphore_mem>>) src(%dma_wait3A_26 : memref<80x128xi32, #tpu.memory_space<hbm>>) dst(%arg4 : memref<80x128xi32, #tpu.memory_space<vmem>>)
      tpu.yield
    }) : () -> ()
    %broadcast_in_dim3A = arith.constant 0.000000e+00 : f32
    %broadcast_in_dim3A_1 = vector.broadcast %broadcast_in_dim3A : f32 to vector<16xf32>
    %scan3A = arith.constant 0 : i32
    %scan3A_2 = arith.constant 640 : i32
    %scan3A_3 = arith.addi %scan3A, %scan3A_2 : i32
    %scan3A_4 = arith.constant 1 : i32
    scf.for %scan3A_13 = %scan3A to %scan3A_3 step %scan3A_4  : i32 {
      %mul3A_14 = arith.constant 16 : i32
      %mul3A_15 = arith.muli %scan3A_13, %mul3A_14 : i32
      %add3A_16 = arith.constant 0 : i32
      %add3A_17 = arith.addi %add3A_16, %mul3A_15 : i32
      %swap3A = arith.index_cast %add3A_17 : i32 to index
      %swap3A_18 = tpu.vector_load %arg5[%swap3A] {strides = array<i32>} : memref<10240xf32, #tpu.memory_space<vmem>>, vector<16xf32>,
      tpu.vector_store %arg5[%swap3A], %broadcast_in_dim3A_1 {strides = array<i32>} : memref<10240xf32, #tpu.memory_space<vmem>>, vector<16xf32>,
    }
    %scan3A_5 = arith.constant 640 : i32
    %broadcast_in_dim3A_6 = arith.constant 1.000000e+00 : f32
    %broadcast_in_dim3A_7 = vector.broadcast %broadcast_in_dim3A_6 : f32 to vector<16xf32>
    %scan3A_8 = arith.constant 0 : i32
    %scan3A_9 = arith.constant 80 : i32
    %scan3A_10 = arith.addi %scan3A_8, %scan3A_9 : i32
    %scan3A_11 = arith.constant 1 : i32
    scf.for %scan3A_13 = %scan3A_8 to %scan3A_10 step %scan3A_11  : i32 {
      %mul3A_14 = arith.constant 1 : i32
      %mul3A_15 = arith.muli %scan3A_13, %mul3A_14 : i32
      %add3A_16 = arith.constant 0 : i32
      %add3A_17 = arith.addi %add3A_16, %mul3A_15 : i32
      %scan3A_18 = arith.constant 0 : i32
      %scan3A_19 = arith.constant 8 : i32
      %scan3A_20 = arith.addi %scan3A_18, %scan3A_19 : i32
      %scan3A_21 = arith.constant 1 : i32
      scf.for %scan3A_23 = %scan3A_18 to %scan3A_20 step %scan3A_21  : i32 {
        %mul3A_24 = arith.constant 16 : i32
        %mul3A_25 = arith.muli %scan3A_23, %mul3A_24 : i32
        %add3A_26 = arith.constant 0 : i32
        %add3A_27 = arith.addi %add3A_26, %mul3A_25 : i32
        %get3A = arith.index_cast %add3A_17 : i32 to index
        %get3A_28 = arith.index_cast %add3A_27 : i32 to index
        %get3A_29 = tpu.vector_load %arg4[%get3A, %get3A_28] {strides = array<i32>} : memref<80x128xi32, #tpu.memory_space<vmem>>, vector<16xi32>,
        %shift_right_logical3A = arith.constant 16 : i32
        %shift_right_logical3A_30 = vector.broadcast %shift_right_logical3A : i32 to vector<16xi32>
        %shift_right_logical3A_31 = arith.shrui %get3A_29, %shift_right_logical3A_30 : vector<16xi32>
        tpu.vector_store_idx %arg5[%shift_right_logical3A_31], %broadcast_in_dim3A_7 {add = true} : memref<10240xf32, #tpu.memory_space<vmem>>[vector<16xi32>], vector<16xf32>,
      }
      %scan3A_22 = arith.constant 8 : i32
    }
    %scan3A_12 = arith.constant 80 : i32
    "tpu.region"() ({
      %run_scoped3A = tpu.sem_alloc : memref<!tpu.dma_semaphore, #tpu.memory_space<semaphore_mem>>
      %dma_start3A = arith.constant 0 : i32
      %dma_start3A_13 = tpu.memref_slice %arg3[%add3A, %dma_start3A] : memref<32x10240xf32, #tpu.memory_space<hbm>> -> memref<1x10240xf32, #tpu.memory_space<hbm>>
      %dma_start3A_14 = tpu.memref_squeeze %dma_start3A_13 : memref<1x10240xf32, #tpu.memory_space<hbm>> -> memref<10240xf32, #tpu.memory_space<hbm>>
      %dma_start3A_15 = arith.constant 0 : i32
      %dma_start3A_16 = tpu.memref_slice %arg3[%add3A, %dma_start3A_15] : memref<32x10240xf32, #tpu.memory_space<hbm>> -> memref<1x10240xf32, #tpu.memory_space<hbm>>
      %dma_start3A_17 = tpu.memref_squeeze %dma_start3A_16 : memref<1x10240xf32, #tpu.memory_space<hbm>> -> memref<10240xf32, #tpu.memory_space<hbm>>
      tpu.enqueue_dma source(%arg5 : memref<10240xf32, #tpu.memory_space<vmem>>) target(%dma_start3A_17 : memref<10240xf32, #tpu.memory_space<hbm>>) target_semaphore(%run_scoped3A : memref<!tpu.dma_semaphore, #tpu.memory_space<semaphore_mem>>)
      %dma_wait3A = arith.constant 0 : i32
      %dma_wait3A_18 = tpu.memref_slice %arg3[%add3A, %dma_wait3A] : memref<32x10240xf32, #tpu.memory_space<hbm>> -> memref<1x10240xf32, #tpu.memory_space<hbm>>
      %dma_wait3A_19 = tpu.memref_squeeze %dma_wait3A_18 : memref<1x10240xf32, #tpu.memory_space<hbm>> -> memref<10240xf32, #tpu.memory_space<hbm>>
      %dma_wait3A_20 = arith.constant 0 : i32
      %dma_wait3A_21 = tpu.memref_slice %arg3[%add3A, %dma_wait3A_20] : memref<32x10240xf32, #tpu.memory_space<hbm>> -> memref<1x10240xf32, #tpu.memory_space<hbm>>
      %dma_wait3A_22 = tpu.memref_squeeze %dma_wait3A_21 : memref<1x10240xf32, #tpu.memory_space<hbm>> -> memref<10240xf32, #tpu.memory_space<hbm>>
      tpu.wait_dma2 semaphore(%run_scoped3A : memref<!tpu.dma_semaphore, #tpu.memory_space<semaphore_mem>>) src(%arg5 : memref<10240xf32, #tpu.memory_space<vmem>>) dst(%dma_wait3A_22 : memref<10240xf32, #tpu.memory_space<hbm>>)
      tpu.yield
    }) : () -> ()
    return
  }
}

#map = affine_map<(d0, d1) -> (0, 0)>
#map1 = affine_map<(d0, d1) -> (0, 0, 0)>
module attributes {stable_mosaic.version = 14 : i64} {
  func.func @k(%arg0: i32, %arg1: i32, %arg2: memref<10240x128xf32, #tpu.memory_space<hbm>>, %arg3: memref<32x80x128xi32, #tpu.memory_space<hbm>>, %arg4: memref<2x10240x128xf32, #tpu.memory_space<hbm>>, %arg5: memref<80x128xi32, #tpu.memory_space<vmem>>, %arg6: memref<80x128xi32, #tpu.memory_space<vmem>>, %arg7: memref<80x128xi32, #tpu.memory_space<vmem>>, %arg8: memref<80x128xi32, #tpu.memory_space<vmem>>, %arg9: memref<80x128xi32, #tpu.memory_space<vmem>>, %arg10: memref<80x128xi32, #tpu.memory_space<vmem>>, %arg11: memref<128x128xf32, #tpu.memory_space<vmem>>, %arg12: memref<128x128xf32, #tpu.memory_space<vmem>>, %arg13: memref<3464x128xf32, #tpu.memory_space<vmem_shared>>, %arg14: memref<4xi32, #tpu.memory_space<smem>>, %arg15: memref<!tpu.dma_semaphore, #tpu.memory_space<semaphore_mem>>, %arg16: memref<!tpu.dma_semaphore, #tpu.memory_space<semaphore_mem>>) attributes {dimension_semantics = [#tpu.dimension_semantics<core_parallel>, #tpu.dimension_semantics<subcore_parallel>], iteration_bounds = array<i64: 2, 16>, scalar_prefetch = 0 : i64, scratch_operands = 12 : i64, tpu.core_type = #tpu.core_type<sc_vector_subcore>, window_params = [{transform_indices = #map}, {transform_indices = #map1}, {transform_indices = #map1}]} {
    %mul3A = arith.constant 2 : i32
    %mul3A_0 = arith.muli %arg1, %mul3A : i32
    %add3A = arith.addi %mul3A_0, %arg0 : i32
    "tpu.region"() ({
      %run_scoped3A = tpu.sem_alloc : memref<!tpu.dma_semaphore, #tpu.memory_space<semaphore_mem>>
      %dma_start3A = arith.constant 0 : i32
      %dma_start3A_204 = arith.constant 0 : i32
      %dma_start3A_205 = tpu.memref_slice %arg3[%add3A, %dma_start3A, %dma_start3A_204] : memref<32x80x128xi32, #tpu.memory_space<hbm>> -> memref<1x80x128xi32, #tpu.memory_space<hbm>>
      %dma_start3A_206 = tpu.memref_squeeze %dma_start3A_205 : memref<1x80x128xi32, #tpu.memory_space<hbm>> -> memref<80x128xi32, #tpu.memory_space<hbm>>
      %dma_start3A_207 = arith.constant 0 : i32
      %dma_start3A_208 = arith.constant 0 : i32
      %dma_start3A_209 = tpu.memref_slice %arg3[%add3A, %dma_start3A_207, %dma_start3A_208] : memref<32x80x128xi32, #tpu.memory_space<hbm>> -> memref<1x80x128xi32, #tpu.memory_space<hbm>>
      %dma_start3A_210 = tpu.memref_squeeze %dma_start3A_209 : memref<1x80x128xi32, #tpu.memory_space<hbm>> -> memref<80x128xi32, #tpu.memory_space<hbm>>
      tpu.enqueue_dma source(%dma_start3A_210 : memref<80x128xi32, #tpu.memory_space<hbm>>) target(%arg5 : memref<80x128xi32, #tpu.memory_space<vmem>>) target_semaphore(%run_scoped3A : memref<!tpu.dma_semaphore, #tpu.memory_space<semaphore_mem>>)
      %dma_wait3A = arith.constant 0 : i32
      %dma_wait3A_211 = arith.constant 0 : i32
      %dma_wait3A_212 = tpu.memref_slice %arg3[%add3A, %dma_wait3A, %dma_wait3A_211] : memref<32x80x128xi32, #tpu.memory_space<hbm>> -> memref<1x80x128xi32, #tpu.memory_space<hbm>>
      %dma_wait3A_213 = tpu.memref_squeeze %dma_wait3A_212 : memref<1x80x128xi32, #tpu.memory_space<hbm>> -> memref<80x128xi32, #tpu.memory_space<hbm>>
      %dma_wait3A_214 = arith.constant 0 : i32
      %dma_wait3A_215 = arith.constant 0 : i32
      %dma_wait3A_216 = tpu.memref_slice %arg3[%add3A, %dma_wait3A_214, %dma_wait3A_215] : memref<32x80x128xi32, #tpu.memory_space<hbm>> -> memref<1x80x128xi32, #tpu.memory_space<hbm>>
      %dma_wait3A_217 = tpu.memref_squeeze %dma_wait3A_216 : memref<1x80x128xi32, #tpu.memory_space<hbm>> -> memref<80x128xi32, #tpu.memory_space<hbm>>
      tpu.wait_dma2 semaphore(%run_scoped3A : memref<!tpu.dma_semaphore, #tpu.memory_space<semaphore_mem>>) src(%dma_wait3A_217 : memref<80x128xi32, #tpu.memory_space<hbm>>) dst(%arg5 : memref<80x128xi32, #tpu.memory_space<vmem>>)
      tpu.yield
    }) : () -> ()
    %broadcast_in_dim3A = arith.constant 10000 : i32
    %broadcast_in_dim3A_1 = vector.broadcast %broadcast_in_dim3A : i32 to vector<16xi32>
    %broadcast_in_dim3A_2 = arith.constant 3456 : i32
    %broadcast_in_dim3A_3 = vector.broadcast %broadcast_in_dim3A_2 : i32 to vector<16xi32>
    %swap3A = arith.constant 0 : i32
    %swap3A_4 = arith.constant 0 : i32
    %swap3A_5 = arith.index_cast %swap3A_4 : i32 to index
    %swap3A_6 = memref.load %arg14[%swap3A_5] : memref<4xi32, #tpu.memory_space<smem>>
    memref.store %swap3A, %arg14[%swap3A_5] : memref<4xi32, #tpu.memory_space<smem>>
    %swap3A_7 = arith.constant 0 : i32
    %swap3A_8 = arith.constant 1 : i32
    %swap3A_9 = arith.index_cast %swap3A_8 : i32 to index
    %swap3A_10 = memref.load %arg14[%swap3A_9] : memref<4xi32, #tpu.memory_space<smem>>
    memref.store %swap3A_7, %arg14[%swap3A_9] : memref<4xi32, #tpu.memory_space<smem>>
    %swap3A_11 = arith.constant 0 : i32
    %swap3A_12 = arith.constant 2 : i32
    %swap3A_13 = arith.index_cast %swap3A_12 : i32 to index
    %swap3A_14 = memref.load %arg14[%swap3A_13] : memref<4xi32, #tpu.memory_space<smem>>
    memref.store %swap3A_11, %arg14[%swap3A_13] : memref<4xi32, #tpu.memory_space<smem>>
    %scan3A = arith.constant 0 : i32
    %scan3A_15 = arith.constant 80 : i32
    %scan3A_16 = arith.addi %scan3A, %scan3A_15 : i32
    %scan3A_17 = arith.constant 1 : i32
    scf.for %scan3A_204 = %scan3A to %scan3A_16 step %scan3A_17  : i32 {
      %mul3A_205 = arith.constant 1 : i32
      %mul3A_206 = arith.muli %scan3A_204, %mul3A_205 : i32
      %add3A_207 = arith.constant 0 : i32
      %add3A_208 = arith.addi %add3A_207, %mul3A_206 : i32
      %scan3A_209 = arith.constant 0 : i32
      %scan3A_210 = arith.constant 8 : i32
      %scan3A_211 = arith.addi %scan3A_209, %scan3A_210 : i32
      %scan3A_212 = arith.constant 1 : i32
      scf.for %scan3A_214 = %scan3A_209 to %scan3A_211 step %scan3A_212  : i32 {
        %mul3A_215 = arith.constant 16 : i32
        %mul3A_216 = arith.muli %scan3A_214, %mul3A_215 : i32
        %add3A_217 = arith.constant 0 : i32
        %add3A_218 = arith.addi %add3A_217, %mul3A_216 : i32
        %swap3A_219 = arith.index_cast %add3A_208 : i32 to index
        %swap3A_220 = arith.index_cast %add3A_218 : i32 to index
        %swap3A_221 = tpu.vector_load %arg6[%swap3A_219, %swap3A_220] {strides = array<i32>} : memref<80x128xi32, #tpu.memory_space<vmem>>, vector<16xi32>,
        tpu.vector_store %arg6[%swap3A_219, %swap3A_220], %broadcast_in_dim3A_1 {strides = array<i32>} : memref<80x128xi32, #tpu.memory_space<vmem>>, vector<16xi32>,
        %swap3A_222 = arith.index_cast %add3A_208 : i32 to index
        %swap3A_223 = arith.index_cast %add3A_218 : i32 to index
        %swap3A_224 = tpu.vector_load %arg8[%swap3A_222, %swap3A_223] {strides = array<i32>} : memref<80x128xi32, #tpu.memory_space<vmem>>, vector<16xi32>,
        tpu.vector_store %arg8[%swap3A_222, %swap3A_223], %broadcast_in_dim3A_3 {strides = array<i32>} : memref<80x128xi32, #tpu.memory_space<vmem>>, vector<16xi32>,
        %swap3A_225 = arith.index_cast %add3A_208 : i32 to index
        %swap3A_226 = arith.index_cast %add3A_218 : i32 to index
        %swap3A_227 = tpu.vector_load %arg7[%swap3A_225, %swap3A_226] {strides = array<i32>} : memref<80x128xi32, #tpu.memory_space<vmem>>, vector<16xi32>,
        tpu.vector_store %arg7[%swap3A_225, %swap3A_226], %broadcast_in_dim3A_1 {strides = array<i32>} : memref<80x128xi32, #tpu.memory_space<vmem>>, vector<16xi32>,
        %swap3A_228 = arith.index_cast %add3A_208 : i32 to index
        %swap3A_229 = arith.index_cast %add3A_218 : i32 to index
        %swap3A_230 = tpu.vector_load %arg9[%swap3A_228, %swap3A_229] {strides = array<i32>} : memref<80x128xi32, #tpu.memory_space<vmem>>, vector<16xi32>,
        tpu.vector_store %arg9[%swap3A_228, %swap3A_229], %broadcast_in_dim3A_3 {strides = array<i32>} : memref<80x128xi32, #tpu.memory_space<vmem>>, vector<16xi32>,
        %swap3A_231 = arith.index_cast %add3A_208 : i32 to index
        %swap3A_232 = arith.index_cast %add3A_218 : i32 to index
        %swap3A_233 = tpu.vector_load %arg10[%swap3A_231, %swap3A_232] {strides = array<i32>} : memref<80x128xi32, #tpu.memory_space<vmem>>, vector<16xi32>,
        tpu.vector_store %arg10[%swap3A_231, %swap3A_232], %broadcast_in_dim3A_3 {strides = array<i32>} : memref<80x128xi32, #tpu.memory_space<vmem>>, vector<16xi32>,
      }
      %scan3A_213 = arith.constant 8 : i32
    }
    %scan3A_18 = arith.constant 80 : i32
    %scan3A_19 = arith.constant 0 : i32
    %scan3A_20 = arith.constant 80 : i32
    %scan3A_21 = arith.addi %scan3A_19, %scan3A_20 : i32
    %scan3A_22 = arith.constant 1 : i32
    scf.for %scan3A_204 = %scan3A_19 to %scan3A_21 step %scan3A_22  : i32 {
      %mul3A_205 = arith.constant 1 : i32
      %mul3A_206 = arith.muli %scan3A_204, %mul3A_205 : i32
      %add3A_207 = arith.constant 0 : i32
      %add3A_208 = arith.addi %add3A_207, %mul3A_206 : i32
      %scan3A_209 = arith.constant 0 : i32
      %scan3A_210 = arith.constant 8 : i32
      %scan3A_211 = arith.addi %scan3A_209, %scan3A_210 : i32
      %scan3A_212 = arith.constant 1 : i32
      scf.for %scan3A_214 = %scan3A_209 to %scan3A_211 step %scan3A_212  : i32 {
        %mul3A_215 = arith.constant 16 : i32
        %mul3A_216 = arith.muli %scan3A_214, %mul3A_215 : i32
        %add3A_217 = arith.constant 0 : i32
        %add3A_218 = arith.addi %add3A_217, %mul3A_216 : i32
        %get3A_219 = arith.index_cast %add3A_208 : i32 to index
        %get3A_220 = arith.index_cast %add3A_218 : i32 to index
        %get3A_221 = tpu.vector_load %arg5[%get3A_219, %get3A_220] {strides = array<i32>} : memref<80x128xi32, #tpu.memory_space<vmem>>, vector<16xi32>,
        %and3A_222 = arith.constant 65535 : i32
        %and3A_223 = vector.broadcast %and3A_222 : i32 to vector<16xi32>
        %and3A_224 = arith.andi %get3A_221, %and3A_223 : vector<16xi32>
        %shift_right_logical3A = arith.constant 16 : i32
        %shift_right_logical3A_225 = vector.broadcast %shift_right_logical3A : i32 to vector<16xi32>
        %shift_right_logical3A_226 = arith.shrui %get3A_221, %shift_right_logical3A_225 : vector<16xi32>
        %sub3A_227 = arith.constant 0 : i32
        %sub3A_228 = vector.broadcast %sub3A_227 : i32 to vector<16xi32>
        %sub3A_229 = arith.subi %shift_right_logical3A_226, %sub3A_228 : vector<16xi32>
        %ge3A = arith.constant 0 : i32
        %ge3A_230 = vector.broadcast %ge3A : i32 to vector<16xi32>
        %ge3A_231 = arith.cmpi sge, %sub3A_229, %ge3A_230 : vector<16xi32>
        %lt3A_232 = arith.constant 3456 : i32
        %lt3A_233 = vector.broadcast %lt3A_232 : i32 to vector<16xi32>
        %lt3A_234 = arith.cmpi slt, %sub3A_229, %lt3A_233 : vector<16xi32>
        %and3A_235 = arith.andi %ge3A_231, %lt3A_234 : vector<16xi1>
        %convert_element_type3A_236 = arith.extui %and3A_235 : vector<16xi1> to vector<16xi32>
        %get3A_237 = arith.constant 0 : i32
        %get3A_238 = arith.index_cast %get3A_237 : i32 to index
        %get3A_239 = memref.load %arg14[%get3A_238] : memref<4xi32, #tpu.memory_space<smem>>
        %broadcast_in_dim3A_240 = arith.constant true
        %broadcast_in_dim3A_241 = vector.broadcast %broadcast_in_dim3A_240 : i1 to vector<16xi1>
        %masked_cumsum3A = tpu.scan <sum>, %convert_element_type3A_236 masked %broadcast_in_dim3A_241 : vector<16xi32>, vector<16xi1> -> vector<16xi32>
        %add3A_242 = vector.broadcast %get3A_239 : i32 to vector<16xi32>
        %add3A_243 = arith.addi %add3A_242, %masked_cumsum3A : vector<16xi32>
        %sub3A_244 = arith.constant 1 : i32
        %sub3A_245 = vector.broadcast %sub3A_244 : i32 to vector<16xi32>
        %sub3A_246 = arith.subi %add3A_243, %sub3A_245 : vector<16xi32>
        %jit3A_247 = arith.constant 0 : i32
        %broadcast_in_dim3A_248 = vector.broadcast %jit3A_247 : i32 to vector<16xi32>
        %select_n3A_249 = arith.select %and3A_235, %sub3A_246, %broadcast_in_dim3A_248 : vector<16xi1>, vector<16xi32>
        %shift_right_logical3A_250 = arith.constant 7 : i32
        %shift_right_logical3A_251 = vector.broadcast %shift_right_logical3A_250 : i32 to vector<16xi32>
        %shift_right_logical3A_252 = arith.shrui %select_n3A_249, %shift_right_logical3A_251 : vector<16xi32>
        %and3A_253 = arith.constant 127 : i32
        %and3A_254 = vector.broadcast %and3A_253 : i32 to vector<16xi32>
        %and3A_255 = arith.andi %select_n3A_249, %and3A_254 : vector<16xi32>
        tpu.vector_store_idx %arg6[%shift_right_logical3A_252, %and3A_255], %and3A_224 masked %and3A_235 : memref<80x128xi32, #tpu.memory_space<vmem>>[vector<16xi32>, vector<16xi32>], vector<16xi32>, vector<16xi1>
        tpu.vector_store_idx %arg8[%shift_right_logical3A_252, %and3A_255], %sub3A_229 masked %and3A_235 : memref<80x128xi32, #tpu.memory_space<vmem>>[vector<16xi32>, vector<16xi32>], vector<16xi32>, vector<16xi1>
        %reduce_sum3A = arith.constant true
        %reduce_sum3A_256 = vector.broadcast %reduce_sum3A : i1 to vector<16xi1>
        %reduce_sum3A_257 = tpu.scan <sum>, %convert_element_type3A_236 masked %reduce_sum3A_256 : vector<16xi32>, vector<16xi1> -> vector<16xi32>
        %reduce_sum3A_258 = vector.extract %reduce_sum3A_257[15] : i32 from vector<16xi32>
        %add3A_259 = arith.addi %get3A_239, %reduce_sum3A_258 : i32
        %swap3A_260 = arith.constant 0 : i32
        %swap3A_261 = arith.index_cast %swap3A_260 : i32 to index
        %swap3A_262 = memref.load %arg14[%swap3A_261] : memref<4xi32, #tpu.memory_space<smem>>
        memref.store %add3A_259, %arg14[%swap3A_261] : memref<4xi32, #tpu.memory_space<smem>>
        %sub3A_263 = arith.constant 3456 : i32
        %sub3A_264 = vector.broadcast %sub3A_263 : i32 to vector<16xi32>
        %sub3A_265 = arith.subi %shift_right_logical3A_226, %sub3A_264 : vector<16xi32>
        %ge3A_266 = arith.constant 0 : i32
        %ge3A_267 = vector.broadcast %ge3A_266 : i32 to vector<16xi32>
        %ge3A_268 = arith.cmpi sge, %sub3A_265, %ge3A_267 : vector<16xi32>
        %lt3A_269 = arith.constant 3456 : i32
        %lt3A_270 = vector.broadcast %lt3A_269 : i32 to vector<16xi32>
        %lt3A_271 = arith.cmpi slt, %sub3A_265, %lt3A_270 : vector<16xi32>
        %and3A_272 = arith.andi %ge3A_268, %lt3A_271 : vector<16xi1>
        %convert_element_type3A_273 = arith.extui %and3A_272 : vector<16xi1> to vector<16xi32>
        %get3A_274 = arith.constant 1 : i32
        %get3A_275 = arith.index_cast %get3A_274 : i32 to index
        %get3A_276 = memref.load %arg14[%get3A_275] : memref<4xi32, #tpu.memory_space<smem>>
        %broadcast_in_dim3A_277 = arith.constant true
        %broadcast_in_dim3A_278 = vector.broadcast %broadcast_in_dim3A_277 : i1 to vector<16xi1>
        %masked_cumsum3A_279 = tpu.scan <sum>, %convert_element_type3A_273 masked %broadcast_in_dim3A_278 : vector<16xi32>, vector<16xi1> -> vector<16xi32>
        %add3A_280 = vector.broadcast %get3A_276 : i32 to vector<16xi32>
        %add3A_281 = arith.addi %add3A_280, %masked_cumsum3A_279 : vector<16xi32>
        %sub3A_282 = arith.constant 1 : i32
        %sub3A_283 = vector.broadcast %sub3A_282 : i32 to vector<16xi32>
        %sub3A_284 = arith.subi %add3A_281, %sub3A_283 : vector<16xi32>
        %jit3A_285 = arith.constant 0 : i32
        %broadcast_in_dim3A_286 = vector.broadcast %jit3A_285 : i32 to vector<16xi32>
        %select_n3A_287 = arith.select %and3A_272, %sub3A_284, %broadcast_in_dim3A_286 : vector<16xi1>, vector<16xi32>
        %shift_right_logical3A_288 = arith.constant 7 : i32
        %shift_right_logical3A_289 = vector.broadcast %shift_right_logical3A_288 : i32 to vector<16xi32>
        %shift_right_logical3A_290 = arith.shrui %select_n3A_287, %shift_right_logical3A_289 : vector<16xi32>
        %and3A_291 = arith.constant 127 : i32
        %and3A_292 = vector.broadcast %and3A_291 : i32 to vector<16xi32>
        %and3A_293 = arith.andi %select_n3A_287, %and3A_292 : vector<16xi32>
        tpu.vector_store_idx %arg7[%shift_right_logical3A_290, %and3A_293], %and3A_224 masked %and3A_272 : memref<80x128xi32, #tpu.memory_space<vmem>>[vector<16xi32>, vector<16xi32>], vector<16xi32>, vector<16xi1>
        tpu.vector_store_idx %arg9[%shift_right_logical3A_290, %and3A_293], %sub3A_265 masked %and3A_272 : memref<80x128xi32, #tpu.memory_space<vmem>>[vector<16xi32>, vector<16xi32>], vector<16xi32>, vector<16xi1>
        %reduce_sum3A_294 = arith.constant true
        %reduce_sum3A_295 = vector.broadcast %reduce_sum3A_294 : i1 to vector<16xi1>
        %reduce_sum3A_296 = tpu.scan <sum>, %convert_element_type3A_273 masked %reduce_sum3A_295 : vector<16xi32>, vector<16xi1> -> vector<16xi32>
        %reduce_sum3A_297 = vector.extract %reduce_sum3A_296[15] : i32 from vector<16xi32>
        %add3A_298 = arith.addi %get3A_276, %reduce_sum3A_297 : i32
        %swap3A_299 = arith.constant 1 : i32
        %swap3A_300 = arith.index_cast %swap3A_299 : i32 to index
        %swap3A_301 = memref.load %arg14[%swap3A_300] : memref<4xi32, #tpu.memory_space<smem>>
        memref.store %add3A_298, %arg14[%swap3A_300] : memref<4xi32, #tpu.memory_space<smem>>
        %sub3A_302 = arith.constant 6912 : i32
        %sub3A_303 = vector.broadcast %sub3A_302 : i32 to vector<16xi32>
        %sub3A_304 = arith.subi %shift_right_logical3A_226, %sub3A_303 : vector<16xi32>
        %ge3A_305 = arith.constant 0 : i32
        %ge3A_306 = vector.broadcast %ge3A_305 : i32 to vector<16xi32>
        %ge3A_307 = arith.cmpi sge, %sub3A_304, %ge3A_306 : vector<16xi32>
        %lt3A_308 = arith.constant 3328 : i32
        %lt3A_309 = vector.broadcast %lt3A_308 : i32 to vector<16xi32>
        %lt3A_310 = arith.cmpi slt, %sub3A_304, %lt3A_309 : vector<16xi32>
        %and3A_311 = arith.andi %ge3A_307, %lt3A_310 : vector<16xi1>
        %convert_element_type3A_312 = arith.extui %and3A_311 : vector<16xi1> to vector<16xi32>
        %get3A_313 = arith.constant 2 : i32
        %get3A_314 = arith.index_cast %get3A_313 : i32 to index
        %get3A_315 = memref.load %arg14[%get3A_314] : memref<4xi32, #tpu.memory_space<smem>>
        %broadcast_in_dim3A_316 = arith.constant true
        %broadcast_in_dim3A_317 = vector.broadcast %broadcast_in_dim3A_316 : i1 to vector<16xi1>
        %masked_cumsum3A_318 = tpu.scan <sum>, %convert_element_type3A_312 masked %broadcast_in_dim3A_317 : vector<16xi32>, vector<16xi1> -> vector<16xi32>
        %add3A_319 = vector.broadcast %get3A_315 : i32 to vector<16xi32>
        %add3A_320 = arith.addi %add3A_319, %masked_cumsum3A_318 : vector<16xi32>
        %sub3A_321 = arith.constant 1 : i32
        %sub3A_322 = vector.broadcast %sub3A_321 : i32 to vector<16xi32>
        %sub3A_323 = arith.subi %add3A_320, %sub3A_322 : vector<16xi32>
        %jit3A_324 = arith.constant 0 : i32
        %broadcast_in_dim3A_325 = vector.broadcast %jit3A_324 : i32 to vector<16xi32>
        %select_n3A_326 = arith.select %and3A_311, %sub3A_323, %broadcast_in_dim3A_325 : vector<16xi1>, vector<16xi32>
        %shift_right_logical3A_327 = arith.constant 7 : i32
        %shift_right_logical3A_328 = vector.broadcast %shift_right_logical3A_327 : i32 to vector<16xi32>
        %shift_right_logical3A_329 = arith.shrui %select_n3A_326, %shift_right_logical3A_328 : vector<16xi32>
        %and3A_330 = arith.constant 127 : i32
        %and3A_331 = vector.broadcast %and3A_330 : i32 to vector<16xi32>
        %and3A_332 = arith.andi %select_n3A_326, %and3A_331 : vector<16xi32>
        tpu.vector_store_idx %arg5[%shift_right_logical3A_329, %and3A_332], %and3A_224 masked %and3A_311 : memref<80x128xi32, #tpu.memory_space<vmem>>[vector<16xi32>, vector<16xi32>], vector<16xi32>, vector<16xi1>
        tpu.vector_store_idx %arg10[%shift_right_logical3A_329, %and3A_332], %sub3A_304 masked %and3A_311 : memref<80x128xi32, #tpu.memory_space<vmem>>[vector<16xi32>, vector<16xi32>], vector<16xi32>, vector<16xi1>
        %reduce_sum3A_333 = arith.constant true
        %reduce_sum3A_334 = vector.broadcast %reduce_sum3A_333 : i1 to vector<16xi1>
        %reduce_sum3A_335 = tpu.scan <sum>, %convert_element_type3A_312 masked %reduce_sum3A_334 : vector<16xi32>, vector<16xi1> -> vector<16xi32>
        %reduce_sum3A_336 = vector.extract %reduce_sum3A_335[15] : i32 from vector<16xi32>
        %add3A_337 = arith.addi %get3A_315, %reduce_sum3A_336 : i32
        %swap3A_338 = arith.constant 2 : i32
        %swap3A_339 = arith.index_cast %swap3A_338 : i32 to index
        %swap3A_340 = memref.load %arg14[%swap3A_339] : memref<4xi32, #tpu.memory_space<smem>>
        memref.store %add3A_337, %arg14[%swap3A_339] : memref<4xi32, #tpu.memory_space<smem>>
      }
      %scan3A_213 = arith.constant 8 : i32
    }
    %scan3A_23 = arith.constant 80 : i32
    %get3A = arith.constant 2 : i32
    %get3A_24 = arith.index_cast %get3A : i32 to index
    %get3A_25 = memref.load %arg14[%get3A_24] : memref<4xi32, #tpu.memory_space<smem>>
    %lt3A = arith.constant 10240 : i32
    %lt3A_26 = arith.cmpi slt, %get3A_25, %lt3A : i32
    %convert_element_type3A = arith.extui %lt3A_26 : i1 to i32
    %cond3A = arith.constant 0 : i32
    %cond3A_27 = arith.cmpi ne, %convert_element_type3A, %cond3A : i32
    scf.if %cond3A_27 {
      %shift_right_logical3A = arith.constant 7 : i32
      %shift_right_logical3A_204 = arith.shrui %get3A_25, %shift_right_logical3A : i32
      %scan3A_205 = arith.constant 0 : i32
      %scan3A_206 = arith.constant 8 : i32
      %scan3A_207 = arith.addi %scan3A_205, %scan3A_206 : i32
      %scan3A_208 = arith.constant 1 : i32
      scf.for %scan3A_210 = %scan3A_205 to %scan3A_207 step %scan3A_208  : i32 {
        %mul3A_211 = arith.constant 16 : i32
        %mul3A_212 = arith.muli %scan3A_210, %mul3A_211 : i32
        %add3A_213 = arith.constant 0 : i32
        %add3A_214 = arith.addi %add3A_213, %mul3A_212 : i32
        %mul3A_215 = arith.constant 128 : i32
        %mul3A_216 = arith.muli %shift_right_logical3A_204, %mul3A_215 : i32
        %add3A_217 = arith.addi %mul3A_216, %add3A_214 : i32
        %iota3A = tpu.iota {dimensions = array<i32: 0>} : vector<16xi32>
        %add3A_218 = vector.broadcast %add3A_217 : i32 to vector<16xi32>
        %add3A_219 = arith.addi %add3A_218, %iota3A : vector<16xi32>
        %lt3A_220 = vector.broadcast %get3A_25 : i32 to vector<16xi32>
        %lt3A_221 = arith.cmpi slt, %add3A_219, %lt3A_220 : vector<16xi32>
        %get3A_222 = arith.index_cast %shift_right_logical3A_204 : i32 to index
        %get3A_223 = arith.index_cast %add3A_214 : i32 to index
        %get3A_224 = tpu.vector_load %arg5[%get3A_222, %get3A_223] {strides = array<i32>} : memref<80x128xi32, #tpu.memory_space<vmem>>, vector<16xi32>,
        %jit3A_225 = arith.constant 10000 : i32
        %broadcast_in_dim3A_226 = vector.broadcast %jit3A_225 : i32 to vector<16xi32>
        %select_n3A_227 = arith.select %lt3A_221, %get3A_224, %broadcast_in_dim3A_226 : vector<16xi1>, vector<16xi32>
        %swap3A_228 = arith.index_cast %shift_right_logical3A_204 : i32 to index
        %swap3A_229 = arith.index_cast %add3A_214 : i32 to index
        %swap3A_230 = tpu.vector_load %arg5[%swap3A_228, %swap3A_229] {strides = array<i32>} : memref<80x128xi32, #tpu.memory_space<vmem>>, vector<16xi32>,
        tpu.vector_store %arg5[%swap3A_228, %swap3A_229], %select_n3A_227 {strides = array<i32>} : memref<80x128xi32, #tpu.memory_space<vmem>>, vector<16xi32>,
      }
      %scan3A_209 = arith.constant 8 : i32
    } else {
    }
    %get3A_28 = arith.constant 0 : i32
    %get3A_29 = arith.index_cast %get3A_28 : i32 to index
    %get3A_30 = memref.load %arg14[%get3A_29] : memref<4xi32, #tpu.memory_space<smem>>
    %add3A_31 = arith.constant 127 : i32
    %add3A_32 = arith.addi %get3A_30, %add3A_31 : i32
    %jit3A = arith.constant 128 : i32
    %div3A = arith.divsi %add3A_32, %jit3A : i32
    %sign3A = arith.constant 0 : i32
    %sign3A_33 = arith.cmpi sgt, %add3A_32, %sign3A : i32
    %sign3A_34 = arith.extui %sign3A_33 : i1 to i32
    %sign3A_35 = arith.constant 0 : i32
    %sign3A_36 = arith.cmpi slt, %add3A_32, %sign3A_35 : i32
    %sign3A_37 = arith.extui %sign3A_36 : i1 to i32
    %sign3A_38 = arith.subi %sign3A_34, %sign3A_37 : i32
    %sign3A_39 = arith.constant 0 : i32
    %sign3A_40 = arith.cmpi sgt, %jit3A, %sign3A_39 : i32
    %sign3A_41 = arith.extui %sign3A_40 : i1 to i32
    %sign3A_42 = arith.constant 0 : i32
    %sign3A_43 = arith.cmpi slt, %jit3A, %sign3A_42 : i32
    %sign3A_44 = arith.extui %sign3A_43 : i1 to i32
    %sign3A_45 = arith.subi %sign3A_41, %sign3A_44 : i32
    %ne3A = arith.cmpi ne, %sign3A_38, %sign3A_45 : i32
    %rem3A = arith.remsi %add3A_32, %jit3A : i32
    %ne3A_46 = arith.constant 0 : i32
    %ne3A_47 = arith.cmpi ne, %rem3A, %ne3A_46 : i32
    %and3A = arith.andi %ne3A, %ne3A_47 : i1
    %sub3A = arith.constant 1 : i32
    %sub3A_48 = arith.subi %div3A, %sub3A : i32
    %select_n3A = arith.select %and3A, %sub3A_48, %div3A : i32
    %broadcast_in_dim3A_49 = arith.constant 0.000000e+00 : f32
    %broadcast_in_dim3A_50 = vector.broadcast %broadcast_in_dim3A_49 : f32 to vector<16xf32>
    %scan3A_51 = arith.constant 0 : i32
    %scan3A_52 = arith.constant 128 : i32
    %scan3A_53 = arith.addi %scan3A_51, %scan3A_52 : i32
    %scan3A_54 = arith.constant 1 : i32
    scf.for %scan3A_204 = %scan3A_51 to %scan3A_53 step %scan3A_54  : i32 {
      %mul3A_205 = arith.constant 1 : i32
      %mul3A_206 = arith.muli %scan3A_204, %mul3A_205 : i32
      %add3A_207 = arith.constant 0 : i32
      %add3A_208 = arith.addi %add3A_207, %mul3A_206 : i32
      %scan3A_209 = arith.constant 0 : i32
      %scan3A_210 = arith.constant 8 : i32
      %scan3A_211 = arith.addi %scan3A_209, %scan3A_210 : i32
      %scan3A_212 = arith.constant 1 : i32
      scf.for %scan3A_214 = %scan3A_209 to %scan3A_211 step %scan3A_212  : i32 {
        %mul3A_215 = arith.constant 16 : i32
        %mul3A_216 = arith.muli %scan3A_214, %mul3A_215 : i32
        %add3A_217 = arith.constant 0 : i32
        %add3A_218 = arith.addi %add3A_217, %mul3A_216 : i32
        %swap3A_219 = arith.index_cast %add3A_208 : i32 to index
        %swap3A_220 = arith.index_cast %add3A_218 : i32 to index
        %swap3A_221 = tpu.vector_load %arg11[%swap3A_219, %swap3A_220] {strides = array<i32>} : memref<128x128xf32, #tpu.memory_space<vmem>>, vector<16xf32>,
        tpu.vector_store %arg11[%swap3A_219, %swap3A_220], %broadcast_in_dim3A_50 {strides = array<i32>} : memref<128x128xf32, #tpu.memory_space<vmem>>, vector<16xf32>,
      }
      %scan3A_213 = arith.constant 8 : i32
    }
    %scan3A_55 = arith.constant 128 : i32
    %mul3A_56 = arith.constant 216 : i32
    %mul3A_57 = arith.muli %arg1, %mul3A_56 : i32
    %add3A_58 = arith.constant 0 : i32
    %add3A_59 = arith.addi %mul3A_57, %add3A_58 : i32
    "tpu.region"() ({
      %run_scoped3A = tpu.sem_alloc : memref<!tpu.dma_semaphore, #tpu.memory_space<semaphore_mem>>
      %dma_start3A = arith.constant 0 : i32
      %dma_start3A_204 = arith.constant 0 : i32
      %dma_start3A_205 = tpu.memref_slice %arg11[%dma_start3A, %dma_start3A_204] : memref<128x128xf32, #tpu.memory_space<vmem>> -> memref<128x128xf32, #tpu.memory_space<vmem>>
      %dma_start3A_206 = arith.constant 0 : i32
      %dma_start3A_207 = tpu.memref_slice %arg13[%add3A_59, %dma_start3A_206] : memref<3464x128xf32, #tpu.memory_space<vmem_shared>> -> memref<128x128xf32, #tpu.memory_space<vmem_shared>>
      %dma_start3A_208 = arith.constant 0 : i32
      %dma_start3A_209 = tpu.memref_slice %arg13[%add3A_59, %dma_start3A_208] : memref<3464x128xf32, #tpu.memory_space<vmem_shared>> -> memref<128x128xf32, #tpu.memory_space<vmem_shared>>
      %dma_start3A_210 = arith.constant 0 : i32
      %dma_start3A_211 = arith.constant 0 : i32
      %dma_start3A_212 = tpu.memref_slice %arg11[%dma_start3A_210, %dma_start3A_211] : memref<128x128xf32, #tpu.memory_space<vmem>> -> memref<128x128xf32, #tpu.memory_space<vmem>>
      tpu.enqueue_dma source(%dma_start3A_212 : memref<128x128xf32, #tpu.memory_space<vmem>>) target(%dma_start3A_209 : memref<128x128xf32, #tpu.memory_space<vmem_shared>>) target_semaphore(%run_scoped3A : memref<!tpu.dma_semaphore, #tpu.memory_space<semaphore_mem>>)
      %dma_wait3A = arith.constant 0 : i32
      %dma_wait3A_213 = arith.constant 0 : i32
      %dma_wait3A_214 = tpu.memref_slice %arg11[%dma_wait3A, %dma_wait3A_213] : memref<128x128xf32, #tpu.memory_space<vmem>> -> memref<128x128xf32, #tpu.memory_space<vmem>>
      %dma_wait3A_215 = arith.constant 0 : i32
      %dma_wait3A_216 = tpu.memref_slice %arg13[%add3A_59, %dma_wait3A_215] : memref<3464x128xf32, #tpu.memory_space<vmem_shared>> -> memref<128x128xf32, #tpu.memory_space<vmem_shared>>
      %dma_wait3A_217 = arith.constant 0 : i32
      %dma_wait3A_218 = tpu.memref_slice %arg13[%add3A_59, %dma_wait3A_217] : memref<3464x128xf32, #tpu.memory_space<vmem_shared>> -> memref<128x128xf32, #tpu.memory_space<vmem_shared>>
      %dma_wait3A_219 = arith.constant 0 : i32
      %dma_wait3A_220 = arith.constant 0 : i32
      %dma_wait3A_221 = tpu.memref_slice %arg11[%dma_wait3A_219, %dma_wait3A_220] : memref<128x128xf32, #tpu.memory_space<vmem>> -> memref<128x128xf32, #tpu.memory_space<vmem>>
      tpu.wait_dma2 semaphore(%run_scoped3A : memref<!tpu.dma_semaphore, #tpu.memory_space<semaphore_mem>>) src(%dma_wait3A_221 : memref<128x128xf32, #tpu.memory_space<vmem>>) dst(%dma_wait3A_218 : memref<128x128xf32, #tpu.memory_space<vmem_shared>>)
      tpu.yield
    }) : () -> ()
    %mul3A_60 = arith.constant 216 : i32
    %mul3A_61 = arith.muli %arg1, %mul3A_60 : i32
    %add3A_62 = arith.constant 128 : i32
    %add3A_63 = arith.addi %mul3A_61, %add3A_62 : i32
    "tpu.region"() ({
      %run_scoped3A = tpu.sem_alloc : memref<!tpu.dma_semaphore, #tpu.memory_space<semaphore_mem>>
      %dma_start3A = arith.constant 0 : i32
      %dma_start3A_204 = arith.constant 0 : i32
      %dma_start3A_205 = tpu.memref_slice %arg11[%dma_start3A, %dma_start3A_204] : memref<128x128xf32, #tpu.memory_space<vmem>> -> memref<88x128xf32, #tpu.memory_space<vmem>>
      %dma_start3A_206 = arith.constant 0 : i32
      %dma_start3A_207 = tpu.memref_slice %arg13[%add3A_63, %dma_start3A_206] : memref<3464x128xf32, #tpu.memory_space<vmem_shared>> -> memref<88x128xf32, #tpu.memory_space<vmem_shared>>
      %dma_start3A_208 = arith.constant 0 : i32
      %dma_start3A_209 = tpu.memref_slice %arg13[%add3A_63, %dma_start3A_208] : memref<3464x128xf32, #tpu.memory_space<vmem_shared>> -> memref<88x128xf32, #tpu.memory_space<vmem_shared>>
      %dma_start3A_210 = arith.constant 0 : i32
      %dma_start3A_211 = arith.constant 0 : i32
      %dma_start3A_212 = tpu.memref_slice %arg11[%dma_start3A_210, %dma_start3A_211] : memref<128x128xf32, #tpu.memory_space<vmem>> -> memref<88x128xf32, #tpu.memory_space<vmem>>
      tpu.enqueue_dma source(%dma_start3A_212 : memref<88x128xf32, #tpu.memory_space<vmem>>) target(%dma_start3A_209 : memref<88x128xf32, #tpu.memory_space<vmem_shared>>) target_semaphore(%run_scoped3A : memref<!tpu.dma_semaphore, #tpu.memory_space<semaphore_mem>>)
      %dma_wait3A = arith.constant 0 : i32
      %dma_wait3A_213 = arith.constant 0 : i32
      %dma_wait3A_214 = tpu.memref_slice %arg11[%dma_wait3A, %dma_wait3A_213] : memref<128x128xf32, #tpu.memory_space<vmem>> -> memref<88x128xf32, #tpu.memory_space<vmem>>
      %dma_wait3A_215 = arith.constant 0 : i32
      %dma_wait3A_216 = tpu.memref_slice %arg13[%add3A_63, %dma_wait3A_215] : memref<3464x128xf32, #tpu.memory_space<vmem_shared>> -> memref<88x128xf32, #tpu.memory_space<vmem_shared>>
      %dma_wait3A_217 = arith.constant 0 : i32
      %dma_wait3A_218 = tpu.memref_slice %arg13[%add3A_63, %dma_wait3A_217] : memref<3464x128xf32, #tpu.memory_space<vmem_shared>> -> memref<88x128xf32, #tpu.memory_space<vmem_shared>>
      %dma_wait3A_219 = arith.constant 0 : i32
      %dma_wait3A_220 = arith.constant 0 : i32
      %dma_wait3A_221 = tpu.memref_slice %arg11[%dma_wait3A_219, %dma_wait3A_220] : memref<128x128xf32, #tpu.memory_space<vmem>> -> memref<88x128xf32, #tpu.memory_space<vmem>>
      tpu.wait_dma2 semaphore(%run_scoped3A : memref<!tpu.dma_semaphore, #tpu.memory_space<semaphore_mem>>) src(%dma_wait3A_221 : memref<88x128xf32, #tpu.memory_space<vmem>>) dst(%dma_wait3A_218 : memref<88x128xf32, #tpu.memory_space<vmem_shared>>)
      tpu.yield
    }) : () -> ()
    %barrier3A = arith.constant 0 : index
    tpu.barrier barrier_id(%barrier3A)
    %gt3A = arith.constant 0 : i32
    %gt3A_64 = arith.cmpi sgt, %select_n3A, %gt3A : i32
    %convert_element_type3A_65 = arith.extui %gt3A_64 : i1 to i32
    %cond3A_66 = arith.constant 0 : i32
    %cond3A_67 = arith.cmpi ne, %convert_element_type3A_65, %cond3A_66 : i32
    scf.if %cond3A_67 {
      %dma_start3A = arith.constant 0 : i32
      %dma_start3A_204 = arith.constant 0 : i32
      %dma_start3A_205 = tpu.memref_slice %arg6[%dma_start3A, %dma_start3A_204] : memref<80x128xi32, #tpu.memory_space<vmem>> -> memref<1x128xi32, #tpu.memory_space<vmem>>
      %dma_start3A_206 = tpu.memref_squeeze %dma_start3A_205 : memref<1x128xi32, #tpu.memory_space<vmem>> -> memref<128xi32, #tpu.memory_space<vmem>>
      %dma_start3A_207 = arith.constant 0 : i32
      %dma_start3A_208 = arith.constant 0 : i32
      %dma_start3A_209 = tpu.memref_slice %arg2[%dma_start3A_207, %dma_start3A_208] : memref<10240x128xf32, #tpu.memory_space<hbm>> -> memref<10240x128xf32, #tpu.memory_space<hbm>>
      tpu.enqueue_indirect_dma source(%dma_start3A_209 : memref<10240x128xf32, #tpu.memory_space<hbm>>) target(%arg11 : memref<128x128xf32, #tpu.memory_space<vmem>>) offsets(%dma_start3A_206 : memref<128xi32, #tpu.memory_space<vmem>>) semaphore(%arg15 : memref<!tpu.dma_semaphore, #tpu.memory_space<semaphore_mem>>)
    } else {
    }
    %scan3A_68 = arith.constant 0 : i32
    %scan3A_69 = arith.constant 40 : i32
    %scan3A_70 = arith.addi %scan3A_68, %scan3A_69 : i32
    %scan3A_71 = arith.constant 1 : i32
    scf.for %scan3A_204 = %scan3A_68 to %scan3A_70 step %scan3A_71  : i32 {
      %mul3A_205 = arith.constant 2 : i32
      %mul3A_206 = arith.muli %scan3A_204, %mul3A_205 : i32
      %add3A_207 = arith.constant 0 : i32
      %add3A_208 = arith.addi %add3A_207, %mul3A_206 : i32
      %lt3A_209 = arith.cmpi slt, %add3A_208, %select_n3A : i32
      %convert_element_type3A_210 = arith.extui %lt3A_209 : i1 to i32
      %cond3A_211 = arith.constant 0 : i32
      %cond3A_212 = arith.cmpi ne, %convert_element_type3A_210, %cond3A_211 : i32
      scf.if %cond3A_212 {
        %add3A_213 = arith.constant 1 : i32
        %add3A_214 = arith.addi %add3A_208, %add3A_213 : i32
        %lt3A_215 = arith.cmpi slt, %add3A_214, %select_n3A : i32
        %convert_element_type3A_216 = arith.extui %lt3A_215 : i1 to i32
        %cond3A_217 = arith.constant 0 : i32
        %cond3A_218 = arith.cmpi ne, %convert_element_type3A_216, %cond3A_217 : i32
        scf.if %cond3A_218 {
          %add3A_236 = arith.constant 1 : i32
          %add3A_237 = arith.addi %add3A_208, %add3A_236 : i32
          %dma_start3A = arith.constant 0 : i32
          %dma_start3A_238 = tpu.memref_slice %arg6[%add3A_237, %dma_start3A] : memref<80x128xi32, #tpu.memory_space<vmem>> -> memref<1x128xi32, #tpu.memory_space<vmem>>
          %dma_start3A_239 = tpu.memref_squeeze %dma_start3A_238 : memref<1x128xi32, #tpu.memory_space<vmem>> -> memref<128xi32, #tpu.memory_space<vmem>>
          %dma_start3A_240 = arith.constant 0 : i32
          %dma_start3A_241 = arith.constant 0 : i32
          %dma_start3A_242 = tpu.memref_slice %arg2[%dma_start3A_240, %dma_start3A_241] : memref<10240x128xf32, #tpu.memory_space<hbm>> -> memref<10240x128xf32, #tpu.memory_space<hbm>>
          tpu.enqueue_indirect_dma source(%dma_start3A_242 : memref<10240x128xf32, #tpu.memory_space<hbm>>) target(%arg12 : memref<128x128xf32, #tpu.memory_space<vmem>>) offsets(%dma_start3A_239 : memref<128xi32, #tpu.memory_space<vmem>>) semaphore(%arg16 : memref<!tpu.dma_semaphore, #tpu.memory_space<semaphore_mem>>)
        } else {
        }
        %dma_wait3A = arith.constant 0 : i32
        %dma_wait3A_219 = tpu.memref_slice %arg6[%add3A_208, %dma_wait3A] : memref<80x128xi32, #tpu.memory_space<vmem>> -> memref<1x128xi32, #tpu.memory_space<vmem>>
        %dma_wait3A_220 = tpu.memref_squeeze %dma_wait3A_219 : memref<1x128xi32, #tpu.memory_space<vmem>> -> memref<128xi32, #tpu.memory_space<vmem>>
        %dma_wait3A_221 = arith.constant 0 : i32
        %dma_wait3A_222 = arith.constant 0 : i32
        %dma_wait3A_223 = tpu.memref_slice %arg2[%dma_wait3A_221, %dma_wait3A_222] : memref<10240x128xf32, #tpu.memory_space<hbm>> -> memref<10240x128xf32, #tpu.memory_space<hbm>>
        tpu.wait_indirect_dma semaphore(%arg15 : memref<!tpu.dma_semaphore, #tpu.memory_space<semaphore_mem>>) src(%dma_wait3A_223 : memref<10240x128xf32, #tpu.memory_space<hbm>>) dst(%arg11 : memref<128x128xf32, #tpu.memory_space<vmem>>)
        "tpu.region"() ({
          %run_scoped3A = tpu.sem_alloc : memref<!tpu.dma_semaphore, #tpu.memory_space<semaphore_mem>>
          %dma_start3A = arith.constant 0 : i32
          %dma_start3A_236 = tpu.memref_slice %arg8[%add3A_208, %dma_start3A] : memref<80x128xi32, #tpu.memory_space<vmem>> -> memref<1x128xi32, #tpu.memory_space<vmem>>
          %dma_start3A_237 = tpu.memref_squeeze %dma_start3A_236 : memref<1x128xi32, #tpu.memory_space<vmem>> -> memref<128xi32, #tpu.memory_space<vmem>>
          %dma_start3A_238 = arith.constant 0 : i32
          %dma_start3A_239 = arith.constant 0 : i32
          %dma_start3A_240 = tpu.memref_slice %arg13[%dma_start3A_238, %dma_start3A_239] : memref<3464x128xf32, #tpu.memory_space<vmem_shared>> -> memref<3464x128xf32, #tpu.memory_space<vmem_shared>>
          tpu.enqueue_indirect_dma source(%arg11 : memref<128x128xf32, #tpu.memory_space<vmem>>) target(%dma_start3A_240 : memref<3464x128xf32, #tpu.memory_space<vmem_shared>>) offsets(%dma_start3A_237 : memref<128xi32, #tpu.memory_space<vmem>>) semaphore(%run_scoped3A : memref<!tpu.dma_semaphore, #tpu.memory_space<semaphore_mem>>) {add = true}
          %dma_wait3A_241 = arith.constant 0 : i32
          %dma_wait3A_242 = tpu.memref_slice %arg8[%add3A_208, %dma_wait3A_241] : memref<80x128xi32, #tpu.memory_space<vmem>> -> memref<1x128xi32, #tpu.memory_space<vmem>>
          %dma_wait3A_243 = tpu.memref_squeeze %dma_wait3A_242 : memref<1x128xi32, #tpu.memory_space<vmem>> -> memref<128xi32, #tpu.memory_space<vmem>>
          %dma_wait3A_244 = arith.constant 0 : i32
          %dma_wait3A_245 = arith.constant 0 : i32
          %dma_wait3A_246 = tpu.memref_slice %arg13[%dma_wait3A_244, %dma_wait3A_245] : memref<3464x128xf32, #tpu.memory_space<vmem_shared>> -> memref<3464x128xf32, #tpu.memory_space<vmem_shared>>
          tpu.wait_indirect_dma semaphore(%run_scoped3A : memref<!tpu.dma_semaphore, #tpu.memory_space<semaphore_mem>>) src(%arg11 : memref<128x128xf32, #tpu.memory_space<vmem>>) dst(%dma_wait3A_246 : memref<3464x128xf32, #tpu.memory_space<vmem_shared>>)
          tpu.yield
        }) : () -> ()
        %add3A_224 = arith.constant 2 : i32
        %add3A_225 = arith.addi %add3A_208, %add3A_224 : i32
        %lt3A_226 = arith.cmpi slt, %add3A_225, %select_n3A : i32
        %convert_element_type3A_227 = arith.extui %lt3A_226 : i1 to i32
        %cond3A_228 = arith.constant 0 : i32
        %cond3A_229 = arith.cmpi ne, %convert_element_type3A_227, %cond3A_228 : i32
        scf.if %cond3A_229 {
          %add3A_236 = arith.constant 2 : i32
          %add3A_237 = arith.addi %add3A_208, %add3A_236 : i32
          %dma_start3A = arith.constant 0 : i32
          %dma_start3A_238 = tpu.memref_slice %arg6[%add3A_237, %dma_start3A] : memref<80x128xi32, #tpu.memory_space<vmem>> -> memref<1x128xi32, #tpu.memory_space<vmem>>
          %dma_start3A_239 = tpu.memref_squeeze %dma_start3A_238 : memref<1x128xi32, #tpu.memory_space<vmem>> -> memref<128xi32, #tpu.memory_space<vmem>>
          %dma_start3A_240 = arith.constant 0 : i32
          %dma_start3A_241 = arith.constant 0 : i32
          %dma_start3A_242 = tpu.memref_slice %arg2[%dma_start3A_240, %dma_start3A_241] : memref<10240x128xf32, #tpu.memory_space<hbm>> -> memref<10240x128xf32, #tpu.memory_space<hbm>>
          tpu.enqueue_indirect_dma source(%dma_start3A_242 : memref<10240x128xf32, #tpu.memory_space<hbm>>) target(%arg11 : memref<128x128xf32, #tpu.memory_space<vmem>>) offsets(%dma_start3A_239 : memref<128xi32, #tpu.memory_space<vmem>>) semaphore(%arg15 : memref<!tpu.dma_semaphore, #tpu.memory_space<semaphore_mem>>)
        } else {
        }
        %add3A_230 = arith.constant 1 : i32
        %add3A_231 = arith.addi %add3A_208, %add3A_230 : i32
        %lt3A_232 = arith.cmpi slt, %add3A_231, %select_n3A : i32
        %convert_element_type3A_233 = arith.extui %lt3A_232 : i1 to i32
        %cond3A_234 = arith.constant 0 : i32
        %cond3A_235 = arith.cmpi ne, %convert_element_type3A_233, %cond3A_234 : i32
        scf.if %cond3A_235 {
          %add3A_236 = arith.constant 1 : i32
          %add3A_237 = arith.addi %add3A_208, %add3A_236 : i32
          %dma_wait3A_238 = arith.constant 0 : i32
          %dma_wait3A_239 = tpu.memref_slice %arg6[%add3A_237, %dma_wait3A_238] : memref<80x128xi32, #tpu.memory_space<vmem>> -> memref<1x128xi32, #tpu.memory_space<vmem>>
          %dma_wait3A_240 = tpu.memref_squeeze %dma_wait3A_239 : memref<1x128xi32, #tpu.memory_space<vmem>> -> memref<128xi32, #tpu.memory_space<vmem>>
          %dma_wait3A_241 = arith.constant 0 : i32
          %dma_wait3A_242 = arith.constant 0 : i32
          %dma_wait3A_243 = tpu.memref_slice %arg2[%dma_wait3A_241, %dma_wait3A_242] : memref<10240x128xf32, #tpu.memory_space<hbm>> -> memref<10240x128xf32, #tpu.memory_space<hbm>>
          tpu.wait_indirect_dma semaphore(%arg16 : memref<!tpu.dma_semaphore, #tpu.memory_space<semaphore_mem>>) src(%dma_wait3A_243 : memref<10240x128xf32, #tpu.memory_space<hbm>>) dst(%arg12 : memref<128x128xf32, #tpu.memory_space<vmem>>)
          %add3A_244 = arith.constant 1 : i32
          %add3A_245 = arith.addi %add3A_208, %add3A_244 : i32
          "tpu.region"() ({
            %run_scoped3A = tpu.sem_alloc : memref<!tpu.dma_semaphore, #tpu.memory_space<semaphore_mem>>
            %dma_start3A = arith.constant 0 : i32
            %dma_start3A_246 = tpu.memref_slice %arg8[%add3A_245, %dma_start3A] : memref<80x128xi32, #tpu.memory_space<vmem>> -> memref<1x128xi32, #tpu.memory_space<vmem>>
            %dma_start3A_247 = tpu.memref_squeeze %dma_start3A_246 : memref<1x128xi32, #tpu.memory_space<vmem>> -> memref<128xi32, #tpu.memory_space<vmem>>
            %dma_start3A_248 = arith.constant 0 : i32
            %dma_start3A_249 = arith.constant 0 : i32
            %dma_start3A_250 = tpu.memref_slice %arg13[%dma_start3A_248, %dma_start3A_249] : memref<3464x128xf32, #tpu.memory_space<vmem_shared>> -> memref<3464x128xf32, #tpu.memory_space<vmem_shared>>
            tpu.enqueue_indirect_dma source(%arg12 : memref<128x128xf32, #tpu.memory_space<vmem>>) target(%dma_start3A_250 : memref<3464x128xf32, #tpu.memory_space<vmem_shared>>) offsets(%dma_start3A_247 : memref<128xi32, #tpu.memory_space<vmem>>) semaphore(%run_scoped3A : memref<!tpu.dma_semaphore, #tpu.memory_space<semaphore_mem>>) {add = true}
            %dma_wait3A_251 = arith.constant 0 : i32
            %dma_wait3A_252 = tpu.memref_slice %arg8[%add3A_245, %dma_wait3A_251] : memref<80x128xi32, #tpu.memory_space<vmem>> -> memref<1x128xi32, #tpu.memory_space<vmem>>
            %dma_wait3A_253 = tpu.memref_squeeze %dma_wait3A_252 : memref<1x128xi32, #tpu.memory_space<vmem>> -> memref<128xi32, #tpu.memory_space<vmem>>
            %dma_wait3A_254 = arith.constant 0 : i32
            %dma_wait3A_255 = arith.constant 0 : i32
            %dma_wait3A_256 = tpu.memref_slice %arg13[%dma_wait3A_254, %dma_wait3A_255] : memref<3464x128xf32, #tpu.memory_space<vmem_shared>> -> memref<3464x128xf32, #tpu.memory_space<vmem_shared>>
            tpu.wait_indirect_dma semaphore(%run_scoped3A : memref<!tpu.dma_semaphore, #tpu.memory_space<semaphore_mem>>) src(%arg12 : memref<128x128xf32, #tpu.memory_space<vmem>>) dst(%dma_wait3A_256 : memref<3464x128xf32, #tpu.memory_space<vmem_shared>>)
            tpu.yield
          }) : () -> ()
        } else {
        }
      } else {
      }
    }
    %scan3A_72 = arith.constant 40 : i32
    %barrier3A_73 = arith.constant 0 : index
    tpu.barrier barrier_id(%barrier3A_73)
    %mul3A_74 = arith.constant 216 : i32
    %mul3A_75 = arith.muli %arg1, %mul3A_74 : i32
    %mul3A_76 = arith.constant 216 : i32
    %mul3A_77 = arith.muli %arg1, %mul3A_76 : i32
    %add3A_78 = arith.constant 0 : i32
    %add3A_79 = arith.addi %add3A_78, %mul3A_77 : i32
    "tpu.region"() ({
      %run_scoped3A = tpu.sem_alloc : memref<!tpu.dma_semaphore, #tpu.memory_space<semaphore_mem>>
      %dma_start3A = arith.constant 0 : i32
      %dma_start3A_204 = arith.constant 0 : i32
      %dma_start3A_205 = tpu.memref_slice %arg4[%arg0, %dma_start3A, %dma_start3A_204] : memref<2x10240x128xf32, #tpu.memory_space<hbm>> -> memref<1x10240x128xf32, #tpu.memory_space<hbm>>
      %dma_start3A_206 = tpu.memref_squeeze %dma_start3A_205 : memref<1x10240x128xf32, #tpu.memory_space<hbm>> -> memref<10240x128xf32, #tpu.memory_space<hbm>>
      %dma_start3A_207 = arith.constant 0 : i32
      %dma_start3A_208 = tpu.memref_slice %dma_start3A_206[%add3A_79, %dma_start3A_207] : memref<10240x128xf32, #tpu.memory_space<hbm>> -> memref<216x128xf32, #tpu.memory_space<hbm>>
      %dma_start3A_209 = arith.constant 0 : i32
      %dma_start3A_210 = tpu.memref_slice %arg13[%mul3A_75, %dma_start3A_209] : memref<3464x128xf32, #tpu.memory_space<vmem_shared>> -> memref<216x128xf32, #tpu.memory_space<vmem_shared>>
      tpu.enqueue_dma source(%dma_start3A_210 : memref<216x128xf32, #tpu.memory_space<vmem_shared>>) target(%dma_start3A_208 : memref<216x128xf32, #tpu.memory_space<hbm>>) target_semaphore(%run_scoped3A : memref<!tpu.dma_semaphore, #tpu.memory_space<semaphore_mem>>)
      %dma_wait3A = arith.constant 0 : i32
      %dma_wait3A_211 = arith.constant 0 : i32
      %dma_wait3A_212 = tpu.memref_slice %arg4[%arg0, %dma_wait3A, %dma_wait3A_211] : memref<2x10240x128xf32, #tpu.memory_space<hbm>> -> memref<1x10240x128xf32, #tpu.memory_space<hbm>>
      %dma_wait3A_213 = tpu.memref_squeeze %dma_wait3A_212 : memref<1x10240x128xf32, #tpu.memory_space<hbm>> -> memref<10240x128xf32, #tpu.memory_space<hbm>>
      %dma_wait3A_214 = arith.constant 0 : i32
      %dma_wait3A_215 = tpu.memref_slice %dma_wait3A_213[%add3A_79, %dma_wait3A_214] : memref<10240x128xf32, #tpu.memory_space<hbm>> -> memref<216x128xf32, #tpu.memory_space<hbm>>
      %dma_wait3A_216 = arith.constant 0 : i32
      %dma_wait3A_217 = tpu.memref_slice %arg13[%mul3A_75, %dma_wait3A_216] : memref<3464x128xf32, #tpu.memory_space<vmem_shared>> -> memref<216x128xf32, #tpu.memory_space<vmem_shared>>
      tpu.wait_dma2 semaphore(%run_scoped3A : memref<!tpu.dma_semaphore, #tpu.memory_space<semaphore_mem>>) src(%dma_wait3A_217 : memref<216x128xf32, #tpu.memory_space<vmem_shared>>) dst(%dma_wait3A_215 : memref<216x128xf32, #tpu.memory_space<hbm>>)
      tpu.yield
    }) : () -> ()
    %get3A_80 = arith.constant 1 : i32
    %get3A_81 = arith.index_cast %get3A_80 : i32 to index
    %get3A_82 = memref.load %arg14[%get3A_81] : memref<4xi32, #tpu.memory_space<smem>>
    %add3A_83 = arith.constant 127 : i32
    %add3A_84 = arith.addi %get3A_82, %add3A_83 : i32
    %jit3A_85 = arith.constant 128 : i32
    %div3A_86 = arith.divsi %add3A_84, %jit3A_85 : i32
    %sign3A_87 = arith.constant 0 : i32
    %sign3A_88 = arith.cmpi sgt, %add3A_84, %sign3A_87 : i32
    %sign3A_89 = arith.extui %sign3A_88 : i1 to i32
    %sign3A_90 = arith.constant 0 : i32
    %sign3A_91 = arith.cmpi slt, %add3A_84, %sign3A_90 : i32
    %sign3A_92 = arith.extui %sign3A_91 : i1 to i32
    %sign3A_93 = arith.subi %sign3A_89, %sign3A_92 : i32
    %sign3A_94 = arith.constant 0 : i32
    %sign3A_95 = arith.cmpi sgt, %jit3A_85, %sign3A_94 : i32
    %sign3A_96 = arith.extui %sign3A_95 : i1 to i32
    %sign3A_97 = arith.constant 0 : i32
    %sign3A_98 = arith.cmpi slt, %jit3A_85, %sign3A_97 : i32
    %sign3A_99 = arith.extui %sign3A_98 : i1 to i32
    %sign3A_100 = arith.subi %sign3A_96, %sign3A_99 : i32
    %ne3A_101 = arith.cmpi ne, %sign3A_93, %sign3A_100 : i32
    %rem3A_102 = arith.remsi %add3A_84, %jit3A_85 : i32
    %ne3A_103 = arith.constant 0 : i32
    %ne3A_104 = arith.cmpi ne, %rem3A_102, %ne3A_103 : i32
    %and3A_105 = arith.andi %ne3A_101, %ne3A_104 : i1
    %sub3A_106 = arith.constant 1 : i32
    %sub3A_107 = arith.subi %div3A_86, %sub3A_106 : i32
    %select_n3A_108 = arith.select %and3A_105, %sub3A_107, %div3A_86 : i32
    %broadcast_in_dim3A_109 = arith.constant 0.000000e+00 : f32
    %broadcast_in_dim3A_110 = vector.broadcast %broadcast_in_dim3A_109 : f32 to vector<16xf32>
    %scan3A_111 = arith.constant 0 : i32
    %scan3A_112 = arith.constant 128 : i32
    %scan3A_113 = arith.addi %scan3A_111, %scan3A_112 : i32
    %scan3A_114 = arith.constant 1 : i32
    scf.for %scan3A_204 = %scan3A_111 to %scan3A_113 step %scan3A_114  : i32 {
      %mul3A_205 = arith.constant 1 : i32
      %mul3A_206 = arith.muli %scan3A_204, %mul3A_205 : i32
      %add3A_207 = arith.constant 0 : i32
      %add3A_208 = arith.addi %add3A_207, %mul3A_206 : i32
      %scan3A_209 = arith.constant 0 : i32
      %scan3A_210 = arith.constant 8 : i32
      %scan3A_211 = arith.addi %scan3A_209, %scan3A_210 : i32
      %scan3A_212 = arith.constant 1 : i32
      scf.for %scan3A_214 = %scan3A_209 to %scan3A_211 step %scan3A_212  : i32 {
        %mul3A_215 = arith.constant 16 : i32
        %mul3A_216 = arith.muli %scan3A_214, %mul3A_215 : i32
        %add3A_217 = arith.constant 0 : i32
        %add3A_218 = arith.addi %add3A_217, %mul3A_216 : i32
        %swap3A_219 = arith.index_cast %add3A_208 : i32 to index
        %swap3A_220 = arith.index_cast %add3A_218 : i32 to index
        %swap3A_221 = tpu.vector_load %arg11[%swap3A_219, %swap3A_220] {strides = array<i32>} : memref<128x128xf32, #tpu.memory_space<vmem>>, vector<16xf32>,
        tpu.vector_store %arg11[%swap3A_219, %swap3A_220], %broadcast_in_dim3A_110 {strides = array<i32>} : memref<128x128xf32, #tpu.memory_space<vmem>>, vector<16xf32>,
      }
      %scan3A_213 = arith.constant 8 : i32
    }
    %scan3A_115 = arith.constant 128 : i32
    %mul3A_116 = arith.constant 216 : i32
    %mul3A_117 = arith.muli %arg1, %mul3A_116 : i32
    %add3A_118 = arith.constant 0 : i32
    %add3A_119 = arith.addi %mul3A_117, %add3A_118 : i32
    "tpu.region"() ({
      %run_scoped3A = tpu.sem_alloc : memref<!tpu.dma_semaphore, #tpu.memory_space<semaphore_mem>>
      %dma_start3A = arith.constant 0 : i32
      %dma_start3A_204 = arith.constant 0 : i32
      %dma_start3A_205 = tpu.memref_slice %arg11[%dma_start3A, %dma_start3A_204] : memref<128x128xf32, #tpu.memory_space<vmem>> -> memref<128x128xf32, #tpu.memory_space<vmem>>
      %dma_start3A_206 = arith.constant 0 : i32
      %dma_start3A_207 = tpu.memref_slice %arg13[%add3A_119, %dma_start3A_206] : memref<3464x128xf32, #tpu.memory_space<vmem_shared>> -> memref<128x128xf32, #tpu.memory_space<vmem_shared>>
      %dma_start3A_208 = arith.constant 0 : i32
      %dma_start3A_209 = tpu.memref_slice %arg13[%add3A_119, %dma_start3A_208] : memref<3464x128xf32, #tpu.memory_space<vmem_shared>> -> memref<128x128xf32, #tpu.memory_space<vmem_shared>>
      %dma_start3A_210 = arith.constant 0 : i32
      %dma_start3A_211 = arith.constant 0 : i32
      %dma_start3A_212 = tpu.memref_slice %arg11[%dma_start3A_210, %dma_start3A_211] : memref<128x128xf32, #tpu.memory_space<vmem>> -> memref<128x128xf32, #tpu.memory_space<vmem>>
      tpu.enqueue_dma source(%dma_start3A_212 : memref<128x128xf32, #tpu.memory_space<vmem>>) target(%dma_start3A_209 : memref<128x128xf32, #tpu.memory_space<vmem_shared>>) target_semaphore(%run_scoped3A : memref<!tpu.dma_semaphore, #tpu.memory_space<semaphore_mem>>)
      %dma_wait3A = arith.constant 0 : i32
      %dma_wait3A_213 = arith.constant 0 : i32
      %dma_wait3A_214 = tpu.memref_slice %arg11[%dma_wait3A, %dma_wait3A_213] : memref<128x128xf32, #tpu.memory_space<vmem>> -> memref<128x128xf32, #tpu.memory_space<vmem>>
      %dma_wait3A_215 = arith.constant 0 : i32
      %dma_wait3A_216 = tpu.memref_slice %arg13[%add3A_119, %dma_wait3A_215] : memref<3464x128xf32, #tpu.memory_space<vmem_shared>> -> memref<128x128xf32, #tpu.memory_space<vmem_shared>>
      %dma_wait3A_217 = arith.constant 0 : i32
      %dma_wait3A_218 = tpu.memref_slice %arg13[%add3A_119, %dma_wait3A_217] : memref<3464x128xf32, #tpu.memory_space<vmem_shared>> -> memref<128x128xf32, #tpu.memory_space<vmem_shared>>
      %dma_wait3A_219 = arith.constant 0 : i32
      %dma_wait3A_220 = arith.constant 0 : i32
      %dma_wait3A_221 = tpu.memref_slice %arg11[%dma_wait3A_219, %dma_wait3A_220] : memref<128x128xf32, #tpu.memory_space<vmem>> -> memref<128x128xf32, #tpu.memory_space<vmem>>
      tpu.wait_dma2 semaphore(%run_scoped3A : memref<!tpu.dma_semaphore, #tpu.memory_space<semaphore_mem>>) src(%dma_wait3A_221 : memref<128x128xf32, #tpu.memory_space<vmem>>) dst(%dma_wait3A_218 : memref<128x128xf32, #tpu.memory_space<vmem_shared>>)
      tpu.yield
    }) : () -> ()
    %mul3A_120 = arith.constant 216 : i32
    %mul3A_121 = arith.muli %arg1, %mul3A_120 : i32
    %add3A_122 = arith.constant 128 : i32
    %add3A_123 = arith.addi %mul3A_121, %add3A_122 : i32
    "tpu.region"() ({
      %run_scoped3A = tpu.sem_alloc : memref<!tpu.dma_semaphore, #tpu.memory_space<semaphore_mem>>
      %dma_start3A = arith.constant 0 : i32
      %dma_start3A_204 = arith.constant 0 : i32
      %dma_start3A_205 = tpu.memref_slice %arg11[%dma_start3A, %dma_start3A_204] : memref<128x128xf32, #tpu.memory_space<vmem>> -> memref<88x128xf32, #tpu.memory_space<vmem>>
      %dma_start3A_206 = arith.constant 0 : i32
      %dma_start3A_207 = tpu.memref_slice %arg13[%add3A_123, %dma_start3A_206] : memref<3464x128xf32, #tpu.memory_space<vmem_shared>> -> memref<88x128xf32, #tpu.memory_space<vmem_shared>>
      %dma_start3A_208 = arith.constant 0 : i32
      %dma_start3A_209 = tpu.memref_slice %arg13[%add3A_123, %dma_start3A_208] : memref<3464x128xf32, #tpu.memory_space<vmem_shared>> -> memref<88x128xf32, #tpu.memory_space<vmem_shared>>
      %dma_start3A_210 = arith.constant 0 : i32
      %dma_start3A_211 = arith.constant 0 : i32
      %dma_start3A_212 = tpu.memref_slice %arg11[%dma_start3A_210, %dma_start3A_211] : memref<128x128xf32, #tpu.memory_space<vmem>> -> memref<88x128xf32, #tpu.memory_space<vmem>>
      tpu.enqueue_dma source(%dma_start3A_212 : memref<88x128xf32, #tpu.memory_space<vmem>>) target(%dma_start3A_209 : memref<88x128xf32, #tpu.memory_space<vmem_shared>>) target_semaphore(%run_scoped3A : memref<!tpu.dma_semaphore, #tpu.memory_space<semaphore_mem>>)
      %dma_wait3A = arith.constant 0 : i32
      %dma_wait3A_213 = arith.constant 0 : i32
      %dma_wait3A_214 = tpu.memref_slice %arg11[%dma_wait3A, %dma_wait3A_213] : memref<128x128xf32, #tpu.memory_space<vmem>> -> memref<88x128xf32, #tpu.memory_space<vmem>>
      %dma_wait3A_215 = arith.constant 0 : i32
      %dma_wait3A_216 = tpu.memref_slice %arg13[%add3A_123, %dma_wait3A_215] : memref<3464x128xf32, #tpu.memory_space<vmem_shared>> -> memref<88x128xf32, #tpu.memory_space<vmem_shared>>
      %dma_wait3A_217 = arith.constant 0 : i32
      %dma_wait3A_218 = tpu.memref_slice %arg13[%add3A_123, %dma_wait3A_217] : memref<3464x128xf32, #tpu.memory_space<vmem_shared>> -> memref<88x128xf32, #tpu.memory_space<vmem_shared>>
      %dma_wait3A_219 = arith.constant 0 : i32
      %dma_wait3A_220 = arith.constant 0 : i32
      %dma_wait3A_221 = tpu.memref_slice %arg11[%dma_wait3A_219, %dma_wait3A_220] : memref<128x128xf32, #tpu.memory_space<vmem>> -> memref<88x128xf32, #tpu.memory_space<vmem>>
      tpu.wait_dma2 semaphore(%run_scoped3A : memref<!tpu.dma_semaphore, #tpu.memory_space<semaphore_mem>>) src(%dma_wait3A_221 : memref<88x128xf32, #tpu.memory_space<vmem>>) dst(%dma_wait3A_218 : memref<88x128xf32, #tpu.memory_space<vmem_shared>>)
      tpu.yield
    }) : () -> ()
    %barrier3A_124 = arith.constant 0 : index
    tpu.barrier barrier_id(%barrier3A_124)
    %gt3A_125 = arith.constant 0 : i32
    %gt3A_126 = arith.cmpi sgt, %select_n3A_108, %gt3A_125 : i32
    %convert_element_type3A_127 = arith.extui %gt3A_126 : i1 to i32
    %cond3A_128 = arith.constant 0 : i32
    %cond3A_129 = arith.cmpi ne, %convert_element_type3A_127, %cond3A_128 : i32
    scf.if %cond3A_129 {
      %dma_start3A = arith.constant 0 : i32
      %dma_start3A_204 = arith.constant 0 : i32
      %dma_start3A_205 = tpu.memref_slice %arg7[%dma_start3A, %dma_start3A_204] : memref<80x128xi32, #tpu.memory_space<vmem>> -> memref<1x128xi32, #tpu.memory_space<vmem>>
      %dma_start3A_206 = tpu.memref_squeeze %dma_start3A_205 : memref<1x128xi32, #tpu.memory_space<vmem>> -> memref<128xi32, #tpu.memory_space<vmem>>
      %dma_start3A_207 = arith.constant 0 : i32
      %dma_start3A_208 = arith.constant 0 : i32
      %dma_start3A_209 = tpu.memref_slice %arg2[%dma_start3A_207, %dma_start3A_208] : memref<10240x128xf32, #tpu.memory_space<hbm>> -> memref<10240x128xf32, #tpu.memory_space<hbm>>
      tpu.enqueue_indirect_dma source(%dma_start3A_209 : memref<10240x128xf32, #tpu.memory_space<hbm>>) target(%arg11 : memref<128x128xf32, #tpu.memory_space<vmem>>) offsets(%dma_start3A_206 : memref<128xi32, #tpu.memory_space<vmem>>) semaphore(%arg15 : memref<!tpu.dma_semaphore, #tpu.memory_space<semaphore_mem>>)
    } else {
    }
    %scan3A_130 = arith.constant 0 : i32
    %scan3A_131 = arith.constant 40 : i32
    %scan3A_132 = arith.addi %scan3A_130, %scan3A_131 : i32
    %scan3A_133 = arith.constant 1 : i32
    scf.for %scan3A_204 = %scan3A_130 to %scan3A_132 step %scan3A_133  : i32 {
      %mul3A_205 = arith.constant 2 : i32
      %mul3A_206 = arith.muli %scan3A_204, %mul3A_205 : i32
      %add3A_207 = arith.constant 0 : i32
      %add3A_208 = arith.addi %add3A_207, %mul3A_206 : i32
      %lt3A_209 = arith.cmpi slt, %add3A_208, %select_n3A_108 : i32
      %convert_element_type3A_210 = arith.extui %lt3A_209 : i1 to i32
      %cond3A_211 = arith.constant 0 : i32
      %cond3A_212 = arith.cmpi ne, %convert_element_type3A_210, %cond3A_211 : i32
      scf.if %cond3A_212 {
        %add3A_213 = arith.constant 1 : i32
        %add3A_214 = arith.addi %add3A_208, %add3A_213 : i32
        %lt3A_215 = arith.cmpi slt, %add3A_214, %select_n3A_108 : i32
        %convert_element_type3A_216 = arith.extui %lt3A_215 : i1 to i32
        %cond3A_217 = arith.constant 0 : i32
        %cond3A_218 = arith.cmpi ne, %convert_element_type3A_216, %cond3A_217 : i32
        scf.if %cond3A_218 {
          %add3A_236 = arith.constant 1 : i32
          %add3A_237 = arith.addi %add3A_208, %add3A_236 : i32
          %dma_start3A = arith.constant 0 : i32
          %dma_start3A_238 = tpu.memref_slice %arg7[%add3A_237, %dma_start3A] : memref<80x128xi32, #tpu.memory_space<vmem>> -> memref<1x128xi32, #tpu.memory_space<vmem>>
          %dma_start3A_239 = tpu.memref_squeeze %dma_start3A_238 : memref<1x128xi32, #tpu.memory_space<vmem>> -> memref<128xi32, #tpu.memory_space<vmem>>
          %dma_start3A_240 = arith.constant 0 : i32
          %dma_start3A_241 = arith.constant 0 : i32
          %dma_start3A_242 = tpu.memref_slice %arg2[%dma_start3A_240, %dma_start3A_241] : memref<10240x128xf32, #tpu.memory_space<hbm>> -> memref<10240x128xf32, #tpu.memory_space<hbm>>
          tpu.enqueue_indirect_dma source(%dma_start3A_242 : memref<10240x128xf32, #tpu.memory_space<hbm>>) target(%arg12 : memref<128x128xf32, #tpu.memory_space<vmem>>) offsets(%dma_start3A_239 : memref<128xi32, #tpu.memory_space<vmem>>) semaphore(%arg16 : memref<!tpu.dma_semaphore, #tpu.memory_space<semaphore_mem>>)
        } else {
        }
        %dma_wait3A = arith.constant 0 : i32
        %dma_wait3A_219 = tpu.memref_slice %arg7[%add3A_208, %dma_wait3A] : memref<80x128xi32, #tpu.memory_space<vmem>> -> memref<1x128xi32, #tpu.memory_space<vmem>>
        %dma_wait3A_220 = tpu.memref_squeeze %dma_wait3A_219 : memref<1x128xi32, #tpu.memory_space<vmem>> -> memref<128xi32, #tpu.memory_space<vmem>>
        %dma_wait3A_221 = arith.constant 0 : i32
        %dma_wait3A_222 = arith.constant 0 : i32
        %dma_wait3A_223 = tpu.memref_slice %arg2[%dma_wait3A_221, %dma_wait3A_222] : memref<10240x128xf32, #tpu.memory_space<hbm>> -> memref<10240x128xf32, #tpu.memory_space<hbm>>
        tpu.wait_indirect_dma semaphore(%arg15 : memref<!tpu.dma_semaphore, #tpu.memory_space<semaphore_mem>>) src(%dma_wait3A_223 : memref<10240x128xf32, #tpu.memory_space<hbm>>) dst(%arg11 : memref<128x128xf32, #tpu.memory_space<vmem>>)
        "tpu.region"() ({
          %run_scoped3A = tpu.sem_alloc : memref<!tpu.dma_semaphore, #tpu.memory_space<semaphore_mem>>
          %dma_start3A = arith.constant 0 : i32
          %dma_start3A_236 = tpu.memref_slice %arg9[%add3A_208, %dma_start3A] : memref<80x128xi32, #tpu.memory_space<vmem>> -> memref<1x128xi32, #tpu.memory_space<vmem>>
          %dma_start3A_237 = tpu.memref_squeeze %dma_start3A_236 : memref<1x128xi32, #tpu.memory_space<vmem>> -> memref<128xi32, #tpu.memory_space<vmem>>
          %dma_start3A_238 = arith.constant 0 : i32
          %dma_start3A_239 = arith.constant 0 : i32
          %dma_start3A_240 = tpu.memref_slice %arg13[%dma_start3A_238, %dma_start3A_239] : memref<3464x128xf32, #tpu.memory_space<vmem_shared>> -> memref<3464x128xf32, #tpu.memory_space<vmem_shared>>
          tpu.enqueue_indirect_dma source(%arg11 : memref<128x128xf32, #tpu.memory_space<vmem>>) target(%dma_start3A_240 : memref<3464x128xf32, #tpu.memory_space<vmem_shared>>) offsets(%dma_start3A_237 : memref<128xi32, #tpu.memory_space<vmem>>) semaphore(%run_scoped3A : memref<!tpu.dma_semaphore, #tpu.memory_space<semaphore_mem>>) {add = true}
          %dma_wait3A_241 = arith.constant 0 : i32
          %dma_wait3A_242 = tpu.memref_slice %arg9[%add3A_208, %dma_wait3A_241] : memref<80x128xi32, #tpu.memory_space<vmem>> -> memref<1x128xi32, #tpu.memory_space<vmem>>
          %dma_wait3A_243 = tpu.memref_squeeze %dma_wait3A_242 : memref<1x128xi32, #tpu.memory_space<vmem>> -> memref<128xi32, #tpu.memory_space<vmem>>
          %dma_wait3A_244 = arith.constant 0 : i32
          %dma_wait3A_245 = arith.constant 0 : i32
          %dma_wait3A_246 = tpu.memref_slice %arg13[%dma_wait3A_244, %dma_wait3A_245] : memref<3464x128xf32, #tpu.memory_space<vmem_shared>> -> memref<3464x128xf32, #tpu.memory_space<vmem_shared>>
          tpu.wait_indirect_dma semaphore(%run_scoped3A : memref<!tpu.dma_semaphore, #tpu.memory_space<semaphore_mem>>) src(%arg11 : memref<128x128xf32, #tpu.memory_space<vmem>>) dst(%dma_wait3A_246 : memref<3464x128xf32, #tpu.memory_space<vmem_shared>>)
          tpu.yield
        }) : () -> ()
        %add3A_224 = arith.constant 2 : i32
        %add3A_225 = arith.addi %add3A_208, %add3A_224 : i32
        %lt3A_226 = arith.cmpi slt, %add3A_225, %select_n3A_108 : i32
        %convert_element_type3A_227 = arith.extui %lt3A_226 : i1 to i32
        %cond3A_228 = arith.constant 0 : i32
        %cond3A_229 = arith.cmpi ne, %convert_element_type3A_227, %cond3A_228 : i32
        scf.if %cond3A_229 {
          %add3A_236 = arith.constant 2 : i32
          %add3A_237 = arith.addi %add3A_208, %add3A_236 : i32
          %dma_start3A = arith.constant 0 : i32
          %dma_start3A_238 = tpu.memref_slice %arg7[%add3A_237, %dma_start3A] : memref<80x128xi32, #tpu.memory_space<vmem>> -> memref<1x128xi32, #tpu.memory_space<vmem>>
          %dma_start3A_239 = tpu.memref_squeeze %dma_start3A_238 : memref<1x128xi32, #tpu.memory_space<vmem>> -> memref<128xi32, #tpu.memory_space<vmem>>
          %dma_start3A_240 = arith.constant 0 : i32
          %dma_start3A_241 = arith.constant 0 : i32
          %dma_start3A_242 = tpu.memref_slice %arg2[%dma_start3A_240, %dma_start3A_241] : memref<10240x128xf32, #tpu.memory_space<hbm>> -> memref<10240x128xf32, #tpu.memory_space<hbm>>
          tpu.enqueue_indirect_dma source(%dma_start3A_242 : memref<10240x128xf32, #tpu.memory_space<hbm>>) target(%arg11 : memref<128x128xf32, #tpu.memory_space<vmem>>) offsets(%dma_start3A_239 : memref<128xi32, #tpu.memory_space<vmem>>) semaphore(%arg15 : memref<!tpu.dma_semaphore, #tpu.memory_space<semaphore_mem>>)
        } else {
        }
        %add3A_230 = arith.constant 1 : i32
        %add3A_231 = arith.addi %add3A_208, %add3A_230 : i32
        %lt3A_232 = arith.cmpi slt, %add3A_231, %select_n3A_108 : i32
        %convert_element_type3A_233 = arith.extui %lt3A_232 : i1 to i32
        %cond3A_234 = arith.constant 0 : i32
        %cond3A_235 = arith.cmpi ne, %convert_element_type3A_233, %cond3A_234 : i32
        scf.if %cond3A_235 {
          %add3A_236 = arith.constant 1 : i32
          %add3A_237 = arith.addi %add3A_208, %add3A_236 : i32
          %dma_wait3A_238 = arith.constant 0 : i32
          %dma_wait3A_239 = tpu.memref_slice %arg7[%add3A_237, %dma_wait3A_238] : memref<80x128xi32, #tpu.memory_space<vmem>> -> memref<1x128xi32, #tpu.memory_space<vmem>>
          %dma_wait3A_240 = tpu.memref_squeeze %dma_wait3A_239 : memref<1x128xi32, #tpu.memory_space<vmem>> -> memref<128xi32, #tpu.memory_space<vmem>>
          %dma_wait3A_241 = arith.constant 0 : i32
          %dma_wait3A_242 = arith.constant 0 : i32
          %dma_wait3A_243 = tpu.memref_slice %arg2[%dma_wait3A_241, %dma_wait3A_242] : memref<10240x128xf32, #tpu.memory_space<hbm>> -> memref<10240x128xf32, #tpu.memory_space<hbm>>
          tpu.wait_indirect_dma semaphore(%arg16 : memref<!tpu.dma_semaphore, #tpu.memory_space<semaphore_mem>>) src(%dma_wait3A_243 : memref<10240x128xf32, #tpu.memory_space<hbm>>) dst(%arg12 : memref<128x128xf32, #tpu.memory_space<vmem>>)
          %add3A_244 = arith.constant 1 : i32
          %add3A_245 = arith.addi %add3A_208, %add3A_244 : i32
          "tpu.region"() ({
            %run_scoped3A = tpu.sem_alloc : memref<!tpu.dma_semaphore, #tpu.memory_space<semaphore_mem>>
            %dma_start3A = arith.constant 0 : i32
            %dma_start3A_246 = tpu.memref_slice %arg9[%add3A_245, %dma_start3A] : memref<80x128xi32, #tpu.memory_space<vmem>> -> memref<1x128xi32, #tpu.memory_space<vmem>>
            %dma_start3A_247 = tpu.memref_squeeze %dma_start3A_246 : memref<1x128xi32, #tpu.memory_space<vmem>> -> memref<128xi32, #tpu.memory_space<vmem>>
            %dma_start3A_248 = arith.constant 0 : i32
            %dma_start3A_249 = arith.constant 0 : i32
            %dma_start3A_250 = tpu.memref_slice %arg13[%dma_start3A_248, %dma_start3A_249] : memref<3464x128xf32, #tpu.memory_space<vmem_shared>> -> memref<3464x128xf32, #tpu.memory_space<vmem_shared>>
            tpu.enqueue_indirect_dma source(%arg12 : memref<128x128xf32, #tpu.memory_space<vmem>>) target(%dma_start3A_250 : memref<3464x128xf32, #tpu.memory_space<vmem_shared>>) offsets(%dma_start3A_247 : memref<128xi32, #tpu.memory_space<vmem>>) semaphore(%run_scoped3A : memref<!tpu.dma_semaphore, #tpu.memory_space<semaphore_mem>>) {add = true}
            %dma_wait3A_251 = arith.constant 0 : i32
            %dma_wait3A_252 = tpu.memref_slice %arg9[%add3A_245, %dma_wait3A_251] : memref<80x128xi32, #tpu.memory_space<vmem>> -> memref<1x128xi32, #tpu.memory_space<vmem>>
            %dma_wait3A_253 = tpu.memref_squeeze %dma_wait3A_252 : memref<1x128xi32, #tpu.memory_space<vmem>> -> memref<128xi32, #tpu.memory_space<vmem>>
            %dma_wait3A_254 = arith.constant 0 : i32
            %dma_wait3A_255 = arith.constant 0 : i32
            %dma_wait3A_256 = tpu.memref_slice %arg13[%dma_wait3A_254, %dma_wait3A_255] : memref<3464x128xf32, #tpu.memory_space<vmem_shared>> -> memref<3464x128xf32, #tpu.memory_space<vmem_shared>>
            tpu.wait_indirect_dma semaphore(%run_scoped3A : memref<!tpu.dma_semaphore, #tpu.memory_space<semaphore_mem>>) src(%arg12 : memref<128x128xf32, #tpu.memory_space<vmem>>) dst(%dma_wait3A_256 : memref<3464x128xf32, #tpu.memory_space<vmem_shared>>)
            tpu.yield
          }) : () -> ()
        } else {
        }
      } else {
      }
    }
    %scan3A_134 = arith.constant 40 : i32
    %barrier3A_135 = arith.constant 0 : index
    tpu.barrier barrier_id(%barrier3A_135)
    %mul3A_136 = arith.constant 216 : i32
    %mul3A_137 = arith.muli %arg1, %mul3A_136 : i32
    %mul3A_138 = arith.constant 216 : i32
    %mul3A_139 = arith.muli %arg1, %mul3A_138 : i32
    %add3A_140 = arith.constant 3456 : i32
    %add3A_141 = arith.addi %add3A_140, %mul3A_139 : i32
    "tpu.region"() ({
      %run_scoped3A = tpu.sem_alloc : memref<!tpu.dma_semaphore, #tpu.memory_space<semaphore_mem>>
      %dma_start3A = arith.constant 0 : i32
      %dma_start3A_204 = arith.constant 0 : i32
      %dma_start3A_205 = tpu.memref_slice %arg4[%arg0, %dma_start3A, %dma_start3A_204] : memref<2x10240x128xf32, #tpu.memory_space<hbm>> -> memref<1x10240x128xf32, #tpu.memory_space<hbm>>
      %dma_start3A_206 = tpu.memref_squeeze %dma_start3A_205 : memref<1x10240x128xf32, #tpu.memory_space<hbm>> -> memref<10240x128xf32, #tpu.memory_space<hbm>>
      %dma_start3A_207 = arith.constant 0 : i32
      %dma_start3A_208 = tpu.memref_slice %dma_start3A_206[%add3A_141, %dma_start3A_207] : memref<10240x128xf32, #tpu.memory_space<hbm>> -> memref<216x128xf32, #tpu.memory_space<hbm>>
      %dma_start3A_209 = arith.constant 0 : i32
      %dma_start3A_210 = tpu.memref_slice %arg13[%mul3A_137, %dma_start3A_209] : memref<3464x128xf32, #tpu.memory_space<vmem_shared>> -> memref<216x128xf32, #tpu.memory_space<vmem_shared>>
      tpu.enqueue_dma source(%dma_start3A_210 : memref<216x128xf32, #tpu.memory_space<vmem_shared>>) target(%dma_start3A_208 : memref<216x128xf32, #tpu.memory_space<hbm>>) target_semaphore(%run_scoped3A : memref<!tpu.dma_semaphore, #tpu.memory_space<semaphore_mem>>)
      %dma_wait3A = arith.constant 0 : i32
      %dma_wait3A_211 = arith.constant 0 : i32
      %dma_wait3A_212 = tpu.memref_slice %arg4[%arg0, %dma_wait3A, %dma_wait3A_211] : memref<2x10240x128xf32, #tpu.memory_space<hbm>> -> memref<1x10240x128xf32, #tpu.memory_space<hbm>>
      %dma_wait3A_213 = tpu.memref_squeeze %dma_wait3A_212 : memref<1x10240x128xf32, #tpu.memory_space<hbm>> -> memref<10240x128xf32, #tpu.memory_space<hbm>>
      %dma_wait3A_214 = arith.constant 0 : i32
      %dma_wait3A_215 = tpu.memref_slice %dma_wait3A_213[%add3A_141, %dma_wait3A_214] : memref<10240x128xf32, #tpu.memory_space<hbm>> -> memref<216x128xf32, #tpu.memory_space<hbm>>
      %dma_wait3A_216 = arith.constant 0 : i32
      %dma_wait3A_217 = tpu.memref_slice %arg13[%mul3A_137, %dma_wait3A_216] : memref<3464x128xf32, #tpu.memory_space<vmem_shared>> -> memref<216x128xf32, #tpu.memory_space<vmem_shared>>
      tpu.wait_dma2 semaphore(%run_scoped3A : memref<!tpu.dma_semaphore, #tpu.memory_space<semaphore_mem>>) src(%dma_wait3A_217 : memref<216x128xf32, #tpu.memory_space<vmem_shared>>) dst(%dma_wait3A_215 : memref<216x128xf32, #tpu.memory_space<hbm>>)
      tpu.yield
    }) : () -> ()
    %get3A_142 = arith.constant 2 : i32
    %get3A_143 = arith.index_cast %get3A_142 : i32 to index
    %get3A_144 = memref.load %arg14[%get3A_143] : memref<4xi32, #tpu.memory_space<smem>>
    %add3A_145 = arith.constant 127 : i32
    %add3A_146 = arith.addi %get3A_144, %add3A_145 : i32
    %jit3A_147 = arith.constant 128 : i32
    %div3A_148 = arith.divsi %add3A_146, %jit3A_147 : i32
    %sign3A_149 = arith.constant 0 : i32
    %sign3A_150 = arith.cmpi sgt, %add3A_146, %sign3A_149 : i32
    %sign3A_151 = arith.extui %sign3A_150 : i1 to i32
    %sign3A_152 = arith.constant 0 : i32
    %sign3A_153 = arith.cmpi slt, %add3A_146, %sign3A_152 : i32
    %sign3A_154 = arith.extui %sign3A_153 : i1 to i32
    %sign3A_155 = arith.subi %sign3A_151, %sign3A_154 : i32
    %sign3A_156 = arith.constant 0 : i32
    %sign3A_157 = arith.cmpi sgt, %jit3A_147, %sign3A_156 : i32
    %sign3A_158 = arith.extui %sign3A_157 : i1 to i32
    %sign3A_159 = arith.constant 0 : i32
    %sign3A_160 = arith.cmpi slt, %jit3A_147, %sign3A_159 : i32
    %sign3A_161 = arith.extui %sign3A_160 : i1 to i32
    %sign3A_162 = arith.subi %sign3A_158, %sign3A_161 : i32
    %ne3A_163 = arith.cmpi ne, %sign3A_155, %sign3A_162 : i32
    %rem3A_164 = arith.remsi %add3A_146, %jit3A_147 : i32
    %ne3A_165 = arith.constant 0 : i32
    %ne3A_166 = arith.cmpi ne, %rem3A_164, %ne3A_165 : i32
    %and3A_167 = arith.andi %ne3A_163, %ne3A_166 : i1
    %sub3A_168 = arith.constant 1 : i32
    %sub3A_169 = arith.subi %div3A_148, %sub3A_168 : i32
    %select_n3A_170 = arith.select %and3A_167, %sub3A_169, %div3A_148 : i32
    %broadcast_in_dim3A_171 = arith.constant 0.000000e+00 : f32
    %broadcast_in_dim3A_172 = vector.broadcast %broadcast_in_dim3A_171 : f32 to vector<16xf32>
    %scan3A_173 = arith.constant 0 : i32
    %scan3A_174 = arith.constant 128 : i32
    %scan3A_175 = arith.addi %scan3A_173, %scan3A_174 : i32
    %scan3A_176 = arith.constant 1 : i32
    scf.for %scan3A_204 = %scan3A_173 to %scan3A_175 step %scan3A_176  : i32 {
      %mul3A_205 = arith.constant 1 : i32
      %mul3A_206 = arith.muli %scan3A_204, %mul3A_205 : i32
      %add3A_207 = arith.constant 0 : i32
      %add3A_208 = arith.addi %add3A_207, %mul3A_206 : i32
      %scan3A_209 = arith.constant 0 : i32
      %scan3A_210 = arith.constant 8 : i32
      %scan3A_211 = arith.addi %scan3A_209, %scan3A_210 : i32
      %scan3A_212 = arith.constant 1 : i32
      scf.for %scan3A_214 = %scan3A_209 to %scan3A_211 step %scan3A_212  : i32 {
        %mul3A_215 = arith.constant 16 : i32
        %mul3A_216 = arith.muli %scan3A_214, %mul3A_215 : i32
        %add3A_217 = arith.constant 0 : i32
        %add3A_218 = arith.addi %add3A_217, %mul3A_216 : i32
        %swap3A_219 = arith.index_cast %add3A_208 : i32 to index
        %swap3A_220 = arith.index_cast %add3A_218 : i32 to index
        %swap3A_221 = tpu.vector_load %arg11[%swap3A_219, %swap3A_220] {strides = array<i32>} : memref<128x128xf32, #tpu.memory_space<vmem>>, vector<16xf32>,
        tpu.vector_store %arg11[%swap3A_219, %swap3A_220], %broadcast_in_dim3A_172 {strides = array<i32>} : memref<128x128xf32, #tpu.memory_space<vmem>>, vector<16xf32>,
      }
      %scan3A_213 = arith.constant 8 : i32
    }
    %scan3A_177 = arith.constant 128 : i32
    %mul3A_178 = arith.constant 208 : i32
    %mul3A_179 = arith.muli %arg1, %mul3A_178 : i32
    %add3A_180 = arith.constant 0 : i32
    %add3A_181 = arith.addi %mul3A_179, %add3A_180 : i32
    "tpu.region"() ({
      %run_scoped3A = tpu.sem_alloc : memref<!tpu.dma_semaphore, #tpu.memory_space<semaphore_mem>>
      %dma_start3A = arith.constant 0 : i32
      %dma_start3A_204 = arith.constant 0 : i32
      %dma_start3A_205 = tpu.memref_slice %arg11[%dma_start3A, %dma_start3A_204] : memref<128x128xf32, #tpu.memory_space<vmem>> -> memref<128x128xf32, #tpu.memory_space<vmem>>
      %dma_start3A_206 = arith.constant 0 : i32
      %dma_start3A_207 = tpu.memref_slice %arg13[%add3A_181, %dma_start3A_206] : memref<3464x128xf32, #tpu.memory_space<vmem_shared>> -> memref<128x128xf32, #tpu.memory_space<vmem_shared>>
      %dma_start3A_208 = arith.constant 0 : i32
      %dma_start3A_209 = tpu.memref_slice %arg13[%add3A_181, %dma_start3A_208] : memref<3464x128xf32, #tpu.memory_space<vmem_shared>> -> memref<128x128xf32, #tpu.memory_space<vmem_shared>>
      %dma_start3A_210 = arith.constant 0 : i32
      %dma_start3A_211 = arith.constant 0 : i32
      %dma_start3A_212 = tpu.memref_slice %arg11[%dma_start3A_210, %dma_start3A_211] : memref<128x128xf32, #tpu.memory_space<vmem>> -> memref<128x128xf32, #tpu.memory_space<vmem>>
      tpu.enqueue_dma source(%dma_start3A_212 : memref<128x128xf32, #tpu.memory_space<vmem>>) target(%dma_start3A_209 : memref<128x128xf32, #tpu.memory_space<vmem_shared>>) target_semaphore(%run_scoped3A : memref<!tpu.dma_semaphore, #tpu.memory_space<semaphore_mem>>)
      %dma_wait3A = arith.constant 0 : i32
      %dma_wait3A_213 = arith.constant 0 : i32
      %dma_wait3A_214 = tpu.memref_slice %arg11[%dma_wait3A, %dma_wait3A_213] : memref<128x128xf32, #tpu.memory_space<vmem>> -> memref<128x128xf32, #tpu.memory_space<vmem>>
      %dma_wait3A_215 = arith.constant 0 : i32
      %dma_wait3A_216 = tpu.memref_slice %arg13[%add3A_181, %dma_wait3A_215] : memref<3464x128xf32, #tpu.memory_space<vmem_shared>> -> memref<128x128xf32, #tpu.memory_space<vmem_shared>>
      %dma_wait3A_217 = arith.constant 0 : i32
      %dma_wait3A_218 = tpu.memref_slice %arg13[%add3A_181, %dma_wait3A_217] : memref<3464x128xf32, #tpu.memory_space<vmem_shared>> -> memref<128x128xf32, #tpu.memory_space<vmem_shared>>
      %dma_wait3A_219 = arith.constant 0 : i32
      %dma_wait3A_220 = arith.constant 0 : i32
      %dma_wait3A_221 = tpu.memref_slice %arg11[%dma_wait3A_219, %dma_wait3A_220] : memref<128x128xf32, #tpu.memory_space<vmem>> -> memref<128x128xf32, #tpu.memory_space<vmem>>
      tpu.wait_dma2 semaphore(%run_scoped3A : memref<!tpu.dma_semaphore, #tpu.memory_space<semaphore_mem>>) src(%dma_wait3A_221 : memref<128x128xf32, #tpu.memory_space<vmem>>) dst(%dma_wait3A_218 : memref<128x128xf32, #tpu.memory_space<vmem_shared>>)
      tpu.yield
    }) : () -> ()
    %mul3A_182 = arith.constant 208 : i32
    %mul3A_183 = arith.muli %arg1, %mul3A_182 : i32
    %add3A_184 = arith.constant 128 : i32
    %add3A_185 = arith.addi %mul3A_183, %add3A_184 : i32
    "tpu.region"() ({
      %run_scoped3A = tpu.sem_alloc : memref<!tpu.dma_semaphore, #tpu.memory_space<semaphore_mem>>
      %dma_start3A = arith.constant 0 : i32
      %dma_start3A_204 = arith.constant 0 : i32
      %dma_start3A_205 = tpu.memref_slice %arg11[%dma_start3A, %dma_start3A_204] : memref<128x128xf32, #tpu.memory_space<vmem>> -> memref<80x128xf32, #tpu.memory_space<vmem>>
      %dma_start3A_206 = arith.constant 0 : i32
      %dma_start3A_207 = tpu.memref_slice %arg13[%add3A_185, %dma_start3A_206] : memref<3464x128xf32, #tpu.memory_space<vmem_shared>> -> memref<80x128xf32, #tpu.memory_space<vmem_shared>>
      %dma_start3A_208 = arith.constant 0 : i32
      %dma_start3A_209 = tpu.memref_slice %arg13[%add3A_185, %dma_start3A_208] : memref<3464x128xf32, #tpu.memory_space<vmem_shared>> -> memref<80x128xf32, #tpu.memory_space<vmem_shared>>
      %dma_start3A_210 = arith.constant 0 : i32
      %dma_start3A_211 = arith.constant 0 : i32
      %dma_start3A_212 = tpu.memref_slice %arg11[%dma_start3A_210, %dma_start3A_211] : memref<128x128xf32, #tpu.memory_space<vmem>> -> memref<80x128xf32, #tpu.memory_space<vmem>>
      tpu.enqueue_dma source(%dma_start3A_212 : memref<80x128xf32, #tpu.memory_space<vmem>>) target(%dma_start3A_209 : memref<80x128xf32, #tpu.memory_space<vmem_shared>>) target_semaphore(%run_scoped3A : memref<!tpu.dma_semaphore, #tpu.memory_space<semaphore_mem>>)
      %dma_wait3A = arith.constant 0 : i32
      %dma_wait3A_213 = arith.constant 0 : i32
      %dma_wait3A_214 = tpu.memref_slice %arg11[%dma_wait3A, %dma_wait3A_213] : memref<128x128xf32, #tpu.memory_space<vmem>> -> memref<80x128xf32, #tpu.memory_space<vmem>>
      %dma_wait3A_215 = arith.constant 0 : i32
      %dma_wait3A_216 = tpu.memref_slice %arg13[%add3A_185, %dma_wait3A_215] : memref<3464x128xf32, #tpu.memory_space<vmem_shared>> -> memref<80x128xf32, #tpu.memory_space<vmem_shared>>
      %dma_wait3A_217 = arith.constant 0 : i32
      %dma_wait3A_218 = tpu.memref_slice %arg13[%add3A_185, %dma_wait3A_217] : memref<3464x128xf32, #tpu.memory_space<vmem_shared>> -> memref<80x128xf32, #tpu.memory_space<vmem_shared>>
      %dma_wait3A_219 = arith.constant 0 : i32
      %dma_wait3A_220 = arith.constant 0 : i32
      %dma_wait3A_221 = tpu.memref_slice %arg11[%dma_wait3A_219, %dma_wait3A_220] : memref<128x128xf32, #tpu.memory_space<vmem>> -> memref<80x128xf32, #tpu.memory_space<vmem>>
      tpu.wait_dma2 semaphore(%run_scoped3A : memref<!tpu.dma_semaphore, #tpu.memory_space<semaphore_mem>>) src(%dma_wait3A_221 : memref<80x128xf32, #tpu.memory_space<vmem>>) dst(%dma_wait3A_218 : memref<80x128xf32, #tpu.memory_space<vmem_shared>>)
      tpu.yield
    }) : () -> ()
    %barrier3A_186 = arith.constant 0 : index
    tpu.barrier barrier_id(%barrier3A_186)
    %gt3A_187 = arith.constant 0 : i32
    %gt3A_188 = arith.cmpi sgt, %select_n3A_170, %gt3A_187 : i32
    %convert_element_type3A_189 = arith.extui %gt3A_188 : i1 to i32
    %cond3A_190 = arith.constant 0 : i32
    %cond3A_191 = arith.cmpi ne, %convert_element_type3A_189, %cond3A_190 : i32
    scf.if %cond3A_191 {
      %dma_start3A = arith.constant 0 : i32
      %dma_start3A_204 = arith.constant 0 : i32
      %dma_start3A_205 = tpu.memref_slice %arg5[%dma_start3A, %dma_start3A_204] : memref<80x128xi32, #tpu.memory_space<vmem>> -> memref<1x128xi32, #tpu.memory_space<vmem>>
      %dma_start3A_206 = tpu.memref_squeeze %dma_start3A_205 : memref<1x128xi32, #tpu.memory_space<vmem>> -> memref<128xi32, #tpu.memory_space<vmem>>
      %dma_start3A_207 = arith.constant 0 : i32
      %dma_start3A_208 = arith.constant 0 : i32
      %dma_start3A_209 = tpu.memref_slice %arg2[%dma_start3A_207, %dma_start3A_208] : memref<10240x128xf32, #tpu.memory_space<hbm>> -> memref<10240x128xf32, #tpu.memory_space<hbm>>
      tpu.enqueue_indirect_dma source(%dma_start3A_209 : memref<10240x128xf32, #tpu.memory_space<hbm>>) target(%arg11 : memref<128x128xf32, #tpu.memory_space<vmem>>) offsets(%dma_start3A_206 : memref<128xi32, #tpu.memory_space<vmem>>) semaphore(%arg15 : memref<!tpu.dma_semaphore, #tpu.memory_space<semaphore_mem>>)
    } else {
    }
    %scan3A_192 = arith.constant 0 : i32
    %scan3A_193 = arith.constant 40 : i32
    %scan3A_194 = arith.addi %scan3A_192, %scan3A_193 : i32
    %scan3A_195 = arith.constant 1 : i32
    scf.for %scan3A_204 = %scan3A_192 to %scan3A_194 step %scan3A_195  : i32 {
      %mul3A_205 = arith.constant 2 : i32
      %mul3A_206 = arith.muli %scan3A_204, %mul3A_205 : i32
      %add3A_207 = arith.constant 0 : i32
      %add3A_208 = arith.addi %add3A_207, %mul3A_206 : i32
      %lt3A_209 = arith.cmpi slt, %add3A_208, %select_n3A_170 : i32
      %convert_element_type3A_210 = arith.extui %lt3A_209 : i1 to i32
      %cond3A_211 = arith.constant 0 : i32
      %cond3A_212 = arith.cmpi ne, %convert_element_type3A_210, %cond3A_211 : i32
      scf.if %cond3A_212 {
        %add3A_213 = arith.constant 1 : i32
        %add3A_214 = arith.addi %add3A_208, %add3A_213 : i32
        %lt3A_215 = arith.cmpi slt, %add3A_214, %select_n3A_170 : i32
        %convert_element_type3A_216 = arith.extui %lt3A_215 : i1 to i32
        %cond3A_217 = arith.constant 0 : i32
        %cond3A_218 = arith.cmpi ne, %convert_element_type3A_216, %cond3A_217 : i32
        scf.if %cond3A_218 {
          %add3A_236 = arith.constant 1 : i32
          %add3A_237 = arith.addi %add3A_208, %add3A_236 : i32
          %dma_start3A = arith.constant 0 : i32
          %dma_start3A_238 = tpu.memref_slice %arg5[%add3A_237, %dma_start3A] : memref<80x128xi32, #tpu.memory_space<vmem>> -> memref<1x128xi32, #tpu.memory_space<vmem>>
          %dma_start3A_239 = tpu.memref_squeeze %dma_start3A_238 : memref<1x128xi32, #tpu.memory_space<vmem>> -> memref<128xi32, #tpu.memory_space<vmem>>
          %dma_start3A_240 = arith.constant 0 : i32
          %dma_start3A_241 = arith.constant 0 : i32
          %dma_start3A_242 = tpu.memref_slice %arg2[%dma_start3A_240, %dma_start3A_241] : memref<10240x128xf32, #tpu.memory_space<hbm>> -> memref<10240x128xf32, #tpu.memory_space<hbm>>
          tpu.enqueue_indirect_dma source(%dma_start3A_242 : memref<10240x128xf32, #tpu.memory_space<hbm>>) target(%arg12 : memref<128x128xf32, #tpu.memory_space<vmem>>) offsets(%dma_start3A_239 : memref<128xi32, #tpu.memory_space<vmem>>) semaphore(%arg16 : memref<!tpu.dma_semaphore, #tpu.memory_space<semaphore_mem>>)
        } else {
        }
        %dma_wait3A = arith.constant 0 : i32
        %dma_wait3A_219 = tpu.memref_slice %arg5[%add3A_208, %dma_wait3A] : memref<80x128xi32, #tpu.memory_space<vmem>> -> memref<1x128xi32, #tpu.memory_space<vmem>>
        %dma_wait3A_220 = tpu.memref_squeeze %dma_wait3A_219 : memref<1x128xi32, #tpu.memory_space<vmem>> -> memref<128xi32, #tpu.memory_space<vmem>>
        %dma_wait3A_221 = arith.constant 0 : i32
        %dma_wait3A_222 = arith.constant 0 : i32
        %dma_wait3A_223 = tpu.memref_slice %arg2[%dma_wait3A_221, %dma_wait3A_222] : memref<10240x128xf32, #tpu.memory_space<hbm>> -> memref<10240x128xf32, #tpu.memory_space<hbm>>
        tpu.wait_indirect_dma semaphore(%arg15 : memref<!tpu.dma_semaphore, #tpu.memory_space<semaphore_mem>>) src(%dma_wait3A_223 : memref<10240x128xf32, #tpu.memory_space<hbm>>) dst(%arg11 : memref<128x128xf32, #tpu.memory_space<vmem>>)
        "tpu.region"() ({
          %run_scoped3A = tpu.sem_alloc : memref<!tpu.dma_semaphore, #tpu.memory_space<semaphore_mem>>
          %dma_start3A = arith.constant 0 : i32
          %dma_start3A_236 = tpu.memref_slice %arg10[%add3A_208, %dma_start3A] : memref<80x128xi32, #tpu.memory_space<vmem>> -> memref<1x128xi32, #tpu.memory_space<vmem>>
          %dma_start3A_237 = tpu.memref_squeeze %dma_start3A_236 : memref<1x128xi32, #tpu.memory_space<vmem>> -> memref<128xi32, #tpu.memory_space<vmem>>
          %dma_start3A_238 = arith.constant 0 : i32
          %dma_start3A_239 = arith.constant 0 : i32
          %dma_start3A_240 = tpu.memref_slice %arg13[%dma_start3A_238, %dma_start3A_239] : memref<3464x128xf32, #tpu.memory_space<vmem_shared>> -> memref<3464x128xf32, #tpu.memory_space<vmem_shared>>
          tpu.enqueue_indirect_dma source(%arg11 : memref<128x128xf32, #tpu.memory_space<vmem>>) target(%dma_start3A_240 : memref<3464x128xf32, #tpu.memory_space<vmem_shared>>) offsets(%dma_start3A_237 : memref<128xi32, #tpu.memory_space<vmem>>) semaphore(%run_scoped3A : memref<!tpu.dma_semaphore, #tpu.memory_space<semaphore_mem>>) {add = true}
          %dma_wait3A_241 = arith.constant 0 : i32
          %dma_wait3A_242 = tpu.memref_slice %arg10[%add3A_208, %dma_wait3A_241] : memref<80x128xi32, #tpu.memory_space<vmem>> -> memref<1x128xi32, #tpu.memory_space<vmem>>
          %dma_wait3A_243 = tpu.memref_squeeze %dma_wait3A_242 : memref<1x128xi32, #tpu.memory_space<vmem>> -> memref<128xi32, #tpu.memory_space<vmem>>
          %dma_wait3A_244 = arith.constant 0 : i32
          %dma_wait3A_245 = arith.constant 0 : i32
          %dma_wait3A_246 = tpu.memref_slice %arg13[%dma_wait3A_244, %dma_wait3A_245] : memref<3464x128xf32, #tpu.memory_space<vmem_shared>> -> memref<3464x128xf32, #tpu.memory_space<vmem_shared>>
          tpu.wait_indirect_dma semaphore(%run_scoped3A : memref<!tpu.dma_semaphore, #tpu.memory_space<semaphore_mem>>) src(%arg11 : memref<128x128xf32, #tpu.memory_space<vmem>>) dst(%dma_wait3A_246 : memref<3464x128xf32, #tpu.memory_space<vmem_shared>>)
          tpu.yield
        }) : () -> ()
        %add3A_224 = arith.constant 2 : i32
        %add3A_225 = arith.addi %add3A_208, %add3A_224 : i32
        %lt3A_226 = arith.cmpi slt, %add3A_225, %select_n3A_170 : i32
        %convert_element_type3A_227 = arith.extui %lt3A_226 : i1 to i32
        %cond3A_228 = arith.constant 0 : i32
        %cond3A_229 = arith.cmpi ne, %convert_element_type3A_227, %cond3A_228 : i32
        scf.if %cond3A_229 {
          %add3A_236 = arith.constant 2 : i32
          %add3A_237 = arith.addi %add3A_208, %add3A_236 : i32
          %dma_start3A = arith.constant 0 : i32
          %dma_start3A_238 = tpu.memref_slice %arg5[%add3A_237, %dma_start3A] : memref<80x128xi32, #tpu.memory_space<vmem>> -> memref<1x128xi32, #tpu.memory_space<vmem>>
          %dma_start3A_239 = tpu.memref_squeeze %dma_start3A_238 : memref<1x128xi32, #tpu.memory_space<vmem>> -> memref<128xi32, #tpu.memory_space<vmem>>
          %dma_start3A_240 = arith.constant 0 : i32
          %dma_start3A_241 = arith.constant 0 : i32
          %dma_start3A_242 = tpu.memref_slice %arg2[%dma_start3A_240, %dma_start3A_241] : memref<10240x128xf32, #tpu.memory_space<hbm>> -> memref<10240x128xf32, #tpu.memory_space<hbm>>
          tpu.enqueue_indirect_dma source(%dma_start3A_242 : memref<10240x128xf32, #tpu.memory_space<hbm>>) target(%arg11 : memref<128x128xf32, #tpu.memory_space<vmem>>) offsets(%dma_start3A_239 : memref<128xi32, #tpu.memory_space<vmem>>) semaphore(%arg15 : memref<!tpu.dma_semaphore, #tpu.memory_space<semaphore_mem>>)
        } else {
        }
        %add3A_230 = arith.constant 1 : i32
        %add3A_231 = arith.addi %add3A_208, %add3A_230 : i32
        %lt3A_232 = arith.cmpi slt, %add3A_231, %select_n3A_170 : i32
        %convert_element_type3A_233 = arith.extui %lt3A_232 : i1 to i32
        %cond3A_234 = arith.constant 0 : i32
        %cond3A_235 = arith.cmpi ne, %convert_element_type3A_233, %cond3A_234 : i32
        scf.if %cond3A_235 {
          %add3A_236 = arith.constant 1 : i32
          %add3A_237 = arith.addi %add3A_208, %add3A_236 : i32
          %dma_wait3A_238 = arith.constant 0 : i32
          %dma_wait3A_239 = tpu.memref_slice %arg5[%add3A_237, %dma_wait3A_238] : memref<80x128xi32, #tpu.memory_space<vmem>> -> memref<1x128xi32, #tpu.memory_space<vmem>>
          %dma_wait3A_240 = tpu.memref_squeeze %dma_wait3A_239 : memref<1x128xi32, #tpu.memory_space<vmem>> -> memref<128xi32, #tpu.memory_space<vmem>>
          %dma_wait3A_241 = arith.constant 0 : i32
          %dma_wait3A_242 = arith.constant 0 : i32
          %dma_wait3A_243 = tpu.memref_slice %arg2[%dma_wait3A_241, %dma_wait3A_242] : memref<10240x128xf32, #tpu.memory_space<hbm>> -> memref<10240x128xf32, #tpu.memory_space<hbm>>
          tpu.wait_indirect_dma semaphore(%arg16 : memref<!tpu.dma_semaphore, #tpu.memory_space<semaphore_mem>>) src(%dma_wait3A_243 : memref<10240x128xf32, #tpu.memory_space<hbm>>) dst(%arg12 : memref<128x128xf32, #tpu.memory_space<vmem>>)
          %add3A_244 = arith.constant 1 : i32
          %add3A_245 = arith.addi %add3A_208, %add3A_244 : i32
          "tpu.region"() ({
            %run_scoped3A = tpu.sem_alloc : memref<!tpu.dma_semaphore, #tpu.memory_space<semaphore_mem>>
            %dma_start3A = arith.constant 0 : i32
            %dma_start3A_246 = tpu.memref_slice %arg10[%add3A_245, %dma_start3A] : memref<80x128xi32, #tpu.memory_space<vmem>> -> memref<1x128xi32, #tpu.memory_space<vmem>>
            %dma_start3A_247 = tpu.memref_squeeze %dma_start3A_246 : memref<1x128xi32, #tpu.memory_space<vmem>> -> memref<128xi32, #tpu.memory_space<vmem>>
            %dma_start3A_248 = arith.constant 0 : i32
            %dma_start3A_249 = arith.constant 0 : i32
            %dma_start3A_250 = tpu.memref_slice %arg13[%dma_start3A_248, %dma_start3A_249] : memref<3464x128xf32, #tpu.memory_space<vmem_shared>> -> memref<3464x128xf32, #tpu.memory_space<vmem_shared>>
            tpu.enqueue_indirect_dma source(%arg12 : memref<128x128xf32, #tpu.memory_space<vmem>>) target(%dma_start3A_250 : memref<3464x128xf32, #tpu.memory_space<vmem_shared>>) offsets(%dma_start3A_247 : memref<128xi32, #tpu.memory_space<vmem>>) semaphore(%run_scoped3A : memref<!tpu.dma_semaphore, #tpu.memory_space<semaphore_mem>>) {add = true}
            %dma_wait3A_251 = arith.constant 0 : i32
            %dma_wait3A_252 = tpu.memref_slice %arg10[%add3A_245, %dma_wait3A_251] : memref<80x128xi32, #tpu.memory_space<vmem>> -> memref<1x128xi32, #tpu.memory_space<vmem>>
            %dma_wait3A_253 = tpu.memref_squeeze %dma_wait3A_252 : memref<1x128xi32, #tpu.memory_space<vmem>> -> memref<128xi32, #tpu.memory_space<vmem>>
            %dma_wait3A_254 = arith.constant 0 : i32
            %dma_wait3A_255 = arith.constant 0 : i32
            %dma_wait3A_256 = tpu.memref_slice %arg13[%dma_wait3A_254, %dma_wait3A_255] : memref<3464x128xf32, #tpu.memory_space<vmem_shared>> -> memref<3464x128xf32, #tpu.memory_space<vmem_shared>>
            tpu.wait_indirect_dma semaphore(%run_scoped3A : memref<!tpu.dma_semaphore, #tpu.memory_space<semaphore_mem>>) src(%arg12 : memref<128x128xf32, #tpu.memory_space<vmem>>) dst(%dma_wait3A_256 : memref<3464x128xf32, #tpu.memory_space<vmem_shared>>)
            tpu.yield
          }) : () -> ()
        } else {
        }
      } else {
      }
    }
    %scan3A_196 = arith.constant 40 : i32
    %barrier3A_197 = arith.constant 0 : index
    tpu.barrier barrier_id(%barrier3A_197)
    %mul3A_198 = arith.constant 208 : i32
    %mul3A_199 = arith.muli %arg1, %mul3A_198 : i32
    %mul3A_200 = arith.constant 208 : i32
    %mul3A_201 = arith.muli %arg1, %mul3A_200 : i32
    %add3A_202 = arith.constant 6912 : i32
    %add3A_203 = arith.addi %add3A_202, %mul3A_201 : i32
    "tpu.region"() ({
      %run_scoped3A = tpu.sem_alloc : memref<!tpu.dma_semaphore, #tpu.memory_space<semaphore_mem>>
      %dma_start3A = arith.constant 0 : i32
      %dma_start3A_204 = arith.constant 0 : i32
      %dma_start3A_205 = tpu.memref_slice %arg4[%arg0, %dma_start3A, %dma_start3A_204] : memref<2x10240x128xf32, #tpu.memory_space<hbm>> -> memref<1x10240x128xf32, #tpu.memory_space<hbm>>
      %dma_start3A_206 = tpu.memref_squeeze %dma_start3A_205 : memref<1x10240x128xf32, #tpu.memory_space<hbm>> -> memref<10240x128xf32, #tpu.memory_space<hbm>>
      %dma_start3A_207 = arith.constant 0 : i32
      %dma_start3A_208 = tpu.memref_slice %dma_start3A_206[%add3A_203, %dma_start3A_207] : memref<10240x128xf32, #tpu.memory_space<hbm>> -> memref<208x128xf32, #tpu.memory_space<hbm>>
      %dma_start3A_209 = arith.constant 0 : i32
      %dma_start3A_210 = tpu.memref_slice %arg13[%mul3A_199, %dma_start3A_209] : memref<3464x128xf32, #tpu.memory_space<vmem_shared>> -> memref<208x128xf32, #tpu.memory_space<vmem_shared>>
      tpu.enqueue_dma source(%dma_start3A_210 : memref<208x128xf32, #tpu.memory_space<vmem_shared>>) target(%dma_start3A_208 : memref<208x128xf32, #tpu.memory_space<hbm>>) target_semaphore(%run_scoped3A : memref<!tpu.dma_semaphore, #tpu.memory_space<semaphore_mem>>)
      %dma_wait3A = arith.constant 0 : i32
      %dma_wait3A_211 = arith.constant 0 : i32
      %dma_wait3A_212 = tpu.memref_slice %arg4[%arg0, %dma_wait3A, %dma_wait3A_211] : memref<2x10240x128xf32, #tpu.memory_space<hbm>> -> memref<1x10240x128xf32, #tpu.memory_space<hbm>>
      %dma_wait3A_213 = tpu.memref_squeeze %dma_wait3A_212 : memref<1x10240x128xf32, #tpu.memory_space<hbm>> -> memref<10240x128xf32, #tpu.memory_space<hbm>>
      %dma_wait3A_214 = arith.constant 0 : i32
      %dma_wait3A_215 = tpu.memref_slice %dma_wait3A_213[%add3A_203, %dma_wait3A_214] : memref<10240x128xf32, #tpu.memory_space<hbm>> -> memref<208x128xf32, #tpu.memory_space<hbm>>
      %dma_wait3A_216 = arith.constant 0 : i32
      %dma_wait3A_217 = tpu.memref_slice %arg13[%mul3A_199, %dma_wait3A_216] : memref<3464x128xf32, #tpu.memory_space<vmem_shared>> -> memref<208x128xf32, #tpu.memory_space<vmem_shared>>
      tpu.wait_dma2 semaphore(%run_scoped3A : memref<!tpu.dma_semaphore, #tpu.memory_space<semaphore_mem>>) src(%dma_wait3A_217 : memref<208x128xf32, #tpu.memory_space<vmem_shared>>) dst(%dma_wait3A_215 : memref<208x128xf32, #tpu.memory_space<hbm>>)
      tpu.yield
    }) : () -> ()
    return
  }
}

#map = affine_map<(d0, d1) -> (0, 0)>
#map1 = affine_map<(d0, d1) -> (0, 0, 0)>
module attributes {stable_mosaic.version = 14 : i64} {
  func.func @k(%arg0: i32, %arg1: i32, %arg2: memref<10240x128xf32, #tpu.memory_space<hbm>>, %arg3: memref<32x80x128xi32, #tpu.memory_space<hbm>>, %arg4: memref<2x10240x128xf32, #tpu.memory_space<hbm>>, %arg5: memref<80x128xi32, #tpu.memory_space<vmem>>, %arg6: memref<80x128xi32, #tpu.memory_space<vmem>>, %arg7: memref<80x128xi32, #tpu.memory_space<vmem>>, %arg8: memref<80x128xi32, #tpu.memory_space<vmem>>, %arg9: memref<80x128xi32, #tpu.memory_space<vmem>>, %arg10: memref<80x128xi32, #tpu.memory_space<vmem>>, %arg11: memref<128x128xf32, #tpu.memory_space<vmem>>, %arg12: memref<128x128xf32, #tpu.memory_space<vmem>>, %arg13: memref<3464x128xf32, #tpu.memory_space<vmem_shared>>, %arg14: memref<4xi32, #tpu.memory_space<smem>>, %arg15: memref<!tpu.dma_semaphore, #tpu.memory_space<semaphore_mem>>, %arg16: memref<!tpu.dma_semaphore, #tpu.memory_space<semaphore_mem>>) attributes {dimension_semantics = [#tpu.dimension_semantics<core_parallel>, #tpu.dimension_semantics<subcore_parallel>], iteration_bounds = array<i64: 2, 16>, scalar_prefetch = 0 : i64, scratch_operands = 12 : i64, tpu.core_type = #tpu.core_type<sc_vector_subcore>, window_params = [{transform_indices = #map}, {transform_indices = #map1}, {transform_indices = #map1}]} {
    %mul3A = arith.constant 2 : i32
    %mul3A_0 = arith.muli %arg1, %mul3A : i32
    %add3A = arith.addi %mul3A_0, %arg0 : i32
    "tpu.region"() ({
      %run_scoped3A = tpu.sem_alloc : memref<!tpu.dma_semaphore, #tpu.memory_space<semaphore_mem>>
      %dma_start3A = arith.constant 0 : i32
      %dma_start3A_204 = arith.constant 0 : i32
      %dma_start3A_205 = tpu.memref_slice %arg3[%add3A, %dma_start3A, %dma_start3A_204] : memref<32x80x128xi32, #tpu.memory_space<hbm>> -> memref<1x80x128xi32, #tpu.memory_space<hbm>>
      %dma_start3A_206 = tpu.memref_squeeze %dma_start3A_205 : memref<1x80x128xi32, #tpu.memory_space<hbm>> -> memref<80x128xi32, #tpu.memory_space<hbm>>
      %dma_start3A_207 = arith.constant 0 : i32
      %dma_start3A_208 = arith.constant 0 : i32
      %dma_start3A_209 = tpu.memref_slice %arg3[%add3A, %dma_start3A_207, %dma_start3A_208] : memref<32x80x128xi32, #tpu.memory_space<hbm>> -> memref<1x80x128xi32, #tpu.memory_space<hbm>>
      %dma_start3A_210 = tpu.memref_squeeze %dma_start3A_209 : memref<1x80x128xi32, #tpu.memory_space<hbm>> -> memref<80x128xi32, #tpu.memory_space<hbm>>
      tpu.enqueue_dma source(%dma_start3A_210 : memref<80x128xi32, #tpu.memory_space<hbm>>) target(%arg5 : memref<80x128xi32, #tpu.memory_space<vmem>>) target_semaphore(%run_scoped3A : memref<!tpu.dma_semaphore, #tpu.memory_space<semaphore_mem>>)
      %dma_wait3A = arith.constant 0 : i32
      %dma_wait3A_211 = arith.constant 0 : i32
      %dma_wait3A_212 = tpu.memref_slice %arg3[%add3A, %dma_wait3A, %dma_wait3A_211] : memref<32x80x128xi32, #tpu.memory_space<hbm>> -> memref<1x80x128xi32, #tpu.memory_space<hbm>>
      %dma_wait3A_213 = tpu.memref_squeeze %dma_wait3A_212 : memref<1x80x128xi32, #tpu.memory_space<hbm>> -> memref<80x128xi32, #tpu.memory_space<hbm>>
      %dma_wait3A_214 = arith.constant 0 : i32
      %dma_wait3A_215 = arith.constant 0 : i32
      %dma_wait3A_216 = tpu.memref_slice %arg3[%add3A, %dma_wait3A_214, %dma_wait3A_215] : memref<32x80x128xi32, #tpu.memory_space<hbm>> -> memref<1x80x128xi32, #tpu.memory_space<hbm>>
      %dma_wait3A_217 = tpu.memref_squeeze %dma_wait3A_216 : memref<1x80x128xi32, #tpu.memory_space<hbm>> -> memref<80x128xi32, #tpu.memory_space<hbm>>
      tpu.wait_dma2 semaphore(%run_scoped3A : memref<!tpu.dma_semaphore, #tpu.memory_space<semaphore_mem>>) src(%dma_wait3A_217 : memref<80x128xi32, #tpu.memory_space<hbm>>) dst(%arg5 : memref<80x128xi32, #tpu.memory_space<vmem>>)
      tpu.yield
    }) : () -> ()
    %broadcast_in_dim3A = arith.constant 10000 : i32
    %broadcast_in_dim3A_1 = vector.broadcast %broadcast_in_dim3A : i32 to vector<16xi32>
    %broadcast_in_dim3A_2 = arith.constant 3456 : i32
    %broadcast_in_dim3A_3 = vector.broadcast %broadcast_in_dim3A_2 : i32 to vector<16xi32>
    %swap3A = arith.constant 0 : i32
    %swap3A_4 = arith.constant 0 : i32
    %swap3A_5 = arith.index_cast %swap3A_4 : i32 to index
    %swap3A_6 = memref.load %arg14[%swap3A_5] : memref<4xi32, #tpu.memory_space<smem>>
    memref.store %swap3A, %arg14[%swap3A_5] : memref<4xi32, #tpu.memory_space<smem>>
    %swap3A_7 = arith.constant 0 : i32
    %swap3A_8 = arith.constant 1 : i32
    %swap3A_9 = arith.index_cast %swap3A_8 : i32 to index
    %swap3A_10 = memref.load %arg14[%swap3A_9] : memref<4xi32, #tpu.memory_space<smem>>
    memref.store %swap3A_7, %arg14[%swap3A_9] : memref<4xi32, #tpu.memory_space<smem>>
    %swap3A_11 = arith.constant 0 : i32
    %swap3A_12 = arith.constant 2 : i32
    %swap3A_13 = arith.index_cast %swap3A_12 : i32 to index
    %swap3A_14 = memref.load %arg14[%swap3A_13] : memref<4xi32, #tpu.memory_space<smem>>
    memref.store %swap3A_11, %arg14[%swap3A_13] : memref<4xi32, #tpu.memory_space<smem>>
    %scan3A = arith.constant 0 : i32
    %scan3A_15 = arith.constant 80 : i32
    %scan3A_16 = arith.addi %scan3A, %scan3A_15 : i32
    %scan3A_17 = arith.constant 1 : i32
    scf.for %scan3A_204 = %scan3A to %scan3A_16 step %scan3A_17  : i32 {
      %mul3A_205 = arith.constant 1 : i32
      %mul3A_206 = arith.muli %scan3A_204, %mul3A_205 : i32
      %add3A_207 = arith.constant 0 : i32
      %add3A_208 = arith.addi %add3A_207, %mul3A_206 : i32
      %scan3A_209 = arith.constant 0 : i32
      %scan3A_210 = arith.constant 8 : i32
      %scan3A_211 = arith.addi %scan3A_209, %scan3A_210 : i32
      %scan3A_212 = arith.constant 1 : i32
      scf.for %scan3A_214 = %scan3A_209 to %scan3A_211 step %scan3A_212  : i32 {
        %mul3A_215 = arith.constant 16 : i32
        %mul3A_216 = arith.muli %scan3A_214, %mul3A_215 : i32
        %add3A_217 = arith.constant 0 : i32
        %add3A_218 = arith.addi %add3A_217, %mul3A_216 : i32
        %swap3A_219 = arith.index_cast %add3A_208 : i32 to index
        %swap3A_220 = arith.index_cast %add3A_218 : i32 to index
        %swap3A_221 = tpu.vector_load %arg6[%swap3A_219, %swap3A_220] {strides = array<i32>} : memref<80x128xi32, #tpu.memory_space<vmem>>, vector<16xi32>,
        tpu.vector_store %arg6[%swap3A_219, %swap3A_220], %broadcast_in_dim3A_1 {strides = array<i32>} : memref<80x128xi32, #tpu.memory_space<vmem>>, vector<16xi32>,
        %swap3A_222 = arith.index_cast %add3A_208 : i32 to index
        %swap3A_223 = arith.index_cast %add3A_218 : i32 to index
        %swap3A_224 = tpu.vector_load %arg8[%swap3A_222, %swap3A_223] {strides = array<i32>} : memref<80x128xi32, #tpu.memory_space<vmem>>, vector<16xi32>,
        tpu.vector_store %arg8[%swap3A_222, %swap3A_223], %broadcast_in_dim3A_3 {strides = array<i32>} : memref<80x128xi32, #tpu.memory_space<vmem>>, vector<16xi32>,
        %swap3A_225 = arith.index_cast %add3A_208 : i32 to index
        %swap3A_226 = arith.index_cast %add3A_218 : i32 to index
        %swap3A_227 = tpu.vector_load %arg7[%swap3A_225, %swap3A_226] {strides = array<i32>} : memref<80x128xi32, #tpu.memory_space<vmem>>, vector<16xi32>,
        tpu.vector_store %arg7[%swap3A_225, %swap3A_226], %broadcast_in_dim3A_1 {strides = array<i32>} : memref<80x128xi32, #tpu.memory_space<vmem>>, vector<16xi32>,
        %swap3A_228 = arith.index_cast %add3A_208 : i32 to index
        %swap3A_229 = arith.index_cast %add3A_218 : i32 to index
        %swap3A_230 = tpu.vector_load %arg9[%swap3A_228, %swap3A_229] {strides = array<i32>} : memref<80x128xi32, #tpu.memory_space<vmem>>, vector<16xi32>,
        tpu.vector_store %arg9[%swap3A_228, %swap3A_229], %broadcast_in_dim3A_3 {strides = array<i32>} : memref<80x128xi32, #tpu.memory_space<vmem>>, vector<16xi32>,
        %swap3A_231 = arith.index_cast %add3A_208 : i32 to index
        %swap3A_232 = arith.index_cast %add3A_218 : i32 to index
        %swap3A_233 = tpu.vector_load %arg10[%swap3A_231, %swap3A_232] {strides = array<i32>} : memref<80x128xi32, #tpu.memory_space<vmem>>, vector<16xi32>,
        tpu.vector_store %arg10[%swap3A_231, %swap3A_232], %broadcast_in_dim3A_3 {strides = array<i32>} : memref<80x128xi32, #tpu.memory_space<vmem>>, vector<16xi32>,
      }
      %scan3A_213 = arith.constant 8 : i32
    }
    %scan3A_18 = arith.constant 80 : i32
    %scan3A_19 = arith.constant 0 : i32
    %scan3A_20 = arith.constant 80 : i32
    %scan3A_21 = arith.addi %scan3A_19, %scan3A_20 : i32
    %scan3A_22 = arith.constant 1 : i32
    scf.for %scan3A_204 = %scan3A_19 to %scan3A_21 step %scan3A_22  : i32 {
      %mul3A_205 = arith.constant 1 : i32
      %mul3A_206 = arith.muli %scan3A_204, %mul3A_205 : i32
      %add3A_207 = arith.constant 0 : i32
      %add3A_208 = arith.addi %add3A_207, %mul3A_206 : i32
      %scan3A_209 = arith.constant 0 : i32
      %scan3A_210 = arith.constant 8 : i32
      %scan3A_211 = arith.addi %scan3A_209, %scan3A_210 : i32
      %scan3A_212 = arith.constant 1 : i32
      scf.for %scan3A_214 = %scan3A_209 to %scan3A_211 step %scan3A_212  : i32 {
        %mul3A_215 = arith.constant 16 : i32
        %mul3A_216 = arith.muli %scan3A_214, %mul3A_215 : i32
        %add3A_217 = arith.constant 0 : i32
        %add3A_218 = arith.addi %add3A_217, %mul3A_216 : i32
        %get3A_219 = arith.index_cast %add3A_208 : i32 to index
        %get3A_220 = arith.index_cast %add3A_218 : i32 to index
        %get3A_221 = tpu.vector_load %arg5[%get3A_219, %get3A_220] {strides = array<i32>} : memref<80x128xi32, #tpu.memory_space<vmem>>, vector<16xi32>,
        %and3A_222 = arith.constant 65535 : i32
        %and3A_223 = vector.broadcast %and3A_222 : i32 to vector<16xi32>
        %and3A_224 = arith.andi %get3A_221, %and3A_223 : vector<16xi32>
        %shift_right_logical3A = arith.constant 16 : i32
        %shift_right_logical3A_225 = vector.broadcast %shift_right_logical3A : i32 to vector<16xi32>
        %shift_right_logical3A_226 = arith.shrui %get3A_221, %shift_right_logical3A_225 : vector<16xi32>
        %sub3A_227 = arith.constant 0 : i32
        %sub3A_228 = vector.broadcast %sub3A_227 : i32 to vector<16xi32>
        %sub3A_229 = arith.subi %shift_right_logical3A_226, %sub3A_228 : vector<16xi32>
        %ge3A = arith.constant 0 : i32
        %ge3A_230 = vector.broadcast %ge3A : i32 to vector<16xi32>
        %ge3A_231 = arith.cmpi sge, %sub3A_229, %ge3A_230 : vector<16xi32>
        %lt3A_232 = arith.constant 3456 : i32
        %lt3A_233 = vector.broadcast %lt3A_232 : i32 to vector<16xi32>
        %lt3A_234 = arith.cmpi slt, %sub3A_229, %lt3A_233 : vector<16xi32>
        %and3A_235 = arith.andi %ge3A_231, %lt3A_234 : vector<16xi1>
        %convert_element_type3A_236 = arith.extui %and3A_235 : vector<16xi1> to vector<16xi32>
        %get3A_237 = arith.constant 0 : i32
        %get3A_238 = arith.index_cast %get3A_237 : i32 to index
        %get3A_239 = memref.load %arg14[%get3A_238] : memref<4xi32, #tpu.memory_space<smem>>
        %broadcast_in_dim3A_240 = arith.constant true
        %broadcast_in_dim3A_241 = vector.broadcast %broadcast_in_dim3A_240 : i1 to vector<16xi1>
        %masked_cumsum3A = tpu.scan <sum>, %convert_element_type3A_236 masked %broadcast_in_dim3A_241 : vector<16xi32>, vector<16xi1> -> vector<16xi32>
        %add3A_242 = vector.broadcast %get3A_239 : i32 to vector<16xi32>
        %add3A_243 = arith.addi %add3A_242, %masked_cumsum3A : vector<16xi32>
        %sub3A_244 = arith.constant 1 : i32
        %sub3A_245 = vector.broadcast %sub3A_244 : i32 to vector<16xi32>
        %sub3A_246 = arith.subi %add3A_243, %sub3A_245 : vector<16xi32>
        %jit3A_247 = arith.constant 0 : i32
        %broadcast_in_dim3A_248 = vector.broadcast %jit3A_247 : i32 to vector<16xi32>
        %select_n3A_249 = arith.select %and3A_235, %sub3A_246, %broadcast_in_dim3A_248 : vector<16xi1>, vector<16xi32>
        %shift_right_logical3A_250 = arith.constant 7 : i32
        %shift_right_logical3A_251 = vector.broadcast %shift_right_logical3A_250 : i32 to vector<16xi32>
        %shift_right_logical3A_252 = arith.shrui %select_n3A_249, %shift_right_logical3A_251 : vector<16xi32>
        %and3A_253 = arith.constant 127 : i32
        %and3A_254 = vector.broadcast %and3A_253 : i32 to vector<16xi32>
        %and3A_255 = arith.andi %select_n3A_249, %and3A_254 : vector<16xi32>
        tpu.vector_store_idx %arg6[%shift_right_logical3A_252, %and3A_255], %and3A_224 masked %and3A_235 : memref<80x128xi32, #tpu.memory_space<vmem>>[vector<16xi32>, vector<16xi32>], vector<16xi32>, vector<16xi1>
        tpu.vector_store_idx %arg8[%shift_right_logical3A_252, %and3A_255], %sub3A_229 masked %and3A_235 : memref<80x128xi32, #tpu.memory_space<vmem>>[vector<16xi32>, vector<16xi32>], vector<16xi32>, vector<16xi1>
        %reduce_sum3A = arith.constant true
        %reduce_sum3A_256 = vector.broadcast %reduce_sum3A : i1 to vector<16xi1>
        %reduce_sum3A_257 = tpu.scan <sum>, %convert_element_type3A_236 masked %reduce_sum3A_256 : vector<16xi32>, vector<16xi1> -> vector<16xi32>
        %reduce_sum3A_258 = vector.extract %reduce_sum3A_257[15] : i32 from vector<16xi32>
        %add3A_259 = arith.addi %get3A_239, %reduce_sum3A_258 : i32
        %swap3A_260 = arith.constant 0 : i32
        %swap3A_261 = arith.index_cast %swap3A_260 : i32 to index
        %swap3A_262 = memref.load %arg14[%swap3A_261] : memref<4xi32, #tpu.memory_space<smem>>
        memref.store %add3A_259, %arg14[%swap3A_261] : memref<4xi32, #tpu.memory_space<smem>>
        %sub3A_263 = arith.constant 3456 : i32
        %sub3A_264 = vector.broadcast %sub3A_263 : i32 to vector<16xi32>
        %sub3A_265 = arith.subi %shift_right_logical3A_226, %sub3A_264 : vector<16xi32>
        %ge3A_266 = arith.constant 0 : i32
        %ge3A_267 = vector.broadcast %ge3A_266 : i32 to vector<16xi32>
        %ge3A_268 = arith.cmpi sge, %sub3A_265, %ge3A_267 : vector<16xi32>
        %lt3A_269 = arith.constant 3456 : i32
        %lt3A_270 = vector.broadcast %lt3A_269 : i32 to vector<16xi32>
        %lt3A_271 = arith.cmpi slt, %sub3A_265, %lt3A_270 : vector<16xi32>
        %and3A_272 = arith.andi %ge3A_268, %lt3A_271 : vector<16xi1>
        %convert_element_type3A_273 = arith.extui %and3A_272 : vector<16xi1> to vector<16xi32>
        %get3A_274 = arith.constant 1 : i32
        %get3A_275 = arith.index_cast %get3A_274 : i32 to index
        %get3A_276 = memref.load %arg14[%get3A_275] : memref<4xi32, #tpu.memory_space<smem>>
        %broadcast_in_dim3A_277 = arith.constant true
        %broadcast_in_dim3A_278 = vector.broadcast %broadcast_in_dim3A_277 : i1 to vector<16xi1>
        %masked_cumsum3A_279 = tpu.scan <sum>, %convert_element_type3A_273 masked %broadcast_in_dim3A_278 : vector<16xi32>, vector<16xi1> -> vector<16xi32>
        %add3A_280 = vector.broadcast %get3A_276 : i32 to vector<16xi32>
        %add3A_281 = arith.addi %add3A_280, %masked_cumsum3A_279 : vector<16xi32>
        %sub3A_282 = arith.constant 1 : i32
        %sub3A_283 = vector.broadcast %sub3A_282 : i32 to vector<16xi32>
        %sub3A_284 = arith.subi %add3A_281, %sub3A_283 : vector<16xi32>
        %jit3A_285 = arith.constant 0 : i32
        %broadcast_in_dim3A_286 = vector.broadcast %jit3A_285 : i32 to vector<16xi32>
        %select_n3A_287 = arith.select %and3A_272, %sub3A_284, %broadcast_in_dim3A_286 : vector<16xi1>, vector<16xi32>
        %shift_right_logical3A_288 = arith.constant 7 : i32
        %shift_right_logical3A_289 = vector.broadcast %shift_right_logical3A_288 : i32 to vector<16xi32>
        %shift_right_logical3A_290 = arith.shrui %select_n3A_287, %shift_right_logical3A_289 : vector<16xi32>
        %and3A_291 = arith.constant 127 : i32
        %and3A_292 = vector.broadcast %and3A_291 : i32 to vector<16xi32>
        %and3A_293 = arith.andi %select_n3A_287, %and3A_292 : vector<16xi32>
        tpu.vector_store_idx %arg7[%shift_right_logical3A_290, %and3A_293], %and3A_224 masked %and3A_272 : memref<80x128xi32, #tpu.memory_space<vmem>>[vector<16xi32>, vector<16xi32>], vector<16xi32>, vector<16xi1>
        tpu.vector_store_idx %arg9[%shift_right_logical3A_290, %and3A_293], %sub3A_265 masked %and3A_272 : memref<80x128xi32, #tpu.memory_space<vmem>>[vector<16xi32>, vector<16xi32>], vector<16xi32>, vector<16xi1>
        %reduce_sum3A_294 = arith.constant true
        %reduce_sum3A_295 = vector.broadcast %reduce_sum3A_294 : i1 to vector<16xi1>
        %reduce_sum3A_296 = tpu.scan <sum>, %convert_element_type3A_273 masked %reduce_sum3A_295 : vector<16xi32>, vector<16xi1> -> vector<16xi32>
        %reduce_sum3A_297 = vector.extract %reduce_sum3A_296[15] : i32 from vector<16xi32>
        %add3A_298 = arith.addi %get3A_276, %reduce_sum3A_297 : i32
        %swap3A_299 = arith.constant 1 : i32
        %swap3A_300 = arith.index_cast %swap3A_299 : i32 to index
        %swap3A_301 = memref.load %arg14[%swap3A_300] : memref<4xi32, #tpu.memory_space<smem>>
        memref.store %add3A_298, %arg14[%swap3A_300] : memref<4xi32, #tpu.memory_space<smem>>
        %sub3A_302 = arith.constant 6912 : i32
        %sub3A_303 = vector.broadcast %sub3A_302 : i32 to vector<16xi32>
        %sub3A_304 = arith.subi %shift_right_logical3A_226, %sub3A_303 : vector<16xi32>
        %ge3A_305 = arith.constant 0 : i32
        %ge3A_306 = vector.broadcast %ge3A_305 : i32 to vector<16xi32>
        %ge3A_307 = arith.cmpi sge, %sub3A_304, %ge3A_306 : vector<16xi32>
        %lt3A_308 = arith.constant 3328 : i32
        %lt3A_309 = vector.broadcast %lt3A_308 : i32 to vector<16xi32>
        %lt3A_310 = arith.cmpi slt, %sub3A_304, %lt3A_309 : vector<16xi32>
        %and3A_311 = arith.andi %ge3A_307, %lt3A_310 : vector<16xi1>
        %convert_element_type3A_312 = arith.extui %and3A_311 : vector<16xi1> to vector<16xi32>
        %get3A_313 = arith.constant 2 : i32
        %get3A_314 = arith.index_cast %get3A_313 : i32 to index
        %get3A_315 = memref.load %arg14[%get3A_314] : memref<4xi32, #tpu.memory_space<smem>>
        %broadcast_in_dim3A_316 = arith.constant true
        %broadcast_in_dim3A_317 = vector.broadcast %broadcast_in_dim3A_316 : i1 to vector<16xi1>
        %masked_cumsum3A_318 = tpu.scan <sum>, %convert_element_type3A_312 masked %broadcast_in_dim3A_317 : vector<16xi32>, vector<16xi1> -> vector<16xi32>
        %add3A_319 = vector.broadcast %get3A_315 : i32 to vector<16xi32>
        %add3A_320 = arith.addi %add3A_319, %masked_cumsum3A_318 : vector<16xi32>
        %sub3A_321 = arith.constant 1 : i32
        %sub3A_322 = vector.broadcast %sub3A_321 : i32 to vector<16xi32>
        %sub3A_323 = arith.subi %add3A_320, %sub3A_322 : vector<16xi32>
        %jit3A_324 = arith.constant 0 : i32
        %broadcast_in_dim3A_325 = vector.broadcast %jit3A_324 : i32 to vector<16xi32>
        %select_n3A_326 = arith.select %and3A_311, %sub3A_323, %broadcast_in_dim3A_325 : vector<16xi1>, vector<16xi32>
        %shift_right_logical3A_327 = arith.constant 7 : i32
        %shift_right_logical3A_328 = vector.broadcast %shift_right_logical3A_327 : i32 to vector<16xi32>
        %shift_right_logical3A_329 = arith.shrui %select_n3A_326, %shift_right_logical3A_328 : vector<16xi32>
        %and3A_330 = arith.constant 127 : i32
        %and3A_331 = vector.broadcast %and3A_330 : i32 to vector<16xi32>
        %and3A_332 = arith.andi %select_n3A_326, %and3A_331 : vector<16xi32>
        tpu.vector_store_idx %arg5[%shift_right_logical3A_329, %and3A_332], %and3A_224 masked %and3A_311 : memref<80x128xi32, #tpu.memory_space<vmem>>[vector<16xi32>, vector<16xi32>], vector<16xi32>, vector<16xi1>
        tpu.vector_store_idx %arg10[%shift_right_logical3A_329, %and3A_332], %sub3A_304 masked %and3A_311 : memref<80x128xi32, #tpu.memory_space<vmem>>[vector<16xi32>, vector<16xi32>], vector<16xi32>, vector<16xi1>
        %reduce_sum3A_333 = arith.constant true
        %reduce_sum3A_334 = vector.broadcast %reduce_sum3A_333 : i1 to vector<16xi1>
        %reduce_sum3A_335 = tpu.scan <sum>, %convert_element_type3A_312 masked %reduce_sum3A_334 : vector<16xi32>, vector<16xi1> -> vector<16xi32>
        %reduce_sum3A_336 = vector.extract %reduce_sum3A_335[15] : i32 from vector<16xi32>
        %add3A_337 = arith.addi %get3A_315, %reduce_sum3A_336 : i32
        %swap3A_338 = arith.constant 2 : i32
        %swap3A_339 = arith.index_cast %swap3A_338 : i32 to index
        %swap3A_340 = memref.load %arg14[%swap3A_339] : memref<4xi32, #tpu.memory_space<smem>>
        memref.store %add3A_337, %arg14[%swap3A_339] : memref<4xi32, #tpu.memory_space<smem>>
      }
      %scan3A_213 = arith.constant 8 : i32
    }
    %scan3A_23 = arith.constant 80 : i32
    %get3A = arith.constant 2 : i32
    %get3A_24 = arith.index_cast %get3A : i32 to index
    %get3A_25 = memref.load %arg14[%get3A_24] : memref<4xi32, #tpu.memory_space<smem>>
    %lt3A = arith.constant 10240 : i32
    %lt3A_26 = arith.cmpi slt, %get3A_25, %lt3A : i32
    %convert_element_type3A = arith.extui %lt3A_26 : i1 to i32
    %cond3A = arith.constant 0 : i32
    %cond3A_27 = arith.cmpi ne, %convert_element_type3A, %cond3A : i32
    scf.if %cond3A_27 {
      %shift_right_logical3A = arith.constant 7 : i32
      %shift_right_logical3A_204 = arith.shrui %get3A_25, %shift_right_logical3A : i32
      %scan3A_205 = arith.constant 0 : i32
      %scan3A_206 = arith.constant 8 : i32
      %scan3A_207 = arith.addi %scan3A_205, %scan3A_206 : i32
      %scan3A_208 = arith.constant 1 : i32
      scf.for %scan3A_210 = %scan3A_205 to %scan3A_207 step %scan3A_208  : i32 {
        %mul3A_211 = arith.constant 16 : i32
        %mul3A_212 = arith.muli %scan3A_210, %mul3A_211 : i32
        %add3A_213 = arith.constant 0 : i32
        %add3A_214 = arith.addi %add3A_213, %mul3A_212 : i32
        %mul3A_215 = arith.constant 128 : i32
        %mul3A_216 = arith.muli %shift_right_logical3A_204, %mul3A_215 : i32
        %add3A_217 = arith.addi %mul3A_216, %add3A_214 : i32
        %iota3A = tpu.iota {dimensions = array<i32: 0>} : vector<16xi32>
        %add3A_218 = vector.broadcast %add3A_217 : i32 to vector<16xi32>
        %add3A_219 = arith.addi %add3A_218, %iota3A : vector<16xi32>
        %lt3A_220 = vector.broadcast %get3A_25 : i32 to vector<16xi32>
        %lt3A_221 = arith.cmpi slt, %add3A_219, %lt3A_220 : vector<16xi32>
        %get3A_222 = arith.index_cast %shift_right_logical3A_204 : i32 to index
        %get3A_223 = arith.index_cast %add3A_214 : i32 to index
        %get3A_224 = tpu.vector_load %arg5[%get3A_222, %get3A_223] {strides = array<i32>} : memref<80x128xi32, #tpu.memory_space<vmem>>, vector<16xi32>,
        %jit3A_225 = arith.constant 10000 : i32
        %broadcast_in_dim3A_226 = vector.broadcast %jit3A_225 : i32 to vector<16xi32>
        %select_n3A_227 = arith.select %lt3A_221, %get3A_224, %broadcast_in_dim3A_226 : vector<16xi1>, vector<16xi32>
        %swap3A_228 = arith.index_cast %shift_right_logical3A_204 : i32 to index
        %swap3A_229 = arith.index_cast %add3A_214 : i32 to index
        %swap3A_230 = tpu.vector_load %arg5[%swap3A_228, %swap3A_229] {strides = array<i32>} : memref<80x128xi32, #tpu.memory_space<vmem>>, vector<16xi32>,
        tpu.vector_store %arg5[%swap3A_228, %swap3A_229], %select_n3A_227 {strides = array<i32>} : memref<80x128xi32, #tpu.memory_space<vmem>>, vector<16xi32>,
      }
      %scan3A_209 = arith.constant 8 : i32
    } else {
    }
    %get3A_28 = arith.constant 0 : i32
    %get3A_29 = arith.index_cast %get3A_28 : i32 to index
    %get3A_30 = memref.load %arg14[%get3A_29] : memref<4xi32, #tpu.memory_space<smem>>
    %add3A_31 = arith.constant 127 : i32
    %add3A_32 = arith.addi %get3A_30, %add3A_31 : i32
    %jit3A = arith.constant 128 : i32
    %div3A = arith.divsi %add3A_32, %jit3A : i32
    %sign3A = arith.constant 0 : i32
    %sign3A_33 = arith.cmpi sgt, %add3A_32, %sign3A : i32
    %sign3A_34 = arith.extui %sign3A_33 : i1 to i32
    %sign3A_35 = arith.constant 0 : i32
    %sign3A_36 = arith.cmpi slt, %add3A_32, %sign3A_35 : i32
    %sign3A_37 = arith.extui %sign3A_36 : i1 to i32
    %sign3A_38 = arith.subi %sign3A_34, %sign3A_37 : i32
    %sign3A_39 = arith.constant 0 : i32
    %sign3A_40 = arith.cmpi sgt, %jit3A, %sign3A_39 : i32
    %sign3A_41 = arith.extui %sign3A_40 : i1 to i32
    %sign3A_42 = arith.constant 0 : i32
    %sign3A_43 = arith.cmpi slt, %jit3A, %sign3A_42 : i32
    %sign3A_44 = arith.extui %sign3A_43 : i1 to i32
    %sign3A_45 = arith.subi %sign3A_41, %sign3A_44 : i32
    %ne3A = arith.cmpi ne, %sign3A_38, %sign3A_45 : i32
    %rem3A = arith.remsi %add3A_32, %jit3A : i32
    %ne3A_46 = arith.constant 0 : i32
    %ne3A_47 = arith.cmpi ne, %rem3A, %ne3A_46 : i32
    %and3A = arith.andi %ne3A, %ne3A_47 : i1
    %sub3A = arith.constant 1 : i32
    %sub3A_48 = arith.subi %div3A, %sub3A : i32
    %select_n3A = arith.select %and3A, %sub3A_48, %div3A : i32
    %broadcast_in_dim3A_49 = arith.constant 0.000000e+00 : f32
    %broadcast_in_dim3A_50 = vector.broadcast %broadcast_in_dim3A_49 : f32 to vector<16xf32>
    %scan3A_51 = arith.constant 0 : i32
    %scan3A_52 = arith.constant 128 : i32
    %scan3A_53 = arith.addi %scan3A_51, %scan3A_52 : i32
    %scan3A_54 = arith.constant 1 : i32
    scf.for %scan3A_204 = %scan3A_51 to %scan3A_53 step %scan3A_54  : i32 {
      %mul3A_205 = arith.constant 1 : i32
      %mul3A_206 = arith.muli %scan3A_204, %mul3A_205 : i32
      %add3A_207 = arith.constant 0 : i32
      %add3A_208 = arith.addi %add3A_207, %mul3A_206 : i32
      %scan3A_209 = arith.constant 0 : i32
      %scan3A_210 = arith.constant 8 : i32
      %scan3A_211 = arith.addi %scan3A_209, %scan3A_210 : i32
      %scan3A_212 = arith.constant 1 : i32
      scf.for %scan3A_214 = %scan3A_209 to %scan3A_211 step %scan3A_212  : i32 {
        %mul3A_215 = arith.constant 16 : i32
        %mul3A_216 = arith.muli %scan3A_214, %mul3A_215 : i32
        %add3A_217 = arith.constant 0 : i32
        %add3A_218 = arith.addi %add3A_217, %mul3A_216 : i32
        %swap3A_219 = arith.index_cast %add3A_208 : i32 to index
        %swap3A_220 = arith.index_cast %add3A_218 : i32 to index
        %swap3A_221 = tpu.vector_load %arg11[%swap3A_219, %swap3A_220] {strides = array<i32>} : memref<128x128xf32, #tpu.memory_space<vmem>>, vector<16xf32>,
        tpu.vector_store %arg11[%swap3A_219, %swap3A_220], %broadcast_in_dim3A_50 {strides = array<i32>} : memref<128x128xf32, #tpu.memory_space<vmem>>, vector<16xf32>,
      }
      %scan3A_213 = arith.constant 8 : i32
    }
    %scan3A_55 = arith.constant 128 : i32
    %mul3A_56 = arith.constant 216 : i32
    %mul3A_57 = arith.muli %arg1, %mul3A_56 : i32
    %add3A_58 = arith.constant 0 : i32
    %add3A_59 = arith.addi %mul3A_57, %add3A_58 : i32
    "tpu.region"() ({
      %run_scoped3A = tpu.sem_alloc : memref<!tpu.dma_semaphore, #tpu.memory_space<semaphore_mem>>
      %dma_start3A = arith.constant 0 : i32
      %dma_start3A_204 = arith.constant 0 : i32
      %dma_start3A_205 = tpu.memref_slice %arg11[%dma_start3A, %dma_start3A_204] : memref<128x128xf32, #tpu.memory_space<vmem>> -> memref<128x128xf32, #tpu.memory_space<vmem>>
      %dma_start3A_206 = arith.constant 0 : i32
      %dma_start3A_207 = tpu.memref_slice %arg13[%add3A_59, %dma_start3A_206] : memref<3464x128xf32, #tpu.memory_space<vmem_shared>> -> memref<128x128xf32, #tpu.memory_space<vmem_shared>>
      %dma_start3A_208 = arith.constant 0 : i32
      %dma_start3A_209 = tpu.memref_slice %arg13[%add3A_59, %dma_start3A_208] : memref<3464x128xf32, #tpu.memory_space<vmem_shared>> -> memref<128x128xf32, #tpu.memory_space<vmem_shared>>
      %dma_start3A_210 = arith.constant 0 : i32
      %dma_start3A_211 = arith.constant 0 : i32
      %dma_start3A_212 = tpu.memref_slice %arg11[%dma_start3A_210, %dma_start3A_211] : memref<128x128xf32, #tpu.memory_space<vmem>> -> memref<128x128xf32, #tpu.memory_space<vmem>>
      tpu.enqueue_dma source(%dma_start3A_212 : memref<128x128xf32, #tpu.memory_space<vmem>>) target(%dma_start3A_209 : memref<128x128xf32, #tpu.memory_space<vmem_shared>>) target_semaphore(%run_scoped3A : memref<!tpu.dma_semaphore, #tpu.memory_space<semaphore_mem>>)
      %dma_wait3A = arith.constant 0 : i32
      %dma_wait3A_213 = arith.constant 0 : i32
      %dma_wait3A_214 = tpu.memref_slice %arg11[%dma_wait3A, %dma_wait3A_213] : memref<128x128xf32, #tpu.memory_space<vmem>> -> memref<128x128xf32, #tpu.memory_space<vmem>>
      %dma_wait3A_215 = arith.constant 0 : i32
      %dma_wait3A_216 = tpu.memref_slice %arg13[%add3A_59, %dma_wait3A_215] : memref<3464x128xf32, #tpu.memory_space<vmem_shared>> -> memref<128x128xf32, #tpu.memory_space<vmem_shared>>
      %dma_wait3A_217 = arith.constant 0 : i32
      %dma_wait3A_218 = tpu.memref_slice %arg13[%add3A_59, %dma_wait3A_217] : memref<3464x128xf32, #tpu.memory_space<vmem_shared>> -> memref<128x128xf32, #tpu.memory_space<vmem_shared>>
      %dma_wait3A_219 = arith.constant 0 : i32
      %dma_wait3A_220 = arith.constant 0 : i32
      %dma_wait3A_221 = tpu.memref_slice %arg11[%dma_wait3A_219, %dma_wait3A_220] : memref<128x128xf32, #tpu.memory_space<vmem>> -> memref<128x128xf32, #tpu.memory_space<vmem>>
      tpu.wait_dma2 semaphore(%run_scoped3A : memref<!tpu.dma_semaphore, #tpu.memory_space<semaphore_mem>>) src(%dma_wait3A_221 : memref<128x128xf32, #tpu.memory_space<vmem>>) dst(%dma_wait3A_218 : memref<128x128xf32, #tpu.memory_space<vmem_shared>>)
      tpu.yield
    }) : () -> ()
    %mul3A_60 = arith.constant 216 : i32
    %mul3A_61 = arith.muli %arg1, %mul3A_60 : i32
    %add3A_62 = arith.constant 128 : i32
    %add3A_63 = arith.addi %mul3A_61, %add3A_62 : i32
    "tpu.region"() ({
      %run_scoped3A = tpu.sem_alloc : memref<!tpu.dma_semaphore, #tpu.memory_space<semaphore_mem>>
      %dma_start3A = arith.constant 0 : i32
      %dma_start3A_204 = arith.constant 0 : i32
      %dma_start3A_205 = tpu.memref_slice %arg11[%dma_start3A, %dma_start3A_204] : memref<128x128xf32, #tpu.memory_space<vmem>> -> memref<88x128xf32, #tpu.memory_space<vmem>>
      %dma_start3A_206 = arith.constant 0 : i32
      %dma_start3A_207 = tpu.memref_slice %arg13[%add3A_63, %dma_start3A_206] : memref<3464x128xf32, #tpu.memory_space<vmem_shared>> -> memref<88x128xf32, #tpu.memory_space<vmem_shared>>
      %dma_start3A_208 = arith.constant 0 : i32
      %dma_start3A_209 = tpu.memref_slice %arg13[%add3A_63, %dma_start3A_208] : memref<3464x128xf32, #tpu.memory_space<vmem_shared>> -> memref<88x128xf32, #tpu.memory_space<vmem_shared>>
      %dma_start3A_210 = arith.constant 0 : i32
      %dma_start3A_211 = arith.constant 0 : i32
      %dma_start3A_212 = tpu.memref_slice %arg11[%dma_start3A_210, %dma_start3A_211] : memref<128x128xf32, #tpu.memory_space<vmem>> -> memref<88x128xf32, #tpu.memory_space<vmem>>
      tpu.enqueue_dma source(%dma_start3A_212 : memref<88x128xf32, #tpu.memory_space<vmem>>) target(%dma_start3A_209 : memref<88x128xf32, #tpu.memory_space<vmem_shared>>) target_semaphore(%run_scoped3A : memref<!tpu.dma_semaphore, #tpu.memory_space<semaphore_mem>>)
      %dma_wait3A = arith.constant 0 : i32
      %dma_wait3A_213 = arith.constant 0 : i32
      %dma_wait3A_214 = tpu.memref_slice %arg11[%dma_wait3A, %dma_wait3A_213] : memref<128x128xf32, #tpu.memory_space<vmem>> -> memref<88x128xf32, #tpu.memory_space<vmem>>
      %dma_wait3A_215 = arith.constant 0 : i32
      %dma_wait3A_216 = tpu.memref_slice %arg13[%add3A_63, %dma_wait3A_215] : memref<3464x128xf32, #tpu.memory_space<vmem_shared>> -> memref<88x128xf32, #tpu.memory_space<vmem_shared>>
      %dma_wait3A_217 = arith.constant 0 : i32
      %dma_wait3A_218 = tpu.memref_slice %arg13[%add3A_63, %dma_wait3A_217] : memref<3464x128xf32, #tpu.memory_space<vmem_shared>> -> memref<88x128xf32, #tpu.memory_space<vmem_shared>>
      %dma_wait3A_219 = arith.constant 0 : i32
      %dma_wait3A_220 = arith.constant 0 : i32
      %dma_wait3A_221 = tpu.memref_slice %arg11[%dma_wait3A_219, %dma_wait3A_220] : memref<128x128xf32, #tpu.memory_space<vmem>> -> memref<88x128xf32, #tpu.memory_space<vmem>>
      tpu.wait_dma2 semaphore(%run_scoped3A : memref<!tpu.dma_semaphore, #tpu.memory_space<semaphore_mem>>) src(%dma_wait3A_221 : memref<88x128xf32, #tpu.memory_space<vmem>>) dst(%dma_wait3A_218 : memref<88x128xf32, #tpu.memory_space<vmem_shared>>)
      tpu.yield
    }) : () -> ()
    %barrier3A = arith.constant 0 : index
    tpu.barrier barrier_id(%barrier3A)
    %gt3A = arith.constant 0 : i32
    %gt3A_64 = arith.cmpi sgt, %select_n3A, %gt3A : i32
    %convert_element_type3A_65 = arith.extui %gt3A_64 : i1 to i32
    %cond3A_66 = arith.constant 0 : i32
    %cond3A_67 = arith.cmpi ne, %convert_element_type3A_65, %cond3A_66 : i32
    scf.if %cond3A_67 {
      %dma_start3A = arith.constant 0 : i32
      %dma_start3A_204 = arith.constant 0 : i32
      %dma_start3A_205 = tpu.memref_slice %arg6[%dma_start3A, %dma_start3A_204] : memref<80x128xi32, #tpu.memory_space<vmem>> -> memref<1x128xi32, #tpu.memory_space<vmem>>
      %dma_start3A_206 = tpu.memref_squeeze %dma_start3A_205 : memref<1x128xi32, #tpu.memory_space<vmem>> -> memref<128xi32, #tpu.memory_space<vmem>>
      %dma_start3A_207 = arith.constant 0 : i32
      %dma_start3A_208 = arith.constant 0 : i32
      %dma_start3A_209 = tpu.memref_slice %arg2[%dma_start3A_207, %dma_start3A_208] : memref<10240x128xf32, #tpu.memory_space<hbm>> -> memref<10240x128xf32, #tpu.memory_space<hbm>>
      tpu.enqueue_indirect_dma source(%dma_start3A_209 : memref<10240x128xf32, #tpu.memory_space<hbm>>) target(%arg11 : memref<128x128xf32, #tpu.memory_space<vmem>>) offsets(%dma_start3A_206 : memref<128xi32, #tpu.memory_space<vmem>>) semaphore(%arg15 : memref<!tpu.dma_semaphore, #tpu.memory_space<semaphore_mem>>)
    } else {
    }
    %scan3A_68 = arith.constant 0 : i32
    %scan3A_69 = arith.constant 40 : i32
    %scan3A_70 = arith.addi %scan3A_68, %scan3A_69 : i32
    %scan3A_71 = arith.constant 1 : i32
    scf.for %scan3A_204 = %scan3A_68 to %scan3A_70 step %scan3A_71  : i32 {
      %mul3A_205 = arith.constant 2 : i32
      %mul3A_206 = arith.muli %scan3A_204, %mul3A_205 : i32
      %add3A_207 = arith.constant 0 : i32
      %add3A_208 = arith.addi %add3A_207, %mul3A_206 : i32
      %lt3A_209 = arith.cmpi slt, %add3A_208, %select_n3A : i32
      %convert_element_type3A_210 = arith.extui %lt3A_209 : i1 to i32
      %cond3A_211 = arith.constant 0 : i32
      %cond3A_212 = arith.cmpi ne, %convert_element_type3A_210, %cond3A_211 : i32
      scf.if %cond3A_212 {
        %add3A_213 = arith.constant 1 : i32
        %add3A_214 = arith.addi %add3A_208, %add3A_213 : i32
        %lt3A_215 = arith.cmpi slt, %add3A_214, %select_n3A : i32
        %convert_element_type3A_216 = arith.extui %lt3A_215 : i1 to i32
        %cond3A_217 = arith.constant 0 : i32
        %cond3A_218 = arith.cmpi ne, %convert_element_type3A_216, %cond3A_217 : i32
        scf.if %cond3A_218 {
          %add3A_236 = arith.constant 1 : i32
          %add3A_237 = arith.addi %add3A_208, %add3A_236 : i32
          %dma_start3A = arith.constant 0 : i32
          %dma_start3A_238 = tpu.memref_slice %arg6[%add3A_237, %dma_start3A] : memref<80x128xi32, #tpu.memory_space<vmem>> -> memref<1x128xi32, #tpu.memory_space<vmem>>
          %dma_start3A_239 = tpu.memref_squeeze %dma_start3A_238 : memref<1x128xi32, #tpu.memory_space<vmem>> -> memref<128xi32, #tpu.memory_space<vmem>>
          %dma_start3A_240 = arith.constant 0 : i32
          %dma_start3A_241 = arith.constant 0 : i32
          %dma_start3A_242 = tpu.memref_slice %arg2[%dma_start3A_240, %dma_start3A_241] : memref<10240x128xf32, #tpu.memory_space<hbm>> -> memref<10240x128xf32, #tpu.memory_space<hbm>>
          tpu.enqueue_indirect_dma source(%dma_start3A_242 : memref<10240x128xf32, #tpu.memory_space<hbm>>) target(%arg12 : memref<128x128xf32, #tpu.memory_space<vmem>>) offsets(%dma_start3A_239 : memref<128xi32, #tpu.memory_space<vmem>>) semaphore(%arg16 : memref<!tpu.dma_semaphore, #tpu.memory_space<semaphore_mem>>)
        } else {
        }
        %dma_wait3A = arith.constant 0 : i32
        %dma_wait3A_219 = tpu.memref_slice %arg6[%add3A_208, %dma_wait3A] : memref<80x128xi32, #tpu.memory_space<vmem>> -> memref<1x128xi32, #tpu.memory_space<vmem>>
        %dma_wait3A_220 = tpu.memref_squeeze %dma_wait3A_219 : memref<1x128xi32, #tpu.memory_space<vmem>> -> memref<128xi32, #tpu.memory_space<vmem>>
        %dma_wait3A_221 = arith.constant 0 : i32
        %dma_wait3A_222 = arith.constant 0 : i32
        %dma_wait3A_223 = tpu.memref_slice %arg2[%dma_wait3A_221, %dma_wait3A_222] : memref<10240x128xf32, #tpu.memory_space<hbm>> -> memref<10240x128xf32, #tpu.memory_space<hbm>>
        tpu.wait_indirect_dma semaphore(%arg15 : memref<!tpu.dma_semaphore, #tpu.memory_space<semaphore_mem>>) src(%dma_wait3A_223 : memref<10240x128xf32, #tpu.memory_space<hbm>>) dst(%arg11 : memref<128x128xf32, #tpu.memory_space<vmem>>)
        "tpu.region"() ({
          %run_scoped3A = tpu.sem_alloc : memref<!tpu.dma_semaphore, #tpu.memory_space<semaphore_mem>>
          %dma_start3A = arith.constant 0 : i32
          %dma_start3A_236 = tpu.memref_slice %arg8[%add3A_208, %dma_start3A] : memref<80x128xi32, #tpu.memory_space<vmem>> -> memref<1x128xi32, #tpu.memory_space<vmem>>
          %dma_start3A_237 = tpu.memref_squeeze %dma_start3A_236 : memref<1x128xi32, #tpu.memory_space<vmem>> -> memref<128xi32, #tpu.memory_space<vmem>>
          %dma_start3A_238 = arith.constant 0 : i32
          %dma_start3A_239 = arith.constant 0 : i32
          %dma_start3A_240 = tpu.memref_slice %arg13[%dma_start3A_238, %dma_start3A_239] : memref<3464x128xf32, #tpu.memory_space<vmem_shared>> -> memref<3464x128xf32, #tpu.memory_space<vmem_shared>>
          tpu.enqueue_indirect_dma source(%arg11 : memref<128x128xf32, #tpu.memory_space<vmem>>) target(%dma_start3A_240 : memref<3464x128xf32, #tpu.memory_space<vmem_shared>>) offsets(%dma_start3A_237 : memref<128xi32, #tpu.memory_space<vmem>>) semaphore(%run_scoped3A : memref<!tpu.dma_semaphore, #tpu.memory_space<semaphore_mem>>) {add = true}
          %dma_wait3A_241 = arith.constant 0 : i32
          %dma_wait3A_242 = tpu.memref_slice %arg8[%add3A_208, %dma_wait3A_241] : memref<80x128xi32, #tpu.memory_space<vmem>> -> memref<1x128xi32, #tpu.memory_space<vmem>>
          %dma_wait3A_243 = tpu.memref_squeeze %dma_wait3A_242 : memref<1x128xi32, #tpu.memory_space<vmem>> -> memref<128xi32, #tpu.memory_space<vmem>>
          %dma_wait3A_244 = arith.constant 0 : i32
          %dma_wait3A_245 = arith.constant 0 : i32
          %dma_wait3A_246 = tpu.memref_slice %arg13[%dma_wait3A_244, %dma_wait3A_245] : memref<3464x128xf32, #tpu.memory_space<vmem_shared>> -> memref<3464x128xf32, #tpu.memory_space<vmem_shared>>
          tpu.wait_indirect_dma semaphore(%run_scoped3A : memref<!tpu.dma_semaphore, #tpu.memory_space<semaphore_mem>>) src(%arg11 : memref<128x128xf32, #tpu.memory_space<vmem>>) dst(%dma_wait3A_246 : memref<3464x128xf32, #tpu.memory_space<vmem_shared>>)
          tpu.yield
        }) : () -> ()
        %add3A_224 = arith.constant 2 : i32
        %add3A_225 = arith.addi %add3A_208, %add3A_224 : i32
        %lt3A_226 = arith.cmpi slt, %add3A_225, %select_n3A : i32
        %convert_element_type3A_227 = arith.extui %lt3A_226 : i1 to i32
        %cond3A_228 = arith.constant 0 : i32
        %cond3A_229 = arith.cmpi ne, %convert_element_type3A_227, %cond3A_228 : i32
        scf.if %cond3A_229 {
          %add3A_236 = arith.constant 2 : i32
          %add3A_237 = arith.addi %add3A_208, %add3A_236 : i32
          %dma_start3A = arith.constant 0 : i32
          %dma_start3A_238 = tpu.memref_slice %arg6[%add3A_237, %dma_start3A] : memref<80x128xi32, #tpu.memory_space<vmem>> -> memref<1x128xi32, #tpu.memory_space<vmem>>
          %dma_start3A_239 = tpu.memref_squeeze %dma_start3A_238 : memref<1x128xi32, #tpu.memory_space<vmem>> -> memref<128xi32, #tpu.memory_space<vmem>>
          %dma_start3A_240 = arith.constant 0 : i32
          %dma_start3A_241 = arith.constant 0 : i32
          %dma_start3A_242 = tpu.memref_slice %arg2[%dma_start3A_240, %dma_start3A_241] : memref<10240x128xf32, #tpu.memory_space<hbm>> -> memref<10240x128xf32, #tpu.memory_space<hbm>>
          tpu.enqueue_indirect_dma source(%dma_start3A_242 : memref<10240x128xf32, #tpu.memory_space<hbm>>) target(%arg11 : memref<128x128xf32, #tpu.memory_space<vmem>>) offsets(%dma_start3A_239 : memref<128xi32, #tpu.memory_space<vmem>>) semaphore(%arg15 : memref<!tpu.dma_semaphore, #tpu.memory_space<semaphore_mem>>)
        } else {
        }
        %add3A_230 = arith.constant 1 : i32
        %add3A_231 = arith.addi %add3A_208, %add3A_230 : i32
        %lt3A_232 = arith.cmpi slt, %add3A_231, %select_n3A : i32
        %convert_element_type3A_233 = arith.extui %lt3A_232 : i1 to i32
        %cond3A_234 = arith.constant 0 : i32
        %cond3A_235 = arith.cmpi ne, %convert_element_type3A_233, %cond3A_234 : i32
        scf.if %cond3A_235 {
          %add3A_236 = arith.constant 1 : i32
          %add3A_237 = arith.addi %add3A_208, %add3A_236 : i32
          %dma_wait3A_238 = arith.constant 0 : i32
          %dma_wait3A_239 = tpu.memref_slice %arg6[%add3A_237, %dma_wait3A_238] : memref<80x128xi32, #tpu.memory_space<vmem>> -> memref<1x128xi32, #tpu.memory_space<vmem>>
          %dma_wait3A_240 = tpu.memref_squeeze %dma_wait3A_239 : memref<1x128xi32, #tpu.memory_space<vmem>> -> memref<128xi32, #tpu.memory_space<vmem>>
          %dma_wait3A_241 = arith.constant 0 : i32
          %dma_wait3A_242 = arith.constant 0 : i32
          %dma_wait3A_243 = tpu.memref_slice %arg2[%dma_wait3A_241, %dma_wait3A_242] : memref<10240x128xf32, #tpu.memory_space<hbm>> -> memref<10240x128xf32, #tpu.memory_space<hbm>>
          tpu.wait_indirect_dma semaphore(%arg16 : memref<!tpu.dma_semaphore, #tpu.memory_space<semaphore_mem>>) src(%dma_wait3A_243 : memref<10240x128xf32, #tpu.memory_space<hbm>>) dst(%arg12 : memref<128x128xf32, #tpu.memory_space<vmem>>)
          %add3A_244 = arith.constant 1 : i32
          %add3A_245 = arith.addi %add3A_208, %add3A_244 : i32
          "tpu.region"() ({
            %run_scoped3A = tpu.sem_alloc : memref<!tpu.dma_semaphore, #tpu.memory_space<semaphore_mem>>
            %dma_start3A = arith.constant 0 : i32
            %dma_start3A_246 = tpu.memref_slice %arg8[%add3A_245, %dma_start3A] : memref<80x128xi32, #tpu.memory_space<vmem>> -> memref<1x128xi32, #tpu.memory_space<vmem>>
            %dma_start3A_247 = tpu.memref_squeeze %dma_start3A_246 : memref<1x128xi32, #tpu.memory_space<vmem>> -> memref<128xi32, #tpu.memory_space<vmem>>
            %dma_start3A_248 = arith.constant 0 : i32
            %dma_start3A_249 = arith.constant 0 : i32
            %dma_start3A_250 = tpu.memref_slice %arg13[%dma_start3A_248, %dma_start3A_249] : memref<3464x128xf32, #tpu.memory_space<vmem_shared>> -> memref<3464x128xf32, #tpu.memory_space<vmem_shared>>
            tpu.enqueue_indirect_dma source(%arg12 : memref<128x128xf32, #tpu.memory_space<vmem>>) target(%dma_start3A_250 : memref<3464x128xf32, #tpu.memory_space<vmem_shared>>) offsets(%dma_start3A_247 : memref<128xi32, #tpu.memory_space<vmem>>) semaphore(%run_scoped3A : memref<!tpu.dma_semaphore, #tpu.memory_space<semaphore_mem>>) {add = true}
            %dma_wait3A_251 = arith.constant 0 : i32
            %dma_wait3A_252 = tpu.memref_slice %arg8[%add3A_245, %dma_wait3A_251] : memref<80x128xi32, #tpu.memory_space<vmem>> -> memref<1x128xi32, #tpu.memory_space<vmem>>
            %dma_wait3A_253 = tpu.memref_squeeze %dma_wait3A_252 : memref<1x128xi32, #tpu.memory_space<vmem>> -> memref<128xi32, #tpu.memory_space<vmem>>
            %dma_wait3A_254 = arith.constant 0 : i32
            %dma_wait3A_255 = arith.constant 0 : i32
            %dma_wait3A_256 = tpu.memref_slice %arg13[%dma_wait3A_254, %dma_wait3A_255] : memref<3464x128xf32, #tpu.memory_space<vmem_shared>> -> memref<3464x128xf32, #tpu.memory_space<vmem_shared>>
            tpu.wait_indirect_dma semaphore(%run_scoped3A : memref<!tpu.dma_semaphore, #tpu.memory_space<semaphore_mem>>) src(%arg12 : memref<128x128xf32, #tpu.memory_space<vmem>>) dst(%dma_wait3A_256 : memref<3464x128xf32, #tpu.memory_space<vmem_shared>>)
            tpu.yield
          }) : () -> ()
        } else {
        }
      } else {
      }
    }
    %scan3A_72 = arith.constant 40 : i32
    %barrier3A_73 = arith.constant 0 : index
    tpu.barrier barrier_id(%barrier3A_73)
    %mul3A_74 = arith.constant 216 : i32
    %mul3A_75 = arith.muli %arg1, %mul3A_74 : i32
    %mul3A_76 = arith.constant 216 : i32
    %mul3A_77 = arith.muli %arg1, %mul3A_76 : i32
    %add3A_78 = arith.constant 0 : i32
    %add3A_79 = arith.addi %add3A_78, %mul3A_77 : i32
    "tpu.region"() ({
      %run_scoped3A = tpu.sem_alloc : memref<!tpu.dma_semaphore, #tpu.memory_space<semaphore_mem>>
      %dma_start3A = arith.constant 0 : i32
      %dma_start3A_204 = arith.constant 0 : i32
      %dma_start3A_205 = tpu.memref_slice %arg4[%arg0, %dma_start3A, %dma_start3A_204] : memref<2x10240x128xf32, #tpu.memory_space<hbm>> -> memref<1x10240x128xf32, #tpu.memory_space<hbm>>
      %dma_start3A_206 = tpu.memref_squeeze %dma_start3A_205 : memref<1x10240x128xf32, #tpu.memory_space<hbm>> -> memref<10240x128xf32, #tpu.memory_space<hbm>>
      %dma_start3A_207 = arith.constant 0 : i32
      %dma_start3A_208 = tpu.memref_slice %dma_start3A_206[%add3A_79, %dma_start3A_207] : memref<10240x128xf32, #tpu.memory_space<hbm>> -> memref<216x128xf32, #tpu.memory_space<hbm>>
      %dma_start3A_209 = arith.constant 0 : i32
      %dma_start3A_210 = tpu.memref_slice %arg13[%mul3A_75, %dma_start3A_209] : memref<3464x128xf32, #tpu.memory_space<vmem_shared>> -> memref<216x128xf32, #tpu.memory_space<vmem_shared>>
      tpu.enqueue_dma source(%dma_start3A_210 : memref<216x128xf32, #tpu.memory_space<vmem_shared>>) target(%dma_start3A_208 : memref<216x128xf32, #tpu.memory_space<hbm>>) target_semaphore(%run_scoped3A : memref<!tpu.dma_semaphore, #tpu.memory_space<semaphore_mem>>)
      %dma_wait3A = arith.constant 0 : i32
      %dma_wait3A_211 = arith.constant 0 : i32
      %dma_wait3A_212 = tpu.memref_slice %arg4[%arg0, %dma_wait3A, %dma_wait3A_211] : memref<2x10240x128xf32, #tpu.memory_space<hbm>> -> memref<1x10240x128xf32, #tpu.memory_space<hbm>>
      %dma_wait3A_213 = tpu.memref_squeeze %dma_wait3A_212 : memref<1x10240x128xf32, #tpu.memory_space<hbm>> -> memref<10240x128xf32, #tpu.memory_space<hbm>>
      %dma_wait3A_214 = arith.constant 0 : i32
      %dma_wait3A_215 = tpu.memref_slice %dma_wait3A_213[%add3A_79, %dma_wait3A_214] : memref<10240x128xf32, #tpu.memory_space<hbm>> -> memref<216x128xf32, #tpu.memory_space<hbm>>
      %dma_wait3A_216 = arith.constant 0 : i32
      %dma_wait3A_217 = tpu.memref_slice %arg13[%mul3A_75, %dma_wait3A_216] : memref<3464x128xf32, #tpu.memory_space<vmem_shared>> -> memref<216x128xf32, #tpu.memory_space<vmem_shared>>
      tpu.wait_dma2 semaphore(%run_scoped3A : memref<!tpu.dma_semaphore, #tpu.memory_space<semaphore_mem>>) src(%dma_wait3A_217 : memref<216x128xf32, #tpu.memory_space<vmem_shared>>) dst(%dma_wait3A_215 : memref<216x128xf32, #tpu.memory_space<hbm>>)
      tpu.yield
    }) : () -> ()
    %get3A_80 = arith.constant 1 : i32
    %get3A_81 = arith.index_cast %get3A_80 : i32 to index
    %get3A_82 = memref.load %arg14[%get3A_81] : memref<4xi32, #tpu.memory_space<smem>>
    %add3A_83 = arith.constant 127 : i32
    %add3A_84 = arith.addi %get3A_82, %add3A_83 : i32
    %jit3A_85 = arith.constant 128 : i32
    %div3A_86 = arith.divsi %add3A_84, %jit3A_85 : i32
    %sign3A_87 = arith.constant 0 : i32
    %sign3A_88 = arith.cmpi sgt, %add3A_84, %sign3A_87 : i32
    %sign3A_89 = arith.extui %sign3A_88 : i1 to i32
    %sign3A_90 = arith.constant 0 : i32
    %sign3A_91 = arith.cmpi slt, %add3A_84, %sign3A_90 : i32
    %sign3A_92 = arith.extui %sign3A_91 : i1 to i32
    %sign3A_93 = arith.subi %sign3A_89, %sign3A_92 : i32
    %sign3A_94 = arith.constant 0 : i32
    %sign3A_95 = arith.cmpi sgt, %jit3A_85, %sign3A_94 : i32
    %sign3A_96 = arith.extui %sign3A_95 : i1 to i32
    %sign3A_97 = arith.constant 0 : i32
    %sign3A_98 = arith.cmpi slt, %jit3A_85, %sign3A_97 : i32
    %sign3A_99 = arith.extui %sign3A_98 : i1 to i32
    %sign3A_100 = arith.subi %sign3A_96, %sign3A_99 : i32
    %ne3A_101 = arith.cmpi ne, %sign3A_93, %sign3A_100 : i32
    %rem3A_102 = arith.remsi %add3A_84, %jit3A_85 : i32
    %ne3A_103 = arith.constant 0 : i32
    %ne3A_104 = arith.cmpi ne, %rem3A_102, %ne3A_103 : i32
    %and3A_105 = arith.andi %ne3A_101, %ne3A_104 : i1
    %sub3A_106 = arith.constant 1 : i32
    %sub3A_107 = arith.subi %div3A_86, %sub3A_106 : i32
    %select_n3A_108 = arith.select %and3A_105, %sub3A_107, %div3A_86 : i32
    %broadcast_in_dim3A_109 = arith.constant 0.000000e+00 : f32
    %broadcast_in_dim3A_110 = vector.broadcast %broadcast_in_dim3A_109 : f32 to vector<16xf32>
    %scan3A_111 = arith.constant 0 : i32
    %scan3A_112 = arith.constant 128 : i32
    %scan3A_113 = arith.addi %scan3A_111, %scan3A_112 : i32
    %scan3A_114 = arith.constant 1 : i32
    scf.for %scan3A_204 = %scan3A_111 to %scan3A_113 step %scan3A_114  : i32 {
      %mul3A_205 = arith.constant 1 : i32
      %mul3A_206 = arith.muli %scan3A_204, %mul3A_205 : i32
      %add3A_207 = arith.constant 0 : i32
      %add3A_208 = arith.addi %add3A_207, %mul3A_206 : i32
      %scan3A_209 = arith.constant 0 : i32
      %scan3A_210 = arith.constant 8 : i32
      %scan3A_211 = arith.addi %scan3A_209, %scan3A_210 : i32
      %scan3A_212 = arith.constant 1 : i32
      scf.for %scan3A_214 = %scan3A_209 to %scan3A_211 step %scan3A_212  : i32 {
        %mul3A_215 = arith.constant 16 : i32
        %mul3A_216 = arith.muli %scan3A_214, %mul3A_215 : i32
        %add3A_217 = arith.constant 0 : i32
        %add3A_218 = arith.addi %add3A_217, %mul3A_216 : i32
        %swap3A_219 = arith.index_cast %add3A_208 : i32 to index
        %swap3A_220 = arith.index_cast %add3A_218 : i32 to index
        %swap3A_221 = tpu.vector_load %arg11[%swap3A_219, %swap3A_220] {strides = array<i32>} : memref<128x128xf32, #tpu.memory_space<vmem>>, vector<16xf32>,
        tpu.vector_store %arg11[%swap3A_219, %swap3A_220], %broadcast_in_dim3A_110 {strides = array<i32>} : memref<128x128xf32, #tpu.memory_space<vmem>>, vector<16xf32>,
      }
      %scan3A_213 = arith.constant 8 : i32
    }
    %scan3A_115 = arith.constant 128 : i32
    %mul3A_116 = arith.constant 216 : i32
    %mul3A_117 = arith.muli %arg1, %mul3A_116 : i32
    %add3A_118 = arith.constant 0 : i32
    %add3A_119 = arith.addi %mul3A_117, %add3A_118 : i32
    "tpu.region"() ({
      %run_scoped3A = tpu.sem_alloc : memref<!tpu.dma_semaphore, #tpu.memory_space<semaphore_mem>>
      %dma_start3A = arith.constant 0 : i32
      %dma_start3A_204 = arith.constant 0 : i32
      %dma_start3A_205 = tpu.memref_slice %arg11[%dma_start3A, %dma_start3A_204] : memref<128x128xf32, #tpu.memory_space<vmem>> -> memref<128x128xf32, #tpu.memory_space<vmem>>
      %dma_start3A_206 = arith.constant 0 : i32
      %dma_start3A_207 = tpu.memref_slice %arg13[%add3A_119, %dma_start3A_206] : memref<3464x128xf32, #tpu.memory_space<vmem_shared>> -> memref<128x128xf32, #tpu.memory_space<vmem_shared>>
      %dma_start3A_208 = arith.constant 0 : i32
      %dma_start3A_209 = tpu.memref_slice %arg13[%add3A_119, %dma_start3A_208] : memref<3464x128xf32, #tpu.memory_space<vmem_shared>> -> memref<128x128xf32, #tpu.memory_space<vmem_shared>>
      %dma_start3A_210 = arith.constant 0 : i32
      %dma_start3A_211 = arith.constant 0 : i32
      %dma_start3A_212 = tpu.memref_slice %arg11[%dma_start3A_210, %dma_start3A_211] : memref<128x128xf32, #tpu.memory_space<vmem>> -> memref<128x128xf32, #tpu.memory_space<vmem>>
      tpu.enqueue_dma source(%dma_start3A_212 : memref<128x128xf32, #tpu.memory_space<vmem>>) target(%dma_start3A_209 : memref<128x128xf32, #tpu.memory_space<vmem_shared>>) target_semaphore(%run_scoped3A : memref<!tpu.dma_semaphore, #tpu.memory_space<semaphore_mem>>)
      %dma_wait3A = arith.constant 0 : i32
      %dma_wait3A_213 = arith.constant 0 : i32
      %dma_wait3A_214 = tpu.memref_slice %arg11[%dma_wait3A, %dma_wait3A_213] : memref<128x128xf32, #tpu.memory_space<vmem>> -> memref<128x128xf32, #tpu.memory_space<vmem>>
      %dma_wait3A_215 = arith.constant 0 : i32
      %dma_wait3A_216 = tpu.memref_slice %arg13[%add3A_119, %dma_wait3A_215] : memref<3464x128xf32, #tpu.memory_space<vmem_shared>> -> memref<128x128xf32, #tpu.memory_space<vmem_shared>>
      %dma_wait3A_217 = arith.constant 0 : i32
      %dma_wait3A_218 = tpu.memref_slice %arg13[%add3A_119, %dma_wait3A_217] : memref<3464x128xf32, #tpu.memory_space<vmem_shared>> -> memref<128x128xf32, #tpu.memory_space<vmem_shared>>
      %dma_wait3A_219 = arith.constant 0 : i32
      %dma_wait3A_220 = arith.constant 0 : i32
      %dma_wait3A_221 = tpu.memref_slice %arg11[%dma_wait3A_219, %dma_wait3A_220] : memref<128x128xf32, #tpu.memory_space<vmem>> -> memref<128x128xf32, #tpu.memory_space<vmem>>
      tpu.wait_dma2 semaphore(%run_scoped3A : memref<!tpu.dma_semaphore, #tpu.memory_space<semaphore_mem>>) src(%dma_wait3A_221 : memref<128x128xf32, #tpu.memory_space<vmem>>) dst(%dma_wait3A_218 : memref<128x128xf32, #tpu.memory_space<vmem_shared>>)
      tpu.yield
    }) : () -> ()
    %mul3A_120 = arith.constant 216 : i32
    %mul3A_121 = arith.muli %arg1, %mul3A_120 : i32
    %add3A_122 = arith.constant 128 : i32
    %add3A_123 = arith.addi %mul3A_121, %add3A_122 : i32
    "tpu.region"() ({
      %run_scoped3A = tpu.sem_alloc : memref<!tpu.dma_semaphore, #tpu.memory_space<semaphore_mem>>
      %dma_start3A = arith.constant 0 : i32
      %dma_start3A_204 = arith.constant 0 : i32
      %dma_start3A_205 = tpu.memref_slice %arg11[%dma_start3A, %dma_start3A_204] : memref<128x128xf32, #tpu.memory_space<vmem>> -> memref<88x128xf32, #tpu.memory_space<vmem>>
      %dma_start3A_206 = arith.constant 0 : i32
      %dma_start3A_207 = tpu.memref_slice %arg13[%add3A_123, %dma_start3A_206] : memref<3464x128xf32, #tpu.memory_space<vmem_shared>> -> memref<88x128xf32, #tpu.memory_space<vmem_shared>>
      %dma_start3A_208 = arith.constant 0 : i32
      %dma_start3A_209 = tpu.memref_slice %arg13[%add3A_123, %dma_start3A_208] : memref<3464x128xf32, #tpu.memory_space<vmem_shared>> -> memref<88x128xf32, #tpu.memory_space<vmem_shared>>
      %dma_start3A_210 = arith.constant 0 : i32
      %dma_start3A_211 = arith.constant 0 : i32
      %dma_start3A_212 = tpu.memref_slice %arg11[%dma_start3A_210, %dma_start3A_211] : memref<128x128xf32, #tpu.memory_space<vmem>> -> memref<88x128xf32, #tpu.memory_space<vmem>>
      tpu.enqueue_dma source(%dma_start3A_212 : memref<88x128xf32, #tpu.memory_space<vmem>>) target(%dma_start3A_209 : memref<88x128xf32, #tpu.memory_space<vmem_shared>>) target_semaphore(%run_scoped3A : memref<!tpu.dma_semaphore, #tpu.memory_space<semaphore_mem>>)
      %dma_wait3A = arith.constant 0 : i32
      %dma_wait3A_213 = arith.constant 0 : i32
      %dma_wait3A_214 = tpu.memref_slice %arg11[%dma_wait3A, %dma_wait3A_213] : memref<128x128xf32, #tpu.memory_space<vmem>> -> memref<88x128xf32, #tpu.memory_space<vmem>>
      %dma_wait3A_215 = arith.constant 0 : i32
      %dma_wait3A_216 = tpu.memref_slice %arg13[%add3A_123, %dma_wait3A_215] : memref<3464x128xf32, #tpu.memory_space<vmem_shared>> -> memref<88x128xf32, #tpu.memory_space<vmem_shared>>
      %dma_wait3A_217 = arith.constant 0 : i32
      %dma_wait3A_218 = tpu.memref_slice %arg13[%add3A_123, %dma_wait3A_217] : memref<3464x128xf32, #tpu.memory_space<vmem_shared>> -> memref<88x128xf32, #tpu.memory_space<vmem_shared>>
      %dma_wait3A_219 = arith.constant 0 : i32
      %dma_wait3A_220 = arith.constant 0 : i32
      %dma_wait3A_221 = tpu.memref_slice %arg11[%dma_wait3A_219, %dma_wait3A_220] : memref<128x128xf32, #tpu.memory_space<vmem>> -> memref<88x128xf32, #tpu.memory_space<vmem>>
      tpu.wait_dma2 semaphore(%run_scoped3A : memref<!tpu.dma_semaphore, #tpu.memory_space<semaphore_mem>>) src(%dma_wait3A_221 : memref<88x128xf32, #tpu.memory_space<vmem>>) dst(%dma_wait3A_218 : memref<88x128xf32, #tpu.memory_space<vmem_shared>>)
      tpu.yield
    }) : () -> ()
    %barrier3A_124 = arith.constant 0 : index
    tpu.barrier barrier_id(%barrier3A_124)
    %gt3A_125 = arith.constant 0 : i32
    %gt3A_126 = arith.cmpi sgt, %select_n3A_108, %gt3A_125 : i32
    %convert_element_type3A_127 = arith.extui %gt3A_126 : i1 to i32
    %cond3A_128 = arith.constant 0 : i32
    %cond3A_129 = arith.cmpi ne, %convert_element_type3A_127, %cond3A_128 : i32
    scf.if %cond3A_129 {
      %dma_start3A = arith.constant 0 : i32
      %dma_start3A_204 = arith.constant 0 : i32
      %dma_start3A_205 = tpu.memref_slice %arg7[%dma_start3A, %dma_start3A_204] : memref<80x128xi32, #tpu.memory_space<vmem>> -> memref<1x128xi32, #tpu.memory_space<vmem>>
      %dma_start3A_206 = tpu.memref_squeeze %dma_start3A_205 : memref<1x128xi32, #tpu.memory_space<vmem>> -> memref<128xi32, #tpu.memory_space<vmem>>
      %dma_start3A_207 = arith.constant 0 : i32
      %dma_start3A_208 = arith.constant 0 : i32
      %dma_start3A_209 = tpu.memref_slice %arg2[%dma_start3A_207, %dma_start3A_208] : memref<10240x128xf32, #tpu.memory_space<hbm>> -> memref<10240x128xf32, #tpu.memory_space<hbm>>
      tpu.enqueue_indirect_dma source(%dma_start3A_209 : memref<10240x128xf32, #tpu.memory_space<hbm>>) target(%arg11 : memref<128x128xf32, #tpu.memory_space<vmem>>) offsets(%dma_start3A_206 : memref<128xi32, #tpu.memory_space<vmem>>) semaphore(%arg15 : memref<!tpu.dma_semaphore, #tpu.memory_space<semaphore_mem>>)
    } else {
    }
    %scan3A_130 = arith.constant 0 : i32
    %scan3A_131 = arith.constant 40 : i32
    %scan3A_132 = arith.addi %scan3A_130, %scan3A_131 : i32
    %scan3A_133 = arith.constant 1 : i32
    scf.for %scan3A_204 = %scan3A_130 to %scan3A_132 step %scan3A_133  : i32 {
      %mul3A_205 = arith.constant 2 : i32
      %mul3A_206 = arith.muli %scan3A_204, %mul3A_205 : i32
      %add3A_207 = arith.constant 0 : i32
      %add3A_208 = arith.addi %add3A_207, %mul3A_206 : i32
      %lt3A_209 = arith.cmpi slt, %add3A_208, %select_n3A_108 : i32
      %convert_element_type3A_210 = arith.extui %lt3A_209 : i1 to i32
      %cond3A_211 = arith.constant 0 : i32
      %cond3A_212 = arith.cmpi ne, %convert_element_type3A_210, %cond3A_211 : i32
      scf.if %cond3A_212 {
        %add3A_213 = arith.constant 1 : i32
        %add3A_214 = arith.addi %add3A_208, %add3A_213 : i32
        %lt3A_215 = arith.cmpi slt, %add3A_214, %select_n3A_108 : i32
        %convert_element_type3A_216 = arith.extui %lt3A_215 : i1 to i32
        %cond3A_217 = arith.constant 0 : i32
        %cond3A_218 = arith.cmpi ne, %convert_element_type3A_216, %cond3A_217 : i32
        scf.if %cond3A_218 {
          %add3A_236 = arith.constant 1 : i32
          %add3A_237 = arith.addi %add3A_208, %add3A_236 : i32
          %dma_start3A = arith.constant 0 : i32
          %dma_start3A_238 = tpu.memref_slice %arg7[%add3A_237, %dma_start3A] : memref<80x128xi32, #tpu.memory_space<vmem>> -> memref<1x128xi32, #tpu.memory_space<vmem>>
          %dma_start3A_239 = tpu.memref_squeeze %dma_start3A_238 : memref<1x128xi32, #tpu.memory_space<vmem>> -> memref<128xi32, #tpu.memory_space<vmem>>
          %dma_start3A_240 = arith.constant 0 : i32
          %dma_start3A_241 = arith.constant 0 : i32
          %dma_start3A_242 = tpu.memref_slice %arg2[%dma_start3A_240, %dma_start3A_241] : memref<10240x128xf32, #tpu.memory_space<hbm>> -> memref<10240x128xf32, #tpu.memory_space<hbm>>
          tpu.enqueue_indirect_dma source(%dma_start3A_242 : memref<10240x128xf32, #tpu.memory_space<hbm>>) target(%arg12 : memref<128x128xf32, #tpu.memory_space<vmem>>) offsets(%dma_start3A_239 : memref<128xi32, #tpu.memory_space<vmem>>) semaphore(%arg16 : memref<!tpu.dma_semaphore, #tpu.memory_space<semaphore_mem>>)
        } else {
        }
        %dma_wait3A = arith.constant 0 : i32
        %dma_wait3A_219 = tpu.memref_slice %arg7[%add3A_208, %dma_wait3A] : memref<80x128xi32, #tpu.memory_space<vmem>> -> memref<1x128xi32, #tpu.memory_space<vmem>>
        %dma_wait3A_220 = tpu.memref_squeeze %dma_wait3A_219 : memref<1x128xi32, #tpu.memory_space<vmem>> -> memref<128xi32, #tpu.memory_space<vmem>>
        %dma_wait3A_221 = arith.constant 0 : i32
        %dma_wait3A_222 = arith.constant 0 : i32
        %dma_wait3A_223 = tpu.memref_slice %arg2[%dma_wait3A_221, %dma_wait3A_222] : memref<10240x128xf32, #tpu.memory_space<hbm>> -> memref<10240x128xf32, #tpu.memory_space<hbm>>
        tpu.wait_indirect_dma semaphore(%arg15 : memref<!tpu.dma_semaphore, #tpu.memory_space<semaphore_mem>>) src(%dma_wait3A_223 : memref<10240x128xf32, #tpu.memory_space<hbm>>) dst(%arg11 : memref<128x128xf32, #tpu.memory_space<vmem>>)
        "tpu.region"() ({
          %run_scoped3A = tpu.sem_alloc : memref<!tpu.dma_semaphore, #tpu.memory_space<semaphore_mem>>
          %dma_start3A = arith.constant 0 : i32
          %dma_start3A_236 = tpu.memref_slice %arg9[%add3A_208, %dma_start3A] : memref<80x128xi32, #tpu.memory_space<vmem>> -> memref<1x128xi32, #tpu.memory_space<vmem>>
          %dma_start3A_237 = tpu.memref_squeeze %dma_start3A_236 : memref<1x128xi32, #tpu.memory_space<vmem>> -> memref<128xi32, #tpu.memory_space<vmem>>
          %dma_start3A_238 = arith.constant 0 : i32
          %dma_start3A_239 = arith.constant 0 : i32
          %dma_start3A_240 = tpu.memref_slice %arg13[%dma_start3A_238, %dma_start3A_239] : memref<3464x128xf32, #tpu.memory_space<vmem_shared>> -> memref<3464x128xf32, #tpu.memory_space<vmem_shared>>
          tpu.enqueue_indirect_dma source(%arg11 : memref<128x128xf32, #tpu.memory_space<vmem>>) target(%dma_start3A_240 : memref<3464x128xf32, #tpu.memory_space<vmem_shared>>) offsets(%dma_start3A_237 : memref<128xi32, #tpu.memory_space<vmem>>) semaphore(%run_scoped3A : memref<!tpu.dma_semaphore, #tpu.memory_space<semaphore_mem>>) {add = true}
          %dma_wait3A_241 = arith.constant 0 : i32
          %dma_wait3A_242 = tpu.memref_slice %arg9[%add3A_208, %dma_wait3A_241] : memref<80x128xi32, #tpu.memory_space<vmem>> -> memref<1x128xi32, #tpu.memory_space<vmem>>
          %dma_wait3A_243 = tpu.memref_squeeze %dma_wait3A_242 : memref<1x128xi32, #tpu.memory_space<vmem>> -> memref<128xi32, #tpu.memory_space<vmem>>
          %dma_wait3A_244 = arith.constant 0 : i32
          %dma_wait3A_245 = arith.constant 0 : i32
          %dma_wait3A_246 = tpu.memref_slice %arg13[%dma_wait3A_244, %dma_wait3A_245] : memref<3464x128xf32, #tpu.memory_space<vmem_shared>> -> memref<3464x128xf32, #tpu.memory_space<vmem_shared>>
          tpu.wait_indirect_dma semaphore(%run_scoped3A : memref<!tpu.dma_semaphore, #tpu.memory_space<semaphore_mem>>) src(%arg11 : memref<128x128xf32, #tpu.memory_space<vmem>>) dst(%dma_wait3A_246 : memref<3464x128xf32, #tpu.memory_space<vmem_shared>>)
          tpu.yield
        }) : () -> ()
        %add3A_224 = arith.constant 2 : i32
        %add3A_225 = arith.addi %add3A_208, %add3A_224 : i32
        %lt3A_226 = arith.cmpi slt, %add3A_225, %select_n3A_108 : i32
        %convert_element_type3A_227 = arith.extui %lt3A_226 : i1 to i32
        %cond3A_228 = arith.constant 0 : i32
        %cond3A_229 = arith.cmpi ne, %convert_element_type3A_227, %cond3A_228 : i32
        scf.if %cond3A_229 {
          %add3A_236 = arith.constant 2 : i32
          %add3A_237 = arith.addi %add3A_208, %add3A_236 : i32
          %dma_start3A = arith.constant 0 : i32
          %dma_start3A_238 = tpu.memref_slice %arg7[%add3A_237, %dma_start3A] : memref<80x128xi32, #tpu.memory_space<vmem>> -> memref<1x128xi32, #tpu.memory_space<vmem>>
          %dma_start3A_239 = tpu.memref_squeeze %dma_start3A_238 : memref<1x128xi32, #tpu.memory_space<vmem>> -> memref<128xi32, #tpu.memory_space<vmem>>
          %dma_start3A_240 = arith.constant 0 : i32
          %dma_start3A_241 = arith.constant 0 : i32
          %dma_start3A_242 = tpu.memref_slice %arg2[%dma_start3A_240, %dma_start3A_241] : memref<10240x128xf32, #tpu.memory_space<hbm>> -> memref<10240x128xf32, #tpu.memory_space<hbm>>
          tpu.enqueue_indirect_dma source(%dma_start3A_242 : memref<10240x128xf32, #tpu.memory_space<hbm>>) target(%arg11 : memref<128x128xf32, #tpu.memory_space<vmem>>) offsets(%dma_start3A_239 : memref<128xi32, #tpu.memory_space<vmem>>) semaphore(%arg15 : memref<!tpu.dma_semaphore, #tpu.memory_space<semaphore_mem>>)
        } else {
        }
        %add3A_230 = arith.constant 1 : i32
        %add3A_231 = arith.addi %add3A_208, %add3A_230 : i32
        %lt3A_232 = arith.cmpi slt, %add3A_231, %select_n3A_108 : i32
        %convert_element_type3A_233 = arith.extui %lt3A_232 : i1 to i32
        %cond3A_234 = arith.constant 0 : i32
        %cond3A_235 = arith.cmpi ne, %convert_element_type3A_233, %cond3A_234 : i32
        scf.if %cond3A_235 {
          %add3A_236 = arith.constant 1 : i32
          %add3A_237 = arith.addi %add3A_208, %add3A_236 : i32
          %dma_wait3A_238 = arith.constant 0 : i32
          %dma_wait3A_239 = tpu.memref_slice %arg7[%add3A_237, %dma_wait3A_238] : memref<80x128xi32, #tpu.memory_space<vmem>> -> memref<1x128xi32, #tpu.memory_space<vmem>>
          %dma_wait3A_240 = tpu.memref_squeeze %dma_wait3A_239 : memref<1x128xi32, #tpu.memory_space<vmem>> -> memref<128xi32, #tpu.memory_space<vmem>>
          %dma_wait3A_241 = arith.constant 0 : i32
          %dma_wait3A_242 = arith.constant 0 : i32
          %dma_wait3A_243 = tpu.memref_slice %arg2[%dma_wait3A_241, %dma_wait3A_242] : memref<10240x128xf32, #tpu.memory_space<hbm>> -> memref<10240x128xf32, #tpu.memory_space<hbm>>
          tpu.wait_indirect_dma semaphore(%arg16 : memref<!tpu.dma_semaphore, #tpu.memory_space<semaphore_mem>>) src(%dma_wait3A_243 : memref<10240x128xf32, #tpu.memory_space<hbm>>) dst(%arg12 : memref<128x128xf32, #tpu.memory_space<vmem>>)
          %add3A_244 = arith.constant 1 : i32
          %add3A_245 = arith.addi %add3A_208, %add3A_244 : i32
          "tpu.region"() ({
            %run_scoped3A = tpu.sem_alloc : memref<!tpu.dma_semaphore, #tpu.memory_space<semaphore_mem>>
            %dma_start3A = arith.constant 0 : i32
            %dma_start3A_246 = tpu.memref_slice %arg9[%add3A_245, %dma_start3A] : memref<80x128xi32, #tpu.memory_space<vmem>> -> memref<1x128xi32, #tpu.memory_space<vmem>>
            %dma_start3A_247 = tpu.memref_squeeze %dma_start3A_246 : memref<1x128xi32, #tpu.memory_space<vmem>> -> memref<128xi32, #tpu.memory_space<vmem>>
            %dma_start3A_248 = arith.constant 0 : i32
            %dma_start3A_249 = arith.constant 0 : i32
            %dma_start3A_250 = tpu.memref_slice %arg13[%dma_start3A_248, %dma_start3A_249] : memref<3464x128xf32, #tpu.memory_space<vmem_shared>> -> memref<3464x128xf32, #tpu.memory_space<vmem_shared>>
            tpu.enqueue_indirect_dma source(%arg12 : memref<128x128xf32, #tpu.memory_space<vmem>>) target(%dma_start3A_250 : memref<3464x128xf32, #tpu.memory_space<vmem_shared>>) offsets(%dma_start3A_247 : memref<128xi32, #tpu.memory_space<vmem>>) semaphore(%run_scoped3A : memref<!tpu.dma_semaphore, #tpu.memory_space<semaphore_mem>>) {add = true}
            %dma_wait3A_251 = arith.constant 0 : i32
            %dma_wait3A_252 = tpu.memref_slice %arg9[%add3A_245, %dma_wait3A_251] : memref<80x128xi32, #tpu.memory_space<vmem>> -> memref<1x128xi32, #tpu.memory_space<vmem>>
            %dma_wait3A_253 = tpu.memref_squeeze %dma_wait3A_252 : memref<1x128xi32, #tpu.memory_space<vmem>> -> memref<128xi32, #tpu.memory_space<vmem>>
            %dma_wait3A_254 = arith.constant 0 : i32
            %dma_wait3A_255 = arith.constant 0 : i32
            %dma_wait3A_256 = tpu.memref_slice %arg13[%dma_wait3A_254, %dma_wait3A_255] : memref<3464x128xf32, #tpu.memory_space<vmem_shared>> -> memref<3464x128xf32, #tpu.memory_space<vmem_shared>>
            tpu.wait_indirect_dma semaphore(%run_scoped3A : memref<!tpu.dma_semaphore, #tpu.memory_space<semaphore_mem>>) src(%arg12 : memref<128x128xf32, #tpu.memory_space<vmem>>) dst(%dma_wait3A_256 : memref<3464x128xf32, #tpu.memory_space<vmem_shared>>)
            tpu.yield
          }) : () -> ()
        } else {
        }
      } else {
      }
    }
    %scan3A_134 = arith.constant 40 : i32
    %barrier3A_135 = arith.constant 0 : index
    tpu.barrier barrier_id(%barrier3A_135)
    %mul3A_136 = arith.constant 216 : i32
    %mul3A_137 = arith.muli %arg1, %mul3A_136 : i32
    %mul3A_138 = arith.constant 216 : i32
    %mul3A_139 = arith.muli %arg1, %mul3A_138 : i32
    %add3A_140 = arith.constant 3456 : i32
    %add3A_141 = arith.addi %add3A_140, %mul3A_139 : i32
    "tpu.region"() ({
      %run_scoped3A = tpu.sem_alloc : memref<!tpu.dma_semaphore, #tpu.memory_space<semaphore_mem>>
      %dma_start3A = arith.constant 0 : i32
      %dma_start3A_204 = arith.constant 0 : i32
      %dma_start3A_205 = tpu.memref_slice %arg4[%arg0, %dma_start3A, %dma_start3A_204] : memref<2x10240x128xf32, #tpu.memory_space<hbm>> -> memref<1x10240x128xf32, #tpu.memory_space<hbm>>
      %dma_start3A_206 = tpu.memref_squeeze %dma_start3A_205 : memref<1x10240x128xf32, #tpu.memory_space<hbm>> -> memref<10240x128xf32, #tpu.memory_space<hbm>>
      %dma_start3A_207 = arith.constant 0 : i32
      %dma_start3A_208 = tpu.memref_slice %dma_start3A_206[%add3A_141, %dma_start3A_207] : memref<10240x128xf32, #tpu.memory_space<hbm>> -> memref<216x128xf32, #tpu.memory_space<hbm>>
      %dma_start3A_209 = arith.constant 0 : i32
      %dma_start3A_210 = tpu.memref_slice %arg13[%mul3A_137, %dma_start3A_209] : memref<3464x128xf32, #tpu.memory_space<vmem_shared>> -> memref<216x128xf32, #tpu.memory_space<vmem_shared>>
      tpu.enqueue_dma source(%dma_start3A_210 : memref<216x128xf32, #tpu.memory_space<vmem_shared>>) target(%dma_start3A_208 : memref<216x128xf32, #tpu.memory_space<hbm>>) target_semaphore(%run_scoped3A : memref<!tpu.dma_semaphore, #tpu.memory_space<semaphore_mem>>)
      %dma_wait3A = arith.constant 0 : i32
      %dma_wait3A_211 = arith.constant 0 : i32
      %dma_wait3A_212 = tpu.memref_slice %arg4[%arg0, %dma_wait3A, %dma_wait3A_211] : memref<2x10240x128xf32, #tpu.memory_space<hbm>> -> memref<1x10240x128xf32, #tpu.memory_space<hbm>>
      %dma_wait3A_213 = tpu.memref_squeeze %dma_wait3A_212 : memref<1x10240x128xf32, #tpu.memory_space<hbm>> -> memref<10240x128xf32, #tpu.memory_space<hbm>>
      %dma_wait3A_214 = arith.constant 0 : i32
      %dma_wait3A_215 = tpu.memref_slice %dma_wait3A_213[%add3A_141, %dma_wait3A_214] : memref<10240x128xf32, #tpu.memory_space<hbm>> -> memref<216x128xf32, #tpu.memory_space<hbm>>
      %dma_wait3A_216 = arith.constant 0 : i32
      %dma_wait3A_217 = tpu.memref_slice %arg13[%mul3A_137, %dma_wait3A_216] : memref<3464x128xf32, #tpu.memory_space<vmem_shared>> -> memref<216x128xf32, #tpu.memory_space<vmem_shared>>
      tpu.wait_dma2 semaphore(%run_scoped3A : memref<!tpu.dma_semaphore, #tpu.memory_space<semaphore_mem>>) src(%dma_wait3A_217 : memref<216x128xf32, #tpu.memory_space<vmem_shared>>) dst(%dma_wait3A_215 : memref<216x128xf32, #tpu.memory_space<hbm>>)
      tpu.yield
    }) : () -> ()
    %get3A_142 = arith.constant 2 : i32
    %get3A_143 = arith.index_cast %get3A_142 : i32 to index
    %get3A_144 = memref.load %arg14[%get3A_143] : memref<4xi32, #tpu.memory_space<smem>>
    %add3A_145 = arith.constant 127 : i32
    %add3A_146 = arith.addi %get3A_144, %add3A_145 : i32
    %jit3A_147 = arith.constant 128 : i32
    %div3A_148 = arith.divsi %add3A_146, %jit3A_147 : i32
    %sign3A_149 = arith.constant 0 : i32
    %sign3A_150 = arith.cmpi sgt, %add3A_146, %sign3A_149 : i32
    %sign3A_151 = arith.extui %sign3A_150 : i1 to i32
    %sign3A_152 = arith.constant 0 : i32
    %sign3A_153 = arith.cmpi slt, %add3A_146, %sign3A_152 : i32
    %sign3A_154 = arith.extui %sign3A_153 : i1 to i32
    %sign3A_155 = arith.subi %sign3A_151, %sign3A_154 : i32
    %sign3A_156 = arith.constant 0 : i32
    %sign3A_157 = arith.cmpi sgt, %jit3A_147, %sign3A_156 : i32
    %sign3A_158 = arith.extui %sign3A_157 : i1 to i32
    %sign3A_159 = arith.constant 0 : i32
    %sign3A_160 = arith.cmpi slt, %jit3A_147, %sign3A_159 : i32
    %sign3A_161 = arith.extui %sign3A_160 : i1 to i32
    %sign3A_162 = arith.subi %sign3A_158, %sign3A_161 : i32
    %ne3A_163 = arith.cmpi ne, %sign3A_155, %sign3A_162 : i32
    %rem3A_164 = arith.remsi %add3A_146, %jit3A_147 : i32
    %ne3A_165 = arith.constant 0 : i32
    %ne3A_166 = arith.cmpi ne, %rem3A_164, %ne3A_165 : i32
    %and3A_167 = arith.andi %ne3A_163, %ne3A_166 : i1
    %sub3A_168 = arith.constant 1 : i32
    %sub3A_169 = arith.subi %div3A_148, %sub3A_168 : i32
    %select_n3A_170 = arith.select %and3A_167, %sub3A_169, %div3A_148 : i32
    %broadcast_in_dim3A_171 = arith.constant 0.000000e+00 : f32
    %broadcast_in_dim3A_172 = vector.broadcast %broadcast_in_dim3A_171 : f32 to vector<16xf32>
    %scan3A_173 = arith.constant 0 : i32
    %scan3A_174 = arith.constant 128 : i32
    %scan3A_175 = arith.addi %scan3A_173, %scan3A_174 : i32
    %scan3A_176 = arith.constant 1 : i32
    scf.for %scan3A_204 = %scan3A_173 to %scan3A_175 step %scan3A_176  : i32 {
      %mul3A_205 = arith.constant 1 : i32
      %mul3A_206 = arith.muli %scan3A_204, %mul3A_205 : i32
      %add3A_207 = arith.constant 0 : i32
      %add3A_208 = arith.addi %add3A_207, %mul3A_206 : i32
      %scan3A_209 = arith.constant 0 : i32
      %scan3A_210 = arith.constant 8 : i32
      %scan3A_211 = arith.addi %scan3A_209, %scan3A_210 : i32
      %scan3A_212 = arith.constant 1 : i32
      scf.for %scan3A_214 = %scan3A_209 to %scan3A_211 step %scan3A_212  : i32 {
        %mul3A_215 = arith.constant 16 : i32
        %mul3A_216 = arith.muli %scan3A_214, %mul3A_215 : i32
        %add3A_217 = arith.constant 0 : i32
        %add3A_218 = arith.addi %add3A_217, %mul3A_216 : i32
        %swap3A_219 = arith.index_cast %add3A_208 : i32 to index
        %swap3A_220 = arith.index_cast %add3A_218 : i32 to index
        %swap3A_221 = tpu.vector_load %arg11[%swap3A_219, %swap3A_220] {strides = array<i32>} : memref<128x128xf32, #tpu.memory_space<vmem>>, vector<16xf32>,
        tpu.vector_store %arg11[%swap3A_219, %swap3A_220], %broadcast_in_dim3A_172 {strides = array<i32>} : memref<128x128xf32, #tpu.memory_space<vmem>>, vector<16xf32>,
      }
      %scan3A_213 = arith.constant 8 : i32
    }
    %scan3A_177 = arith.constant 128 : i32
    %mul3A_178 = arith.constant 208 : i32
    %mul3A_179 = arith.muli %arg1, %mul3A_178 : i32
    %add3A_180 = arith.constant 0 : i32
    %add3A_181 = arith.addi %mul3A_179, %add3A_180 : i32
    "tpu.region"() ({
      %run_scoped3A = tpu.sem_alloc : memref<!tpu.dma_semaphore, #tpu.memory_space<semaphore_mem>>
      %dma_start3A = arith.constant 0 : i32
      %dma_start3A_204 = arith.constant 0 : i32
      %dma_start3A_205 = tpu.memref_slice %arg11[%dma_start3A, %dma_start3A_204] : memref<128x128xf32, #tpu.memory_space<vmem>> -> memref<128x128xf32, #tpu.memory_space<vmem>>
      %dma_start3A_206 = arith.constant 0 : i32
      %dma_start3A_207 = tpu.memref_slice %arg13[%add3A_181, %dma_start3A_206] : memref<3464x128xf32, #tpu.memory_space<vmem_shared>> -> memref<128x128xf32, #tpu.memory_space<vmem_shared>>
      %dma_start3A_208 = arith.constant 0 : i32
      %dma_start3A_209 = tpu.memref_slice %arg13[%add3A_181, %dma_start3A_208] : memref<3464x128xf32, #tpu.memory_space<vmem_shared>> -> memref<128x128xf32, #tpu.memory_space<vmem_shared>>
      %dma_start3A_210 = arith.constant 0 : i32
      %dma_start3A_211 = arith.constant 0 : i32
      %dma_start3A_212 = tpu.memref_slice %arg11[%dma_start3A_210, %dma_start3A_211] : memref<128x128xf32, #tpu.memory_space<vmem>> -> memref<128x128xf32, #tpu.memory_space<vmem>>
      tpu.enqueue_dma source(%dma_start3A_212 : memref<128x128xf32, #tpu.memory_space<vmem>>) target(%dma_start3A_209 : memref<128x128xf32, #tpu.memory_space<vmem_shared>>) target_semaphore(%run_scoped3A : memref<!tpu.dma_semaphore, #tpu.memory_space<semaphore_mem>>)
      %dma_wait3A = arith.constant 0 : i32
      %dma_wait3A_213 = arith.constant 0 : i32
      %dma_wait3A_214 = tpu.memref_slice %arg11[%dma_wait3A, %dma_wait3A_213] : memref<128x128xf32, #tpu.memory_space<vmem>> -> memref<128x128xf32, #tpu.memory_space<vmem>>
      %dma_wait3A_215 = arith.constant 0 : i32
      %dma_wait3A_216 = tpu.memref_slice %arg13[%add3A_181, %dma_wait3A_215] : memref<3464x128xf32, #tpu.memory_space<vmem_shared>> -> memref<128x128xf32, #tpu.memory_space<vmem_shared>>
      %dma_wait3A_217 = arith.constant 0 : i32
      %dma_wait3A_218 = tpu.memref_slice %arg13[%add3A_181, %dma_wait3A_217] : memref<3464x128xf32, #tpu.memory_space<vmem_shared>> -> memref<128x128xf32, #tpu.memory_space<vmem_shared>>
      %dma_wait3A_219 = arith.constant 0 : i32
      %dma_wait3A_220 = arith.constant 0 : i32
      %dma_wait3A_221 = tpu.memref_slice %arg11[%dma_wait3A_219, %dma_wait3A_220] : memref<128x128xf32, #tpu.memory_space<vmem>> -> memref<128x128xf32, #tpu.memory_space<vmem>>
      tpu.wait_dma2 semaphore(%run_scoped3A : memref<!tpu.dma_semaphore, #tpu.memory_space<semaphore_mem>>) src(%dma_wait3A_221 : memref<128x128xf32, #tpu.memory_space<vmem>>) dst(%dma_wait3A_218 : memref<128x128xf32, #tpu.memory_space<vmem_shared>>)
      tpu.yield
    }) : () -> ()
    %mul3A_182 = arith.constant 208 : i32
    %mul3A_183 = arith.muli %arg1, %mul3A_182 : i32
    %add3A_184 = arith.constant 128 : i32
    %add3A_185 = arith.addi %mul3A_183, %add3A_184 : i32
    "tpu.region"() ({
      %run_scoped3A = tpu.sem_alloc : memref<!tpu.dma_semaphore, #tpu.memory_space<semaphore_mem>>
      %dma_start3A = arith.constant 0 : i32
      %dma_start3A_204 = arith.constant 0 : i32
      %dma_start3A_205 = tpu.memref_slice %arg11[%dma_start3A, %dma_start3A_204] : memref<128x128xf32, #tpu.memory_space<vmem>> -> memref<80x128xf32, #tpu.memory_space<vmem>>
      %dma_start3A_206 = arith.constant 0 : i32
      %dma_start3A_207 = tpu.memref_slice %arg13[%add3A_185, %dma_start3A_206] : memref<3464x128xf32, #tpu.memory_space<vmem_shared>> -> memref<80x128xf32, #tpu.memory_space<vmem_shared>>
      %dma_start3A_208 = arith.constant 0 : i32
      %dma_start3A_209 = tpu.memref_slice %arg13[%add3A_185, %dma_start3A_208] : memref<3464x128xf32, #tpu.memory_space<vmem_shared>> -> memref<80x128xf32, #tpu.memory_space<vmem_shared>>
      %dma_start3A_210 = arith.constant 0 : i32
      %dma_start3A_211 = arith.constant 0 : i32
      %dma_start3A_212 = tpu.memref_slice %arg11[%dma_start3A_210, %dma_start3A_211] : memref<128x128xf32, #tpu.memory_space<vmem>> -> memref<80x128xf32, #tpu.memory_space<vmem>>
      tpu.enqueue_dma source(%dma_start3A_212 : memref<80x128xf32, #tpu.memory_space<vmem>>) target(%dma_start3A_209 : memref<80x128xf32, #tpu.memory_space<vmem_shared>>) target_semaphore(%run_scoped3A : memref<!tpu.dma_semaphore, #tpu.memory_space<semaphore_mem>>)
      %dma_wait3A = arith.constant 0 : i32
      %dma_wait3A_213 = arith.constant 0 : i32
      %dma_wait3A_214 = tpu.memref_slice %arg11[%dma_wait3A, %dma_wait3A_213] : memref<128x128xf32, #tpu.memory_space<vmem>> -> memref<80x128xf32, #tpu.memory_space<vmem>>
      %dma_wait3A_215 = arith.constant 0 : i32
      %dma_wait3A_216 = tpu.memref_slice %arg13[%add3A_185, %dma_wait3A_215] : memref<3464x128xf32, #tpu.memory_space<vmem_shared>> -> memref<80x128xf32, #tpu.memory_space<vmem_shared>>
      %dma_wait3A_217 = arith.constant 0 : i32
      %dma_wait3A_218 = tpu.memref_slice %arg13[%add3A_185, %dma_wait3A_217] : memref<3464x128xf32, #tpu.memory_space<vmem_shared>> -> memref<80x128xf32, #tpu.memory_space<vmem_shared>>
      %dma_wait3A_219 = arith.constant 0 : i32
      %dma_wait3A_220 = arith.constant 0 : i32
      %dma_wait3A_221 = tpu.memref_slice %arg11[%dma_wait3A_219, %dma_wait3A_220] : memref<128x128xf32, #tpu.memory_space<vmem>> -> memref<80x128xf32, #tpu.memory_space<vmem>>
      tpu.wait_dma2 semaphore(%run_scoped3A : memref<!tpu.dma_semaphore, #tpu.memory_space<semaphore_mem>>) src(%dma_wait3A_221 : memref<80x128xf32, #tpu.memory_space<vmem>>) dst(%dma_wait3A_218 : memref<80x128xf32, #tpu.memory_space<vmem_shared>>)
      tpu.yield
    }) : () -> ()
    %barrier3A_186 = arith.constant 0 : index
    tpu.barrier barrier_id(%barrier3A_186)
    %gt3A_187 = arith.constant 0 : i32
    %gt3A_188 = arith.cmpi sgt, %select_n3A_170, %gt3A_187 : i32
    %convert_element_type3A_189 = arith.extui %gt3A_188 : i1 to i32
    %cond3A_190 = arith.constant 0 : i32
    %cond3A_191 = arith.cmpi ne, %convert_element_type3A_189, %cond3A_190 : i32
    scf.if %cond3A_191 {
      %dma_start3A = arith.constant 0 : i32
      %dma_start3A_204 = arith.constant 0 : i32
      %dma_start3A_205 = tpu.memref_slice %arg5[%dma_start3A, %dma_start3A_204] : memref<80x128xi32, #tpu.memory_space<vmem>> -> memref<1x128xi32, #tpu.memory_space<vmem>>
      %dma_start3A_206 = tpu.memref_squeeze %dma_start3A_205 : memref<1x128xi32, #tpu.memory_space<vmem>> -> memref<128xi32, #tpu.memory_space<vmem>>
      %dma_start3A_207 = arith.constant 0 : i32
      %dma_start3A_208 = arith.constant 0 : i32
      %dma_start3A_209 = tpu.memref_slice %arg2[%dma_start3A_207, %dma_start3A_208] : memref<10240x128xf32, #tpu.memory_space<hbm>> -> memref<10240x128xf32, #tpu.memory_space<hbm>>
      tpu.enqueue_indirect_dma source(%dma_start3A_209 : memref<10240x128xf32, #tpu.memory_space<hbm>>) target(%arg11 : memref<128x128xf32, #tpu.memory_space<vmem>>) offsets(%dma_start3A_206 : memref<128xi32, #tpu.memory_space<vmem>>) semaphore(%arg15 : memref<!tpu.dma_semaphore, #tpu.memory_space<semaphore_mem>>)
    } else {
    }
    %scan3A_192 = arith.constant 0 : i32
    %scan3A_193 = arith.constant 40 : i32
    %scan3A_194 = arith.addi %scan3A_192, %scan3A_193 : i32
    %scan3A_195 = arith.constant 1 : i32
    scf.for %scan3A_204 = %scan3A_192 to %scan3A_194 step %scan3A_195  : i32 {
      %mul3A_205 = arith.constant 2 : i32
      %mul3A_206 = arith.muli %scan3A_204, %mul3A_205 : i32
      %add3A_207 = arith.constant 0 : i32
      %add3A_208 = arith.addi %add3A_207, %mul3A_206 : i32
      %lt3A_209 = arith.cmpi slt, %add3A_208, %select_n3A_170 : i32
      %convert_element_type3A_210 = arith.extui %lt3A_209 : i1 to i32
      %cond3A_211 = arith.constant 0 : i32
      %cond3A_212 = arith.cmpi ne, %convert_element_type3A_210, %cond3A_211 : i32
      scf.if %cond3A_212 {
        %add3A_213 = arith.constant 1 : i32
        %add3A_214 = arith.addi %add3A_208, %add3A_213 : i32
        %lt3A_215 = arith.cmpi slt, %add3A_214, %select_n3A_170 : i32
        %convert_element_type3A_216 = arith.extui %lt3A_215 : i1 to i32
        %cond3A_217 = arith.constant 0 : i32
        %cond3A_218 = arith.cmpi ne, %convert_element_type3A_216, %cond3A_217 : i32
        scf.if %cond3A_218 {
          %add3A_236 = arith.constant 1 : i32
          %add3A_237 = arith.addi %add3A_208, %add3A_236 : i32
          %dma_start3A = arith.constant 0 : i32
          %dma_start3A_238 = tpu.memref_slice %arg5[%add3A_237, %dma_start3A] : memref<80x128xi32, #tpu.memory_space<vmem>> -> memref<1x128xi32, #tpu.memory_space<vmem>>
          %dma_start3A_239 = tpu.memref_squeeze %dma_start3A_238 : memref<1x128xi32, #tpu.memory_space<vmem>> -> memref<128xi32, #tpu.memory_space<vmem>>
          %dma_start3A_240 = arith.constant 0 : i32
          %dma_start3A_241 = arith.constant 0 : i32
          %dma_start3A_242 = tpu.memref_slice %arg2[%dma_start3A_240, %dma_start3A_241] : memref<10240x128xf32, #tpu.memory_space<hbm>> -> memref<10240x128xf32, #tpu.memory_space<hbm>>
          tpu.enqueue_indirect_dma source(%dma_start3A_242 : memref<10240x128xf32, #tpu.memory_space<hbm>>) target(%arg12 : memref<128x128xf32, #tpu.memory_space<vmem>>) offsets(%dma_start3A_239 : memref<128xi32, #tpu.memory_space<vmem>>) semaphore(%arg16 : memref<!tpu.dma_semaphore, #tpu.memory_space<semaphore_mem>>)
        } else {
        }
        %dma_wait3A = arith.constant 0 : i32
        %dma_wait3A_219 = tpu.memref_slice %arg5[%add3A_208, %dma_wait3A] : memref<80x128xi32, #tpu.memory_space<vmem>> -> memref<1x128xi32, #tpu.memory_space<vmem>>
        %dma_wait3A_220 = tpu.memref_squeeze %dma_wait3A_219 : memref<1x128xi32, #tpu.memory_space<vmem>> -> memref<128xi32, #tpu.memory_space<vmem>>
        %dma_wait3A_221 = arith.constant 0 : i32
        %dma_wait3A_222 = arith.constant 0 : i32
        %dma_wait3A_223 = tpu.memref_slice %arg2[%dma_wait3A_221, %dma_wait3A_222] : memref<10240x128xf32, #tpu.memory_space<hbm>> -> memref<10240x128xf32, #tpu.memory_space<hbm>>
        tpu.wait_indirect_dma semaphore(%arg15 : memref<!tpu.dma_semaphore, #tpu.memory_space<semaphore_mem>>) src(%dma_wait3A_223 : memref<10240x128xf32, #tpu.memory_space<hbm>>) dst(%arg11 : memref<128x128xf32, #tpu.memory_space<vmem>>)
        "tpu.region"() ({
          %run_scoped3A = tpu.sem_alloc : memref<!tpu.dma_semaphore, #tpu.memory_space<semaphore_mem>>
          %dma_start3A = arith.constant 0 : i32
          %dma_start3A_236 = tpu.memref_slice %arg10[%add3A_208, %dma_start3A] : memref<80x128xi32, #tpu.memory_space<vmem>> -> memref<1x128xi32, #tpu.memory_space<vmem>>
          %dma_start3A_237 = tpu.memref_squeeze %dma_start3A_236 : memref<1x128xi32, #tpu.memory_space<vmem>> -> memref<128xi32, #tpu.memory_space<vmem>>
          %dma_start3A_238 = arith.constant 0 : i32
          %dma_start3A_239 = arith.constant 0 : i32
          %dma_start3A_240 = tpu.memref_slice %arg13[%dma_start3A_238, %dma_start3A_239] : memref<3464x128xf32, #tpu.memory_space<vmem_shared>> -> memref<3464x128xf32, #tpu.memory_space<vmem_shared>>
          tpu.enqueue_indirect_dma source(%arg11 : memref<128x128xf32, #tpu.memory_space<vmem>>) target(%dma_start3A_240 : memref<3464x128xf32, #tpu.memory_space<vmem_shared>>) offsets(%dma_start3A_237 : memref<128xi32, #tpu.memory_space<vmem>>) semaphore(%run_scoped3A : memref<!tpu.dma_semaphore, #tpu.memory_space<semaphore_mem>>) {add = true}
          %dma_wait3A_241 = arith.constant 0 : i32
          %dma_wait3A_242 = tpu.memref_slice %arg10[%add3A_208, %dma_wait3A_241] : memref<80x128xi32, #tpu.memory_space<vmem>> -> memref<1x128xi32, #tpu.memory_space<vmem>>
          %dma_wait3A_243 = tpu.memref_squeeze %dma_wait3A_242 : memref<1x128xi32, #tpu.memory_space<vmem>> -> memref<128xi32, #tpu.memory_space<vmem>>
          %dma_wait3A_244 = arith.constant 0 : i32
          %dma_wait3A_245 = arith.constant 0 : i32
          %dma_wait3A_246 = tpu.memref_slice %arg13[%dma_wait3A_244, %dma_wait3A_245] : memref<3464x128xf32, #tpu.memory_space<vmem_shared>> -> memref<3464x128xf32, #tpu.memory_space<vmem_shared>>
          tpu.wait_indirect_dma semaphore(%run_scoped3A : memref<!tpu.dma_semaphore, #tpu.memory_space<semaphore_mem>>) src(%arg11 : memref<128x128xf32, #tpu.memory_space<vmem>>) dst(%dma_wait3A_246 : memref<3464x128xf32, #tpu.memory_space<vmem_shared>>)
          tpu.yield
        }) : () -> ()
        %add3A_224 = arith.constant 2 : i32
        %add3A_225 = arith.addi %add3A_208, %add3A_224 : i32
        %lt3A_226 = arith.cmpi slt, %add3A_225, %select_n3A_170 : i32
        %convert_element_type3A_227 = arith.extui %lt3A_226 : i1 to i32
        %cond3A_228 = arith.constant 0 : i32
        %cond3A_229 = arith.cmpi ne, %convert_element_type3A_227, %cond3A_228 : i32
        scf.if %cond3A_229 {
          %add3A_236 = arith.constant 2 : i32
          %add3A_237 = arith.addi %add3A_208, %add3A_236 : i32
          %dma_start3A = arith.constant 0 : i32
          %dma_start3A_238 = tpu.memref_slice %arg5[%add3A_237, %dma_start3A] : memref<80x128xi32, #tpu.memory_space<vmem>> -> memref<1x128xi32, #tpu.memory_space<vmem>>
          %dma_start3A_239 = tpu.memref_squeeze %dma_start3A_238 : memref<1x128xi32, #tpu.memory_space<vmem>> -> memref<128xi32, #tpu.memory_space<vmem>>
          %dma_start3A_240 = arith.constant 0 : i32
          %dma_start3A_241 = arith.constant 0 : i32
          %dma_start3A_242 = tpu.memref_slice %arg2[%dma_start3A_240, %dma_start3A_241] : memref<10240x128xf32, #tpu.memory_space<hbm>> -> memref<10240x128xf32, #tpu.memory_space<hbm>>
          tpu.enqueue_indirect_dma source(%dma_start3A_242 : memref<10240x128xf32, #tpu.memory_space<hbm>>) target(%arg11 : memref<128x128xf32, #tpu.memory_space<vmem>>) offsets(%dma_start3A_239 : memref<128xi32, #tpu.memory_space<vmem>>) semaphore(%arg15 : memref<!tpu.dma_semaphore, #tpu.memory_space<semaphore_mem>>)
        } else {
        }
        %add3A_230 = arith.constant 1 : i32
        %add3A_231 = arith.addi %add3A_208, %add3A_230 : i32
        %lt3A_232 = arith.cmpi slt, %add3A_231, %select_n3A_170 : i32
        %convert_element_type3A_233 = arith.extui %lt3A_232 : i1 to i32
        %cond3A_234 = arith.constant 0 : i32
        %cond3A_235 = arith.cmpi ne, %convert_element_type3A_233, %cond3A_234 : i32
        scf.if %cond3A_235 {
          %add3A_236 = arith.constant 1 : i32
          %add3A_237 = arith.addi %add3A_208, %add3A_236 : i32
          %dma_wait3A_238 = arith.constant 0 : i32
          %dma_wait3A_239 = tpu.memref_slice %arg5[%add3A_237, %dma_wait3A_238] : memref<80x128xi32, #tpu.memory_space<vmem>> -> memref<1x128xi32, #tpu.memory_space<vmem>>
          %dma_wait3A_240 = tpu.memref_squeeze %dma_wait3A_239 : memref<1x128xi32, #tpu.memory_space<vmem>> -> memref<128xi32, #tpu.memory_space<vmem>>
          %dma_wait3A_241 = arith.constant 0 : i32
          %dma_wait3A_242 = arith.constant 0 : i32
          %dma_wait3A_243 = tpu.memref_slice %arg2[%dma_wait3A_241, %dma_wait3A_242] : memref<10240x128xf32, #tpu.memory_space<hbm>> -> memref<10240x128xf32, #tpu.memory_space<hbm>>
          tpu.wait_indirect_dma semaphore(%arg16 : memref<!tpu.dma_semaphore, #tpu.memory_space<semaphore_mem>>) src(%dma_wait3A_243 : memref<10240x128xf32, #tpu.memory_space<hbm>>) dst(%arg12 : memref<128x128xf32, #tpu.memory_space<vmem>>)
          %add3A_244 = arith.constant 1 : i32
          %add3A_245 = arith.addi %add3A_208, %add3A_244 : i32
          "tpu.region"() ({
            %run_scoped3A = tpu.sem_alloc : memref<!tpu.dma_semaphore, #tpu.memory_space<semaphore_mem>>
            %dma_start3A = arith.constant 0 : i32
            %dma_start3A_246 = tpu.memref_slice %arg10[%add3A_245, %dma_start3A] : memref<80x128xi32, #tpu.memory_space<vmem>> -> memref<1x128xi32, #tpu.memory_space<vmem>>
            %dma_start3A_247 = tpu.memref_squeeze %dma_start3A_246 : memref<1x128xi32, #tpu.memory_space<vmem>> -> memref<128xi32, #tpu.memory_space<vmem>>
            %dma_start3A_248 = arith.constant 0 : i32
            %dma_start3A_249 = arith.constant 0 : i32
            %dma_start3A_250 = tpu.memref_slice %arg13[%dma_start3A_248, %dma_start3A_249] : memref<3464x128xf32, #tpu.memory_space<vmem_shared>> -> memref<3464x128xf32, #tpu.memory_space<vmem_shared>>
            tpu.enqueue_indirect_dma source(%arg12 : memref<128x128xf32, #tpu.memory_space<vmem>>) target(%dma_start3A_250 : memref<3464x128xf32, #tpu.memory_space<vmem_shared>>) offsets(%dma_start3A_247 : memref<128xi32, #tpu.memory_space<vmem>>) semaphore(%run_scoped3A : memref<!tpu.dma_semaphore, #tpu.memory_space<semaphore_mem>>) {add = true}
            %dma_wait3A_251 = arith.constant 0 : i32
            %dma_wait3A_252 = tpu.memref_slice %arg10[%add3A_245, %dma_wait3A_251] : memref<80x128xi32, #tpu.memory_space<vmem>> -> memref<1x128xi32, #tpu.memory_space<vmem>>
            %dma_wait3A_253 = tpu.memref_squeeze %dma_wait3A_252 : memref<1x128xi32, #tpu.memory_space<vmem>> -> memref<128xi32, #tpu.memory_space<vmem>>
            %dma_wait3A_254 = arith.constant 0 : i32
            %dma_wait3A_255 = arith.constant 0 : i32
            %dma_wait3A_256 = tpu.memref_slice %arg13[%dma_wait3A_254, %dma_wait3A_255] : memref<3464x128xf32, #tpu.memory_space<vmem_shared>> -> memref<3464x128xf32, #tpu.memory_space<vmem_shared>>
            tpu.wait_indirect_dma semaphore(%run_scoped3A : memref<!tpu.dma_semaphore, #tpu.memory_space<semaphore_mem>>) src(%arg12 : memref<128x128xf32, #tpu.memory_space<vmem>>) dst(%dma_wait3A_256 : memref<3464x128xf32, #tpu.memory_space<vmem_shared>>)
            tpu.yield
          }) : () -> ()
        } else {
        }
      } else {
      }
    }
    %scan3A_196 = arith.constant 40 : i32
    %barrier3A_197 = arith.constant 0 : index
    tpu.barrier barrier_id(%barrier3A_197)
    %mul3A_198 = arith.constant 208 : i32
    %mul3A_199 = arith.muli %arg1, %mul3A_198 : i32
    %mul3A_200 = arith.constant 208 : i32
    %mul3A_201 = arith.muli %arg1, %mul3A_200 : i32
    %add3A_202 = arith.constant 6912 : i32
    %add3A_203 = arith.addi %add3A_202, %mul3A_201 : i32
    "tpu.region"() ({
      %run_scoped3A = tpu.sem_alloc : memref<!tpu.dma_semaphore, #tpu.memory_space<semaphore_mem>>
      %dma_start3A = arith.constant 0 : i32
      %dma_start3A_204 = arith.constant 0 : i32
      %dma_start3A_205 = tpu.memref_slice %arg4[%arg0, %dma_start3A, %dma_start3A_204] : memref<2x10240x128xf32, #tpu.memory_space<hbm>> -> memref<1x10240x128xf32, #tpu.memory_space<hbm>>
      %dma_start3A_206 = tpu.memref_squeeze %dma_start3A_205 : memref<1x10240x128xf32, #tpu.memory_space<hbm>> -> memref<10240x128xf32, #tpu.memory_space<hbm>>
      %dma_start3A_207 = arith.constant 0 : i32
      %dma_start3A_208 = tpu.memref_slice %dma_start3A_206[%add3A_203, %dma_start3A_207] : memref<10240x128xf32, #tpu.memory_space<hbm>> -> memref<208x128xf32, #tpu.memory_space<hbm>>
      %dma_start3A_209 = arith.constant 0 : i32
      %dma_start3A_210 = tpu.memref_slice %arg13[%mul3A_199, %dma_start3A_209] : memref<3464x128xf32, #tpu.memory_space<vmem_shared>> -> memref<208x128xf32, #tpu.memory_space<vmem_shared>>
      tpu.enqueue_dma source(%dma_start3A_210 : memref<208x128xf32, #tpu.memory_space<vmem_shared>>) target(%dma_start3A_208 : memref<208x128xf32, #tpu.memory_space<hbm>>) target_semaphore(%run_scoped3A : memref<!tpu.dma_semaphore, #tpu.memory_space<semaphore_mem>>)
      %dma_wait3A = arith.constant 0 : i32
      %dma_wait3A_211 = arith.constant 0 : i32
      %dma_wait3A_212 = tpu.memref_slice %arg4[%arg0, %dma_wait3A, %dma_wait3A_211] : memref<2x10240x128xf32, #tpu.memory_space<hbm>> -> memref<1x10240x128xf32, #tpu.memory_space<hbm>>
      %dma_wait3A_213 = tpu.memref_squeeze %dma_wait3A_212 : memref<1x10240x128xf32, #tpu.memory_space<hbm>> -> memref<10240x128xf32, #tpu.memory_space<hbm>>
      %dma_wait3A_214 = arith.constant 0 : i32
      %dma_wait3A_215 = tpu.memref_slice %dma_wait3A_213[%add3A_203, %dma_wait3A_214] : memref<10240x128xf32, #tpu.memory_space<hbm>> -> memref<208x128xf32, #tpu.memory_space<hbm>>
      %dma_wait3A_216 = arith.constant 0 : i32
      %dma_wait3A_217 = tpu.memref_slice %arg13[%mul3A_199, %dma_wait3A_216] : memref<3464x128xf32, #tpu.memory_space<vmem_shared>> -> memref<208x128xf32, #tpu.memory_space<vmem_shared>>
      tpu.wait_dma2 semaphore(%run_scoped3A : memref<!tpu.dma_semaphore, #tpu.memory_space<semaphore_mem>>) src(%dma_wait3A_217 : memref<208x128xf32, #tpu.memory_space<vmem_shared>>) dst(%dma_wait3A_215 : memref<208x128xf32, #tpu.memory_space<hbm>>)
      tpu.yield
    }) : () -> ()
    return
  }
}

module attributes {stable_mosaic.version = 14 : i64} {
  func.func @body(%arg0: i32, %arg1: memref<1024x128xf32, #tpu.memory_space<vmem>>, %arg2: memref<32x1024xf32, #tpu.memory_space<vmem>>, %arg3: memref<128x128xf32, #tpu.memory_space<vmem>>, %arg4: memref<1024x128xf32, #tpu.memory_space<vmem>>) attributes {dimension_semantics = [#tpu.dimension_semantics<arbitrary>], iteration_bounds = array<i64: 10>, scalar_prefetch = 0 : i64, scratch_operands = 0 : i64, tpu.core_type = #tpu.core_type<tc>, window_params = [{transform_indices = @transform_0, window_bounds = array<i64: 1024, 128>}, {transform_indices = @transform_1, window_bounds = array<i64: 32, 1024>}, {pipeline_mode = #tpu.pipeline_mode<synchronous>, transform_indices = @transform_2, window_bounds = array<i64: 128, 128>}, {transform_indices = @transform_3, window_bounds = array<i64: 1024, 128>}]} {
    %get3A = arith.constant 0 : index
    %get3A_0 = arith.constant 0 : index
    %get3A_1 = vector.load %arg2[%get3A, %get3A_0] : memref<32x1024xf32, #tpu.memory_space<vmem>>, vector<32x1024xf32>
    %reduce_sum3A = arith.constant dense<0.000000e+00> : vector<1024xf32>
    %reduce_sum3A_2 = vector.multi_reduction <add>, %get3A_1, %reduce_sum3A [0] : vector<32x1024xf32> to vector<1024xf32>
    %broadcast_in_dim3A = vector.shape_cast %reduce_sum3A_2 : vector<1024xf32> to vector<1024x1xf32>
    %add3A = arith.constant 1.000000e+00 : f32
    %add3A_3 = vector.broadcast %add3A : f32 to vector<1024x1xf32>
    %add3A_4 = arith.addf %broadcast_in_dim3A, %add3A_3 : vector<1024x1xf32>
    %rsqrt3A = math.rsqrt %add3A_4 : vector<1024x1xf32>
    %get3A_5 = arith.constant 0 : index
    %get3A_6 = arith.constant 0 : index
    %get3A_7 = vector.load %arg1[%get3A_5, %get3A_6] : memref<1024x128xf32, #tpu.memory_space<vmem>>, vector<1024x128xf32>
    %get3A_8 = arith.constant 0 : index
    %get3A_9 = arith.constant 0 : index
    %get3A_10 = vector.load %arg3[%get3A_8, %get3A_9] : memref<128x128xf32, #tpu.memory_space<vmem>>, vector<128x128xf32>
    %dot_general3A = arith.constant dense<0.000000e+00> : vector<1024x128xf32>
    %dot_general3A_11 = tpu.matmul %get3A_7, %get3A_10, %dot_general3A {dimension_numbers = #tpu.dot_dimension_numbers<[1], [0], [0], [1], [0, 0, 1, 1], [], []>, precision = #tpu.contract_precision<fp32>, transpose_lhs_hint = false} : vector<1024x128xf32>, vector<128x128xf32>, vector<1024x128xf32> -> vector<1024x128xf32>
    %mul3A = vector.broadcast %rsqrt3A : vector<1024x1xf32> to vector<1024x128xf32>
    %mul3A_12 = arith.mulf %dot_general3A_11, %mul3A : vector<1024x128xf32>
    %mul3A_13 = arith.constant 1024 : i32
    %mul3A_14 = arith.muli %arg0, %mul3A_13 : i32
    %iota3A = tpu.iota {dimensions = array<i32: 0>} : vector<1024x1xi32>
    %add3A_15 = vector.broadcast %mul3A_14 : i32 to vector<1024x1xi32>
    %add3A_16 = arith.addi %add3A_15, %iota3A : vector<1024x1xi32>
    %lt3A = arith.constant 10000 : i32
    %lt3A_17 = vector.broadcast %lt3A : i32 to vector<1024x1xi32>
    %lt3A_18 = arith.cmpi slt, %add3A_16, %lt3A_17 : vector<1024x1xi32>
    %jit3A = arith.constant 0.000000e+00 : f32
    %broadcast_in_dim3A_19 = vector.shape_cast %lt3A_18 : vector<1024x1xi1> to vector<1024x1xi1>
    %broadcast_in_dim3A_20 = vector.broadcast %broadcast_in_dim3A_19 : vector<1024x1xi1> to vector<1024x128xi1>
    %broadcast_in_dim3A_21 = vector.broadcast %jit3A : f32 to vector<1024x128xf32>
    %select_n3A = arith.select %broadcast_in_dim3A_20, %mul3A_12, %broadcast_in_dim3A_21 : vector<1024x128xi1>, vector<1024x128xf32>
    %swap3A = arith.constant 0 : index
    %swap3A_22 = arith.constant 0 : index
    %swap3A_23 = vector.load %arg4[%swap3A, %swap3A_22] : memref<1024x128xf32, #tpu.memory_space<vmem>>, vector<1024x128xf32>
    tpu.vector_store %arg4[%swap3A, %swap3A_22], %select_n3A {strides = array<i32>} : memref<1024x128xf32, #tpu.memory_space<vmem>>, vector<1024x128xf32>,
    return
  }
  func.func @transform_0(%arg0: i32) -> (i32, i32) {
    %c0_i32 = arith.constant 0 : i32
    %c0_i32_0 = arith.constant 0 : i32
    return %arg0, %c0_i32 : i32, i32
  }
  func.func @transform_1(%arg0: i32) -> (i32, i32) {
    %c0_i32 = arith.constant 0 : i32
    %c0_i32_0 = arith.constant 0 : i32
    return %c0_i32, %arg0 : i32, i32
  }
  func.func @transform_2(%arg0: i32) -> (i32, i32) {
    %c0_i32 = arith.constant 0 : i32
    %c0_i32_0 = arith.constant 0 : i32
    %c0_i32_1 = arith.constant 0 : i32
    return %c0_i32, %c0_i32_0 : i32, i32
  }
  func.func @transform_3(%arg0: i32) -> (i32, i32) {
    %c0_i32 = arith.constant 0 : i32
    %c0_i32_0 = arith.constant 0 : i32
    return %arg0, %c0_i32 : i32, i32
  }
}

module attributes {stable_mosaic.version = 14 : i64} {
  func.func @body(%arg0: i32, %arg1: memref<1024x128xf32, #tpu.memory_space<vmem>>, %arg2: memref<1024x128xf32, #tpu.memory_space<vmem>>, %arg3: memref<2x1024x128xf32, #tpu.memory_space<vmem>>, %arg4: memref<32x1024xf32, #tpu.memory_space<vmem>>, %arg5: memref<128x128xf32, #tpu.memory_space<vmem>>, %arg6: memref<1x128xf32, #tpu.memory_space<vmem>>, %arg7: memref<1x128xf32, #tpu.memory_space<vmem>>, %arg8: memref<1x128xf32, #tpu.memory_space<vmem>>, %arg9: memref<128x256xf32, #tpu.memory_space<vmem>>, %arg10: memref<1x256xf32, #tpu.memory_space<vmem>>, %arg11: memref<256x128xf32, #tpu.memory_space<vmem>>, %arg12: memref<1x128xf32, #tpu.memory_space<vmem>>, %arg13: memref<1x128xf32, #tpu.memory_space<vmem>>, %arg14: memref<1x128xf32, #tpu.memory_space<vmem>>, %arg15: memref<1x128xf32, #tpu.memory_space<vmem>>, %arg16: memref<1024x128xf32, #tpu.memory_space<vmem>>, %arg17: memref<1024x128xf32, #tpu.memory_space<vmem>>) attributes {dimension_semantics = [#tpu.dimension_semantics<arbitrary>], iteration_bounds = array<i64: 10>, scalar_prefetch = 0 : i64, scratch_operands = 0 : i64, tpu.core_type = #tpu.core_type<tc>, window_params = [{transform_indices = @transform_0, window_bounds = array<i64: 1024, 128>}, {transform_indices = @transform_1, window_bounds = array<i64: 1024, 128>}, {transform_indices = @transform_2, window_bounds = array<i64: 2, 1024, 128>}, {transform_indices = @transform_3, window_bounds = array<i64: 32, 1024>}, {pipeline_mode = #tpu.pipeline_mode<synchronous>, transform_indices = @transform_4, window_bounds = array<i64: 128, 128>}, {pipeline_mode = #tpu.pipeline_mode<synchronous>, transform_indices = @transform_5, window_bounds = array<i64: 1, 128>}, {pipeline_mode = #tpu.pipeline_mode<synchronous>, transform_indices = @transform_6, window_bounds = array<i64: 1, 128>}, {pipeline_mode = #tpu.pipeline_mode<synchronous>, transform_indices = @transform_7, window_bounds = array<i64: 1, 128>}, {pipeline_mode = #tpu.pipeline_mode<synchronous>, transform_indices = @transform_8, window_bounds = array<i64: 128, 256>}, {pipeline_mode = #tpu.pipeline_mode<synchronous>, transform_indices = @transform_9, window_bounds = array<i64: 1, 256>}, {pipeline_mode = #tpu.pipeline_mode<synchronous>, transform_indices = @transform_10, window_bounds = array<i64: 256, 128>}, {pipeline_mode = #tpu.pipeline_mode<synchronous>, transform_indices = @transform_11, window_bounds = array<i64: 1, 128>}, {pipeline_mode = #tpu.pipeline_mode<synchronous>, transform_indices = @transform_12, window_bounds = array<i64: 1, 128>}, {pipeline_mode = #tpu.pipeline_mode<synchronous>, transform_indices = @transform_13, window_bounds = array<i64: 1, 128>}, {pipeline_mode = #tpu.pipeline_mode<synchronous>, transform_indices = @transform_14, window_bounds = array<i64: 1, 128>}, {transform_indices = @transform_15, window_bounds = array<i64: 1024, 128>}, {transform_indices = @transform_16, window_bounds = array<i64: 1024, 128>}]} {
    %get3A = arith.constant 0 : index
    %get3A_0 = arith.constant 0 : index
    %get3A_1 = vector.load %arg4[%get3A, %get3A_0] : memref<32x1024xf32, #tpu.memory_space<vmem>>, vector<32x1024xf32>
    %reduce_sum3A = arith.constant dense<0.000000e+00> : vector<1024xf32>
    %reduce_sum3A_2 = vector.multi_reduction <add>, %get3A_1, %reduce_sum3A [0] : vector<32x1024xf32> to vector<1024xf32>
    %broadcast_in_dim3A = vector.shape_cast %reduce_sum3A_2 : vector<1024xf32> to vector<1024x1xf32>
    %add3A = arith.constant 1.000000e+00 : f32
    %add3A_3 = vector.broadcast %add3A : f32 to vector<1024x1xf32>
    %add3A_4 = arith.addf %broadcast_in_dim3A, %add3A_3 : vector<1024x1xf32>
    %rsqrt3A = math.rsqrt %add3A_4 : vector<1024x1xf32>
    %get3A_5 = arith.constant 0 : index
    %get3A_6 = arith.constant 0 : index
    %get3A_7 = vector.load %arg1[%get3A_5, %get3A_6] : memref<1024x128xf32, #tpu.memory_space<vmem>>, vector<1024x128xf32>
    %get3A_8 = arith.constant 0 : index
    %get3A_9 = arith.constant 0 : index
    %get3A_10 = arith.constant 0 : index
    %get3A_11 = vector.load %arg3[%get3A_8, %get3A_9, %get3A_10] : memref<2x1024x128xf32, #tpu.memory_space<vmem>>, vector<1x1024x128xf32>
    %get3A_12 = vector.shape_cast %get3A_11 : vector<1x1024x128xf32> to vector<1024x128xf32>
    %get3A_13 = arith.constant 1 : index
    %get3A_14 = arith.constant 0 : index
    %get3A_15 = arith.constant 0 : index
    %get3A_16 = vector.load %arg3[%get3A_13, %get3A_14, %get3A_15] : memref<2x1024x128xf32, #tpu.memory_space<vmem>>, vector<1x1024x128xf32>
    %get3A_17 = vector.shape_cast %get3A_16 : vector<1x1024x128xf32> to vector<1024x128xf32>
    %add3A_18 = arith.addf %get3A_12, %get3A_17 : vector<1024x128xf32>
    %get3A_19 = arith.constant 0 : index
    %get3A_20 = arith.constant 0 : index
    %get3A_21 = vector.load %arg2[%get3A_19, %get3A_20] : memref<1024x128xf32, #tpu.memory_space<vmem>>, vector<1024x128xf32>
    %add3A_22 = arith.addf %add3A_18, %get3A_21 : vector<1024x128xf32>
    %mul3A = vector.broadcast %rsqrt3A : vector<1024x1xf32> to vector<1024x128xf32>
    %mul3A_23 = arith.mulf %mul3A, %add3A_22 : vector<1024x128xf32>
    %get3A_24 = arith.constant 0 : index
    %get3A_25 = arith.constant 0 : index
    %get3A_26 = vector.load %arg6[%get3A_24, %get3A_25] : memref<1x128xf32, #tpu.memory_space<vmem>>, vector<1x128xf32>
    %add3A_27 = vector.broadcast %get3A_26 : vector<1x128xf32> to vector<1024x128xf32>
    %add3A_28 = arith.addf %mul3A_23, %add3A_27 : vector<1024x128xf32>
    %add3A_29 = arith.addf %get3A_7, %add3A_28 : vector<1024x128xf32>
    %get3A_30 = arith.constant 0 : index
    %get3A_31 = arith.constant 0 : index
    %get3A_32 = vector.load %arg7[%get3A_30, %get3A_31] : memref<1x128xf32, #tpu.memory_space<vmem>>, vector<1x128xf32>
    %get3A_33 = arith.constant 0 : index
    %get3A_34 = arith.constant 0 : index
    %get3A_35 = vector.load %arg8[%get3A_33, %get3A_34] : memref<1x128xf32, #tpu.memory_space<vmem>>, vector<1x128xf32>
    %reduce_sum3A_36 = arith.constant dense<0.000000e+00> : vector<1024xf32>
    %reduce_sum3A_37 = vector.multi_reduction <add>, %add3A_29, %reduce_sum3A_36 [1] : vector<1024x128xf32> to vector<1024xf32>
    %broadcast_in_dim3A_38 = vector.shape_cast %reduce_sum3A_37 : vector<1024xf32> to vector<1024x1xf32>
    %div3A = arith.constant 1.280000e+02 : f32
    %div3A_39 = vector.broadcast %div3A : f32 to vector<1024x1xf32>
    %div3A_40 = arith.divf %broadcast_in_dim3A_38, %div3A_39 : vector<1024x1xf32>
    %sub3A = vector.broadcast %div3A_40 : vector<1024x1xf32> to vector<1024x128xf32>
    %sub3A_41 = arith.subf %add3A_29, %sub3A : vector<1024x128xf32>
    %mul3A_42 = arith.mulf %sub3A_41, %sub3A_41 : vector<1024x128xf32>
    %reduce_sum3A_43 = arith.constant dense<0.000000e+00> : vector<1024xf32>
    %reduce_sum3A_44 = vector.multi_reduction <add>, %mul3A_42, %reduce_sum3A_43 [1] : vector<1024x128xf32> to vector<1024xf32>
    %broadcast_in_dim3A_45 = vector.shape_cast %reduce_sum3A_44 : vector<1024xf32> to vector<1024x1xf32>
    %div3A_46 = arith.constant 1.280000e+02 : f32
    %div3A_47 = vector.broadcast %div3A_46 : f32 to vector<1024x1xf32>
    %div3A_48 = arith.divf %broadcast_in_dim3A_45, %div3A_47 : vector<1024x1xf32>
    %add3A_49 = arith.constant 9.99999974E-6 : f32
    %add3A_50 = vector.broadcast %add3A_49 : f32 to vector<1024x1xf32>
    %add3A_51 = arith.addf %div3A_48, %add3A_50 : vector<1024x1xf32>
    %rsqrt3A_52 = math.rsqrt %add3A_51 : vector<1024x1xf32>
    %mul3A_53 = vector.broadcast %rsqrt3A_52 : vector<1024x1xf32> to vector<1024x128xf32>
    %mul3A_54 = arith.mulf %sub3A_41, %mul3A_53 : vector<1024x128xf32>
    %mul3A_55 = vector.broadcast %get3A_32 : vector<1x128xf32> to vector<1024x128xf32>
    %mul3A_56 = arith.mulf %mul3A_54, %mul3A_55 : vector<1024x128xf32>
    %add3A_57 = vector.broadcast %get3A_35 : vector<1x128xf32> to vector<1024x128xf32>
    %add3A_58 = arith.addf %mul3A_56, %add3A_57 : vector<1024x128xf32>
    %get3A_59 = arith.constant 0 : index
    %get3A_60 = arith.constant 0 : index
    %get3A_61 = vector.load %arg9[%get3A_59, %get3A_60] : memref<128x256xf32, #tpu.memory_space<vmem>>, vector<128x256xf32>
    %dot_general3A = arith.constant dense<0.000000e+00> : vector<1024x256xf32>
    %dot_general3A_62 = tpu.matmul %add3A_58, %get3A_61, %dot_general3A {dimension_numbers = #tpu.dot_dimension_numbers<[1], [0], [0], [1], [0, 0, 1, 1], [], []>, precision = #tpu.contract_precision<fp32>, transpose_lhs_hint = false} : vector<1024x128xf32>, vector<128x256xf32>, vector<1024x256xf32> -> vector<1024x256xf32>
    %get3A_63 = arith.constant 0 : index
    %get3A_64 = arith.constant 0 : index
    %get3A_65 = vector.load %arg10[%get3A_63, %get3A_64] : memref<1x256xf32, #tpu.memory_space<vmem>>, vector<1x256xf32>
    %add3A_66 = vector.broadcast %get3A_65 : vector<1x256xf32> to vector<1024x256xf32>
    %add3A_67 = arith.addf %dot_general3A_62, %add3A_66 : vector<1024x256xf32>
    %max3A = arith.constant 0.000000e+00 : f32
    %max3A_68 = vector.broadcast %max3A : f32 to vector<1024x256xf32>
    %max3A_69 = arith.maximumf %add3A_67, %max3A_68 : vector<1024x256xf32>
    %get3A_70 = arith.constant 0 : index
    %get3A_71 = arith.constant 0 : index
    %get3A_72 = vector.load %arg11[%get3A_70, %get3A_71] : memref<256x128xf32, #tpu.memory_space<vmem>>, vector<256x128xf32>
    %dot_general3A_73 = arith.constant dense<0.000000e+00> : vector<1024x128xf32>
    %dot_general3A_74 = tpu.matmul %max3A_69, %get3A_72, %dot_general3A_73 {dimension_numbers = #tpu.dot_dimension_numbers<[1], [0], [0], [1], [0, 0, 1, 1], [], []>, precision = #tpu.contract_precision<fp32>, transpose_lhs_hint = false} : vector<1024x256xf32>, vector<256x128xf32>, vector<1024x128xf32> -> vector<1024x128xf32>
    %get3A_75 = arith.constant 0 : index
    %get3A_76 = arith.constant 0 : index
    %get3A_77 = vector.load %arg12[%get3A_75, %get3A_76] : memref<1x128xf32, #tpu.memory_space<vmem>>, vector<1x128xf32>
    %add3A_78 = vector.broadcast %get3A_77 : vector<1x128xf32> to vector<1024x128xf32>
    %add3A_79 = arith.addf %dot_general3A_74, %add3A_78 : vector<1024x128xf32>
    %add3A_80 = arith.addf %add3A_58, %add3A_79 : vector<1024x128xf32>
    %get3A_81 = arith.constant 0 : index
    %get3A_82 = arith.constant 0 : index
    %get3A_83 = vector.load %arg13[%get3A_81, %get3A_82] : memref<1x128xf32, #tpu.memory_space<vmem>>, vector<1x128xf32>
    %get3A_84 = arith.constant 0 : index
    %get3A_85 = arith.constant 0 : index
    %get3A_86 = vector.load %arg14[%get3A_84, %get3A_85] : memref<1x128xf32, #tpu.memory_space<vmem>>, vector<1x128xf32>
    %reduce_sum3A_87 = arith.constant dense<0.000000e+00> : vector<1024xf32>
    %reduce_sum3A_88 = vector.multi_reduction <add>, %add3A_80, %reduce_sum3A_87 [1] : vector<1024x128xf32> to vector<1024xf32>
    %broadcast_in_dim3A_89 = vector.shape_cast %reduce_sum3A_88 : vector<1024xf32> to vector<1024x1xf32>
    %div3A_90 = arith.constant 1.280000e+02 : f32
    %div3A_91 = vector.broadcast %div3A_90 : f32 to vector<1024x1xf32>
    %div3A_92 = arith.divf %broadcast_in_dim3A_89, %div3A_91 : vector<1024x1xf32>
    %sub3A_93 = vector.broadcast %div3A_92 : vector<1024x1xf32> to vector<1024x128xf32>
    %sub3A_94 = arith.subf %add3A_80, %sub3A_93 : vector<1024x128xf32>
    %mul3A_95 = arith.mulf %sub3A_94, %sub3A_94 : vector<1024x128xf32>
    %reduce_sum3A_96 = arith.constant dense<0.000000e+00> : vector<1024xf32>
    %reduce_sum3A_97 = vector.multi_reduction <add>, %mul3A_95, %reduce_sum3A_96 [1] : vector<1024x128xf32> to vector<1024xf32>
    %broadcast_in_dim3A_98 = vector.shape_cast %reduce_sum3A_97 : vector<1024xf32> to vector<1024x1xf32>
    %div3A_99 = arith.constant 1.280000e+02 : f32
    %div3A_100 = vector.broadcast %div3A_99 : f32 to vector<1024x1xf32>
    %div3A_101 = arith.divf %broadcast_in_dim3A_98, %div3A_100 : vector<1024x1xf32>
    %add3A_102 = arith.constant 9.99999974E-6 : f32
    %add3A_103 = vector.broadcast %add3A_102 : f32 to vector<1024x1xf32>
    %add3A_104 = arith.addf %div3A_101, %add3A_103 : vector<1024x1xf32>
    %rsqrt3A_105 = math.rsqrt %add3A_104 : vector<1024x1xf32>
    %mul3A_106 = vector.broadcast %rsqrt3A_105 : vector<1024x1xf32> to vector<1024x128xf32>
    %mul3A_107 = arith.mulf %sub3A_94, %mul3A_106 : vector<1024x128xf32>
    %mul3A_108 = vector.broadcast %get3A_83 : vector<1x128xf32> to vector<1024x128xf32>
    %mul3A_109 = arith.mulf %mul3A_107, %mul3A_108 : vector<1024x128xf32>
    %add3A_110 = vector.broadcast %get3A_86 : vector<1x128xf32> to vector<1024x128xf32>
    %add3A_111 = arith.addf %mul3A_109, %add3A_110 : vector<1024x128xf32>
    %swap3A = arith.constant 0 : index
    %swap3A_112 = arith.constant 0 : index
    %swap3A_113 = vector.load %arg16[%swap3A, %swap3A_112] : memref<1024x128xf32, #tpu.memory_space<vmem>>, vector<1024x128xf32>
    tpu.vector_store %arg16[%swap3A, %swap3A_112], %add3A_111 {strides = array<i32>} : memref<1024x128xf32, #tpu.memory_space<vmem>>, vector<1024x128xf32>,
    %get3A_114 = arith.constant 0 : index
    %get3A_115 = arith.constant 0 : index
    %get3A_116 = vector.load %arg5[%get3A_114, %get3A_115] : memref<128x128xf32, #tpu.memory_space<vmem>>, vector<128x128xf32>
    %dot_general3A_117 = arith.constant dense<0.000000e+00> : vector<1024x128xf32>
    %dot_general3A_118 = tpu.matmul %add3A_111, %get3A_116, %dot_general3A_117 {dimension_numbers = #tpu.dot_dimension_numbers<[1], [0], [0], [1], [0, 0, 1, 1], [], []>, precision = #tpu.contract_precision<fp32>, transpose_lhs_hint = false} : vector<1024x128xf32>, vector<128x128xf32>, vector<1024x128xf32> -> vector<1024x128xf32>
    %mul3A_119 = vector.broadcast %rsqrt3A : vector<1024x1xf32> to vector<1024x128xf32>
    %mul3A_120 = arith.mulf %dot_general3A_118, %mul3A_119 : vector<1024x128xf32>
    %mul3A_121 = arith.constant 1024 : i32
    %mul3A_122 = arith.muli %arg0, %mul3A_121 : i32
    %iota3A = tpu.iota {dimensions = array<i32: 0>} : vector<1024x1xi32>
    %add3A_123 = vector.broadcast %mul3A_122 : i32 to vector<1024x1xi32>
    %add3A_124 = arith.addi %add3A_123, %iota3A : vector<1024x1xi32>
    %lt3A = arith.constant 10000 : i32
    %lt3A_125 = vector.broadcast %lt3A : i32 to vector<1024x1xi32>
    %lt3A_126 = arith.cmpi slt, %add3A_124, %lt3A_125 : vector<1024x1xi32>
    %jit3A = arith.constant 0.000000e+00 : f32
    %broadcast_in_dim3A_127 = vector.shape_cast %lt3A_126 : vector<1024x1xi1> to vector<1024x1xi1>
    %broadcast_in_dim3A_128 = vector.broadcast %broadcast_in_dim3A_127 : vector<1024x1xi1> to vector<1024x128xi1>
    %broadcast_in_dim3A_129 = vector.broadcast %jit3A : f32 to vector<1024x128xf32>
    %select_n3A = arith.select %broadcast_in_dim3A_128, %mul3A_120, %broadcast_in_dim3A_129 : vector<1024x128xi1>, vector<1024x128xf32>
    %swap3A_130 = arith.constant 0 : index
    %swap3A_131 = arith.constant 0 : index
    %swap3A_132 = vector.load %arg17[%swap3A_130, %swap3A_131] : memref<1024x128xf32, #tpu.memory_space<vmem>>, vector<1024x128xf32>
    tpu.vector_store %arg17[%swap3A_130, %swap3A_131], %select_n3A {strides = array<i32>} : memref<1024x128xf32, #tpu.memory_space<vmem>>, vector<1024x128xf32>,
    return
  }
  func.func @transform_0(%arg0: i32) -> (i32, i32) {
    %c0_i32 = arith.constant 0 : i32
    %c0_i32_0 = arith.constant 0 : i32
    return %arg0, %c0_i32 : i32, i32
  }
  func.func @transform_1(%arg0: i32) -> (i32, i32) {
    %c0_i32 = arith.constant 0 : i32
    %c0_i32_0 = arith.constant 0 : i32
    return %arg0, %c0_i32 : i32, i32
  }
  func.func @transform_2(%arg0: i32) -> (i32, i32, i32) {
    %c0_i32 = arith.constant 0 : i32
    %c0_i32_0 = arith.constant 0 : i32
    %c0_i32_1 = arith.constant 0 : i32
    return %c0_i32, %arg0, %c0_i32_0 : i32, i32, i32
  }
  func.func @transform_3(%arg0: i32) -> (i32, i32) {
    %c0_i32 = arith.constant 0 : i32
    %c0_i32_0 = arith.constant 0 : i32
    return %c0_i32, %arg0 : i32, i32
  }
  func.func @transform_4(%arg0: i32) -> (i32, i32) {
    %c0_i32 = arith.constant 0 : i32
    %c0_i32_0 = arith.constant 0 : i32
    %c0_i32_1 = arith.constant 0 : i32
    return %c0_i32, %c0_i32_0 : i32, i32
  }
  func.func @transform_5(%arg0: i32) -> (i32, i32) {
    %c0_i32 = arith.constant 0 : i32
    %c0_i32_0 = arith.constant 0 : i32
    %c0_i32_1 = arith.constant 0 : i32
    return %c0_i32, %c0_i32_0 : i32, i32
  }
  func.func @transform_6(%arg0: i32) -> (i32, i32) {
    %c0_i32 = arith.constant 0 : i32
    %c0_i32_0 = arith.constant 0 : i32
    %c0_i32_1 = arith.constant 0 : i32
    return %c0_i32, %c0_i32_0 : i32, i32
  }
  func.func @transform_7(%arg0: i32) -> (i32, i32) {
    %c0_i32 = arith.constant 0 : i32
    %c0_i32_0 = arith.constant 0 : i32
    %c0_i32_1 = arith.constant 0 : i32
    return %c0_i32, %c0_i32_0 : i32, i32
  }
  func.func @transform_8(%arg0: i32) -> (i32, i32) {
    %c0_i32 = arith.constant 0 : i32
    %c0_i32_0 = arith.constant 0 : i32
    %c0_i32_1 = arith.constant 0 : i32
    return %c0_i32, %c0_i32_0 : i32, i32
  }
  func.func @transform_9(%arg0: i32) -> (i32, i32) {
    %c0_i32 = arith.constant 0 : i32
    %c0_i32_0 = arith.constant 0 : i32
    %c0_i32_1 = arith.constant 0 : i32
    return %c0_i32, %c0_i32_0 : i32, i32
  }
  func.func @transform_10(%arg0: i32) -> (i32, i32) {
    %c0_i32 = arith.constant 0 : i32
    %c0_i32_0 = arith.constant 0 : i32
    %c0_i32_1 = arith.constant 0 : i32
    return %c0_i32, %c0_i32_0 : i32, i32
  }
  func.func @transform_11(%arg0: i32) -> (i32, i32) {
    %c0_i32 = arith.constant 0 : i32
    %c0_i32_0 = arith.constant 0 : i32
    %c0_i32_1 = arith.constant 0 : i32
    return %c0_i32, %c0_i32_0 : i32, i32
  }
  func.func @transform_12(%arg0: i32) -> (i32, i32) {
    %c0_i32 = arith.constant 0 : i32
    %c0_i32_0 = arith.constant 0 : i32
    %c0_i32_1 = arith.constant 0 : i32
    return %c0_i32, %c0_i32_0 : i32, i32
  }
  func.func @transform_13(%arg0: i32) -> (i32, i32) {
    %c0_i32 = arith.constant 0 : i32
    %c0_i32_0 = arith.constant 0 : i32
    %c0_i32_1 = arith.constant 0 : i32
    return %c0_i32, %c0_i32_0 : i32, i32
  }
  func.func @transform_14(%arg0: i32) -> (i32, i32) {
    %c0_i32 = arith.constant 0 : i32
    %c0_i32_0 = arith.constant 0 : i32
    %c0_i32_1 = arith.constant 0 : i32
    return %c0_i32, %c0_i32_0 : i32, i32
  }
  func.func @transform_15(%arg0: i32) -> (i32, i32) {
    %c0_i32 = arith.constant 0 : i32
    %c0_i32_0 = arith.constant 0 : i32
    return %arg0, %c0_i32 : i32, i32
  }
  func.func @transform_16(%arg0: i32) -> (i32, i32) {
    %c0_i32 = arith.constant 0 : i32
    %c0_i32_0 = arith.constant 0 : i32
    return %arg0, %c0_i32 : i32, i32
  }
}

module attributes {stable_mosaic.version = 14 : i64} {
  func.func @body(%arg0: i32, %arg1: memref<1024x128xf32, #tpu.memory_space<vmem>>, %arg2: memref<1024x128xf32, #tpu.memory_space<vmem>>, %arg3: memref<2x1024x128xf32, #tpu.memory_space<vmem>>, %arg4: memref<32x1024xf32, #tpu.memory_space<vmem>>, %arg5: memref<128x36xf32, #tpu.memory_space<vmem>>, %arg6: memref<1x128xf32, #tpu.memory_space<vmem>>, %arg7: memref<1x128xf32, #tpu.memory_space<vmem>>, %arg8: memref<1x128xf32, #tpu.memory_space<vmem>>, %arg9: memref<128x256xf32, #tpu.memory_space<vmem>>, %arg10: memref<1x256xf32, #tpu.memory_space<vmem>>, %arg11: memref<256x128xf32, #tpu.memory_space<vmem>>, %arg12: memref<1x128xf32, #tpu.memory_space<vmem>>, %arg13: memref<1x128xf32, #tpu.memory_space<vmem>>, %arg14: memref<1x128xf32, #tpu.memory_space<vmem>>, %arg15: memref<1x36xf32, #tpu.memory_space<vmem>>, %arg16: memref<1024x128xf32, #tpu.memory_space<vmem>>, %arg17: memref<1024x36xf32, #tpu.memory_space<vmem>>) attributes {dimension_semantics = [#tpu.dimension_semantics<arbitrary>], iteration_bounds = array<i64: 10>, scalar_prefetch = 0 : i64, scratch_operands = 0 : i64, tpu.core_type = #tpu.core_type<tc>, window_params = [{transform_indices = @transform_0, window_bounds = array<i64: 1024, 128>}, {transform_indices = @transform_1, window_bounds = array<i64: 1024, 128>}, {transform_indices = @transform_2, window_bounds = array<i64: 2, 1024, 128>}, {transform_indices = @transform_3, window_bounds = array<i64: 32, 1024>}, {pipeline_mode = #tpu.pipeline_mode<synchronous>, transform_indices = @transform_4, window_bounds = array<i64: 128, 36>}, {pipeline_mode = #tpu.pipeline_mode<synchronous>, transform_indices = @transform_5, window_bounds = array<i64: 1, 128>}, {pipeline_mode = #tpu.pipeline_mode<synchronous>, transform_indices = @transform_6, window_bounds = array<i64: 1, 128>}, {pipeline_mode = #tpu.pipeline_mode<synchronous>, transform_indices = @transform_7, window_bounds = array<i64: 1, 128>}, {pipeline_mode = #tpu.pipeline_mode<synchronous>, transform_indices = @transform_8, window_bounds = array<i64: 128, 256>}, {pipeline_mode = #tpu.pipeline_mode<synchronous>, transform_indices = @transform_9, window_bounds = array<i64: 1, 256>}, {pipeline_mode = #tpu.pipeline_mode<synchronous>, transform_indices = @transform_10, window_bounds = array<i64: 256, 128>}, {pipeline_mode = #tpu.pipeline_mode<synchronous>, transform_indices = @transform_11, window_bounds = array<i64: 1, 128>}, {pipeline_mode = #tpu.pipeline_mode<synchronous>, transform_indices = @transform_12, window_bounds = array<i64: 1, 128>}, {pipeline_mode = #tpu.pipeline_mode<synchronous>, transform_indices = @transform_13, window_bounds = array<i64: 1, 128>}, {pipeline_mode = #tpu.pipeline_mode<synchronous>, transform_indices = @transform_14, window_bounds = array<i64: 1, 36>}, {transform_indices = @transform_15, window_bounds = array<i64: 1024, 128>}, {transform_indices = @transform_16, window_bounds = array<i64: 1024, 36>}]} {
    %get3A = arith.constant 0 : index
    %get3A_0 = arith.constant 0 : index
    %get3A_1 = vector.load %arg4[%get3A, %get3A_0] : memref<32x1024xf32, #tpu.memory_space<vmem>>, vector<32x1024xf32>
    %reduce_sum3A = arith.constant dense<0.000000e+00> : vector<1024xf32>
    %reduce_sum3A_2 = vector.multi_reduction <add>, %get3A_1, %reduce_sum3A [0] : vector<32x1024xf32> to vector<1024xf32>
    %broadcast_in_dim3A = vector.shape_cast %reduce_sum3A_2 : vector<1024xf32> to vector<1024x1xf32>
    %add3A = arith.constant 1.000000e+00 : f32
    %add3A_3 = vector.broadcast %add3A : f32 to vector<1024x1xf32>
    %add3A_4 = arith.addf %broadcast_in_dim3A, %add3A_3 : vector<1024x1xf32>
    %rsqrt3A = math.rsqrt %add3A_4 : vector<1024x1xf32>
    %get3A_5 = arith.constant 0 : index
    %get3A_6 = arith.constant 0 : index
    %get3A_7 = vector.load %arg1[%get3A_5, %get3A_6] : memref<1024x128xf32, #tpu.memory_space<vmem>>, vector<1024x128xf32>
    %get3A_8 = arith.constant 0 : index
    %get3A_9 = arith.constant 0 : index
    %get3A_10 = arith.constant 0 : index
    %get3A_11 = vector.load %arg3[%get3A_8, %get3A_9, %get3A_10] : memref<2x1024x128xf32, #tpu.memory_space<vmem>>, vector<1x1024x128xf32>
    %get3A_12 = vector.shape_cast %get3A_11 : vector<1x1024x128xf32> to vector<1024x128xf32>
    %get3A_13 = arith.constant 1 : index
    %get3A_14 = arith.constant 0 : index
    %get3A_15 = arith.constant 0 : index
    %get3A_16 = vector.load %arg3[%get3A_13, %get3A_14, %get3A_15] : memref<2x1024x128xf32, #tpu.memory_space<vmem>>, vector<1x1024x128xf32>
    %get3A_17 = vector.shape_cast %get3A_16 : vector<1x1024x128xf32> to vector<1024x128xf32>
    %add3A_18 = arith.addf %get3A_12, %get3A_17 : vector<1024x128xf32>
    %get3A_19 = arith.constant 0 : index
    %get3A_20 = arith.constant 0 : index
    %get3A_21 = vector.load %arg2[%get3A_19, %get3A_20] : memref<1024x128xf32, #tpu.memory_space<vmem>>, vector<1024x128xf32>
    %add3A_22 = arith.addf %add3A_18, %get3A_21 : vector<1024x128xf32>
    %mul3A = vector.broadcast %rsqrt3A : vector<1024x1xf32> to vector<1024x128xf32>
    %mul3A_23 = arith.mulf %mul3A, %add3A_22 : vector<1024x128xf32>
    %get3A_24 = arith.constant 0 : index
    %get3A_25 = arith.constant 0 : index
    %get3A_26 = vector.load %arg6[%get3A_24, %get3A_25] : memref<1x128xf32, #tpu.memory_space<vmem>>, vector<1x128xf32>
    %add3A_27 = vector.broadcast %get3A_26 : vector<1x128xf32> to vector<1024x128xf32>
    %add3A_28 = arith.addf %mul3A_23, %add3A_27 : vector<1024x128xf32>
    %add3A_29 = arith.addf %get3A_7, %add3A_28 : vector<1024x128xf32>
    %get3A_30 = arith.constant 0 : index
    %get3A_31 = arith.constant 0 : index
    %get3A_32 = vector.load %arg7[%get3A_30, %get3A_31] : memref<1x128xf32, #tpu.memory_space<vmem>>, vector<1x128xf32>
    %get3A_33 = arith.constant 0 : index
    %get3A_34 = arith.constant 0 : index
    %get3A_35 = vector.load %arg8[%get3A_33, %get3A_34] : memref<1x128xf32, #tpu.memory_space<vmem>>, vector<1x128xf32>
    %reduce_sum3A_36 = arith.constant dense<0.000000e+00> : vector<1024xf32>
    %reduce_sum3A_37 = vector.multi_reduction <add>, %add3A_29, %reduce_sum3A_36 [1] : vector<1024x128xf32> to vector<1024xf32>
    %broadcast_in_dim3A_38 = vector.shape_cast %reduce_sum3A_37 : vector<1024xf32> to vector<1024x1xf32>
    %div3A = arith.constant 1.280000e+02 : f32
    %div3A_39 = vector.broadcast %div3A : f32 to vector<1024x1xf32>
    %div3A_40 = arith.divf %broadcast_in_dim3A_38, %div3A_39 : vector<1024x1xf32>
    %sub3A = vector.broadcast %div3A_40 : vector<1024x1xf32> to vector<1024x128xf32>
    %sub3A_41 = arith.subf %add3A_29, %sub3A : vector<1024x128xf32>
    %mul3A_42 = arith.mulf %sub3A_41, %sub3A_41 : vector<1024x128xf32>
    %reduce_sum3A_43 = arith.constant dense<0.000000e+00> : vector<1024xf32>
    %reduce_sum3A_44 = vector.multi_reduction <add>, %mul3A_42, %reduce_sum3A_43 [1] : vector<1024x128xf32> to vector<1024xf32>
    %broadcast_in_dim3A_45 = vector.shape_cast %reduce_sum3A_44 : vector<1024xf32> to vector<1024x1xf32>
    %div3A_46 = arith.constant 1.280000e+02 : f32
    %div3A_47 = vector.broadcast %div3A_46 : f32 to vector<1024x1xf32>
    %div3A_48 = arith.divf %broadcast_in_dim3A_45, %div3A_47 : vector<1024x1xf32>
    %add3A_49 = arith.constant 9.99999974E-6 : f32
    %add3A_50 = vector.broadcast %add3A_49 : f32 to vector<1024x1xf32>
    %add3A_51 = arith.addf %div3A_48, %add3A_50 : vector<1024x1xf32>
    %rsqrt3A_52 = math.rsqrt %add3A_51 : vector<1024x1xf32>
    %mul3A_53 = vector.broadcast %rsqrt3A_52 : vector<1024x1xf32> to vector<1024x128xf32>
    %mul3A_54 = arith.mulf %sub3A_41, %mul3A_53 : vector<1024x128xf32>
    %mul3A_55 = vector.broadcast %get3A_32 : vector<1x128xf32> to vector<1024x128xf32>
    %mul3A_56 = arith.mulf %mul3A_54, %mul3A_55 : vector<1024x128xf32>
    %add3A_57 = vector.broadcast %get3A_35 : vector<1x128xf32> to vector<1024x128xf32>
    %add3A_58 = arith.addf %mul3A_56, %add3A_57 : vector<1024x128xf32>
    %get3A_59 = arith.constant 0 : index
    %get3A_60 = arith.constant 0 : index
    %get3A_61 = vector.load %arg9[%get3A_59, %get3A_60] : memref<128x256xf32, #tpu.memory_space<vmem>>, vector<128x256xf32>
    %dot_general3A = arith.constant dense<0.000000e+00> : vector<1024x256xf32>
    %dot_general3A_62 = tpu.matmul %add3A_58, %get3A_61, %dot_general3A {dimension_numbers = #tpu.dot_dimension_numbers<[1], [0], [0], [1], [0, 0, 1, 1], [], []>, precision = #tpu.contract_precision<fp32>, transpose_lhs_hint = false} : vector<1024x128xf32>, vector<128x256xf32>, vector<1024x256xf32> -> vector<1024x256xf32>
    %get3A_63 = arith.constant 0 : index
    %get3A_64 = arith.constant 0 : index
    %get3A_65 = vector.load %arg10[%get3A_63, %get3A_64] : memref<1x256xf32, #tpu.memory_space<vmem>>, vector<1x256xf32>
    %add3A_66 = vector.broadcast %get3A_65 : vector<1x256xf32> to vector<1024x256xf32>
    %add3A_67 = arith.addf %dot_general3A_62, %add3A_66 : vector<1024x256xf32>
    %max3A = arith.constant 0.000000e+00 : f32
    %max3A_68 = vector.broadcast %max3A : f32 to vector<1024x256xf32>
    %max3A_69 = arith.maximumf %add3A_67, %max3A_68 : vector<1024x256xf32>
    %get3A_70 = arith.constant 0 : index
    %get3A_71 = arith.constant 0 : index
    %get3A_72 = vector.load %arg11[%get3A_70, %get3A_71] : memref<256x128xf32, #tpu.memory_space<vmem>>, vector<256x128xf32>
    %dot_general3A_73 = arith.constant dense<0.000000e+00> : vector<1024x128xf32>
    %dot_general3A_74 = tpu.matmul %max3A_69, %get3A_72, %dot_general3A_73 {dimension_numbers = #tpu.dot_dimension_numbers<[1], [0], [0], [1], [0, 0, 1, 1], [], []>, precision = #tpu.contract_precision<fp32>, transpose_lhs_hint = false} : vector<1024x256xf32>, vector<256x128xf32>, vector<1024x128xf32> -> vector<1024x128xf32>
    %get3A_75 = arith.constant 0 : index
    %get3A_76 = arith.constant 0 : index
    %get3A_77 = vector.load %arg12[%get3A_75, %get3A_76] : memref<1x128xf32, #tpu.memory_space<vmem>>, vector<1x128xf32>
    %add3A_78 = vector.broadcast %get3A_77 : vector<1x128xf32> to vector<1024x128xf32>
    %add3A_79 = arith.addf %dot_general3A_74, %add3A_78 : vector<1024x128xf32>
    %add3A_80 = arith.addf %add3A_58, %add3A_79 : vector<1024x128xf32>
    %get3A_81 = arith.constant 0 : index
    %get3A_82 = arith.constant 0 : index
    %get3A_83 = vector.load %arg13[%get3A_81, %get3A_82] : memref<1x128xf32, #tpu.memory_space<vmem>>, vector<1x128xf32>
    %get3A_84 = arith.constant 0 : index
    %get3A_85 = arith.constant 0 : index
    %get3A_86 = vector.load %arg14[%get3A_84, %get3A_85] : memref<1x128xf32, #tpu.memory_space<vmem>>, vector<1x128xf32>
    %reduce_sum3A_87 = arith.constant dense<0.000000e+00> : vector<1024xf32>
    %reduce_sum3A_88 = vector.multi_reduction <add>, %add3A_80, %reduce_sum3A_87 [1] : vector<1024x128xf32> to vector<1024xf32>
    %broadcast_in_dim3A_89 = vector.shape_cast %reduce_sum3A_88 : vector<1024xf32> to vector<1024x1xf32>
    %div3A_90 = arith.constant 1.280000e+02 : f32
    %div3A_91 = vector.broadcast %div3A_90 : f32 to vector<1024x1xf32>
    %div3A_92 = arith.divf %broadcast_in_dim3A_89, %div3A_91 : vector<1024x1xf32>
    %sub3A_93 = vector.broadcast %div3A_92 : vector<1024x1xf32> to vector<1024x128xf32>
    %sub3A_94 = arith.subf %add3A_80, %sub3A_93 : vector<1024x128xf32>
    %mul3A_95 = arith.mulf %sub3A_94, %sub3A_94 : vector<1024x128xf32>
    %reduce_sum3A_96 = arith.constant dense<0.000000e+00> : vector<1024xf32>
    %reduce_sum3A_97 = vector.multi_reduction <add>, %mul3A_95, %reduce_sum3A_96 [1] : vector<1024x128xf32> to vector<1024xf32>
    %broadcast_in_dim3A_98 = vector.shape_cast %reduce_sum3A_97 : vector<1024xf32> to vector<1024x1xf32>
    %div3A_99 = arith.constant 1.280000e+02 : f32
    %div3A_100 = vector.broadcast %div3A_99 : f32 to vector<1024x1xf32>
    %div3A_101 = arith.divf %broadcast_in_dim3A_98, %div3A_100 : vector<1024x1xf32>
    %add3A_102 = arith.constant 9.99999974E-6 : f32
    %add3A_103 = vector.broadcast %add3A_102 : f32 to vector<1024x1xf32>
    %add3A_104 = arith.addf %div3A_101, %add3A_103 : vector<1024x1xf32>
    %rsqrt3A_105 = math.rsqrt %add3A_104 : vector<1024x1xf32>
    %mul3A_106 = vector.broadcast %rsqrt3A_105 : vector<1024x1xf32> to vector<1024x128xf32>
    %mul3A_107 = arith.mulf %sub3A_94, %mul3A_106 : vector<1024x128xf32>
    %mul3A_108 = vector.broadcast %get3A_83 : vector<1x128xf32> to vector<1024x128xf32>
    %mul3A_109 = arith.mulf %mul3A_107, %mul3A_108 : vector<1024x128xf32>
    %add3A_110 = vector.broadcast %get3A_86 : vector<1x128xf32> to vector<1024x128xf32>
    %add3A_111 = arith.addf %mul3A_109, %add3A_110 : vector<1024x128xf32>
    %swap3A = arith.constant 0 : index
    %swap3A_112 = arith.constant 0 : index
    %swap3A_113 = vector.load %arg16[%swap3A, %swap3A_112] : memref<1024x128xf32, #tpu.memory_space<vmem>>, vector<1024x128xf32>
    tpu.vector_store %arg16[%swap3A, %swap3A_112], %add3A_111 {strides = array<i32>} : memref<1024x128xf32, #tpu.memory_space<vmem>>, vector<1024x128xf32>,
    %add3A_114 = arith.addf %get3A_7, %add3A_111 : vector<1024x128xf32>
    %get3A_115 = arith.constant 0 : index
    %get3A_116 = arith.constant 0 : index
    %get3A_117 = vector.load %arg5[%get3A_115, %get3A_116] : memref<128x36xf32, #tpu.memory_space<vmem>>, vector<128x36xf32>
    %dot_general3A_118 = arith.constant dense<0.000000e+00> : vector<1024x36xf32>
    %dot_general3A_119 = tpu.matmul %add3A_114, %get3A_117, %dot_general3A_118 {dimension_numbers = #tpu.dot_dimension_numbers<[1], [0], [0], [1], [0, 0, 1, 1], [], []>, precision = #tpu.contract_precision<fp32>, transpose_lhs_hint = false} : vector<1024x128xf32>, vector<128x36xf32>, vector<1024x36xf32> -> vector<1024x36xf32>
    %get3A_120 = arith.constant 0 : index
    %get3A_121 = arith.constant 0 : index
    %get3A_122 = vector.load %arg15[%get3A_120, %get3A_121] : memref<1x36xf32, #tpu.memory_space<vmem>>, vector<1x36xf32>
    %mul3A_123 = arith.constant 2.000000e+00 : f32
    %mul3A_124 = vector.broadcast %mul3A_123 : f32 to vector<1x36xf32>
    %mul3A_125 = arith.mulf %mul3A_124, %get3A_122 : vector<1x36xf32>
    %add3A_126 = vector.broadcast %mul3A_125 : vector<1x36xf32> to vector<1024x36xf32>
    %add3A_127 = arith.addf %dot_general3A_119, %add3A_126 : vector<1024x36xf32>
    %swap3A_128 = arith.constant 0 : index
    %swap3A_129 = arith.constant 0 : index
    %swap3A_130 = vector.load %arg17[%swap3A_128, %swap3A_129] : memref<1024x36xf32, #tpu.memory_space<vmem>>, vector<1024x36xf32>
    tpu.vector_store %arg17[%swap3A_128, %swap3A_129], %add3A_127 {strides = array<i32>} : memref<1024x36xf32, #tpu.memory_space<vmem>>, vector<1024x36xf32>,
    return
  }
  func.func @transform_0(%arg0: i32) -> (i32, i32) {
    %c0_i32 = arith.constant 0 : i32
    %c0_i32_0 = arith.constant 0 : i32
    return %arg0, %c0_i32 : i32, i32
  }
  func.func @transform_1(%arg0: i32) -> (i32, i32) {
    %c0_i32 = arith.constant 0 : i32
    %c0_i32_0 = arith.constant 0 : i32
    return %arg0, %c0_i32 : i32, i32
  }
  func.func @transform_2(%arg0: i32) -> (i32, i32, i32) {
    %c0_i32 = arith.constant 0 : i32
    %c0_i32_0 = arith.constant 0 : i32
    %c0_i32_1 = arith.constant 0 : i32
    return %c0_i32, %arg0, %c0_i32_0 : i32, i32, i32
  }
  func.func @transform_3(%arg0: i32) -> (i32, i32) {
    %c0_i32 = arith.constant 0 : i32
    %c0_i32_0 = arith.constant 0 : i32
    return %c0_i32, %arg0 : i32, i32
  }
  func.func @transform_4(%arg0: i32) -> (i32, i32) {
    %c0_i32 = arith.constant 0 : i32
    %c0_i32_0 = arith.constant 0 : i32
    %c0_i32_1 = arith.constant 0 : i32
    return %c0_i32, %c0_i32_0 : i32, i32
  }
  func.func @transform_5(%arg0: i32) -> (i32, i32) {
    %c0_i32 = arith.constant 0 : i32
    %c0_i32_0 = arith.constant 0 : i32
    %c0_i32_1 = arith.constant 0 : i32
    return %c0_i32, %c0_i32_0 : i32, i32
  }
  func.func @transform_6(%arg0: i32) -> (i32, i32) {
    %c0_i32 = arith.constant 0 : i32
    %c0_i32_0 = arith.constant 0 : i32
    %c0_i32_1 = arith.constant 0 : i32
    return %c0_i32, %c0_i32_0 : i32, i32
  }
  func.func @transform_7(%arg0: i32) -> (i32, i32) {
    %c0_i32 = arith.constant 0 : i32
    %c0_i32_0 = arith.constant 0 : i32
    %c0_i32_1 = arith.constant 0 : i32
    return %c0_i32, %c0_i32_0 : i32, i32
  }
  func.func @transform_8(%arg0: i32) -> (i32, i32) {
    %c0_i32 = arith.constant 0 : i32
    %c0_i32_0 = arith.constant 0 : i32
    %c0_i32_1 = arith.constant 0 : i32
    return %c0_i32, %c0_i32_0 : i32, i32
  }
  func.func @transform_9(%arg0: i32) -> (i32, i32) {
    %c0_i32 = arith.constant 0 : i32
    %c0_i32_0 = arith.constant 0 : i32
    %c0_i32_1 = arith.constant 0 : i32
    return %c0_i32, %c0_i32_0 : i32, i32
  }
  func.func @transform_10(%arg0: i32) -> (i32, i32) {
    %c0_i32 = arith.constant 0 : i32
    %c0_i32_0 = arith.constant 0 : i32
    %c0_i32_1 = arith.constant 0 : i32
    return %c0_i32, %c0_i32_0 : i32, i32
  }
  func.func @transform_11(%arg0: i32) -> (i32, i32) {
    %c0_i32 = arith.constant 0 : i32
    %c0_i32_0 = arith.constant 0 : i32
    %c0_i32_1 = arith.constant 0 : i32
    return %c0_i32, %c0_i32_0 : i32, i32
  }
  func.func @transform_12(%arg0: i32) -> (i32, i32) {
    %c0_i32 = arith.constant 0 : i32
    %c0_i32_0 = arith.constant 0 : i32
    %c0_i32_1 = arith.constant 0 : i32
    return %c0_i32, %c0_i32_0 : i32, i32
  }
  func.func @transform_13(%arg0: i32) -> (i32, i32) {
    %c0_i32 = arith.constant 0 : i32
    %c0_i32_0 = arith.constant 0 : i32
    %c0_i32_1 = arith.constant 0 : i32
    return %c0_i32, %c0_i32_0 : i32, i32
  }
  func.func @transform_14(%arg0: i32) -> (i32, i32) {
    %c0_i32 = arith.constant 0 : i32
    %c0_i32_0 = arith.constant 0 : i32
    %c0_i32_1 = arith.constant 0 : i32
    return %c0_i32, %c0_i32_0 : i32, i32
  }
  func.func @transform_15(%arg0: i32) -> (i32, i32) {
    %c0_i32 = arith.constant 0 : i32
    %c0_i32_0 = arith.constant 0 : i32
    return %arg0, %c0_i32 : i32, i32
  }
  func.func @transform_16(%arg0: i32) -> (i32, i32) {
    %c0_i32 = arith.constant 0 : i32
    %c0_i32_0 = arith.constant 0 : i32
    return %arg0, %c0_i32 : i32, i32
  }
}

</mosaic_0001>

<sc_bundles>
// kernel: kernel.11.cloned.1.call-start
scs
__scs_entry_jumppad:
0x0: {  	(pc) =	sbr.rel $0x88, $3  }
0x1: {  	(tag) =	ssettag $0x0;
	lr =	simm.s32 $0x1  }
0x2: {  	[smem:$0x3F89] =	sst lr;
	_ =	strace $0xD0000000  }
0x3: {  	_ = 	snop  }
0x4: {  	_ = 	snop  }
0x5: {  	_ = 	snop  }
0x6: {  	_ = 	snop  }
0x7: {  	_ = 	snop  }
__scs_overlays_trampoline_lowered:
0x8: {  	[smem:$0x3F98] =	sst s0  }
0x9: {  	[smem:$0x3F99] =	sst s1  }
0xa: {  	[smem:$0x3F9A] =	sst s2  }
0xb: {  	[smem:$0x3F9B] =	sst s3  }
0xc: {  	[smem:$0x3F9C] =	sst s4  }
0xd: {  	[smem:$0x3F9D] =	sst s5  }
0xe: {  	[smem:$0x3F9E] =	sst s6  }
0xf: {  	[smem:$0x3F9F] =	sst s7  }
0x10: {  	[smem:$0x3FA0] =	sst s8  }
0x11: {  	[smem:$0x3FA1] =	sst s9;
	s0 =	simm.s32 @!p0 $0x0  }
0x12: {  	s1 =	sld [smem:$0x3F87];
	s0 =	simm.s32 @p0 $0x1  }
0x13: {  	[smem:$0x3FA2] =	sst s0;
	s0 =	simm.s32 @!p1 $0x0  }
0x14: {  	s2 =	sld [smem:$0x3F86];
	s0 =	simm.s32 @p1 $0x1  }
0x15: {  	[smem:$0x3FA3] =	sst s0;
	s0 =	simm.s32 @!p2 $0x0  }
0x16: {  	s3 =	sld [smem:$0x3FDB];
	s0 =	simm.s32 @p2 $0x1  }
0x17: {  	s4 =	simm.s32 $0x1BF5;
	[smem:$0x3FA5] =	sst s0  }
0x18: {  	s0 =	sld [smem:$0x3F88];
	_ =	swait.ge [sflag:s4], $0x0  }
0x19: {  	s7 =	sld [smem:$0x3F89]  }
0x1a: {  	s8 =	sadd.s32 $0xFFFFE003, lr  }
0x1b: {  	s9 =	sadd.s32 $0xFFFFFEF7, lr;
	s5 =	simm.s32 $0xFFFFFFFF;
	p2 =	slt.u32 s8, $0xFFFFF086  }
0x1c: {  	p1 =	slt.u32 s9, $0xF7A;
	s5 =	simm.s32 @!p2 $0x0  }
0x1d: {  	s5 =	simm.s32 @p1 $0x1;
	p0 =	seq.s32 s7, s2  }
0x1e: {  	s7 =	smul.u32 @!p0 $0xF7A, s2;
	p2 =	seq.s32 @!p0 s5, $0x0  }
0x1f: {  	s9 =	smul.u32 $0xF7A, s1;
	s8 =	simm.s32 @!p0 $0x1BF5;
	p2 =	por !p2, p0  }
0x20: {  	[sflag:s8] =	ssyncset.s32 @!p0 $0xFFFFF086;
	s6 =	sadd.s32 @!p0 s3, s7;
	s7 =	simm.s32 @!p0 $0x108  }
0x21: {  	s3 =	sadd.s32 s3, s9;
	s6 =	sadd.s32 @!p0 $0x88, s6;
	s7 =	simm.s32 @p2 $0x1082  }
0x22: {  	[simem:s7], [sflag:s8] =	dma.local @!p0 [hbm:s6], $0xF7A  }
0x23: {  	s9 =	sor.u32 $0xD0000000, s2;
	s6 =	simm.s32 $0x108;
	_ =	swait.ge @!p0 [sflag:s8], $0x0  }
0x24: {  	s3 =	sadd.s32 $0x88, s3;
	s6 =	simm.s32 @!p1 $0x1082;
	[sflag:s4] =	ssyncset.s32 $0xFFFFF086  }
0x25: {  	[simem:s6], [sflag:s4] =	dma.local [hbm:s3], $0xF7A  }
0x26: {  	[smem:$0x3F89] =	sst s1;
	(tag) =	ssettag s2;
	_ =	strace s9  }
0x27: {  	s1 =	sld [smem:$0x3F99]  }
0x28: {  	s2 =	sld [smem:$0x3F9A]  }
0x29: {  	s4 =	sld [smem:$0x3F9C]  }
0x2a: {  	p0 =	seq.s32 s5, $0x0;
	s5 =	sld [smem:$0x3F9D]  }
0x2b: {  	s6 =	sld [smem:$0x3F9E]  }
0x2c: {  	s7 =	sld [smem:$0x3F9F]  }
0x2d: {  	s3 =	simm.s32 $0x108;
	s8 =	sld [smem:$0x3FA0]  }
0x2e: {  	s3 =	simm.s32 @!p0 $0x1082;
	s9 =	sld [smem:$0x3FA1]  }
0x2f: {  	lr =	sadd.s32 s0, s3;
	s0 =	sld [smem:$0x3F98]  }
0x30: {  	s3 =	sld [smem:$0x3F9B]  }
0x31: {  	[smem:$0x3FA4] =	sst s10  }
0x32: {  	s10 =	sld [smem:$0x3FA2];
	_ =	sdelay $0x3  }
0x33: {  	p0 =	seq.s32 s10, $0x1;
	s10 =	sld [smem:$0x3FA4];
	_ =	sdelay $0x3  }
0x34: {  	[smem:$0x3FA4] =	sst s10  }
0x35: {  	s10 =	sld [smem:$0x3FA3];
	_ =	sdelay $0x3  }
0x36: {  	p1 =	seq.s32 s10, $0x1;
	s10 =	sld [smem:$0x3FA4];
	_ =	sdelay $0x3  }
0x37: {  	[smem:$0x3FA4] =	sst s10  }
0x38: {  	s10 =	sld [smem:$0x3FA5]  }
0x39: {  	_ = 	snop;
	(pc) =	sbr.ind lr, $3  }
0x3a: {  	_ = 	snop  }
0x3b: {  	_ = 	snop  }
0x3c: {  	p2 =	seq.s32 s10, $0x1;
	s10 =	sld [smem:$0x3FA4]  }
0x3d: {  	_ =	shalt  }
0x3e: {  	_ =	shalt  }
0x3f: {  	_ =	shalt  }
0x40: {  	_ =	shalt  }
0x41: {  	_ =	shalt  }
0x42: {  	_ =	shalt  }
0x43: {  	_ =	shalt  }
0x44: {  	_ =	shalt  }
0x45: {  	_ =	shalt  }
0x46: {  	_ =	shalt  }
0x47: {  	_ =	shalt  }
0x48: {  	_ =	shalt  }
0x49: {  	_ =	shalt  }
0x4a: {  	_ =	shalt  }
0x4b: {  	_ =	shalt  }
0x4c: {  	_ =	shalt  }
0x4d: {  	_ =	shalt  }
0x4e: {  	_ =	shalt  }
0x4f: {  	_ =	shalt  }
0x50: {  	_ =	shalt  }
0x51: {  	_ =	shalt  }
0x52: {  	_ =	shalt  }
0x53: {  	_ =	shalt  }
0x54: {  	_ =	shalt  }
0x55: {  	_ =	shalt  }
0x56: {  	_ =	shalt  }
0x57: {  	_ =	shalt  }
0x58: {  	_ =	shalt  }
0x59: {  	_ =	shalt  }
0x5a: {  	_ =	shalt  }
0x5b: {  	_ =	shalt  }
0x5c: {  	_ =	shalt  }
0x5d: {  	_ =	shalt  }
0x5e: {  	_ =	shalt  }
0x5f: {  	_ =	shalt  }
0x60: {  	_ =	shalt  }
0x61: {  	_ =	shalt  }
0x62: {  	_ =	shalt  }
0x63: {  	_ =	shalt  }
0x64: {  	_ =	shalt  }
0x65: {  	_ =	shalt  }
0x66: {  	_ =	shalt  }
0x67: {  	_ =	shalt  }
0x68: {  	_ =	shalt  }
0x69: {  	_ =	shalt  }
0x6a: {  	_ =	shalt  }
0x6b: {  	_ =	shalt  }
0x6c: {  	_ =	shalt  }
0x6d: {  	_ =	shalt  }
0x6e: {  	_ =	shalt  }
0x6f: {  	_ =	shalt  }
0x70: {  	_ =	shalt  }
0x71: {  	_ =	shalt  }
0x72: {  	_ =	shalt  }
0x73: {  	_ =	shalt  }
0x74: {  	_ =	shalt  }
0x75: {  	_ =	shalt  }
0x76: {  	_ =	shalt  }
0x77: {  	_ =	shalt  }
0x78: {  	_ =	shalt  }
0x79: {  	_ =	shalt  }
0x7a: {  	_ =	shalt  }
0x7b: {  	_ =	shalt  }
0x7c: {  	_ =	shalt  }
0x7d: {  	_ =	shalt  }
0x7e: {  	_ =	shalt  }
0x7f: {  	_ =	shalt  }
0x80: {  	_ =	shalt  }
0x81: {  	_ =	shalt  }
0x82: {  	_ =	shalt  }
0x83: {  	_ =	shalt  }
0x84: {  	_ =	shalt  }
0x85: {  	_ =	shalt  }
0x86: {  	_ =	shalt  }
0x87: {  	_ =	shalt  }
.Lfunc_end0:
.L_simem_size_0:
called_computation.1_lowered:
.L_overlay_start_0:
0x88: {  	s2 =	sld [smem:$0x3FD9]  }
0x89: {  	s3 =	sld [smem:$0x3FFE];
	_ =	sdelay $0x1  }
0x8a: {  	s1 =	srdreg.scid  }
0x8b: {  	s0 =	sand.u32 $0x1, s1  }
0x8c: {  	s14 =	sshll.u32 s0, $0xA;
	s2 =	sadd.s32 s3, s2  }
0x8d: {  	s2 =	sadd.s32 s2, s14  }
0x8e: {  	[smem:$0x3FB0] =	sst s2  }
0x8f: {  	_ = 	snop  }
0x90: {  	s2 =	sld [smem:$0x3FD0];
	_ =	sdelay $0x2  }
0x91: {  	s15 =	simm.s32 $0xA;
	s4 =	simm.s32 $0x10  }
0x92: {  	[smem:s4], [sflag:s15] =	dma.local [hbm:s2], $0x1  }
0x93: {  	_ =	swait.eq [sflag:s15], $0x1  }
0x94: {  	[sflag:s15] =	ssyncset.done $0x0  }
0x95: {  	[sflag:s15] =	ssyncadd.s32 $0xFFFFFFFF  }
0x96: {  	s16 =	sld [smem:$0x11];
	(tm) =	ssettm $0x1  }
0x97: {  	s17 =	sld [smem:$0x3FFB];
	_ =	sdelay $0x3  }
0x98: {  	_ =	strace s17  }
0x99: {  	s3 =	sld [smem:$0x3FFC];
	_ =	sdelay $0x3  }
0x9a: {  	_ =	strace s3  }
0x9b: {  	s3 =	sld [smem:$0x3FFD];
	_ =	sdelay $0x3  }
0x9c: {  	_ =	strace s3  }
0x9d: {  	_ =	strace $0x8FFFFFFF  }
0x9e: {  	s18 =	sld [smem:$0x3FDB];
	_ =	sdelay $0x1  }
0x9f: {  	s19 =	simm.s32 $_scs_section_size  }
0xa0: {  	s5 =	simm.s32 $_size__tile_overlayer_lowered;
	s6 =	simm.s32 $_tile_overlayer_lowered  }
0xa1: {  	s22 =	simm.s32 $0x1BFF;
	s21 =	sshll.u32 s6, $0x1;
	s3 =	sadd.s32 s19, s18  }
0xa2: {  	s7 =	simm.s32 $0x0;
	s20 =	sshll.u32 s5, $0x1;
	s5 =	sadd.s32 s21, s3  }
0xa3: {  	[timem:s7], [sflag:s22] =	dma.local [hbm:s5], s20  }
0xa4: {  	_ =	swait.ge [sflag:s22], s20  }
0xa5: {  	s4 =	ssub.s32 $0x0, s20;
	[sflag:s22] =	ssyncset.done $0x0  }
0xa6: {  	[sflag:s22] =	ssyncadd.s32 s4;
	_ =	sdelay $0x1  }
0xa7: {  	s23 =	simm.s32 $0x1B8B  }
0xa8: {  	_ =	swait.ge [sflag:s23], $0x1  }
0xa9: {  	[sflag:s23] =	ssyncset.done $0x0  }
0xaa: {  	s25 =	simm.s32 $0x1B8E;
	s24 =	sld [smem:$0x3FFE];
	[sflag:s23] =	ssyncadd.s32 $0xFFFFFFFF  }
0xab: {  	s26 =	simm.s32 $execute0_lowered;
	[smem:$0x3FD2] =	sst s25  }
0xac: {  	s5 =	sshll.u32 s26, $0x1;
	_ =	strace $0x80000049;
	[dreg:$0x1] =	wrdreg $0xFFFFFFFF  }
0xad: {  	s28 =	simm.s32 $_size_execute0_lowered;
	s3 =	sadd.s32 s3, s5;
	[dreg:$0x0] =	wrdreg $0x0  }
0xae: {  	s5 =	sshll.u32 s28, $0x1;
	[dreg:$0x2] =	wrdreg s3  }
0xaf: {  	[dreg:$0x3] =	wrdreg s5  }
0xb0: {  	[dreg:$0x4] =	wrdreg $0xC0  }
0xb1: {  	_ =	task [dreg:s7], $0x5FFFF  }
0xb2: {  	[dreg:$0x1] =	wrdreg $0xFFFFFFFF  }
0xb3: {  	[dreg:$0x0] =	wrdreg $0x60  }
0xb4: {  	[dreg:$0x2] =	wrdreg s24  }
0xb5: {  	[dreg:$0x3] =	wrdreg s16  }
0xb6: {  	[dreg:$0x4] =	wrdreg $0x170000  }
0xb7: {  	[dreg:$0x5] =	wrdreg $0x9  }
0xb8: {  	_ =	task.clear_ibuf [dreg:s7], $0x6FFFF;
	_ =	strace $0x90000049  }
0xb9: {  	s29 =	simm.s32 $0x9;
	_ =	strace $0x8000004B  }
0xba: {  	_ =	swait.ge [sflag:s29], $0x1  }
0xbb: {  	[sflag:s29] =	ssyncadd.s32 $0xFFFFFFFF  }
0xbc: {  	_ =	strace $0x9000004B  }
0xbd: {  	_ =	sfence  }
0xbe: {  	s30 =	sld [smem:$0x0];
	_ =	sdelay $0x2  }
0xbf: {  	s31 =	sshll.u32 s1, $0xD;
	s1 =	sshrl.u32 s1, $0x2  }
0xc0: {  	s3 =	sand.u32 $0x4000, s31;
	s1 =	sadd.s32 s1, s30  }
0xc1: {  	s0 =	sor.u32 s3, s0;
	s1 =	sshll.u32 s1, $0x11  }
0xc2: {  	s0 =	sor.u32 s1, s0  }
0xc3: {  	s0 =	sadd.s32 $0x8F2B, s0  }
0xc4: {  	[sflag:s0] =	ssyncadd.remote.s32 $0x1  }
0xc5: {  	_ =	sfence.sel $0xFFFF  }
0xc6: {  	[dreg:$0x0] =	wrdreg $0xFFFFFFFF;
	(pc) =	sbr.abs _section_cstart, $3  }
0xc7: {  	[dreg:$0x1] =	wrdreg $0xFFFFFFFF  }
0xc8: {  	_ =	task.clear_ibuf [dreg:s7], $0x2FFFF;
	_ =	strace $0x9FFFFFFF  }
0xc9: {  	(tm) =	ssettm $0x7FFFFFFF  }
tec
execute0_lowered:
.L_overlay_start_1:
0x0: {  	(tag) =	ssettag $0x1  }
0x1: {  	s5 =	rddreg [dreg:$0x0]  }
0x2: {  	s6 =	rddreg [dreg:$0x1]  }
0x3: {  	s1 =	rddreg [dreg:$0x2]  }
0x4: {  	s3 =	simm.s32 $0x0;
	s2 =	srdreg.scid;
	s0 =	stileid.u32  }
0x5: {  	s13 =	simm.s32 $0x7800;
	s14 =	simm.s32 $0x5000;
	s10 =	smul.u32 $0x1B000, s0  }
0x6: {  	s15 =	simm.s32 $0xA000;
	s16 =	simm.s32 $0xC800;
	s11 =	smul.u32 $0x6C00, s0  }
0x7: {  	s17 =	simm.s32 $0xF000;
	[smem:$0x7FF] =	sst s3;
	s23 =	smul.u32 $0x1A000, s0  }
0x8: {  	s7 =	sand.u32 $0x1, s2;
	s9 =	sshll.u32 s0, $0x1;
	s25 =	smul.u32 $0x6800, s0  }
0x9: {  	s4 =	sadd.s32 $0x4C00, s5;
	s18 =	smul.u32 $0xD80, s0;
	_ =	strace $0x8000004A  }
0xa: {  	s8 =	smul.u32 $0x28000, s7;
	s9 =	sor.u32 s7, s9;
	s20 =	ssub.s32 $0x2, s7  }
0xb: {  	s21 =	smul.u32 $0x500, s9;
	s22 =	sshrl.u32 s20, $0x1;
	s10 =	sshrl.u32 s10, $0x2  }
0xc: {  	s26 =	sshrl.u32 s23, $0x2;
	s28 =	sshrl.u32 s11, $0x3;
	s11 =	simm.s32 $0x3  }
0xd: {  	s8 =	sadd.s32 s8, s5;
	s12 =	ssub.s32 s20, s22;
	s5 =	sadd.s32 s10, s1  }
0xe: {  	s10 =	sshrl.u32 s25, $0x3;
	s19 =	sadd.s32 $0xD800, s28;
	s24 =	sadd.s32 s6, s21  }
0xf: {  	s7 =	sadd.s32 $0x4000, s5;
	s20 =	sadd.s32 $0x2CC00, s8;
	s8 =	sadd.s32 s26, s1  }
0x10: {  	s21 =	sadd.s32 $0x1B000, s10;
	s30 =	smax.u32 s12, $0x1;
	[dreg:$0x4] =	wrdreg s24  }
0x11: {  	s12 =	simm.s32 $0x2800;
	s29 =	sadd.s32 $0x4000, s8;
	[dreg:$0x6] =	wrdreg s30  }
0x12: {  	v0 =	vimm.s32 $0x2710;
	v1 =	vimm.s32 $0xD80;
	s31 =	sadd.s32 s18, s20;
	s19 =	sadd.s32 s19, s20;
	[dreg:$0x5] =	wrdreg s29  }
0x13: {  	v2 =	vimm.s32 $0x0;
	v3 =	vlaneseq.u32;
	v4 =	vimm.f32 $0.0e+00;
	s20 =	sadd.s32 s21, s20;
	s21 =	simm.s32 $0x0;
	[dreg:$0x7] =	wrdreg s31  }
.LBB2_1:
0x14: {  	s0 =	rddreg [dreg:$0x4]  }
0x15: {  	[tilespmem:s3], [sflag:$0x3] =	stream.linear.gather [hbm4b:s0+s3], $0x2800, $0x38;
	[tilespmem:$0x1DC40] =	vst v63  }
0x16: {  	_ =	swait.ge [sflag:s11], $0x2800  }
0x17: {  	[sflag:s11] =	ssyncset.done $0x0  }
0x18: {  	[sflag:s11] =	ssyncadd.s32 $0xFFFFD800  }
0x19: {  	[smem:$0x0] =	sst s3  }
0x1a: {  	[smem:$0x1] =	sst s3  }
0x1b: {  	s23 =	simm.s32 $0x0;
	s22 =	simm.s32 $0x200;
	[smem:$0x2] =	sst s3  }
.LBB2_2:
0x1c: {  	p0 =	sne.s32 s22, $0x9E00;
	[tilespmem:s23+$0xC870] =	vst v1  }
0x1d: {  	[tilespmem:s23+$0x2800] =	vst v0  }
0x1e: {  	[tilespmem:s23+$0x7800] =	vst v1  }
0x1f: {  	[tilespmem:s23+$0x5000] =	vst v0  }
0x20: {  	[tilespmem:s23+$0xA000] =	vst v1  }
0x21: {  	[tilespmem:s23+$0xC800] =	vst v1  }
0x22: {  	[tilespmem:s23+$0x2810] =	vst v0  }
0x23: {  	[tilespmem:s23+$0x7810] =	vst v1  }
0x24: {  	[tilespmem:s23+$0x5010] =	vst v0  }
0x25: {  	[tilespmem:s23+$0xA010] =	vst v1  }
0x26: {  	[tilespmem:s23+$0xC810] =	vst v1  }
0x27: {  	[tilespmem:s23+$0x2820] =	vst v0  }
0x28: {  	[tilespmem:s23+$0x7820] =	vst v1  }
0x29: {  	[tilespmem:s23+$0x5020] =	vst v0  }
0x2a: {  	[tilespmem:s23+$0xA020] =	vst v1  }
0x2b: {  	[tilespmem:s23+$0xC820] =	vst v1  }
0x2c: {  	[tilespmem:s23+$0x2830] =	vst v0  }
0x2d: {  	[tilespmem:s23+$0x7830] =	vst v1  }
0x2e: {  	[tilespmem:s23+$0x5030] =	vst v0  }
0x2f: {  	[tilespmem:s23+$0xA030] =	vst v1  }
0x30: {  	[tilespmem:s23+$0xC830] =	vst v1  }
0x31: {  	[tilespmem:s23+$0x2840] =	vst v0  }
0x32: {  	[tilespmem:s23+$0x7840] =	vst v1  }
0x33: {  	[tilespmem:s23+$0x5040] =	vst v0  }
0x34: {  	[tilespmem:s23+$0xA040] =	vst v1  }
0x35: {  	[tilespmem:s23+$0xC840] =	vst v1  }
0x36: {  	[tilespmem:s23+$0x2850] =	vst v0  }
0x37: {  	[tilespmem:s23+$0x7850] =	vst v1  }
0x38: {  	[tilespmem:s23+$0x5050] =	vst v0  }
0x39: {  	[tilespmem:s23+$0xA050] =	vst v1  }
0x3a: {  	[tilespmem:s23+$0xC850] =	vst v1  }
0x3b: {  	[tilespmem:s23+$0x2860] =	vst v0  }
0x3c: {  	[tilespmem:s23+$0x7860] =	vst v1  }
0x3d: {  	[tilespmem:s23+$0x5060] =	vst v0  }
0x3e: {  	[tilespmem:s23+$0xA060] =	vst v1  }
.Ltmp0:
0x3f: {  	[tilespmem:s23+$0xC860] =	vst v1;
	(pc) =	sbr.rel @p0 .LBB2_2-.Ltmp0, $4  }
0x40: {  	[tilespmem:s23+$0x2870] =	vst v0  }
0x41: {  	[tilespmem:s23+$0x7870] =	vst v1  }
0x42: {  	[tilespmem:s23+$0x5070] =	vst v0  }
0x43: {  	[tilespmem:s23+$0xA070] =	vst v1;
	s23 =	sshra.s32 s22, $0x2;
	s22 =	sadd.s32 $0x200, s22  }
0x44: {  	[tilespmem:s23+$0xC870] =	vst v1  }
0x45: {  	[tilespmem:s23+$0x2800] =	vst v0  }
0x46: {  	[tilespmem:s23+$0x7800] =	vst v1  }
0x47: {  	[tilespmem:s23+$0x5000] =	vst v0  }
0x48: {  	[tilespmem:s23+$0xA000] =	vst v1  }
0x49: {  	[tilespmem:s23+$0xC800] =	vst v1  }
0x4a: {  	[tilespmem:s23+$0x2810] =	vst v0  }
0x4b: {  	[tilespmem:s23+$0x7810] =	vst v1  }
0x4c: {  	[tilespmem:s23+$0x5010] =	vst v0  }
0x4d: {  	[tilespmem:s23+$0xA010] =	vst v1  }
0x4e: {  	[tilespmem:s23+$0xC810] =	vst v1  }
0x4f: {  	[tilespmem:s23+$0x2820] =	vst v0  }
0x50: {  	[tilespmem:s23+$0x7820] =	vst v1  }
0x51: {  	[tilespmem:s23+$0x5020] =	vst v0  }
0x52: {  	[tilespmem:s23+$0xA020] =	vst v1  }
0x53: {  	[tilespmem:s23+$0xC820] =	vst v1  }
0x54: {  	[tilespmem:s23+$0x2830] =	vst v0  }
0x55: {  	[tilespmem:s23+$0x7830] =	vst v1  }
0x56: {  	[tilespmem:s23+$0x5030] =	vst v0  }
0x57: {  	[tilespmem:s23+$0xA030] =	vst v1  }
0x58: {  	[tilespmem:s23+$0xC830] =	vst v1  }
0x59: {  	[tilespmem:s23+$0x2840] =	vst v0  }
0x5a: {  	[tilespmem:s23+$0x7840] =	vst v1  }
0x5b: {  	[tilespmem:s23+$0x5040] =	vst v0  }
0x5c: {  	[tilespmem:s23+$0xA040] =	vst v1  }
0x5d: {  	[tilespmem:s23+$0xC840] =	vst v1  }
0x5e: {  	[tilespmem:s23+$0x2850] =	vst v0  }
0x5f: {  	[tilespmem:s23+$0x7850] =	vst v1  }
0x60: {  	[tilespmem:s23+$0x5050] =	vst v0  }
0x61: {  	[tilespmem:s23+$0xA050] =	vst v1  }
0x62: {  	[tilespmem:s23+$0xC850] =	vst v1  }
0x63: {  	[tilespmem:s23+$0x2860] =	vst v0  }
0x64: {  	[tilespmem:s23+$0x7860] =	vst v1  }
0x65: {  	[tilespmem:s23+$0x5060] =	vst v0  }
0x66: {  	[tilespmem:s23+$0xA060] =	vst v1  }
0x67: {  	[tilespmem:s23+$0xC860] =	vst v1  }
0x68: {  	[tilespmem:s23+$0x2870] =	vst v0  }
0x69: {  	[tilespmem:s23+$0x7870] =	vst v1  }
0x6a: {  	s22 =	simm.s32 $0x0;
	[tilespmem:s23+$0x5070] =	vst v0;
	s26 =	simm.s32 $0x0  }
0x6b: {  	[tilespmem:s23+$0xA070] =	vst v1;
	s25 =	simm.s32 $0x0;
	s23 =	simm.s32 $0x0;
	s24 =	simm.s32 $0x0  }
.LBB2_4:
0x6c: {  	v5 =	vmov s22;
	_ =	sdelay $0x3  }
0x6d: {  	s28 =	simm.s32 $0x0  }
0x6e: {  	v6 =	vld.idx.msk [tilespmem:v5+s28+$0x0 ss:$0x1], $0xffff;
	_ =	sdelay $0x4  }
0x6f: {  	vm1 =	vlt.u32 v6, $0xD800000;
	v7 =	vadd.s32 $0xF2800000, v6  }
0x70: {  	v8 =	vadd.s32 $0xE5000000, v6;
	v9 =	vsel vm1, $0x1, v2;
	vm2 =	vlt.u32 v7, $0xD800000  }
0x71: {  	vm0 =	vlt.u32 v8, $0xD000000;
	v7 =	vsel vm2, $0x1, v2;
	(xrf0) =	vadd.scan.msk.s32 $0xffff, v9  }
0x72: {  	v8 =	vsel vm0, $0x1, v2;
	(xrf0) =	vadd.scan.msk.s32 $0xffff, v7  }
0x73: {  	(xrf0) =	vadd.scan.msk.s32 $0xffff, v8;
	_ =	sdelay $0x1  }
0x74: {  	v7 =	vmov s24  }
0x75: {  	v7 =	vadd.s32 $0xFFFFFFFF, v7  }
0x76: {  	v8 =	vmov s25;
	v7 =	vbroadcast v7, $0x0;
	v9, _, _ =	vpop (xrf0)  }
0x77: {  	v10 =	vmov s26;
	v8 =	vadd.s32 $0xFFFFFFFF, v8;
	(v2sf) =	vpush v9, $0xF;
	v11, _, _ =	vpop (xrf0)  }
0x78: {  	v8 =	vbroadcast v8, $0x0;
	v7 =	vadd.s32 v9, v7;
	(v2sf) =	vpush v11, $0xF;
	v9, _, _ =	vpop (xrf0)  }
0x79: {  	v10 =	vadd.s32 $0xFFFFFFFF, v10;
	v7 =	vnsel vm1, $0x0, v7;
	(v2sf) =	vpush v9, $0xF  }
0x7a: {  	v10 =	vbroadcast v10, $0x0;
	v8 =	vadd.s32 v11, v8  }
0x7b: {  	v8 =	vnsel vm2, $0x0, v8  }
0x7c: {  	v9 =	vadd.s32 v9, v10  }
0x7d: {  	v10 =	vand.u32 $0xFFFF, v6;
	v9 =	vnsel vm0, $0x0, v9  }
0x7e: {  	v6 =	vshrl.u32 v6, $0x10;
	[tilespmem:v7+s12+$0x0] =	vst.idx.msk vm1, v10  }
0x7f: {  	[tilespmem:v7+s13+$0x0] =	vst.idx.msk vm1, v6  }
0x80: {  	v7 =	vadd.s32 $0xFFFFF280, v6;
	[tilespmem:v8+s14+$0x0] =	vst.idx.msk vm2, v10  }
0x81: {  	[tilespmem:v8+s15+$0x0] =	vst.idx.msk vm2, v7  }
0x82: {  	v6 =	vadd.s32 $0xFFFFE500, v6;
	[tilespmem:v9+s3+$0x0] =	vst.idx.msk vm0, v10  }
0x83: {  	s28 =	simm.s32 $0x10;
	[tilespmem:v9+s16+$0x0] =	vst.idx.msk vm0, v6  }
0x84: {  	v6 =	vld.idx.msk [tilespmem:v5+s28+$0x0 ss:$0x1], $0xffff;
	_ =	sdelay $0x1  }
0x85: {  	s28 =	spop (v2sf)  }
0x86: {  	s24 =	sadd.s32 s24, s28;
	s28 =	spop (v2sf)  }
0x87: {  	v7 =	vmov s24;
	[smem:$0x0] =	sst s24;
	s25 =	sadd.s32 s25, s28;
	s29 =	spop (v2sf)  }
0x88: {  	s28 =	simm.s32 $0x80;
	vm0 =	vlt.u32 v6, $0xD800000;
	v9 =	vadd.s32 $0xF2800000, v6;
	v8 =	vadd.s32 $0xE5000000, v6;
	[smem:$0x1] =	sst s25;
	s26 =	sadd.s32 s29, s26  }
.LBB2_5:
0x89: {  	p0 =	sne.s32 s28, $0x1C0  }
0x8a: {  	v10 =	vsel vm0, $0x1, v2;
	v7 =	vadd.s32 $0xFFFFFFFF, v7;
	vm1 =	vlt.u32 v9, $0xD800000;
	[smem:$0x2] =	sst s26;
	s29 =	smov.u32 s28;
	s28 =	sadd.s32 $0x40, s28  }
0x8b: {  	v11 =	vmov s25;
	vm2 =	vlt.u32 v8, $0xD000000;
	v9 =	vsel vm1, $0x1, v2;
	(xrf0) =	vadd.scan.msk.s32 $0xffff, v10  }
0x8c: {  	v8 =	vadd.s32 $0xFFFFFFFF, v11;
	v10 =	vsel vm2, $0x1, v2;
	(xrf0) =	vadd.scan.msk.s32 $0xffff, v9  }
0x8d: {  	(xrf0) =	vadd.scan.msk.s32 $0xffff, v10;
	_ =	sdelay $0x2  }
0x8e: {  	v7 =	vbroadcast v7, $0x0;
	v9 =	vmov s26  }
0x8f: {  	v8 =	vbroadcast v8, $0x0;
	v9 =	vadd.s32 $0xFFFFFFFF, v9;
	v10, _, _ =	vpop (xrf0)  }
0x90: {  	v9 =	vbroadcast v9, $0x0;
	v7 =	vadd.s32 v10, v7;
	(v2sf) =	vpush v10, $0xF;
	v10, _, _ =	vpop (xrf0)  }
0x91: {  	v7 =	vnsel vm0, $0x0, v7;
	v8 =	vadd.s32 v10, v8;
	(v2sf) =	vpush v10, $0xF;
	v10, _, _ =	vpop (xrf0)  }
0x92: {  	v9 =	vadd.s32 v10, v9;
	(v2sf) =	vpush v10, $0xF  }
0x93: {  	v8 =	vnsel vm1, $0x0, v8;
	_ =	sdelay $0x1  }
0x94: {  	v10 =	vand.u32 $0xFFFF, v6;
	v9 =	vnsel vm2, $0x0, v9  }
0x95: {  	v6 =	vshrl.u32 v6, $0x10;
	[tilespmem:v7+s12+$0x0] =	vst.idx.msk vm0, v10  }
0x96: {  	[tilespmem:v7+s13+$0x0] =	vst.idx.msk vm0, v6  }
0x97: {  	v7 =	vadd.s32 $0xFFFFF280, v6;
	[tilespmem:v8+s14+$0x0] =	vst.idx.msk vm1, v10  }
0x98: {  	[tilespmem:v8+s15+$0x0] =	vst.idx.msk vm1, v7  }
0x99: {  	v6 =	vadd.s32 $0xFFFFE500, v6;
	[tilespmem:v9+s3+$0x0] =	vst.idx.msk vm2, v10  }
0x9a: {  	s29 =	sshra.s32 s29, $0x2;
	[tilespmem:v9+s16+$0x0] =	vst.idx.msk vm2, v6  }
0x9b: {  	v6 =	vld.idx.msk [tilespmem:v5+s29+$0x0 ss:$0x1], $0xffff;
	_ =	sdelay $0x1  }
.Ltmp1:
0x9c: {  	(pc) =	sbr.rel @p0 .LBB2_5-.Ltmp1, $4  }
0x9d: {  	s29 =	spop (v2sf)  }
0x9e: {  	s24 =	sadd.s32 s24, s29;
	s29 =	spop (v2sf)  }
0x9f: {  	v7 =	vmov s24;
	[smem:$0x0] =	sst s24;
	s25 =	sadd.s32 s25, s29;
	s29 =	spop (v2sf)  }
0xa0: {  	vm0 =	vlt.u32 v6, $0xD800000;
	v9 =	vadd.s32 $0xF2800000, v6;
	v8 =	vadd.s32 $0xE5000000, v6;
	[smem:$0x1] =	sst s25;
	s26 =	sadd.s32 s29, s26  }
0xa1: {  	v5 =	vsel vm0, $0x1, v2;
	vm2 =	vlt.u32 v9, $0xD800000  }
0xa2: {  	vm1 =	vlt.u32 v8, $0xD000000;
	(xrf0) =	vadd.scan.msk.s32 $0xffff, v5;
	v5 =	vsel vm2, $0x1, v2  }
0xa3: {  	v8 =	vsel vm1, $0x1, v2;
	(xrf0) =	vadd.scan.msk.s32 $0xffff, v5  }
0xa4: {  	(xrf0) =	vadd.scan.msk.s32 $0xffff, v8;
	_ =	sdelay $0x3  }
0xa5: {  	v5, _, _ =	vpop (xrf0)  }
0xa6: {  	(v2sf) =	vpush v5, $0xF;
	v61, _, _ =	vpop (xrf0)  }
0xa7: {  	(v2sf) =	vpush v61, $0xF;
	v62, _, _ =	vpop (xrf0)  }
0xa8: {  	(v2sf) =	vpush v62, $0xF;
	_ =	sdelay $0x2  }
0xa9: {  	v7 =	vadd.s32 $0xFFFFFFFF, v7  }
0xaa: {  	v10 =	vmov s25;
	v7 =	vbroadcast v7, $0x0  }
0xab: {  	v10 =	vadd.s32 $0xFFFFFFFF, v10  }
0xac: {  	v10 =	vbroadcast v10, $0x0;
	v5 =	vadd.s32 v5, v7;
	v7 =	vmov s26  }
0xad: {  	v7 =	vadd.s32 $0xFFFFFFFF, v7;
	v5 =	vnsel vm0, $0x0, v5  }
0xae: {  	v8 =	vadd.s32 v61, v10;
	v7 =	vbroadcast v7, $0x0  }
0xaf: {  	v8 =	vnsel vm2, $0x0, v8  }
0xb0: {  	v7 =	vadd.s32 v62, v7  }
0xb1: {  	v63 =	vand.u32 $0xFFFF, v6;
	s23 =	sadd.s32 $0x1, s23;
	v7 =	vnsel vm1, $0x0, v7  }
0xb2: {  	v6 =	vshrl.u32 v6, $0x10;
	p0 =	sne.s32 s23, $0x50;
	[tilespmem:v5+s12+$0x0] =	vst.idx.msk vm0, v63  }
.Ltmp2:
0xb3: {  	[tilespmem:v5+s13+$0x0] =	vst.idx.msk vm0, v6;
	s28 =	spop (v2sf);
	(pc) =	sbr.rel @p0 .LBB2_4-.Ltmp2, $4  }
0xb4: {  	[smem:$0x2] =	sst s26;
	v5 =	vadd.s32 $0xFFFFF280, v6;
	[tilespmem:v8+s14+$0x0] =	vst.idx.msk vm2, v63;
	s24 =	sadd.s32 s24, s28;
	s30 =	spop (v2sf)  }
0xb5: {  	[tilespmem:v8+s15+$0x0] =	vst.idx.msk vm2, v5;
	[smem:$0x0] =	sst s24;
	s25 =	sadd.s32 s25, s30;
	s31 =	spop (v2sf)  }
0xb6: {  	v5 =	vadd.s32 $0xFFFFE500, v6;
	[tilespmem:v7+s3+$0x0] =	vst.idx.msk vm1, v63;
	[smem:$0x1] =	sst s25;
	s26 =	sadd.s32 s31, s26  }
0xb7: {  	s22 =	sadd.s32 $0x80, s22;
	[tilespmem:v7+s16+$0x0] =	vst.idx.msk vm1, v5;
	[smem:$0x2] =	sst s26  }
0xb8: {  	p0 =	sgt.s32 s26, $0x27FF  }
.Ltmp3:
0xb9: {  	_ = 	snop;
	(pc) =	sbr.rel @p0 .LBB2_11-.Ltmp3, $1  }
0xba: {  	_ =	sdelay $0x3  }
0xbb: {  	s22 =	sand.u32 $0xFFFFFF80, s26  }
0xbc: {  	v5 =	vmov s22;
	_ =	sdelay $0x3  }
0xbd: {  	s28 =	simm.s32 $0x0  }
0xbe: {  	v7 =	vld.idx.msk [tilespmem:v5+s28+$0x0 ss:$0x1], $0xffff;
	_ =	sdelay $0x2  }
0xbf: {  	v6 =	vmov s26;
	v8 =	vor.u32 s22, v3  }
0xc0: {  	vm0 =	vlt.s32 v8, v6  }
0xc1: {  	v7 =	vnsel vm0, $0x2710, v7  }
0xc2: {  	s23 =	simm.s32 $0x10;
	s25 =	simm.s32 $0x80;
	[tilespmem:v5+s28+$0x0 ss:$0x1] =	vst.idx.msk $0xffff, v7  }
.LBB2_9:
0xc3: {  	p0 =	sne.s32 s25, $0x1C0;
	v7 =	vld.idx.msk [tilespmem:v5+s23+$0x0 ss:$0x1], $0xffff;
	_ =	sdelay $0x2  }
.Ltmp4:
0xc4: {  	s22 =	sadd.s32 $0x10, s22;
	(pc) =	sbr.rel @p0 .LBB2_9-.Ltmp4, $4  }
0xc5: {  	v8 =	vor.u32 s22, v3  }
0xc6: {  	vm0 =	vlt.s32 v8, v6  }
0xc7: {  	v7 =	vnsel vm0, $0x2710, v7  }
0xc8: {  	[tilespmem:v5+s23+$0x0 ss:$0x1] =	vst.idx.msk $0xffff, v7;
	s23 =	sshra.s32 s25, $0x2;
	s25 =	sadd.s32 $0x40, s25  }
0xc9: {  	_ =	sdelay $0x3  }
0xca: {  	v7 =	vld.idx.msk [tilespmem:v5+s23+$0x0 ss:$0x1], $0xffff;
	_ =	sdelay $0x1  }
0xcb: {  	s22 =	sadd.s32 $0x10, s22  }
0xcc: {  	v8 =	vor.u32 s22, v3  }
0xcd: {  	vm0 =	vlt.s32 v8, v6  }
0xce: {  	v6 =	vnsel vm0, $0x2710, v7  }
0xcf: {  	[tilespmem:v5+s23+$0x0 ss:$0x1] =	vst.idx.msk $0xffff, v6  }
.LBB2_11:
0xd0: {  	s22 =	simm.s32 $0x0;
	s23 =	simm.s32 $0x200  }
.LBB2_12:
0xd1: {  	p0 =	sne.s32 s23, $0xFE00;
	[tilespmem:s22+$0xF070] =	vst v4  }
0xd2: {  	[tilespmem:s22+$0xF000] =	vst v4  }
0xd3: {  	[tilespmem:s22+$0xF010] =	vst v4  }
.Ltmp5:
0xd4: {  	[tilespmem:s22+$0xF020] =	vst v4;
	(pc) =	sbr.rel @p0 .LBB2_12-.Ltmp5, $4  }
0xd5: {  	[tilespmem:s22+$0xF030] =	vst v4  }
0xd6: {  	[tilespmem:s22+$0xF040] =	vst v4  }
0xd7: {  	[tilespmem:s22+$0xF050] =	vst v4  }
0xd8: {  	[tilespmem:s22+$0xF060] =	vst v4;
	s22 =	sshra.s32 s23, $0x2;
	s23 =	sadd.s32 $0x200, s23  }
0xd9: {  	[tilespmem:s22+$0xF070] =	vst v4  }
0xda: {  	[tilespmem:s22+$0xF000] =	vst v4  }
0xdb: {  	[tilespmem:s22+$0xF010] =	vst v4  }
0xdc: {  	[tilespmem:s22+$0xF020] =	vst v4  }
0xdd: {  	[tilespmem:s22+$0xF030] =	vst v4  }
0xde: {  	[tilespmem:s22+$0xF040] =	vst v4  }
0xdf: {  	[tilespmem:s22+$0xF050] =	vst v4  }
0xe0: {  	s23 =	sadd.s32 $0x7F, s24;
	[tilespmem:s22+$0xF060] =	vst v4  }
0xe1: {  	[spmem:s5] =	stream.linear.scatter [tilespmem:s17], [sflag:$0x3], $0x4000, $0x38;
	[tilespmem:$0x1DC40] =	vst v63  }
0xe2: {  	s31 =	sshra.s32 s23, $0x1F;
	s24 =	sand.u32 $0x7F, s23;
	p0 =	slt.s32 s23, $0x1  }
0xe3: {  	s22 =	sshrl.u32 s31, $0x19;
	_ =	swait.ge [sflag:s11], $0x4000;
	p1 =	sne.s32 s24, $0x0  }
0xe4: {  	[sflag:s11] =	ssyncset.done $0x0;
	s22 =	sadd.s32 s22, s23;
	p0 =	por !p0, !p1  }
0xe5: {  	s23 =	simm.s32 $0x1;
	[sflag:s11] =	ssyncadd.s32 $0xFFFFC000;
	p0 =	por !p0, !p0  }
0xe6: {  	[spmem:s7] =	stream.linear.scatter [tilespmem:s17], [sflag:$0x3], $0x2C00, $0x38;
	[tilespmem:$0x1DC40] =	vst v63  }
0xe7: {  	s22 =	sshra.s32 s22, $0x7;
	s23 =	simm.s32 @!p0 $0x0  }
0xe8: {  	_ =	swait.ge [sflag:s11], $0x2C00;
	s22 =	ssub.s32 s22, s23  }
0xe9: {  	[sflag:s11] =	ssyncset.done $0x0;
	p0 =	slt.s32 s22, $0x1  }
0xea: {  	p1 =	sle.s32 s22, $0x0;
	[sflag:s11] =	ssyncadd.s32 $0xFFFFD400;
	s23 =	simm.s32 @!p0 $0x80  }
0xeb: {  	s24 =	simm.s32 @!p0 $0x2800;
	s25 =	simm.s32 @!p0 $0xF000;
	[bflag:$0x0] =	sbarrier.arrive $0xFFFF  }
0xec: {  	[tilespmem:s25], [sflag:$0x1] =	stream.indirect.gather @!p0 [hbm4b:s4+s23], $0x80, s24, s23, $0xb8;
	[tilespmem:$0x1DC40] =	vst v63  }
0xed: {  	p0 =	sle.u32 @!p1 s22, $0x1  }
0xee: {  	s23 =	simm.s32 @!p1 $0x1;
	p0 =	por p0, p1  }
0xef: {  	s24 =	simm.s32 @!p0 $0x2880;
	s25 =	simm.s32 @!p0 $0x80;
	s26 =	simm.s32 @!p0 $0x13000  }
0xf0: {  	[tilespmem:s26], [sflag:$0x2] =	stream.indirect.gather @!p0 [hbm4b:s4+s25], $0x80, s24, s25, $0xb8;
	[tilespmem:$0x1DC40] =	vst v63  }
0xf1: {  	s28 =	simm.s32 @!p1 $0x80;
	p2 =	sle.u32 @!p1 s22, $0x2;
	_ =	swait.ge @!p1 [sflag:s23], $0x4000  }
0xf2: {  	s29 =	simm.s32 @!p1 $0x4;
	p2 =	por p2, p1;
	[sflag:s23] =	ssyncset.done @!p1 $0x0  }
0xf3: {  	s24 =	simm.s32 @!p1 $0x7800;
	[sflag:s23] =	ssyncadd.s32 @!p1 $0xFFFFC000;
	s23 =	simm.s32 @!p1 $0xF000  }
0xf4: {  	[spmem:s1] =	stream.indirect.scatter.add.f32 @!p1 [tilespmem:s23], [sflag:$0x4], $0x80, s24, s28, $0xb8;
	[tilespmem:$0x1DC40] =	vst v63  }
0xf5: {  	s23 =	simm.s32 @!p2 $0x80;
	_ =	swait.ge @!p1 [sflag:s29], $0x4000  }
0xf6: {  	s24 =	simm.s32 @!p2 $0xF000;
	s28 =	simm.s32 @!p0 $0x2;
	[sflag:s29] =	ssyncset.done @!p1 $0x0  }
0xf7: {  	[sflag:s29] =	ssyncadd.s32 @!p1 $0xFFFFC000;
	s29 =	simm.s32 @!p2 $0x2900;
	p1 =	por p0, p0  }
0xf8: {  	[tilespmem:s24], [sflag:$0x1] =	stream.indirect.gather @!p2 [hbm4b:s4+s23], $0x80, s29, s23, $0xb8;
	[tilespmem:$0x1DC40] =	vst v63  }
0xf9: {  	_ =	swait.ge @!p1 [sflag:s28], $0x4000  }
0xfa: {  	s23 =	simm.s32 $0x400;
	s24 =	simm.s32 $0x800;
	[sflag:s28] =	ssyncset.done @!p1 $0x0  }
0xfb: {  	s29 =	simm.s32 @!p0 $0x7880;
	p0 =	sle.s32 s22, $0x2;
	[sflag:s28] =	ssyncadd.s32 @!p1 $0xFFFFC000  }
0xfc: {  	[spmem:s1] =	stream.indirect.scatter.add.f32 @!p1 [tilespmem:s26], [sflag:$0x3], $0x80, s29, s25, $0xb8;
	[tilespmem:$0x1DC40] =	vst v63  }
0xfd: {  	p2 =	sle.u32 @!p0 s22, $0x3;
	s28 =	simm.s32 @!p1 $0x3;
	s25 =	simm.s32 $0x2  }
0xfe: {  	s29 =	simm.s32 @!p0 $0x100;
	s26 =	simm.s32 @!p0 $0x4;
	_ =	swait.ge @!p1 [sflag:s28], $0x4000  }
.LBB2_14:
0xff: {  	p2 =	por p2, p0  }
0x100: {  	s29 =	sadd.s32 @!p0 $0x7800, s29;
	[sflag:s28] =	ssyncset.done @!p1 $0x0;
	s30 =	smov.u32 s24  }
0x101: {  	s0 =	simm.s32 @!p0 $0x1;
	s31 =	sshra.s32 @!p2 s23, $0x2;
	[sflag:s28] =	ssyncadd.s32 @!p1 $0xFFFFC000  }
0x102: {  	s2 =	simm.s32 @!p2 $0x80;
	s6 =	simm.s32 @!p2 $0x13000;
	s28 =	sadd.s32 @!p2 $0x2880, s31  }
0x103: {  	[tilespmem:s6], [sflag:$0x2] =	stream.indirect.gather @!p2 [hbm4b:s4+s2], $0x80, s28, s2, $0xb8;
	[tilespmem:$0x1DC40] =	vst v63  }
0x104: {  	s24 =	sadd.s32 $0x400, s24;
	s31 =	sadd.s32 @!p2 $0x7880, s31;
	_ =	swait.ge @!p0 [sflag:s0], $0x4000  }
0x105: {  	p1 =	sge.u32 @!p0 s26, s22;
	s28 =	simm.s32 @!p0 $0x80;
	[sflag:s0] =	ssyncset.done @!p0 $0x0  }
0x106: {  	s26 =	simm.s32 @!p0 $0x4;
	[sflag:s0] =	ssyncadd.s32 @!p0 $0xFFFFC000;
	s0 =	simm.s32 @!p0 $0xF000  }
0x107: {  	[spmem:s1] =	stream.indirect.scatter.add.f32 @!p0 [tilespmem:s0], [sflag:$0x4], $0x80, s29, s28, $0xb8;
	[tilespmem:$0x1DC40] =	vst v63  }
0x108: {  	p3 =	sne.s32 s24, $0xA000;
	p4 =	por p1, p0;
	_ =	swait.ge @!p0 [sflag:s26], $0x4000  }
0x109: {  	s0 =	simm.s32 @!p4 $0x80;
	s28 =	simm.s32 @!p4 $0xF000;
	[sflag:s26] =	ssyncset.done @!p0 $0x0  }
0x10a: {  	s23 =	sshra.s32 @!p4 s23, $0x2;
	[sflag:s26] =	ssyncadd.s32 @!p0 $0xFFFFC000;
	s26 =	simm.s32 @!p2 $0x2  }
0x10b: {  	p1 =	por p2, p2;
	s29 =	sadd.s32 @!p4 $0x2900, s23;
	s23 =	smov.u32 s30  }
0x10c: {  	[tilespmem:s28], [sflag:$0x1] =	stream.indirect.gather @!p4 [hbm4b:s4+s0], $0x80, s29, s0, $0xb8;
	[tilespmem:$0x1DC40] =	vst v63  }
.Ltmp6:
0x10d: {  	s25 =	sadd.s32 $0x2, s25;
	_ =	swait.ge @!p1 [sflag:s26], $0x4000;
	(pc) =	sbr.rel @p3 .LBB2_14-.Ltmp6, $4  }
0x10e: {  	p0 =	sge.s32 s25, s22;
	s28 =	simm.s32 @!p1 $0x3;
	[sflag:s26] =	ssyncset.done @!p1 $0x0  }
0x10f: {  	s0 =	sadd.s32 @!p0 $0x1, s25;
	s29 =	sshra.s32 @!p0 s23, $0x2;
	[sflag:s26] =	ssyncadd.s32 @!p1 $0xFFFFC000  }
0x110: {  	[spmem:s1] =	stream.indirect.scatter.add.f32 @!p1 [tilespmem:s6], [sflag:$0x3], $0x80, s31, s2, $0xb8;
	[tilespmem:$0x1DC40] =	vst v63  }
0x111: {  	p2 =	sge.u32 @!p0 s0, s22;
	s26 =	sadd.s32 @!p0 $0x2, s25;
	_ =	swait.ge @!p1 [sflag:s28], $0x4000  }
0x112: {  	p2 =	por p2, p0;
	[sflag:s28] =	ssyncset.done @!p1 $0x0  }
0x113: {  	s2 =	simm.s32 @!p0 $0x1;
	s0 =	sshra.s32 @!p2 s23, $0x2;
	[sflag:s28] =	ssyncadd.s32 @!p1 $0xFFFFC000  }
0x114: {  	s24 =	simm.s32 @!p2 $0x80;
	s25 =	simm.s32 @!p2 $0x13000;
	s6 =	sadd.s32 @!p2 $0x2880, s0  }
0x115: {  	[tilespmem:s25], [sflag:$0x2] =	stream.indirect.gather @!p2 [hbm4b:s4+s24], $0x80, s6, s24, $0xb8;
	[tilespmem:$0x1DC40] =	vst v63  }
0x116: {  	s28 =	simm.s32 @!p0 $0x80;
	_ =	swait.ge @!p0 [sflag:s2], $0x4000  }
0x117: {  	p1 =	sge.u32 @!p0 s26, s22;
	s22 =	simm.s32 @!p0 $0x4;
	[sflag:s2] =	ssyncset.done @!p0 $0x0  }
0x118: {  	s6 =	sadd.s32 @!p0 $0x7800, s29;
	[sflag:s2] =	ssyncadd.s32 @!p0 $0xFFFFC000;
	s2 =	simm.s32 @!p0 $0xF000  }
0x119: {  	[spmem:s1] =	stream.indirect.scatter.add.f32 @!p0 [tilespmem:s2], [sflag:$0x4], $0x80, s6, s28, $0xb8;
	[tilespmem:$0x1DC40] =	vst v63  }
0x11a: {  	p1 =	por p1, p0;
	_ =	swait.ge @!p0 [sflag:s22], $0x4000  }
0x11b: {  	s2 =	simm.s32 @!p1 $0x80;
	[sflag:s22] =	ssyncset.done @!p0 $0x0  }
0x11c: {  	s6 =	simm.s32 @!p1 $0xF000;
	[sflag:s22] =	ssyncadd.s32 @!p0 $0xFFFFC000;
	s22 =	sshra.s32 @!p1 s23, $0x2  }
0x11d: {  	s23 =	simm.s32 @!p2 $0x2;
	p0 =	por p2, p2;
	s22 =	sadd.s32 @!p1 $0x2900, s22  }
0x11e: {  	[tilespmem:s6], [sflag:$0x1] =	stream.indirect.gather @!p1 [hbm4b:s4+s2], $0x80, s22, s2, $0xb8;
	[tilespmem:$0x1DC40] =	vst v63  }
0x11f: {  	_ =	swait.ge @!p0 [sflag:s23], $0x4000  }
0x120: {  	[sflag:s23] =	ssyncset.done @!p0 $0x0  }
0x121: {  	s0 =	sadd.s32 @!p2 $0x7880, s0;
	s2 =	simm.s32 @!p0 $0x3;
	[sflag:s23] =	ssyncadd.s32 @!p0 $0xFFFFC000  }
0x122: {  	[spmem:s1] =	stream.indirect.scatter.add.f32 @!p0 [tilespmem:s25], [sflag:$0x3], $0x80, s0, s24, $0xb8;
	[tilespmem:$0x1DC40] =	vst v63  }
0x123: {  	_ =	swait.ge @!p0 [sflag:s2], $0x4000  }
0x124: {  	[sflag:s2] =	ssyncset.done @!p0 $0x0  }
0x125: {  	s30 =	stileid.u32;
	[sflag:s2] =	ssyncadd.s32 @!p0 $0xFFFFC000  }
0x126: {  	s0 =	sshll.u32 s30, $0x6;
	[bflag:$0x0] =	sbarrier.arrive $0xFFFF  }
0x127: {  	s23 =	sshrl.u32 s5, $0x3;
	s22 =	sor.u32 $0x1C03, s0;
	s31 =	rddreg [dreg:$0x7]  }
0x128: {  	[hbm:s31], [sflag:s22] =	dma.local [spmem:s23], $0xD80  }
0x129: {  	_ =	swait.ge [sflag:s11], $0xD80  }
0x12a: {  	[sflag:s11] =	ssyncset.done $0x0  }
0x12b: {  	[sflag:s11] =	ssyncadd.s32 $0xFFFFF280  }
0x12c: {  	s26 =	simm.s32 $0x200;
	s25 =	simm.s32 $0x0;
	s24 =	sld [smem:$0x1]  }
.LBB2_16:
0x12d: {  	p0 =	sne.s32 s26, $0xFE00;
	[tilespmem:s25+$0xF070] =	vst v4  }
0x12e: {  	[tilespmem:s25+$0xF000] =	vst v4  }
0x12f: {  	[tilespmem:s25+$0xF010] =	vst v4  }
.Ltmp7:
0x130: {  	[tilespmem:s25+$0xF020] =	vst v4;
	(pc) =	sbr.rel @p0 .LBB2_16-.Ltmp7, $4  }
0x131: {  	[tilespmem:s25+$0xF030] =	vst v4  }
0x132: {  	[tilespmem:s25+$0xF040] =	vst v4  }
0x133: {  	[tilespmem:s25+$0xF050] =	vst v4  }
0x134: {  	[tilespmem:s25+$0xF060] =	vst v4;
	s25 =	sshra.s32 s26, $0x2;
	s26 =	sadd.s32 $0x200, s26  }
0x135: {  	[tilespmem:s25+$0xF070] =	vst v4  }
0x136: {  	[tilespmem:s25+$0xF000] =	vst v4  }
0x137: {  	[tilespmem:s25+$0xF010] =	vst v4  }
0x138: {  	[tilespmem:s25+$0xF020] =	vst v4  }
0x139: {  	[tilespmem:s25+$0xF030] =	vst v4  }
0x13a: {  	[tilespmem:s25+$0xF040] =	vst v4  }
0x13b: {  	[tilespmem:s25+$0xF050] =	vst v4  }
0x13c: {  	s0 =	sadd.s32 $0x7F, s24;
	[tilespmem:s25+$0xF060] =	vst v4  }
0x13d: {  	[spmem:s5] =	stream.linear.scatter [tilespmem:s17], [sflag:$0x3], $0x4000, $0x38;
	[tilespmem:$0x1DC40] =	vst v63  }
0x13e: {  	s2 =	sshra.s32 s0, $0x1F;
	s6 =	sand.u32 $0x7F, s0;
	p0 =	slt.s32 s0, $0x1  }
0x13f: {  	s2 =	sshrl.u32 s2, $0x19;
	_ =	swait.ge [sflag:s11], $0x4000;
	p1 =	sne.s32 s6, $0x0  }
0x140: {  	[sflag:s11] =	ssyncset.done $0x0;
	s0 =	sadd.s32 s2, s0;
	p0 =	por !p0, !p1  }
0x141: {  	s2 =	simm.s32 $0x1;
	[sflag:s11] =	ssyncadd.s32 $0xFFFFC000;
	p0 =	por !p0, !p0  }
0x142: {  	[spmem:s7] =	stream.linear.scatter [tilespmem:s17], [sflag:$0x3], $0x2C00, $0x38;
	[tilespmem:$0x1DC40] =	vst v63  }
0x143: {  	s0 =	sshra.s32 s0, $0x7;
	s2 =	simm.s32 @!p0 $0x0  }
0x144: {  	_ =	swait.ge [sflag:s11], $0x2C00;
	s24 =	ssub.s32 s0, s2  }
0x145: {  	[sflag:s11] =	ssyncset.done $0x0;
	p0 =	slt.s32 s24, $0x1  }
0x146: {  	p1 =	sle.s32 s24, $0x0;
	[sflag:s11] =	ssyncadd.s32 $0xFFFFD400;
	s0 =	simm.s32 @!p0 $0x80  }
0x147: {  	s2 =	simm.s32 @!p0 $0x5000;
	s6 =	simm.s32 @!p0 $0xF000;
	[bflag:$0x0] =	sbarrier.arrive $0xFFFF  }
0x148: {  	[tilespmem:s6], [sflag:$0x1] =	stream.indirect.gather @!p0 [hbm4b:s4+s0], $0x80, s2, s0, $0xb8;
	[tilespmem:$0x1DC40] =	vst v63  }
0x149: {  	p0 =	sle.u32 @!p1 s24, $0x1  }
0x14a: {  	s0 =	simm.s32 @!p1 $0x1;
	p0 =	por p0, p1  }
0x14b: {  	s2 =	simm.s32 @!p0 $0x5080;
	s6 =	simm.s32 @!p0 $0x80;
	s28 =	simm.s32 @!p0 $0x13000  }
0x14c: {  	[tilespmem:s28], [sflag:$0x2] =	stream.indirect.gather @!p0 [hbm4b:s4+s6], $0x80, s2, s6, $0xb8;
	[tilespmem:$0x1DC40] =	vst v63  }
0x14d: {  	s25 =	simm.s32 @!p1 $0x80;
	p2 =	sle.u32 @!p1 s24, $0x2;
	_ =	swait.ge @!p1 [sflag:s0], $0x4000  }
0x14e: {  	s26 =	simm.s32 @!p1 $0x4;
	p2 =	por p2, p1;
	[sflag:s0] =	ssyncset.done @!p1 $0x0  }
0x14f: {  	s2 =	simm.s32 @!p1 $0xA000;
	[sflag:s0] =	ssyncadd.s32 @!p1 $0xFFFFC000;
	s0 =	simm.s32 @!p1 $0xF000  }
0x150: {  	[spmem:s1] =	stream.indirect.scatter.add.f32 @!p1 [tilespmem:s0], [sflag:$0x4], $0x80, s2, s25, $0xb8;
	[tilespmem:$0x1DC40] =	vst v63  }
0x151: {  	s29 =	simm.s32 @!p0 $0x2;
	s0 =	simm.s32 @!p2 $0x80;
	_ =	swait.ge @!p1 [sflag:s26], $0x4000  }
0x152: {  	s2 =	simm.s32 @!p2 $0xF000;
	s25 =	simm.s32 @!p2 $0x5100;
	[sflag:s26] =	ssyncset.done @!p1 $0x0  }
0x153: {  	[sflag:s26] =	ssyncadd.s32 @!p1 $0xFFFFC000;
	p1 =	por p0, p0;
	s26 =	simm.s32 $0x800  }
0x154: {  	[tilespmem:s2], [sflag:$0x1] =	stream.indirect.gather @!p2 [hbm4b:s4+s0], $0x80, s25, s0, $0xb8;
	[tilespmem:$0x1DC40] =	vst v63  }
0x155: {  	s25 =	simm.s32 $0x400;
	s0 =	simm.s32 @!p0 $0xA080;
	_ =	swait.ge @!p1 [sflag:s29], $0x4000  }
0x156: {  	p0 =	sle.s32 s24, $0x2;
	s30 =	simm.s32 @!p1 $0x3;
	[sflag:s29] =	ssyncset.done @!p1 $0x0  }
0x157: {  	s31 =	simm.s32 @!p0 $0x100;
	p2 =	sle.u32 @!p0 s24, $0x3;
	[sflag:s29] =	ssyncadd.s32 @!p1 $0xFFFFC000  }
0x158: {  	[spmem:s1] =	stream.indirect.scatter.add.f32 @!p1 [tilespmem:s28], [sflag:$0x3], $0x80, s0, s6, $0xb8;
	[tilespmem:$0x1DC40] =	vst v63  }
0x159: {  	s29 =	simm.s32 @!p0 $0x4;
	s28 =	simm.s32 $0x2;
	_ =	swait.ge @!p1 [sflag:s30], $0x4000  }
.LBB2_18:
0x15a: {  	p2 =	por p2, p0  }
0x15b: {  	s0 =	sadd.s32 @!p0 $0xA000, s31;
	[sflag:s30] =	ssyncset.done @!p1 $0x0;
	s2 =	smov.u32 s26  }
0x15c: {  	s31 =	simm.s32 @!p0 $0x1;
	s6 =	sshra.s32 @!p2 s25, $0x2;
	[sflag:s30] =	ssyncadd.s32 @!p1 $0xFFFFC000  }
0x15d: {  	s9 =	simm.s32 @!p2 $0x80;
	s10 =	simm.s32 @!p2 $0x13000;
	s30 =	sadd.s32 @!p2 $0x5080, s6  }
0x15e: {  	[tilespmem:s10], [sflag:$0x2] =	stream.indirect.gather @!p2 [hbm4b:s4+s9], $0x80, s30, s9, $0xb8;
	[tilespmem:$0x1DC40] =	vst v63  }
0x15f: {  	s26 =	sadd.s32 $0x400, s26;
	s6 =	sadd.s32 @!p2 $0xA080, s6;
	_ =	swait.ge @!p0 [sflag:s31], $0x4000  }
0x160: {  	p1 =	sge.u32 @!p0 s29, s24;
	s30 =	simm.s32 @!p0 $0x80;
	[sflag:s31] =	ssyncset.done @!p0 $0x0  }
0x161: {  	s29 =	simm.s32 @!p0 $0xF000;
	[sflag:s31] =	ssyncadd.s32 @!p0 $0xFFFFC000;
	s31 =	simm.s32 @!p0 $0x4  }
0x162: {  	[spmem:s1] =	stream.indirect.scatter.add.f32 @!p0 [tilespmem:s29], [sflag:$0x4], $0x80, s0, s30, $0xb8;
	[tilespmem:$0x1DC40] =	vst v63  }
0x163: {  	p3 =	sne.s32 s26, $0xA000;
	p4 =	por p1, p0;
	_ =	swait.ge @!p0 [sflag:s31], $0x4000  }
0x164: {  	s0 =	simm.s32 @!p4 $0x80;
	s29 =	simm.s32 @!p4 $0xF000;
	[sflag:s31] =	ssyncset.done @!p0 $0x0  }
0x165: {  	s18 =	simm.s32 @!p2 $0x2;
	s25 =	sshra.s32 @!p4 s25, $0x2;
	[sflag:s31] =	ssyncadd.s32 @!p0 $0xFFFFC000  }
0x166: {  	p1 =	por p2, p2;
	s30 =	sadd.s32 @!p4 $0x5100, s25;
	s25 =	smov.u32 s2  }
0x167: {  	[tilespmem:s29], [sflag:$0x1] =	stream.indirect.gather @!p4 [hbm4b:s4+s0], $0x80, s30, s0, $0xb8;
	[tilespmem:$0x1DC40] =	vst v63  }
.Ltmp8:
0x168: {  	s28 =	sadd.s32 $0x2, s28;
	_ =	swait.ge @!p1 [sflag:s18], $0x4000;
	(pc) =	sbr.rel @p3 .LBB2_18-.Ltmp8, $4  }
0x169: {  	p0 =	sge.s32 s28, s24;
	s30 =	simm.s32 @!p1 $0x3;
	[sflag:s18] =	ssyncset.done @!p1 $0x0  }
0x16a: {  	s31 =	sshra.s32 @!p0 s25, $0x2;
	s0 =	sadd.s32 @!p0 $0x1, s28;
	[sflag:s18] =	ssyncadd.s32 @!p1 $0xFFFFC000  }
0x16b: {  	[spmem:s1] =	stream.indirect.scatter.add.f32 @!p1 [tilespmem:s10], [sflag:$0x3], $0x80, s6, s9, $0xb8;
	[tilespmem:$0x1DC40] =	vst v63  }
0x16c: {  	s29 =	sadd.s32 @!p0 $0x2, s28;
	p2 =	sge.u32 @!p0 s0, s24;
	_ =	swait.ge @!p1 [sflag:s30], $0x4000  }
0x16d: {  	p2 =	por p2, p0;
	[sflag:s30] =	ssyncset.done @!p1 $0x0  }
0x16e: {  	s2 =	simm.s32 @!p0 $0x1;
	s0 =	sshra.s32 @!p2 s25, $0x2;
	[sflag:s30] =	ssyncadd.s32 @!p1 $0xFFFFC000  }
0x16f: {  	s9 =	simm.s32 @!p2 $0x80;
	s10 =	simm.s32 @!p2 $0x13000;
	s6 =	sadd.s32 @!p2 $0x5080, s0  }
0x170: {  	[tilespmem:s10], [sflag:$0x2] =	stream.indirect.gather @!p2 [hbm4b:s4+s9], $0x80, s6, s9, $0xb8;
	[tilespmem:$0x1DC40] =	vst v63  }
0x171: {  	s18 =	simm.s32 @!p0 $0x80;
	p1 =	sge.u32 @!p0 s29, s24;
	_ =	swait.ge @!p0 [sflag:s2], $0x4000  }
0x172: {  	s24 =	simm.s32 @!p0 $0x4;
	p1 =	por p1, p0;
	[sflag:s2] =	ssyncset.done @!p0 $0x0  }
0x173: {  	s6 =	sadd.s32 @!p0 $0xA000, s31;
	[sflag:s2] =	ssyncadd.s32 @!p0 $0xFFFFC000;
	s2 =	simm.s32 @!p0 $0xF000  }
0x174: {  	[spmem:s1] =	stream.indirect.scatter.add.f32 @!p0 [tilespmem:s2], [sflag:$0x4], $0x80, s6, s18, $0xb8;
	[tilespmem:$0x1DC40] =	vst v63  }
0x175: {  	s2 =	simm.s32 @!p1 $0x80;
	s18 =	sshra.s32 @!p1 s25, $0x2;
	_ =	swait.ge @!p0 [sflag:s24], $0x4000  }
0x176: {  	s6 =	simm.s32 @!p1 $0xF000;
	s18 =	sadd.s32 @!p1 $0x5100, s18;
	[sflag:s24] =	ssyncset.done @!p0 $0x0  }
0x177: {  	[sflag:s24] =	ssyncadd.s32 @!p0 $0xFFFFC000;
	s24 =	simm.s32 @!p2 $0x2;
	p0 =	por p2, p2  }
0x178: {  	[tilespmem:s6], [sflag:$0x1] =	stream.indirect.gather @!p1 [hbm4b:s4+s2], $0x80, s18, s2, $0xb8;
	[tilespmem:$0x1DC40] =	vst v63  }
0x179: {  	_ =	swait.ge @!p0 [sflag:s24], $0x4000  }
0x17a: {  	[sflag:s24] =	ssyncset.done @!p0 $0x0  }
0x17b: {  	s0 =	sadd.s32 @!p2 $0xA080, s0;
	s2 =	simm.s32 @!p0 $0x3;
	[sflag:s24] =	ssyncadd.s32 @!p0 $0xFFFFC000  }
0x17c: {  	[spmem:s1] =	stream.indirect.scatter.add.f32 @!p0 [tilespmem:s10], [sflag:$0x3], $0x80, s0, s9, $0xb8;
	[tilespmem:$0x1DC40] =	vst v63  }
0x17d: {  	_ =	swait.ge @!p0 [sflag:s2], $0x4000  }
0x17e: {  	[sflag:s2] =	ssyncset.done @!p0 $0x0  }
0x17f: {  	[sflag:s2] =	ssyncadd.s32 @!p0 $0xFFFFC000  }
0x180: {  	[bflag:$0x0] =	sbarrier.arrive $0xFFFF  }
0x181: {  	[hbm:s19], [sflag:s22] =	dma.local [spmem:s23], $0xD80  }
0x182: {  	_ =	swait.ge [sflag:s11], $0xD80  }
0x183: {  	[sflag:s11] =	ssyncset.done $0x0  }
0x184: {  	[sflag:s11] =	ssyncadd.s32 $0xFFFFF280  }
0x185: {  	s25 =	simm.s32 $0x200;
	s24 =	simm.s32 $0x0;
	s23 =	sld [smem:$0x2]  }
.LBB2_20:
0x186: {  	p0 =	sne.s32 s25, $0xFE00;
	[tilespmem:s24+$0xF070] =	vst v4  }
0x187: {  	[tilespmem:s24+$0xF000] =	vst v4  }
0x188: {  	[tilespmem:s24+$0xF010] =	vst v4  }
.Ltmp9:
0x189: {  	[tilespmem:s24+$0xF020] =	vst v4;
	(pc) =	sbr.rel @p0 .LBB2_20-.Ltmp9, $4  }
0x18a: {  	[tilespmem:s24+$0xF030] =	vst v4  }
0x18b: {  	[tilespmem:s24+$0xF040] =	vst v4  }
0x18c: {  	[tilespmem:s24+$0xF050] =	vst v4  }
0x18d: {  	[tilespmem:s24+$0xF060] =	vst v4;
	s24 =	sshra.s32 s25, $0x2;
	s25 =	sadd.s32 $0x200, s25  }
0x18e: {  	[tilespmem:s24+$0xF070] =	vst v4  }
0x18f: {  	[tilespmem:s24+$0xF000] =	vst v4  }
0x190: {  	[tilespmem:s24+$0xF010] =	vst v4  }
0x191: {  	[tilespmem:s24+$0xF020] =	vst v4  }
0x192: {  	[tilespmem:s24+$0xF030] =	vst v4  }
0x193: {  	[tilespmem:s24+$0xF040] =	vst v4  }
0x194: {  	[tilespmem:s24+$0xF050] =	vst v4;
	s0 =	sadd.s32 $0x7F, s23  }
0x195: {  	[tilespmem:s24+$0xF060] =	vst v4;
	s2 =	sshra.s32 s0, $0x1F  }
0x196: {  	[spmem:s8] =	stream.linear.scatter [tilespmem:s17], [sflag:$0x3], $0x4000, $0x38;
	[tilespmem:$0x1DC40] =	vst v63  }
0x197: {  	s6 =	sand.u32 $0x7F, s0;
	p0 =	slt.s32 s0, $0x1;
	_ =	swait.ge [sflag:s11], $0x4000  }
0x198: {  	s2 =	sshrl.u32 s2, $0x19;
	p1 =	sne.s32 s6, $0x0;
	[sflag:s11] =	ssyncset.done $0x0  }
0x199: {  	s0 =	sadd.s32 s2, s0;
	p0 =	por !p0, !p1;
	s31 =	rddreg [dreg:$0x5]  }
0x19a: {  	s2 =	simm.s32 $0x1;
	[sflag:s11] =	ssyncadd.s32 $0xFFFFC000;
	p0 =	por !p0, !p0  }
0x19b: {  	[spmem:s31] =	stream.linear.scatter [tilespmem:s17], [sflag:$0x3], $0x2800, $0x38;
	[tilespmem:$0x1DC40] =	vst v63  }
0x19c: {  	s0 =	sshra.s32 s0, $0x7;
	s2 =	simm.s32 @!p0 $0x0  }
0x19d: {  	_ =	swait.ge [sflag:s11], $0x2800;
	s23 =	ssub.s32 s0, s2  }
0x19e: {  	[sflag:s11] =	ssyncset.done $0x0;
	p0 =	slt.s32 s23, $0x1  }
0x19f: {  	p1 =	sle.s32 s23, $0x0;
	[sflag:s11] =	ssyncadd.s32 $0xFFFFD800;
	s0 =	simm.s32 @!p0 $0x80  }
0x1a0: {  	s2 =	simm.s32 @!p0 $0x0;
	s6 =	simm.s32 @!p0 $0xF000;
	[bflag:$0x0] =	sbarrier.arrive $0xFFFF  }
0x1a1: {  	[tilespmem:s6], [sflag:$0x1] =	stream.indirect.gather @!p0 [hbm4b:s4+s0], $0x80, s2, s0, $0xb8;
	[tilespmem:$0x1DC40] =	vst v63  }
0x1a2: {  	p0 =	sle.u32 @!p1 s23, $0x1  }
0x1a3: {  	s0 =	simm.s32 @!p1 $0x1;
	p0 =	por p0, p1  }
0x1a4: {  	s2 =	simm.s32 @!p0 $0x80;
	s6 =	simm.s32 @!p0 $0x80;
	s9 =	simm.s32 @!p0 $0x13000  }
0x1a5: {  	[tilespmem:s9], [sflag:$0x2] =	stream.indirect.gather @!p0 [hbm4b:s4+s6], $0x80, s2, s6, $0xb8;
	[tilespmem:$0x1DC40] =	vst v63  }
0x1a6: {  	s10 =	simm.s32 @!p1 $0x80;
	p2 =	sle.u32 @!p1 s23, $0x2;
	_ =	swait.ge @!p1 [sflag:s0], $0x4000  }
0x1a7: {  	s18 =	simm.s32 @!p1 $0x4;
	p2 =	por p2, p1;
	[sflag:s0] =	ssyncset.done @!p1 $0x0  }
0x1a8: {  	s2 =	simm.s32 @!p1 $0xC800;
	[sflag:s0] =	ssyncadd.s32 @!p1 $0xFFFFC000;
	s0 =	simm.s32 @!p1 $0xF000  }
0x1a9: {  	[spmem:s1] =	stream.indirect.scatter.add.f32 @!p1 [tilespmem:s0], [sflag:$0x4], $0x80, s2, s10, $0xb8;
	[tilespmem:$0x1DC40] =	vst v63  }
0x1aa: {  	s24 =	simm.s32 $0x400;
	s0 =	simm.s32 @!p2 $0x80;
	_ =	swait.ge @!p1 [sflag:s18], $0x4000  }
0x1ab: {  	s2 =	simm.s32 @!p2 $0xF000;
	s10 =	simm.s32 @!p0 $0x2;
	[sflag:s18] =	ssyncset.done @!p1 $0x0  }
0x1ac: {  	[sflag:s18] =	ssyncadd.s32 @!p1 $0xFFFFC000;
	s18 =	simm.s32 @!p2 $0x100;
	p1 =	por p0, p0  }
0x1ad: {  	[tilespmem:s2], [sflag:$0x1] =	stream.indirect.gather @!p2 [hbm4b:s4+s0], $0x80, s18, s0, $0xb8;
	[tilespmem:$0x1DC40] =	vst v63  }
0x1ae: {  	s25 =	simm.s32 $0x800;
	s26 =	simm.s32 $0x2;
	_ =	swait.ge @!p1 [sflag:s10], $0x4000  }
0x1af: {  	s0 =	simm.s32 @!p0 $0xC880;
	p0 =	sle.s32 s23, $0x2;
	[sflag:s10] =	ssyncset.done @!p1 $0x0  }
0x1b0: {  	s29 =	simm.s32 @!p1 $0x3;
	s30 =	simm.s32 @!p0 $0x100;
	[sflag:s10] =	ssyncadd.s32 @!p1 $0xFFFFC000  }
0x1b1: {  	[spmem:s1] =	stream.indirect.scatter.add.f32 @!p1 [tilespmem:s9], [sflag:$0x3], $0x80, s0, s6, $0xb8;
	[tilespmem:$0x1DC40] =	vst v63  }
0x1b2: {  	p2 =	sle.u32 @!p0 s23, $0x3;
	s28 =	simm.s32 @!p0 $0x4;
	_ =	swait.ge @!p1 [sflag:s29], $0x4000  }
.LBB2_22:
0x1b3: {  	p2 =	por p2, p0  }
0x1b4: {  	s0 =	sadd.s32 @!p0 $0xC800, s30;
	[sflag:s29] =	ssyncset.done @!p1 $0x0;
	s2 =	smov.u32 s25  }
0x1b5: {  	s9 =	simm.s32 @!p0 $0x1;
	s6 =	sshra.s32 @!p2 s24, $0x2;
	[sflag:s29] =	ssyncadd.s32 @!p1 $0xFFFFC000  }
0x1b6: {  	s18 =	simm.s32 @!p2 $0x80;
	s31 =	simm.s32 @!p2 $0x13000;
	s10 =	sadd.s32 @!p2 $0x80, s6  }
0x1b7: {  	[tilespmem:s31], [sflag:$0x2] =	stream.indirect.gather @!p2 [hbm4b:s4+s18], $0x80, s10, s18, $0xb8;
	[tilespmem:$0x1DC40] =	vst v63  }
0x1b8: {  	s25 =	sadd.s32 $0x400, s25;
	s6 =	sadd.s32 @!p2 $0xC880, s6;
	_ =	swait.ge @!p0 [sflag:s9], $0x4000  }
0x1b9: {  	p1 =	sge.u32 @!p0 s28, s23;
	s10 =	simm.s32 @!p0 $0x80;
	[sflag:s9] =	ssyncset.done @!p0 $0x0  }
0x1ba: {  	s28 =	simm.s32 @!p0 $0x4;
	[sflag:s9] =	ssyncadd.s32 @!p0 $0xFFFFC000;
	s9 =	simm.s32 @!p0 $0xF000  }
0x1bb: {  	[spmem:s1] =	stream.indirect.scatter.add.f32 @!p0 [tilespmem:s9], [sflag:$0x4], $0x80, s0, s10, $0xb8;
	[tilespmem:$0x1DC40] =	vst v63  }
0x1bc: {  	p3 =	sne.s32 s25, $0xA000;
	p4 =	por p1, p0;
	_ =	swait.ge @!p0 [sflag:s28], $0x4000  }
0x1bd: {  	s0 =	simm.s32 @!p4 $0x80;
	s9 =	simm.s32 @!p4 $0xF000;
	[sflag:s28] =	ssyncset.done @!p0 $0x0  }
0x1be: {  	s10 =	sshra.s32 @!p4 s24, $0x2;
	[sflag:s28] =	ssyncadd.s32 @!p0 $0xFFFFC000;
	s28 =	simm.s32 @!p2 $0x2  }
0x1bf: {  	p1 =	por p2, p2;
	s24 =	smov.u32 s2;
	s10 =	sadd.s32 @!p4 $0x100, s10  }
0x1c0: {  	[tilespmem:s9], [sflag:$0x1] =	stream.indirect.gather @!p4 [hbm4b:s4+s0], $0x80, s10, s0, $0xb8;
	[tilespmem:$0x1DC40] =	vst v63  }
.Ltmp10:
0x1c1: {  	s26 =	sadd.s32 $0x2, s26;
	_ =	swait.ge @!p1 [sflag:s28], $0x4000;
	(pc) =	sbr.rel @p3 .LBB2_22-.Ltmp10, $4  }
0x1c2: {  	s29 =	simm.s32 @!p1 $0x3;
	p0 =	sge.s32 s26, s23;
	[sflag:s28] =	ssyncset.done @!p1 $0x0  }
0x1c3: {  	s30 =	sshra.s32 @!p0 s24, $0x2;
	s0 =	sadd.s32 @!p0 $0x1, s26;
	[sflag:s28] =	ssyncadd.s32 @!p1 $0xFFFFC000  }
0x1c4: {  	[spmem:s1] =	stream.indirect.scatter.add.f32 @!p1 [tilespmem:s31], [sflag:$0x3], $0x80, s6, s18, $0xb8;
	[tilespmem:$0x1DC40] =	vst v63  }
0x1c5: {  	p2 =	sge.u32 @!p0 s0, s23;
	s28 =	sadd.s32 @!p0 $0x2, s26;
	_ =	swait.ge @!p1 [sflag:s29], $0x4000  }
0x1c6: {  	p2 =	por p2, p0;
	[sflag:s29] =	ssyncset.done @!p1 $0x0  }
0x1c7: {  	s2 =	simm.s32 @!p0 $0x1;
	s0 =	sshra.s32 @!p2 s24, $0x2;
	[sflag:s29] =	ssyncadd.s32 @!p1 $0xFFFFC000  }
0x1c8: {  	s9 =	simm.s32 @!p2 $0x80;
	s10 =	simm.s32 @!p2 $0x13000;
	s6 =	sadd.s32 @!p2 $0x80, s0  }
0x1c9: {  	[tilespmem:s10], [sflag:$0x2] =	stream.indirect.gather @!p2 [hbm4b:s4+s9], $0x80, s6, s9, $0xb8;
	[tilespmem:$0x1DC40] =	vst v63  }
0x1ca: {  	s18 =	simm.s32 @!p0 $0x80;
	p1 =	sge.u32 @!p0 s28, s23;
	_ =	swait.ge @!p0 [sflag:s2], $0x4000  }
0x1cb: {  	s23 =	simm.s32 @!p0 $0x4;
	p1 =	por p1, p0;
	[sflag:s2] =	ssyncset.done @!p0 $0x0  }
0x1cc: {  	s6 =	sadd.s32 @!p0 $0xC800, s30;
	[sflag:s2] =	ssyncadd.s32 @!p0 $0xFFFFC000;
	s2 =	simm.s32 @!p0 $0xF000  }
0x1cd: {  	[spmem:s1] =	stream.indirect.scatter.add.f32 @!p0 [tilespmem:s2], [sflag:$0x4], $0x80, s6, s18, $0xb8;
	[tilespmem:$0x1DC40] =	vst v63  }
0x1ce: {  	s2 =	simm.s32 @!p1 $0x80;
	s18 =	sshra.s32 @!p1 s24, $0x2;
	_ =	swait.ge @!p0 [sflag:s23], $0x4000  }
0x1cf: {  	s6 =	simm.s32 @!p1 $0xF000;
	s18 =	sadd.s32 @!p1 $0x100, s18;
	[sflag:s23] =	ssyncset.done @!p0 $0x0  }
0x1d0: {  	[sflag:s23] =	ssyncadd.s32 @!p0 $0xFFFFC000;
	s23 =	simm.s32 @!p2 $0x2;
	p0 =	por p2, p2  }
0x1d1: {  	[tilespmem:s6], [sflag:$0x1] =	stream.indirect.gather @!p1 [hbm4b:s4+s2], $0x80, s18, s2, $0xb8;
	[tilespmem:$0x1DC40] =	vst v63  }
0x1d2: {  	_ =	swait.ge @!p0 [sflag:s23], $0x4000  }
0x1d3: {  	[sflag:s23] =	ssyncset.done @!p0 $0x0  }
0x1d4: {  	s0 =	sadd.s32 @!p2 $0xC880, s0;
	s2 =	simm.s32 @!p0 $0x3;
	[sflag:s23] =	ssyncadd.s32 @!p0 $0xFFFFC000  }
0x1d5: {  	[spmem:s1] =	stream.indirect.scatter.add.f32 @!p0 [tilespmem:s10], [sflag:$0x3], $0x80, s0, s9, $0xb8;
	[tilespmem:$0x1DC40] =	vst v63  }
0x1d6: {  	_ =	swait.ge @!p0 [sflag:s2], $0x4000  }
0x1d7: {  	[sflag:s2] =	ssyncset.done @!p0 $0x0  }
0x1d8: {  	[sflag:s2] =	ssyncadd.s32 @!p0 $0xFFFFC000  }
0x1d9: {  	s30 =	sshrl.u32 s8, $0x3;
	[bflag:$0x0] =	sbarrier.arrive $0xFFFF  }
0x1da: {  	[hbm:s20], [sflag:s22] =	dma.local [spmem:s30], $0xD00  }
0x1db: {  	_ =	swait.ge [sflag:s11], $0xD00  }
0x1dc: {  	s21 =	sadd.s32 $0x1, s21;
	s31 =	rddreg [dreg:$0x6]  }
0x1dd: {  	p0 =	sne.s32 s21, s31  }
.Ltmp11:
0x1de: {  	_ = 	snop;
	(pc) =	sbr.rel @p0 .LBB2_1-.Ltmp11, $3  }
0x1df: {  	_ =	sdelay $0x1  }
0x1e0: {  	[sflag:s11] =	ssyncset.done $0x0  }
0x1e1: {  	[sflag:s11] =	ssyncadd.s32 $0xFFFFF300  }
0x1e2: {  	_ =	sfence.sel $0x180000  }
0x1e3: {  	[bflag:$0x0] =	sbarrier.arrive $0xFFFF  }
0x1e4: {  	_ =	strace $0x9000004A  }
0x1e5: {  	s0 =	stileid.u32;
	[bflag:$0x2] =	sbarrier.arrive $0xFFFF  }
0x1e6: {  	p0 =	sne.s32 s0, $0x0;
	s0 =	rddreg [dreg:$0x3]  }
0x1e7: {  	s0 =	sadd.s32 @!p0 $0x100000, s0  }
0x1e8: {  	[sflag:s0] =	ssyncadd.tile.s32 @!p0 $0x1;
	_ =	shalt  }
.Lfunc_end2:
_tile_overlayer_lowered:
.L_overlay_start_2:
0x1e9: {  	(tag) =	ssettag $0x2  }
0x1ea: {  	s0 =	rddreg [dreg:$0x0];
	s2 =	stileid.u32  }
0x1eb: {  	s1 =	rddreg [dreg:$0x1];
	p0 =	sne.s32 s2, $0x0  }
0x1ec: {  	s3 =	rddreg [dreg:$0x2];
	[bflag:$0x3] =	sbarrier.arrive $0xFFFF;
	s2 =	simm.s32 @!p0 $0x1C03  }
0x1ed: {  	[timem:s3], [sflag:s2] =	dma.local @!p0 [hbm:s0], s1  }
0x1ee: {  	s0 =	simm.s32 @!p0 $0x3  }
0x1ef: {  	_ =	swait.ge @!p0 [sflag:s0], s1  }
0x1f0: {  	s1 =	ssub.s32 @!p0 $0x0, s1;
	[sflag:s0] =	ssyncset.done @!p0 $0x0  }
0x1f1: {  	[sflag:s0] =	ssyncadd.s32 @!p0 s1  }
0x1f2: {  	[bflag:$0x3] =	sbarrier.arrive $0xFFFF  }
0x1f3: {  	_ =	shalt  }

// kernel: kernel.14.cloned.1.call-start
scs
__scs_entry_jumppad:
0x0: {  	(pc) =	sbr.rel $0x88, $3  }
0x1: {  	(tag) =	ssettag $0x0;
	lr =	simm.s32 $0x1  }
0x2: {  	[smem:$0x3F89] =	sst lr;
	_ =	strace $0xD0000000  }
0x3: {  	_ = 	snop  }
0x4: {  	_ = 	snop  }
0x5: {  	_ = 	snop  }
0x6: {  	_ = 	snop  }
0x7: {  	_ = 	snop  }
__scs_overlays_trampoline_lowered:
0x8: {  	[smem:$0x3F98] =	sst s0  }
0x9: {  	[smem:$0x3F99] =	sst s1  }
0xa: {  	[smem:$0x3F9A] =	sst s2  }
0xb: {  	[smem:$0x3F9B] =	sst s3  }
0xc: {  	[smem:$0x3F9C] =	sst s4  }
0xd: {  	[smem:$0x3F9D] =	sst s5  }
0xe: {  	[smem:$0x3F9E] =	sst s6  }
0xf: {  	[smem:$0x3F9F] =	sst s7  }
0x10: {  	[smem:$0x3FA0] =	sst s8  }
0x11: {  	[smem:$0x3FA1] =	sst s9;
	s0 =	simm.s32 @!p0 $0x0  }
0x12: {  	s1 =	sld [smem:$0x3F87];
	s0 =	simm.s32 @p0 $0x1  }
0x13: {  	[smem:$0x3FA2] =	sst s0;
	s0 =	simm.s32 @!p1 $0x0  }
0x14: {  	s2 =	sld [smem:$0x3F86];
	s0 =	simm.s32 @p1 $0x1  }
0x15: {  	[smem:$0x3FA3] =	sst s0;
	s0 =	simm.s32 @!p2 $0x0  }
0x16: {  	s3 =	sld [smem:$0x3FDB];
	s0 =	simm.s32 @p2 $0x1  }
0x17: {  	s4 =	simm.s32 $0x1BF5;
	[smem:$0x3FA5] =	sst s0  }
0x18: {  	s0 =	sld [smem:$0x3F88];
	_ =	swait.ge [sflag:s4], $0x0  }
0x19: {  	s7 =	sld [smem:$0x3F89]  }
0x1a: {  	s8 =	sadd.s32 $0xFFFFE003, lr  }
0x1b: {  	s9 =	sadd.s32 $0xFFFFFEF7, lr;
	s5 =	simm.s32 $0xFFFFFFFF;
	p2 =	slt.u32 s8, $0xFFFFF086  }
0x1c: {  	p1 =	slt.u32 s9, $0xF7A;
	s5 =	simm.s32 @!p2 $0x0  }
0x1d: {  	s5 =	simm.s32 @p1 $0x1;
	p0 =	seq.s32 s7, s2  }
0x1e: {  	s7 =	smul.u32 @!p0 $0xF7A, s2;
	p2 =	seq.s32 @!p0 s5, $0x0  }
0x1f: {  	s9 =	smul.u32 $0xF7A, s1;
	s8 =	simm.s32 @!p0 $0x1BF5;
	p2 =	por !p2, p0  }
0x20: {  	[sflag:s8] =	ssyncset.s32 @!p0 $0xFFFFF086;
	s6 =	sadd.s32 @!p0 s3, s7;
	s7 =	simm.s32 @!p0 $0x108  }
0x21: {  	s3 =	sadd.s32 s3, s9;
	s6 =	sadd.s32 @!p0 $0x88, s6;
	s7 =	simm.s32 @p2 $0x1082  }
0x22: {  	[simem:s7], [sflag:s8] =	dma.local @!p0 [hbm:s6], $0xF7A  }
0x23: {  	s9 =	sor.u32 $0xD0000000, s2;
	s6 =	simm.s32 $0x108;
	_ =	swait.ge @!p0 [sflag:s8], $0x0  }
0x24: {  	s3 =	sadd.s32 $0x88, s3;
	s6 =	simm.s32 @!p1 $0x1082;
	[sflag:s4] =	ssyncset.s32 $0xFFFFF086  }
0x25: {  	[simem:s6], [sflag:s4] =	dma.local [hbm:s3], $0xF7A  }
0x26: {  	[smem:$0x3F89] =	sst s1;
	(tag) =	ssettag s2;
	_ =	strace s9  }
0x27: {  	s1 =	sld [smem:$0x3F99]  }
0x28: {  	s2 =	sld [smem:$0x3F9A]  }
0x29: {  	s4 =	sld [smem:$0x3F9C]  }
0x2a: {  	p0 =	seq.s32 s5, $0x0;
	s5 =	sld [smem:$0x3F9D]  }
0x2b: {  	s6 =	sld [smem:$0x3F9E]  }
0x2c: {  	s7 =	sld [smem:$0x3F9F]  }
0x2d: {  	s3 =	simm.s32 $0x108;
	s8 =	sld [smem:$0x3FA0]  }
0x2e: {  	s3 =	simm.s32 @!p0 $0x1082;
	s9 =	sld [smem:$0x3FA1]  }
0x2f: {  	lr =	sadd.s32 s0, s3;
	s0 =	sld [smem:$0x3F98]  }
0x30: {  	s3 =	sld [smem:$0x3F9B]  }
0x31: {  	[smem:$0x3FA4] =	sst s10  }
0x32: {  	s10 =	sld [smem:$0x3FA2];
	_ =	sdelay $0x3  }
0x33: {  	p0 =	seq.s32 s10, $0x1;
	s10 =	sld [smem:$0x3FA4];
	_ =	sdelay $0x3  }
0x34: {  	[smem:$0x3FA4] =	sst s10  }
0x35: {  	s10 =	sld [smem:$0x3FA3];
	_ =	sdelay $0x3  }
0x36: {  	p1 =	seq.s32 s10, $0x1;
	s10 =	sld [smem:$0x3FA4];
	_ =	sdelay $0x3  }
0x37: {  	[smem:$0x3FA4] =	sst s10  }
0x38: {  	s10 =	sld [smem:$0x3FA5]  }
0x39: {  	_ = 	snop;
	(pc) =	sbr.ind lr, $3  }
0x3a: {  	_ = 	snop  }
0x3b: {  	_ = 	snop  }
0x3c: {  	p2 =	seq.s32 s10, $0x1;
	s10 =	sld [smem:$0x3FA4]  }
0x3d: {  	_ =	shalt  }
0x3e: {  	_ =	shalt  }
0x3f: {  	_ =	shalt  }
0x40: {  	_ =	shalt  }
0x41: {  	_ =	shalt  }
0x42: {  	_ =	shalt  }
0x43: {  	_ =	shalt  }
0x44: {  	_ =	shalt  }
0x45: {  	_ =	shalt  }
0x46: {  	_ =	shalt  }
0x47: {  	_ =	shalt  }
0x48: {  	_ =	shalt  }
0x49: {  	_ =	shalt  }
0x4a: {  	_ =	shalt  }
0x4b: {  	_ =	shalt  }
0x4c: {  	_ =	shalt  }
0x4d: {  	_ =	shalt  }
0x4e: {  	_ =	shalt  }
0x4f: {  	_ =	shalt  }
0x50: {  	_ =	shalt  }
0x51: {  	_ =	shalt  }
0x52: {  	_ =	shalt  }
0x53: {  	_ =	shalt  }
0x54: {  	_ =	shalt  }
0x55: {  	_ =	shalt  }
0x56: {  	_ =	shalt  }
0x57: {  	_ =	shalt  }
0x58: {  	_ =	shalt  }
0x59: {  	_ =	shalt  }
0x5a: {  	_ =	shalt  }
0x5b: {  	_ =	shalt  }
0x5c: {  	_ =	shalt  }
0x5d: {  	_ =	shalt  }
0x5e: {  	_ =	shalt  }
0x5f: {  	_ =	shalt  }
0x60: {  	_ =	shalt  }
0x61: {  	_ =	shalt  }
0x62: {  	_ =	shalt  }
0x63: {  	_ =	shalt  }
0x64: {  	_ =	shalt  }
0x65: {  	_ =	shalt  }
0x66: {  	_ =	shalt  }
0x67: {  	_ =	shalt  }
0x68: {  	_ =	shalt  }
0x69: {  	_ =	shalt  }
0x6a: {  	_ =	shalt  }
0x6b: {  	_ =	shalt  }
0x6c: {  	_ =	shalt  }
0x6d: {  	_ =	shalt  }
0x6e: {  	_ =	shalt  }
0x6f: {  	_ =	shalt  }
0x70: {  	_ =	shalt  }
0x71: {  	_ =	shalt  }
0x72: {  	_ =	shalt  }
0x73: {  	_ =	shalt  }
0x74: {  	_ =	shalt  }
0x75: {  	_ =	shalt  }
0x76: {  	_ =	shalt  }
0x77: {  	_ =	shalt  }
0x78: {  	_ =	shalt  }
0x79: {  	_ =	shalt  }
0x7a: {  	_ =	shalt  }
0x7b: {  	_ =	shalt  }
0x7c: {  	_ =	shalt  }
0x7d: {  	_ =	shalt  }
0x7e: {  	_ =	shalt  }
0x7f: {  	_ =	shalt  }
0x80: {  	_ =	shalt  }
0x81: {  	_ =	shalt  }
0x82: {  	_ =	shalt  }
0x83: {  	_ =	shalt  }
0x84: {  	_ =	shalt  }
0x85: {  	_ =	shalt  }
0x86: {  	_ =	shalt  }
0x87: {  	_ =	shalt  }
.Lfunc_end0:
.L_simem_size_0:
called_computation.2_lowered:
.L_overlay_start_0:
0x88: {  	s2 =	sld [smem:$0x3FD9]  }
0x89: {  	s3 =	sld [smem:$0x3FFE];
	_ =	sdelay $0x1  }
0x8a: {  	s1 =	srdreg.scid  }
0x8b: {  	s0 =	sand.u32 $0x1, s1  }
0x8c: {  	s14 =	sshll.u32 s0, $0xA;
	s2 =	sadd.s32 s3, s2  }
0x8d: {  	s2 =	sadd.s32 s2, s14  }
0x8e: {  	[smem:$0x3FB0] =	sst s2  }
0x8f: {  	_ = 	snop  }
0x90: {  	s2 =	sld [smem:$0x3FD0];
	_ =	sdelay $0x2  }
0x91: {  	s15 =	simm.s32 $0xA;
	s4 =	simm.s32 $0x10  }
0x92: {  	[smem:s4], [sflag:s15] =	dma.local [hbm:s2], $0x1  }
0x93: {  	_ =	swait.eq [sflag:s15], $0x1  }
0x94: {  	[sflag:s15] =	ssyncset.done $0x0  }
0x95: {  	[sflag:s15] =	ssyncadd.s32 $0xFFFFFFFF  }
0x96: {  	s16 =	sld [smem:$0x11];
	(tm) =	ssettm $0x1  }
0x97: {  	s17 =	sld [smem:$0x3FFB];
	_ =	sdelay $0x3  }
0x98: {  	_ =	strace s17  }
0x99: {  	s3 =	sld [smem:$0x3FFC];
	_ =	sdelay $0x3  }
0x9a: {  	_ =	strace s3  }
0x9b: {  	s3 =	sld [smem:$0x3FFD];
	_ =	sdelay $0x3  }
0x9c: {  	_ =	strace s3  }
0x9d: {  	_ =	strace $0x8FFFFFFF  }
0x9e: {  	s18 =	sld [smem:$0x3FDB];
	_ =	sdelay $0x1  }
0x9f: {  	s19 =	simm.s32 $_scs_section_size  }
0xa0: {  	s5 =	simm.s32 $_size__tile_overlayer_lowered;
	s6 =	simm.s32 $_tile_overlayer_lowered  }
0xa1: {  	s22 =	simm.s32 $0x1BFF;
	s21 =	sshll.u32 s6, $0x1;
	s3 =	sadd.s32 s19, s18  }
0xa2: {  	s7 =	simm.s32 $0x0;
	s20 =	sshll.u32 s5, $0x1;
	s5 =	sadd.s32 s21, s3  }
0xa3: {  	[timem:s7], [sflag:s22] =	dma.local [hbm:s5], s20  }
0xa4: {  	_ =	swait.ge [sflag:s22], s20  }
0xa5: {  	s4 =	ssub.s32 $0x0, s20;
	[sflag:s22] =	ssyncset.done $0x0  }
0xa6: {  	[sflag:s22] =	ssyncadd.s32 s4;
	_ =	sdelay $0x1  }
0xa7: {  	s23 =	simm.s32 $0x1B8B  }
0xa8: {  	_ =	swait.ge [sflag:s23], $0x1  }
0xa9: {  	[sflag:s23] =	ssyncset.done $0x0  }
0xaa: {  	s25 =	simm.s32 $0x1B8E;
	s24 =	sld [smem:$0x3FFE];
	[sflag:s23] =	ssyncadd.s32 $0xFFFFFFFF  }
0xab: {  	s26 =	simm.s32 $execute0_lowered;
	[smem:$0x3FD2] =	sst s25  }
0xac: {  	s5 =	sshll.u32 s26, $0x1;
	_ =	strace $0x8000004C;
	[dreg:$0x1] =	wrdreg $0xFFFFFFFF  }
0xad: {  	s28 =	simm.s32 $_size_execute0_lowered;
	s3 =	sadd.s32 s3, s5;
	[dreg:$0x0] =	wrdreg $0x0  }
0xae: {  	s5 =	sshll.u32 s28, $0x1;
	[dreg:$0x2] =	wrdreg s3  }
0xaf: {  	[dreg:$0x3] =	wrdreg s5  }
0xb0: {  	[dreg:$0x4] =	wrdreg $0xC0  }
0xb1: {  	_ =	task [dreg:s7], $0x5FFFF  }
0xb2: {  	[dreg:$0x1] =	wrdreg $0xFFFFFFFF  }
0xb3: {  	[dreg:$0x0] =	wrdreg $0x60  }
0xb4: {  	[dreg:$0x2] =	wrdreg s24  }
0xb5: {  	[dreg:$0x3] =	wrdreg s16  }
0xb6: {  	[dreg:$0x4] =	wrdreg $0x170000  }
0xb7: {  	[dreg:$0x5] =	wrdreg $0x9  }
0xb8: {  	_ =	task.clear_ibuf [dreg:s7], $0x6FFFF;
	_ =	strace $0x9000004C  }
0xb9: {  	s29 =	simm.s32 $0x9;
	_ =	strace $0x8000004E  }
0xba: {  	_ =	swait.ge [sflag:s29], $0x1  }
0xbb: {  	[sflag:s29] =	ssyncadd.s32 $0xFFFFFFFF  }
0xbc: {  	_ =	strace $0x9000004E  }
0xbd: {  	_ =	sfence  }
0xbe: {  	s30 =	sld [smem:$0x0];
	_ =	sdelay $0x2  }
0xbf: {  	s31 =	sshll.u32 s1, $0xD;
	s1 =	sshrl.u32 s1, $0x2  }
0xc0: {  	s3 =	sand.u32 $0x4000, s31;
	s1 =	sadd.s32 s1, s30  }
0xc1: {  	s0 =	sor.u32 s3, s0;
	s1 =	sshll.u32 s1, $0x11  }
0xc2: {  	s0 =	sor.u32 s1, s0  }
0xc3: {  	s0 =	sadd.s32 $0x8F2B, s0  }
0xc4: {  	[sflag:s0] =	ssyncadd.remote.s32 $0x1  }
0xc5: {  	_ =	sfence.sel $0xFFFF  }
0xc6: {  	[dreg:$0x0] =	wrdreg $0xFFFFFFFF;
	(pc) =	sbr.abs _section_cstart, $3  }
0xc7: {  	[dreg:$0x1] =	wrdreg $0xFFFFFFFF  }
0xc8: {  	_ =	task.clear_ibuf [dreg:s7], $0x2FFFF;
	_ =	strace $0x9FFFFFFF  }
0xc9: {  	(tm) =	ssettm $0x7FFFFFFF  }
tec
execute0_lowered:
.L_overlay_start_1:
0x0: {  	(tag) =	ssettag $0x1  }
0x1: {  	s5 =	rddreg [dreg:$0x0]  }
0x2: {  	s6 =	rddreg [dreg:$0x1]  }
0x3: {  	s1 =	rddreg [dreg:$0x2]  }
0x4: {  	s3 =	simm.s32 $0x0;
	s2 =	srdreg.scid;
	s0 =	stileid.u32  }
0x5: {  	s13 =	simm.s32 $0x7800;
	s14 =	simm.s32 $0x5000;
	s10 =	smul.u32 $0x1B000, s0  }
0x6: {  	s15 =	simm.s32 $0xA000;
	s16 =	simm.s32 $0xC800;
	s11 =	smul.u32 $0x6C00, s0  }
0x7: {  	s17 =	simm.s32 $0xF000;
	[smem:$0x7FF] =	sst s3;
	s23 =	smul.u32 $0x1A000, s0  }
0x8: {  	s7 =	sand.u32 $0x1, s2;
	s9 =	sshll.u32 s0, $0x1;
	s25 =	smul.u32 $0x6800, s0  }
0x9: {  	s4 =	sadd.s32 $0x4C00, s5;
	s18 =	smul.u32 $0xD80, s0;
	_ =	strace $0x8000004D  }
0xa: {  	s8 =	smul.u32 $0x28000, s7;
	s9 =	sor.u32 s7, s9;
	s20 =	ssub.s32 $0x2, s7  }
0xb: {  	s21 =	smul.u32 $0x500, s9;
	s22 =	sshrl.u32 s20, $0x1;
	s10 =	sshrl.u32 s10, $0x2  }
0xc: {  	s26 =	sshrl.u32 s23, $0x2;
	s28 =	sshrl.u32 s11, $0x3;
	s11 =	simm.s32 $0x3  }
0xd: {  	s8 =	sadd.s32 s8, s5;
	s12 =	ssub.s32 s20, s22;
	s5 =	sadd.s32 s10, s1  }
0xe: {  	s10 =	sshrl.u32 s25, $0x3;
	s19 =	sadd.s32 $0xD800, s28;
	s24 =	sadd.s32 s6, s21  }
0xf: {  	s7 =	sadd.s32 $0x4000, s5;
	s20 =	sadd.s32 $0x2CC00, s8;
	s8 =	sadd.s32 s26, s1  }
0x10: {  	s21 =	sadd.s32 $0x1B000, s10;
	s30 =	smax.u32 s12, $0x1;
	[dreg:$0x4] =	wrdreg s24  }
0x11: {  	s12 =	simm.s32 $0x2800;
	s29 =	sadd.s32 $0x4000, s8;
	[dreg:$0x6] =	wrdreg s30  }
0x12: {  	v0 =	vimm.s32 $0x2710;
	v1 =	vimm.s32 $0xD80;
	s31 =	sadd.s32 s18, s20;
	s19 =	sadd.s32 s19, s20;
	[dreg:$0x5] =	wrdreg s29  }
0x13: {  	v2 =	vimm.s32 $0x0;
	v3 =	vlaneseq.u32;
	v4 =	vimm.f32 $0.0e+00;
	s20 =	sadd.s32 s21, s20;
	s21 =	simm.s32 $0x0;
	[dreg:$0x7] =	wrdreg s31  }
.LBB2_1:
0x14: {  	s0 =	rddreg [dreg:$0x4]  }
0x15: {  	[tilespmem:s3], [sflag:$0x3] =	stream.linear.gather [hbm4b:s0+s3], $0x2800, $0x38;
	[tilespmem:$0x1DC40] =	vst v63  }
0x16: {  	_ =	swait.ge [sflag:s11], $0x2800  }
0x17: {  	[sflag:s11] =	ssyncset.done $0x0  }
0x18: {  	[sflag:s11] =	ssyncadd.s32 $0xFFFFD800  }
0x19: {  	[smem:$0x0] =	sst s3  }
0x1a: {  	[smem:$0x1] =	sst s3  }
0x1b: {  	s23 =	simm.s32 $0x0;
	s22 =	simm.s32 $0x200;
	[smem:$0x2] =	sst s3  }
.LBB2_2:
0x1c: {  	p0 =	sne.s32 s22, $0x9E00;
	[tilespmem:s23+$0xC870] =	vst v1  }
0x1d: {  	[tilespmem:s23+$0x2800] =	vst v0  }
0x1e: {  	[tilespmem:s23+$0x7800] =	vst v1  }
0x1f: {  	[tilespmem:s23+$0x5000] =	vst v0  }
0x20: {  	[tilespmem:s23+$0xA000] =	vst v1  }
0x21: {  	[tilespmem:s23+$0xC800] =	vst v1  }
0x22: {  	[tilespmem:s23+$0x2810] =	vst v0  }
0x23: {  	[tilespmem:s23+$0x7810] =	vst v1  }
0x24: {  	[tilespmem:s23+$0x5010] =	vst v0  }
0x25: {  	[tilespmem:s23+$0xA010] =	vst v1  }
0x26: {  	[tilespmem:s23+$0xC810] =	vst v1  }
0x27: {  	[tilespmem:s23+$0x2820] =	vst v0  }
0x28: {  	[tilespmem:s23+$0x7820] =	vst v1  }
0x29: {  	[tilespmem:s23+$0x5020] =	vst v0  }
0x2a: {  	[tilespmem:s23+$0xA020] =	vst v1  }
0x2b: {  	[tilespmem:s23+$0xC820] =	vst v1  }
0x2c: {  	[tilespmem:s23+$0x2830] =	vst v0  }
0x2d: {  	[tilespmem:s23+$0x7830] =	vst v1  }
0x2e: {  	[tilespmem:s23+$0x5030] =	vst v0  }
0x2f: {  	[tilespmem:s23+$0xA030] =	vst v1  }
0x30: {  	[tilespmem:s23+$0xC830] =	vst v1  }
0x31: {  	[tilespmem:s23+$0x2840] =	vst v0  }
0x32: {  	[tilespmem:s23+$0x7840] =	vst v1  }
0x33: {  	[tilespmem:s23+$0x5040] =	vst v0  }
0x34: {  	[tilespmem:s23+$0xA040] =	vst v1  }
0x35: {  	[tilespmem:s23+$0xC840] =	vst v1  }
0x36: {  	[tilespmem:s23+$0x2850] =	vst v0  }
0x37: {  	[tilespmem:s23+$0x7850] =	vst v1  }
0x38: {  	[tilespmem:s23+$0x5050] =	vst v0  }
0x39: {  	[tilespmem:s23+$0xA050] =	vst v1  }
0x3a: {  	[tilespmem:s23+$0xC850] =	vst v1  }
0x3b: {  	[tilespmem:s23+$0x2860] =	vst v0  }
0x3c: {  	[tilespmem:s23+$0x7860] =	vst v1  }
0x3d: {  	[tilespmem:s23+$0x5060] =	vst v0  }
0x3e: {  	[tilespmem:s23+$0xA060] =	vst v1  }
.Ltmp0:
0x3f: {  	[tilespmem:s23+$0xC860] =	vst v1;
	(pc) =	sbr.rel @p0 .LBB2_2-.Ltmp0, $4  }
0x40: {  	[tilespmem:s23+$0x2870] =	vst v0  }
0x41: {  	[tilespmem:s23+$0x7870] =	vst v1  }
0x42: {  	[tilespmem:s23+$0x5070] =	vst v0  }
0x43: {  	[tilespmem:s23+$0xA070] =	vst v1;
	s23 =	sshra.s32 s22, $0x2;
	s22 =	sadd.s32 $0x200, s22  }
0x44: {  	[tilespmem:s23+$0xC870] =	vst v1  }
0x45: {  	[tilespmem:s23+$0x2800] =	vst v0  }
0x46: {  	[tilespmem:s23+$0x7800] =	vst v1  }
0x47: {  	[tilespmem:s23+$0x5000] =	vst v0  }
0x48: {  	[tilespmem:s23+$0xA000] =	vst v1  }
0x49: {  	[tilespmem:s23+$0xC800] =	vst v1  }
0x4a: {  	[tilespmem:s23+$0x2810] =	vst v0  }
0x4b: {  	[tilespmem:s23+$0x7810] =	vst v1  }
0x4c: {  	[tilespmem:s23+$0x5010] =	vst v0  }
0x4d: {  	[tilespmem:s23+$0xA010] =	vst v1  }
0x4e: {  	[tilespmem:s23+$0xC810] =	vst v1  }
0x4f: {  	[tilespmem:s23+$0x2820] =	vst v0  }
0x50: {  	[tilespmem:s23+$0x7820] =	vst v1  }
0x51: {  	[tilespmem:s23+$0x5020] =	vst v0  }
0x52: {  	[tilespmem:s23+$0xA020] =	vst v1  }
0x53: {  	[tilespmem:s23+$0xC820] =	vst v1  }
0x54: {  	[tilespmem:s23+$0x2830] =	vst v0  }
0x55: {  	[tilespmem:s23+$0x7830] =	vst v1  }
0x56: {  	[tilespmem:s23+$0x5030] =	vst v0  }
0x57: {  	[tilespmem:s23+$0xA030] =	vst v1  }
0x58: {  	[tilespmem:s23+$0xC830] =	vst v1  }
0x59: {  	[tilespmem:s23+$0x2840] =	vst v0  }
0x5a: {  	[tilespmem:s23+$0x7840] =	vst v1  }
0x5b: {  	[tilespmem:s23+$0x5040] =	vst v0  }
0x5c: {  	[tilespmem:s23+$0xA040] =	vst v1  }
0x5d: {  	[tilespmem:s23+$0xC840] =	vst v1  }
0x5e: {  	[tilespmem:s23+$0x2850] =	vst v0  }
0x5f: {  	[tilespmem:s23+$0x7850] =	vst v1  }
0x60: {  	[tilespmem:s23+$0x5050] =	vst v0  }
0x61: {  	[tilespmem:s23+$0xA050] =	vst v1  }
0x62: {  	[tilespmem:s23+$0xC850] =	vst v1  }
0x63: {  	[tilespmem:s23+$0x2860] =	vst v0  }
0x64: {  	[tilespmem:s23+$0x7860] =	vst v1  }
0x65: {  	[tilespmem:s23+$0x5060] =	vst v0  }
0x66: {  	[tilespmem:s23+$0xA060] =	vst v1  }
0x67: {  	[tilespmem:s23+$0xC860] =	vst v1  }
0x68: {  	[tilespmem:s23+$0x2870] =	vst v0  }
0x69: {  	[tilespmem:s23+$0x7870] =	vst v1  }
0x6a: {  	s22 =	simm.s32 $0x0;
	[tilespmem:s23+$0x5070] =	vst v0;
	s26 =	simm.s32 $0x0  }
0x6b: {  	[tilespmem:s23+$0xA070] =	vst v1;
	s25 =	simm.s32 $0x0;
	s23 =	simm.s32 $0x0;
	s24 =	simm.s32 $0x0  }
.LBB2_4:
0x6c: {  	v5 =	vmov s22;
	_ =	sdelay $0x3  }
0x6d: {  	s28 =	simm.s32 $0x0  }
0x6e: {  	v6 =	vld.idx.msk [tilespmem:v5+s28+$0x0 ss:$0x1], $0xffff;
	_ =	sdelay $0x4  }
0x6f: {  	vm1 =	vlt.u32 v6, $0xD800000;
	v7 =	vadd.s32 $0xF2800000, v6  }
0x70: {  	v8 =	vadd.s32 $0xE5000000, v6;
	v9 =	vsel vm1, $0x1, v2;
	vm2 =	vlt.u32 v7, $0xD800000  }
0x71: {  	vm0 =	vlt.u32 v8, $0xD000000;
	v7 =	vsel vm2, $0x1, v2;
	(xrf0) =	vadd.scan.msk.s32 $0xffff, v9  }
0x72: {  	v8 =	vsel vm0, $0x1, v2;
	(xrf0) =	vadd.scan.msk.s32 $0xffff, v7  }
0x73: {  	(xrf0) =	vadd.scan.msk.s32 $0xffff, v8;
	_ =	sdelay $0x1  }
0x74: {  	v7 =	vmov s24  }
0x75: {  	v7 =	vadd.s32 $0xFFFFFFFF, v7  }
0x76: {  	v8 =	vmov s25;
	v7 =	vbroadcast v7, $0x0;
	v9, _, _ =	vpop (xrf0)  }
0x77: {  	v10 =	vmov s26;
	v8 =	vadd.s32 $0xFFFFFFFF, v8;
	(v2sf) =	vpush v9, $0xF;
	v11, _, _ =	vpop (xrf0)  }
0x78: {  	v8 =	vbroadcast v8, $0x0;
	v7 =	vadd.s32 v9, v7;
	(v2sf) =	vpush v11, $0xF;
	v9, _, _ =	vpop (xrf0)  }
0x79: {  	v10 =	vadd.s32 $0xFFFFFFFF, v10;
	v7 =	vnsel vm1, $0x0, v7;
	(v2sf) =	vpush v9, $0xF  }
0x7a: {  	v10 =	vbroadcast v10, $0x0;
	v8 =	vadd.s32 v11, v8  }
0x7b: {  	v8 =	vnsel vm2, $0x0, v8  }
0x7c: {  	v9 =	vadd.s32 v9, v10  }
0x7d: {  	v10 =	vand.u32 $0xFFFF, v6;
	v9 =	vnsel vm0, $0x0, v9  }
0x7e: {  	v6 =	vshrl.u32 v6, $0x10;
	[tilespmem:v7+s12+$0x0] =	vst.idx.msk vm1, v10  }
0x7f: {  	[tilespmem:v7+s13+$0x0] =	vst.idx.msk vm1, v6  }
0x80: {  	v7 =	vadd.s32 $0xFFFFF280, v6;
	[tilespmem:v8+s14+$0x0] =	vst.idx.msk vm2, v10  }
0x81: {  	[tilespmem:v8+s15+$0x0] =	vst.idx.msk vm2, v7  }
0x82: {  	v6 =	vadd.s32 $0xFFFFE500, v6;
	[tilespmem:v9+s3+$0x0] =	vst.idx.msk vm0, v10  }
0x83: {  	s28 =	simm.s32 $0x10;
	[tilespmem:v9+s16+$0x0] =	vst.idx.msk vm0, v6  }
0x84: {  	v6 =	vld.idx.msk [tilespmem:v5+s28+$0x0 ss:$0x1], $0xffff;
	_ =	sdelay $0x1  }
0x85: {  	s28 =	spop (v2sf)  }
0x86: {  	s24 =	sadd.s32 s24, s28;
	s28 =	spop (v2sf)  }
0x87: {  	v7 =	vmov s24;
	[smem:$0x0] =	sst s24;
	s25 =	sadd.s32 s25, s28;
	s29 =	spop (v2sf)  }
0x88: {  	s28 =	simm.s32 $0x80;
	vm0 =	vlt.u32 v6, $0xD800000;
	v9 =	vadd.s32 $0xF2800000, v6;
	v8 =	vadd.s32 $0xE5000000, v6;
	[smem:$0x1] =	sst s25;
	s26 =	sadd.s32 s29, s26  }
.LBB2_5:
0x89: {  	p0 =	sne.s32 s28, $0x1C0  }
0x8a: {  	v10 =	vsel vm0, $0x1, v2;
	v7 =	vadd.s32 $0xFFFFFFFF, v7;
	vm1 =	vlt.u32 v9, $0xD800000;
	[smem:$0x2] =	sst s26;
	s29 =	smov.u32 s28;
	s28 =	sadd.s32 $0x40, s28  }
0x8b: {  	v11 =	vmov s25;
	vm2 =	vlt.u32 v8, $0xD000000;
	v9 =	vsel vm1, $0x1, v2;
	(xrf0) =	vadd.scan.msk.s32 $0xffff, v10  }
0x8c: {  	v8 =	vadd.s32 $0xFFFFFFFF, v11;
	v10 =	vsel vm2, $0x1, v2;
	(xrf0) =	vadd.scan.msk.s32 $0xffff, v9  }
0x8d: {  	(xrf0) =	vadd.scan.msk.s32 $0xffff, v10;
	_ =	sdelay $0x2  }
0x8e: {  	v7 =	vbroadcast v7, $0x0;
	v9 =	vmov s26  }
0x8f: {  	v8 =	vbroadcast v8, $0x0;
	v9 =	vadd.s32 $0xFFFFFFFF, v9;
	v10, _, _ =	vpop (xrf0)  }
0x90: {  	v9 =	vbroadcast v9, $0x0;
	v7 =	vadd.s32 v10, v7;
	(v2sf) =	vpush v10, $0xF;
	v10, _, _ =	vpop (xrf0)  }
0x91: {  	v7 =	vnsel vm0, $0x0, v7;
	v8 =	vadd.s32 v10, v8;
	(v2sf) =	vpush v10, $0xF;
	v10, _, _ =	vpop (xrf0)  }
0x92: {  	v9 =	vadd.s32 v10, v9;
	(v2sf) =	vpush v10, $0xF  }
0x93: {  	v8 =	vnsel vm1, $0x0, v8;
	_ =	sdelay $0x1  }
0x94: {  	v10 =	vand.u32 $0xFFFF, v6;
	v9 =	vnsel vm2, $0x0, v9  }
0x95: {  	v6 =	vshrl.u32 v6, $0x10;
	[tilespmem:v7+s12+$0x0] =	vst.idx.msk vm0, v10  }
0x96: {  	[tilespmem:v7+s13+$0x0] =	vst.idx.msk vm0, v6  }
0x97: {  	v7 =	vadd.s32 $0xFFFFF280, v6;
	[tilespmem:v8+s14+$0x0] =	vst.idx.msk vm1, v10  }
0x98: {  	[tilespmem:v8+s15+$0x0] =	vst.idx.msk vm1, v7  }
0x99: {  	v6 =	vadd.s32 $0xFFFFE500, v6;
	[tilespmem:v9+s3+$0x0] =	vst.idx.msk vm2, v10  }
0x9a: {  	s29 =	sshra.s32 s29, $0x2;
	[tilespmem:v9+s16+$0x0] =	vst.idx.msk vm2, v6  }
0x9b: {  	v6 =	vld.idx.msk [tilespmem:v5+s29+$0x0 ss:$0x1], $0xffff;
	_ =	sdelay $0x1  }
.Ltmp1:
0x9c: {  	(pc) =	sbr.rel @p0 .LBB2_5-.Ltmp1, $4  }
0x9d: {  	s29 =	spop (v2sf)  }
0x9e: {  	s24 =	sadd.s32 s24, s29;
	s29 =	spop (v2sf)  }
0x9f: {  	v7 =	vmov s24;
	[smem:$0x0] =	sst s24;
	s25 =	sadd.s32 s25, s29;
	s29 =	spop (v2sf)  }
0xa0: {  	vm0 =	vlt.u32 v6, $0xD800000;
	v9 =	vadd.s32 $0xF2800000, v6;
	v8 =	vadd.s32 $0xE5000000, v6;
	[smem:$0x1] =	sst s25;
	s26 =	sadd.s32 s29, s26  }
0xa1: {  	v5 =	vsel vm0, $0x1, v2;
	vm2 =	vlt.u32 v9, $0xD800000  }
0xa2: {  	vm1 =	vlt.u32 v8, $0xD000000;
	(xrf0) =	vadd.scan.msk.s32 $0xffff, v5;
	v5 =	vsel vm2, $0x1, v2  }
0xa3: {  	v8 =	vsel vm1, $0x1, v2;
	(xrf0) =	vadd.scan.msk.s32 $0xffff, v5  }
0xa4: {  	(xrf0) =	vadd.scan.msk.s32 $0xffff, v8;
	_ =	sdelay $0x3  }
0xa5: {  	v5, _, _ =	vpop (xrf0)  }
0xa6: {  	(v2sf) =	vpush v5, $0xF;
	v61, _, _ =	vpop (xrf0)  }
0xa7: {  	(v2sf) =	vpush v61, $0xF;
	v62, _, _ =	vpop (xrf0)  }
0xa8: {  	(v2sf) =	vpush v62, $0xF;
	_ =	sdelay $0x2  }
0xa9: {  	v7 =	vadd.s32 $0xFFFFFFFF, v7  }
0xaa: {  	v10 =	vmov s25;
	v7 =	vbroadcast v7, $0x0  }
0xab: {  	v10 =	vadd.s32 $0xFFFFFFFF, v10  }
0xac: {  	v10 =	vbroadcast v10, $0x0;
	v5 =	vadd.s32 v5, v7;
	v7 =	vmov s26  }
0xad: {  	v7 =	vadd.s32 $0xFFFFFFFF, v7;
	v5 =	vnsel vm0, $0x0, v5  }
0xae: {  	v8 =	vadd.s32 v61, v10;
	v7 =	vbroadcast v7, $0x0  }
0xaf: {  	v8 =	vnsel vm2, $0x0, v8  }
0xb0: {  	v7 =	vadd.s32 v62, v7  }
0xb1: {  	v63 =	vand.u32 $0xFFFF, v6;
	s23 =	sadd.s32 $0x1, s23;
	v7 =	vnsel vm1, $0x0, v7  }
0xb2: {  	v6 =	vshrl.u32 v6, $0x10;
	p0 =	sne.s32 s23, $0x50;
	[tilespmem:v5+s12+$0x0] =	vst.idx.msk vm0, v63  }
.Ltmp2:
0xb3: {  	[tilespmem:v5+s13+$0x0] =	vst.idx.msk vm0, v6;
	s28 =	spop (v2sf);
	(pc) =	sbr.rel @p0 .LBB2_4-.Ltmp2, $4  }
0xb4: {  	[smem:$0x2] =	sst s26;
	v5 =	vadd.s32 $0xFFFFF280, v6;
	[tilespmem:v8+s14+$0x0] =	vst.idx.msk vm2, v63;
	s24 =	sadd.s32 s24, s28;
	s30 =	spop (v2sf)  }
0xb5: {  	[tilespmem:v8+s15+$0x0] =	vst.idx.msk vm2, v5;
	[smem:$0x0] =	sst s24;
	s25 =	sadd.s32 s25, s30;
	s31 =	spop (v2sf)  }
0xb6: {  	v5 =	vadd.s32 $0xFFFFE500, v6;
	[tilespmem:v7+s3+$0x0] =	vst.idx.msk vm1, v63;
	[smem:$0x1] =	sst s25;
	s26 =	sadd.s32 s31, s26  }
0xb7: {  	s22 =	sadd.s32 $0x80, s22;
	[tilespmem:v7+s16+$0x0] =	vst.idx.msk vm1, v5;
	[smem:$0x2] =	sst s26  }
0xb8: {  	p0 =	sgt.s32 s26, $0x27FF  }
.Ltmp3:
0xb9: {  	_ = 	snop;
	(pc) =	sbr.rel @p0 .LBB2_11-.Ltmp3, $1  }
0xba: {  	_ =	sdelay $0x3  }
0xbb: {  	s22 =	sand.u32 $0xFFFFFF80, s26  }
0xbc: {  	v5 =	vmov s22;
	_ =	sdelay $0x3  }
0xbd: {  	s28 =	simm.s32 $0x0  }
0xbe: {  	v7 =	vld.idx.msk [tilespmem:v5+s28+$0x0 ss:$0x1], $0xffff;
	_ =	sdelay $0x2  }
0xbf: {  	v6 =	vmov s26;
	v8 =	vor.u32 s22, v3  }
0xc0: {  	vm0 =	vlt.s32 v8, v6  }
0xc1: {  	v7 =	vnsel vm0, $0x2710, v7  }
0xc2: {  	s23 =	simm.s32 $0x10;
	s25 =	simm.s32 $0x80;
	[tilespmem:v5+s28+$0x0 ss:$0x1] =	vst.idx.msk $0xffff, v7  }
.LBB2_9:
0xc3: {  	p0 =	sne.s32 s25, $0x1C0;
	v7 =	vld.idx.msk [tilespmem:v5+s23+$0x0 ss:$0x1], $0xffff;
	_ =	sdelay $0x2  }
.Ltmp4:
0xc4: {  	s22 =	sadd.s32 $0x10, s22;
	(pc) =	sbr.rel @p0 .LBB2_9-.Ltmp4, $4  }
0xc5: {  	v8 =	vor.u32 s22, v3  }
0xc6: {  	vm0 =	vlt.s32 v8, v6  }
0xc7: {  	v7 =	vnsel vm0, $0x2710, v7  }
0xc8: {  	[tilespmem:v5+s23+$0x0 ss:$0x1] =	vst.idx.msk $0xffff, v7;
	s23 =	sshra.s32 s25, $0x2;
	s25 =	sadd.s32 $0x40, s25  }
0xc9: {  	_ =	sdelay $0x3  }
0xca: {  	v7 =	vld.idx.msk [tilespmem:v5+s23+$0x0 ss:$0x1], $0xffff;
	_ =	sdelay $0x1  }
0xcb: {  	s22 =	sadd.s32 $0x10, s22  }
0xcc: {  	v8 =	vor.u32 s22, v3  }
0xcd: {  	vm0 =	vlt.s32 v8, v6  }
0xce: {  	v6 =	vnsel vm0, $0x2710, v7  }
0xcf: {  	[tilespmem:v5+s23+$0x0 ss:$0x1] =	vst.idx.msk $0xffff, v6  }
.LBB2_11:
0xd0: {  	s22 =	simm.s32 $0x0;
	s23 =	simm.s32 $0x200  }
.LBB2_12:
0xd1: {  	p0 =	sne.s32 s23, $0xFE00;
	[tilespmem:s22+$0xF070] =	vst v4  }
0xd2: {  	[tilespmem:s22+$0xF000] =	vst v4  }
0xd3: {  	[tilespmem:s22+$0xF010] =	vst v4  }
.Ltmp5:
0xd4: {  	[tilespmem:s22+$0xF020] =	vst v4;
	(pc) =	sbr.rel @p0 .LBB2_12-.Ltmp5, $4  }
0xd5: {  	[tilespmem:s22+$0xF030] =	vst v4  }
0xd6: {  	[tilespmem:s22+$0xF040] =	vst v4  }
0xd7: {  	[tilespmem:s22+$0xF050] =	vst v4  }
0xd8: {  	[tilespmem:s22+$0xF060] =	vst v4;
	s22 =	sshra.s32 s23, $0x2;
	s23 =	sadd.s32 $0x200, s23  }
0xd9: {  	[tilespmem:s22+$0xF070] =	vst v4  }
0xda: {  	[tilespmem:s22+$0xF000] =	vst v4  }
0xdb: {  	[tilespmem:s22+$0xF010] =	vst v4  }
0xdc: {  	[tilespmem:s22+$0xF020] =	vst v4  }
0xdd: {  	[tilespmem:s22+$0xF030] =	vst v4  }
0xde: {  	[tilespmem:s22+$0xF040] =	vst v4  }
0xdf: {  	[tilespmem:s22+$0xF050] =	vst v4  }
0xe0: {  	s23 =	sadd.s32 $0x7F, s24;
	[tilespmem:s22+$0xF060] =	vst v4  }
0xe1: {  	[spmem:s5] =	stream.linear.scatter [tilespmem:s17], [sflag:$0x3], $0x4000, $0x38;
	[tilespmem:$0x1DC40] =	vst v63  }
0xe2: {  	s31 =	sshra.s32 s23, $0x1F;
	s24 =	sand.u32 $0x7F, s23;
	p0 =	slt.s32 s23, $0x1  }
0xe3: {  	s22 =	sshrl.u32 s31, $0x19;
	_ =	swait.ge [sflag:s11], $0x4000;
	p1 =	sne.s32 s24, $0x0  }
0xe4: {  	[sflag:s11] =	ssyncset.done $0x0;
	s22 =	sadd.s32 s22, s23;
	p0 =	por !p0, !p1  }
0xe5: {  	s23 =	simm.s32 $0x1;
	[sflag:s11] =	ssyncadd.s32 $0xFFFFC000;
	p0 =	por !p0, !p0  }
0xe6: {  	[spmem:s7] =	stream.linear.scatter [tilespmem:s17], [sflag:$0x3], $0x2C00, $0x38;
	[tilespmem:$0x1DC40] =	vst v63  }
0xe7: {  	s22 =	sshra.s32 s22, $0x7;
	s23 =	simm.s32 @!p0 $0x0  }
0xe8: {  	_ =	swait.ge [sflag:s11], $0x2C00;
	s22 =	ssub.s32 s22, s23  }
0xe9: {  	[sflag:s11] =	ssyncset.done $0x0;
	p0 =	slt.s32 s22, $0x1  }
0xea: {  	p1 =	sle.s32 s22, $0x0;
	[sflag:s11] =	ssyncadd.s32 $0xFFFFD400;
	s23 =	simm.s32 @!p0 $0x80  }
0xeb: {  	s24 =	simm.s32 @!p0 $0x2800;
	s25 =	simm.s32 @!p0 $0xF000;
	[bflag:$0x0] =	sbarrier.arrive $0xFFFF  }
0xec: {  	[tilespmem:s25], [sflag:$0x1] =	stream.indirect.gather @!p0 [hbm4b:s4+s23], $0x80, s24, s23, $0xb8;
	[tilespmem:$0x1DC40] =	vst v63  }
0xed: {  	p0 =	sle.u32 @!p1 s22, $0x1  }
0xee: {  	s23 =	simm.s32 @!p1 $0x1;
	p0 =	por p0, p1  }
0xef: {  	s24 =	simm.s32 @!p0 $0x2880;
	s25 =	simm.s32 @!p0 $0x80;
	s26 =	simm.s32 @!p0 $0x13000  }
0xf0: {  	[tilespmem:s26], [sflag:$0x2] =	stream.indirect.gather @!p0 [hbm4b:s4+s25], $0x80, s24, s25, $0xb8;
	[tilespmem:$0x1DC40] =	vst v63  }
0xf1: {  	s28 =	simm.s32 @!p1 $0x80;
	p2 =	sle.u32 @!p1 s22, $0x2;
	_ =	swait.ge @!p1 [sflag:s23], $0x4000  }
0xf2: {  	s29 =	simm.s32 @!p1 $0x4;
	p2 =	por p2, p1;
	[sflag:s23] =	ssyncset.done @!p1 $0x0  }
0xf3: {  	s24 =	simm.s32 @!p1 $0x7800;
	[sflag:s23] =	ssyncadd.s32 @!p1 $0xFFFFC000;
	s23 =	simm.s32 @!p1 $0xF000  }
0xf4: {  	[spmem:s1] =	stream.indirect.scatter.add.f32 @!p1 [tilespmem:s23], [sflag:$0x4], $0x80, s24, s28, $0xb8;
	[tilespmem:$0x1DC40] =	vst v63  }
0xf5: {  	s23 =	simm.s32 @!p2 $0x80;
	_ =	swait.ge @!p1 [sflag:s29], $0x4000  }
0xf6: {  	s24 =	simm.s32 @!p2 $0xF000;
	s28 =	simm.s32 @!p0 $0x2;
	[sflag:s29] =	ssyncset.done @!p1 $0x0  }
0xf7: {  	[sflag:s29] =	ssyncadd.s32 @!p1 $0xFFFFC000;
	s29 =	simm.s32 @!p2 $0x2900;
	p1 =	por p0, p0  }
0xf8: {  	[tilespmem:s24], [sflag:$0x1] =	stream.indirect.gather @!p2 [hbm4b:s4+s23], $0x80, s29, s23, $0xb8;
	[tilespmem:$0x1DC40] =	vst v63  }
0xf9: {  	_ =	swait.ge @!p1 [sflag:s28], $0x4000  }
0xfa: {  	s23 =	simm.s32 $0x400;
	s24 =	simm.s32 $0x800;
	[sflag:s28] =	ssyncset.done @!p1 $0x0  }
0xfb: {  	s29 =	simm.s32 @!p0 $0x7880;
	p0 =	sle.s32 s22, $0x2;
	[sflag:s28] =	ssyncadd.s32 @!p1 $0xFFFFC000  }
0xfc: {  	[spmem:s1] =	stream.indirect.scatter.add.f32 @!p1 [tilespmem:s26], [sflag:$0x3], $0x80, s29, s25, $0xb8;
	[tilespmem:$0x1DC40] =	vst v63  }
0xfd: {  	p2 =	sle.u32 @!p0 s22, $0x3;
	s28 =	simm.s32 @!p1 $0x3;
	s25 =	simm.s32 $0x2  }
0xfe: {  	s29 =	simm.s32 @!p0 $0x100;
	s26 =	simm.s32 @!p0 $0x4;
	_ =	swait.ge @!p1 [sflag:s28], $0x4000  }
.LBB2_14:
0xff: {  	p2 =	por p2, p0  }
0x100: {  	s29 =	sadd.s32 @!p0 $0x7800, s29;
	[sflag:s28] =	ssyncset.done @!p1 $0x0;
	s30 =	smov.u32 s24  }
0x101: {  	s0 =	simm.s32 @!p0 $0x1;
	s31 =	sshra.s32 @!p2 s23, $0x2;
	[sflag:s28] =	ssyncadd.s32 @!p1 $0xFFFFC000  }
0x102: {  	s2 =	simm.s32 @!p2 $0x80;
	s6 =	simm.s32 @!p2 $0x13000;
	s28 =	sadd.s32 @!p2 $0x2880, s31  }
0x103: {  	[tilespmem:s6], [sflag:$0x2] =	stream.indirect.gather @!p2 [hbm4b:s4+s2], $0x80, s28, s2, $0xb8;
	[tilespmem:$0x1DC40] =	vst v63  }
0x104: {  	s24 =	sadd.s32 $0x400, s24;
	s31 =	sadd.s32 @!p2 $0x7880, s31;
	_ =	swait.ge @!p0 [sflag:s0], $0x4000  }
0x105: {  	p1 =	sge.u32 @!p0 s26, s22;
	s28 =	simm.s32 @!p0 $0x80;
	[sflag:s0] =	ssyncset.done @!p0 $0x0  }
0x106: {  	s26 =	simm.s32 @!p0 $0x4;
	[sflag:s0] =	ssyncadd.s32 @!p0 $0xFFFFC000;
	s0 =	simm.s32 @!p0 $0xF000  }
0x107: {  	[spmem:s1] =	stream.indirect.scatter.add.f32 @!p0 [tilespmem:s0], [sflag:$0x4], $0x80, s29, s28, $0xb8;
	[tilespmem:$0x1DC40] =	vst v63  }
0x108: {  	p3 =	sne.s32 s24, $0xA000;
	p4 =	por p1, p0;
	_ =	swait.ge @!p0 [sflag:s26], $0x4000  }
0x109: {  	s0 =	simm.s32 @!p4 $0x80;
	s28 =	simm.s32 @!p4 $0xF000;
	[sflag:s26] =	ssyncset.done @!p0 $0x0  }
0x10a: {  	s23 =	sshra.s32 @!p4 s23, $0x2;
	[sflag:s26] =	ssyncadd.s32 @!p0 $0xFFFFC000;
	s26 =	simm.s32 @!p2 $0x2  }
0x10b: {  	p1 =	por p2, p2;
	s29 =	sadd.s32 @!p4 $0x2900, s23;
	s23 =	smov.u32 s30  }
0x10c: {  	[tilespmem:s28], [sflag:$0x1] =	stream.indirect.gather @!p4 [hbm4b:s4+s0], $0x80, s29, s0, $0xb8;
	[tilespmem:$0x1DC40] =	vst v63  }
.Ltmp6:
0x10d: {  	s25 =	sadd.s32 $0x2, s25;
	_ =	swait.ge @!p1 [sflag:s26], $0x4000;
	(pc) =	sbr.rel @p3 .LBB2_14-.Ltmp6, $4  }
0x10e: {  	p0 =	sge.s32 s25, s22;
	s28 =	simm.s32 @!p1 $0x3;
	[sflag:s26] =	ssyncset.done @!p1 $0x0  }
0x10f: {  	s0 =	sadd.s32 @!p0 $0x1, s25;
	s29 =	sshra.s32 @!p0 s23, $0x2;
	[sflag:s26] =	ssyncadd.s32 @!p1 $0xFFFFC000  }
0x110: {  	[spmem:s1] =	stream.indirect.scatter.add.f32 @!p1 [tilespmem:s6], [sflag:$0x3], $0x80, s31, s2, $0xb8;
	[tilespmem:$0x1DC40] =	vst v63  }
0x111: {  	p2 =	sge.u32 @!p0 s0, s22;
	s26 =	sadd.s32 @!p0 $0x2, s25;
	_ =	swait.ge @!p1 [sflag:s28], $0x4000  }
0x112: {  	p2 =	por p2, p0;
	[sflag:s28] =	ssyncset.done @!p1 $0x0  }
0x113: {  	s2 =	simm.s32 @!p0 $0x1;
	s0 =	sshra.s32 @!p2 s23, $0x2;
	[sflag:s28] =	ssyncadd.s32 @!p1 $0xFFFFC000  }
0x114: {  	s24 =	simm.s32 @!p2 $0x80;
	s25 =	simm.s32 @!p2 $0x13000;
	s6 =	sadd.s32 @!p2 $0x2880, s0  }
0x115: {  	[tilespmem:s25], [sflag:$0x2] =	stream.indirect.gather @!p2 [hbm4b:s4+s24], $0x80, s6, s24, $0xb8;
	[tilespmem:$0x1DC40] =	vst v63  }
0x116: {  	s28 =	simm.s32 @!p0 $0x80;
	_ =	swait.ge @!p0 [sflag:s2], $0x4000  }
0x117: {  	p1 =	sge.u32 @!p0 s26, s22;
	s22 =	simm.s32 @!p0 $0x4;
	[sflag:s2] =	ssyncset.done @!p0 $0x0  }
0x118: {  	s6 =	sadd.s32 @!p0 $0x7800, s29;
	[sflag:s2] =	ssyncadd.s32 @!p0 $0xFFFFC000;
	s2 =	simm.s32 @!p0 $0xF000  }
0x119: {  	[spmem:s1] =	stream.indirect.scatter.add.f32 @!p0 [tilespmem:s2], [sflag:$0x4], $0x80, s6, s28, $0xb8;
	[tilespmem:$0x1DC40] =	vst v63  }
0x11a: {  	p1 =	por p1, p0;
	_ =	swait.ge @!p0 [sflag:s22], $0x4000  }
0x11b: {  	s2 =	simm.s32 @!p1 $0x80;
	[sflag:s22] =	ssyncset.done @!p0 $0x0  }
0x11c: {  	s6 =	simm.s32 @!p1 $0xF000;
	[sflag:s22] =	ssyncadd.s32 @!p0 $0xFFFFC000;
	s22 =	sshra.s32 @!p1 s23, $0x2  }
0x11d: {  	s23 =	simm.s32 @!p2 $0x2;
	p0 =	por p2, p2;
	s22 =	sadd.s32 @!p1 $0x2900, s22  }
0x11e: {  	[tilespmem:s6], [sflag:$0x1] =	stream.indirect.gather @!p1 [hbm4b:s4+s2], $0x80, s22, s2, $0xb8;
	[tilespmem:$0x1DC40] =	vst v63  }
0x11f: {  	_ =	swait.ge @!p0 [sflag:s23], $0x4000  }
0x120: {  	[sflag:s23] =	ssyncset.done @!p0 $0x0  }
0x121: {  	s0 =	sadd.s32 @!p2 $0x7880, s0;
	s2 =	simm.s32 @!p0 $0x3;
	[sflag:s23] =	ssyncadd.s32 @!p0 $0xFFFFC000  }
0x122: {  	[spmem:s1] =	stream.indirect.scatter.add.f32 @!p0 [tilespmem:s25], [sflag:$0x3], $0x80, s0, s24, $0xb8;
	[tilespmem:$0x1DC40] =	vst v63  }
0x123: {  	_ =	swait.ge @!p0 [sflag:s2], $0x4000  }
0x124: {  	[sflag:s2] =	ssyncset.done @!p0 $0x0  }
0x125: {  	s30 =	stileid.u32;
	[sflag:s2] =	ssyncadd.s32 @!p0 $0xFFFFC000  }
0x126: {  	s0 =	sshll.u32 s30, $0x6;
	[bflag:$0x0] =	sbarrier.arrive $0xFFFF  }
0x127: {  	s23 =	sshrl.u32 s5, $0x3;
	s22 =	sor.u32 $0x1C03, s0;
	s31 =	rddreg [dreg:$0x7]  }
0x128: {  	[hbm:s31], [sflag:s22] =	dma.local [spmem:s23], $0xD80  }
0x129: {  	_ =	swait.ge [sflag:s11], $0xD80  }
0x12a: {  	[sflag:s11] =	ssyncset.done $0x0  }
0x12b: {  	[sflag:s11] =	ssyncadd.s32 $0xFFFFF280  }
0x12c: {  	s26 =	simm.s32 $0x200;
	s25 =	simm.s32 $0x0;
	s24 =	sld [smem:$0x1]  }
.LBB2_16:
0x12d: {  	p0 =	sne.s32 s26, $0xFE00;
	[tilespmem:s25+$0xF070] =	vst v4  }
0x12e: {  	[tilespmem:s25+$0xF000] =	vst v4  }
0x12f: {  	[tilespmem:s25+$0xF010] =	vst v4  }
.Ltmp7:
0x130: {  	[tilespmem:s25+$0xF020] =	vst v4;
	(pc) =	sbr.rel @p0 .LBB2_16-.Ltmp7, $4  }
0x131: {  	[tilespmem:s25+$0xF030] =	vst v4  }
0x132: {  	[tilespmem:s25+$0xF040] =	vst v4  }
0x133: {  	[tilespmem:s25+$0xF050] =	vst v4  }
0x134: {  	[tilespmem:s25+$0xF060] =	vst v4;
	s25 =	sshra.s32 s26, $0x2;
	s26 =	sadd.s32 $0x200, s26  }
0x135: {  	[tilespmem:s25+$0xF070] =	vst v4  }
0x136: {  	[tilespmem:s25+$0xF000] =	vst v4  }
0x137: {  	[tilespmem:s25+$0xF010] =	vst v4  }
0x138: {  	[tilespmem:s25+$0xF020] =	vst v4  }
0x139: {  	[tilespmem:s25+$0xF030] =	vst v4  }
0x13a: {  	[tilespmem:s25+$0xF040] =	vst v4  }
0x13b: {  	[tilespmem:s25+$0xF050] =	vst v4  }
0x13c: {  	s0 =	sadd.s32 $0x7F, s24;
	[tilespmem:s25+$0xF060] =	vst v4  }
0x13d: {  	[spmem:s5] =	stream.linear.scatter [tilespmem:s17], [sflag:$0x3], $0x4000, $0x38;
	[tilespmem:$0x1DC40] =	vst v63  }
0x13e: {  	s2 =	sshra.s32 s0, $0x1F;
	s6 =	sand.u32 $0x7F, s0;
	p0 =	slt.s32 s0, $0x1  }
0x13f: {  	s2 =	sshrl.u32 s2, $0x19;
	_ =	swait.ge [sflag:s11], $0x4000;
	p1 =	sne.s32 s6, $0x0  }
0x140: {  	[sflag:s11] =	ssyncset.done $0x0;
	s0 =	sadd.s32 s2, s0;
	p0 =	por !p0, !p1  }
0x141: {  	s2 =	simm.s32 $0x1;
	[sflag:s11] =	ssyncadd.s32 $0xFFFFC000;
	p0 =	por !p0, !p0  }
0x142: {  	[spmem:s7] =	stream.linear.scatter [tilespmem:s17], [sflag:$0x3], $0x2C00, $0x38;
	[tilespmem:$0x1DC40] =	vst v63  }
0x143: {  	s0 =	sshra.s32 s0, $0x7;
	s2 =	simm.s32 @!p0 $0x0  }
0x144: {  	_ =	swait.ge [sflag:s11], $0x2C00;
	s24 =	ssub.s32 s0, s2  }
0x145: {  	[sflag:s11] =	ssyncset.done $0x0;
	p0 =	slt.s32 s24, $0x1  }
0x146: {  	p1 =	sle.s32 s24, $0x0;
	[sflag:s11] =	ssyncadd.s32 $0xFFFFD400;
	s0 =	simm.s32 @!p0 $0x80  }
0x147: {  	s2 =	simm.s32 @!p0 $0x5000;
	s6 =	simm.s32 @!p0 $0xF000;
	[bflag:$0x0] =	sbarrier.arrive $0xFFFF  }
0x148: {  	[tilespmem:s6], [sflag:$0x1] =	stream.indirect.gather @!p0 [hbm4b:s4+s0], $0x80, s2, s0, $0xb8;
	[tilespmem:$0x1DC40] =	vst v63  }
0x149: {  	p0 =	sle.u32 @!p1 s24, $0x1  }
0x14a: {  	s0 =	simm.s32 @!p1 $0x1;
	p0 =	por p0, p1  }
0x14b: {  	s2 =	simm.s32 @!p0 $0x5080;
	s6 =	simm.s32 @!p0 $0x80;
	s28 =	simm.s32 @!p0 $0x13000  }
0x14c: {  	[tilespmem:s28], [sflag:$0x2] =	stream.indirect.gather @!p0 [hbm4b:s4+s6], $0x80, s2, s6, $0xb8;
	[tilespmem:$0x1DC40] =	vst v63  }
0x14d: {  	s25 =	simm.s32 @!p1 $0x80;
	p2 =	sle.u32 @!p1 s24, $0x2;
	_ =	swait.ge @!p1 [sflag:s0], $0x4000  }
0x14e: {  	s26 =	simm.s32 @!p1 $0x4;
	p2 =	por p2, p1;
	[sflag:s0] =	ssyncset.done @!p1 $0x0  }
0x14f: {  	s2 =	simm.s32 @!p1 $0xA000;
	[sflag:s0] =	ssyncadd.s32 @!p1 $0xFFFFC000;
	s0 =	simm.s32 @!p1 $0xF000  }
0x150: {  	[spmem:s1] =	stream.indirect.scatter.add.f32 @!p1 [tilespmem:s0], [sflag:$0x4], $0x80, s2, s25, $0xb8;
	[tilespmem:$0x1DC40] =	vst v63  }
0x151: {  	s29 =	simm.s32 @!p0 $0x2;
	s0 =	simm.s32 @!p2 $0x80;
	_ =	swait.ge @!p1 [sflag:s26], $0x4000  }
0x152: {  	s2 =	simm.s32 @!p2 $0xF000;
	s25 =	simm.s32 @!p2 $0x5100;
	[sflag:s26] =	ssyncset.done @!p1 $0x0  }
0x153: {  	[sflag:s26] =	ssyncadd.s32 @!p1 $0xFFFFC000;
	p1 =	por p0, p0;
	s26 =	simm.s32 $0x800  }
0x154: {  	[tilespmem:s2], [sflag:$0x1] =	stream.indirect.gather @!p2 [hbm4b:s4+s0], $0x80, s25, s0, $0xb8;
	[tilespmem:$0x1DC40] =	vst v63  }
0x155: {  	s25 =	simm.s32 $0x400;
	s0 =	simm.s32 @!p0 $0xA080;
	_ =	swait.ge @!p1 [sflag:s29], $0x4000  }
0x156: {  	p0 =	sle.s32 s24, $0x2;
	s30 =	simm.s32 @!p1 $0x3;
	[sflag:s29] =	ssyncset.done @!p1 $0x0  }
0x157: {  	s31 =	simm.s32 @!p0 $0x100;
	p2 =	sle.u32 @!p0 s24, $0x3;
	[sflag:s29] =	ssyncadd.s32 @!p1 $0xFFFFC000  }
0x158: {  	[spmem:s1] =	stream.indirect.scatter.add.f32 @!p1 [tilespmem:s28], [sflag:$0x3], $0x80, s0, s6, $0xb8;
	[tilespmem:$0x1DC40] =	vst v63  }
0x159: {  	s29 =	simm.s32 @!p0 $0x4;
	s28 =	simm.s32 $0x2;
	_ =	swait.ge @!p1 [sflag:s30], $0x4000  }
.LBB2_18:
0x15a: {  	p2 =	por p2, p0  }
0x15b: {  	s0 =	sadd.s32 @!p0 $0xA000, s31;
	[sflag:s30] =	ssyncset.done @!p1 $0x0;
	s2 =	smov.u32 s26  }
0x15c: {  	s31 =	simm.s32 @!p0 $0x1;
	s6 =	sshra.s32 @!p2 s25, $0x2;
	[sflag:s30] =	ssyncadd.s32 @!p1 $0xFFFFC000  }
0x15d: {  	s9 =	simm.s32 @!p2 $0x80;
	s10 =	simm.s32 @!p2 $0x13000;
	s30 =	sadd.s32 @!p2 $0x5080, s6  }
0x15e: {  	[tilespmem:s10], [sflag:$0x2] =	stream.indirect.gather @!p2 [hbm4b:s4+s9], $0x80, s30, s9, $0xb8;
	[tilespmem:$0x1DC40] =	vst v63  }
0x15f: {  	s26 =	sadd.s32 $0x400, s26;
	s6 =	sadd.s32 @!p2 $0xA080, s6;
	_ =	swait.ge @!p0 [sflag:s31], $0x4000  }
0x160: {  	p1 =	sge.u32 @!p0 s29, s24;
	s30 =	simm.s32 @!p0 $0x80;
	[sflag:s31] =	ssyncset.done @!p0 $0x0  }
0x161: {  	s29 =	simm.s32 @!p0 $0xF000;
	[sflag:s31] =	ssyncadd.s32 @!p0 $0xFFFFC000;
	s31 =	simm.s32 @!p0 $0x4  }
0x162: {  	[spmem:s1] =	stream.indirect.scatter.add.f32 @!p0 [tilespmem:s29], [sflag:$0x4], $0x80, s0, s30, $0xb8;
	[tilespmem:$0x1DC40] =	vst v63  }
0x163: {  	p3 =	sne.s32 s26, $0xA000;
	p4 =	por p1, p0;
	_ =	swait.ge @!p0 [sflag:s31], $0x4000  }
0x164: {  	s0 =	simm.s32 @!p4 $0x80;
	s29 =	simm.s32 @!p4 $0xF000;
	[sflag:s31] =	ssyncset.done @!p0 $0x0  }
0x165: {  	s18 =	simm.s32 @!p2 $0x2;
	s25 =	sshra.s32 @!p4 s25, $0x2;
	[sflag:s31] =	ssyncadd.s32 @!p0 $0xFFFFC000  }
0x166: {  	p1 =	por p2, p2;
	s30 =	sadd.s32 @!p4 $0x5100, s25;
	s25 =	smov.u32 s2  }
0x167: {  	[tilespmem:s29], [sflag:$0x1] =	stream.indirect.gather @!p4 [hbm4b:s4+s0], $0x80, s30, s0, $0xb8;
	[tilespmem:$0x1DC40] =	vst v63  }
.Ltmp8:
0x168: {  	s28 =	sadd.s32 $0x2, s28;
	_ =	swait.ge @!p1 [sflag:s18], $0x4000;
	(pc) =	sbr.rel @p3 .LBB2_18-.Ltmp8, $4  }
0x169: {  	p0 =	sge.s32 s28, s24;
	s30 =	simm.s32 @!p1 $0x3;
	[sflag:s18] =	ssyncset.done @!p1 $0x0  }
0x16a: {  	s31 =	sshra.s32 @!p0 s25, $0x2;
	s0 =	sadd.s32 @!p0 $0x1, s28;
	[sflag:s18] =	ssyncadd.s32 @!p1 $0xFFFFC000  }
0x16b: {  	[spmem:s1] =	stream.indirect.scatter.add.f32 @!p1 [tilespmem:s10], [sflag:$0x3], $0x80, s6, s9, $0xb8;
	[tilespmem:$0x1DC40] =	vst v63  }
0x16c: {  	s29 =	sadd.s32 @!p0 $0x2, s28;
	p2 =	sge.u32 @!p0 s0, s24;
	_ =	swait.ge @!p1 [sflag:s30], $0x4000  }
0x16d: {  	p2 =	por p2, p0;
	[sflag:s30] =	ssyncset.done @!p1 $0x0  }
0x16e: {  	s2 =	simm.s32 @!p0 $0x1;
	s0 =	sshra.s32 @!p2 s25, $0x2;
	[sflag:s30] =	ssyncadd.s32 @!p1 $0xFFFFC000  }
0x16f: {  	s9 =	simm.s32 @!p2 $0x80;
	s10 =	simm.s32 @!p2 $0x13000;
	s6 =	sadd.s32 @!p2 $0x5080, s0  }
0x170: {  	[tilespmem:s10], [sflag:$0x2] =	stream.indirect.gather @!p2 [hbm4b:s4+s9], $0x80, s6, s9, $0xb8;
	[tilespmem:$0x1DC40] =	vst v63  }
0x171: {  	s18 =	simm.s32 @!p0 $0x80;
	p1 =	sge.u32 @!p0 s29, s24;
	_ =	swait.ge @!p0 [sflag:s2], $0x4000  }
0x172: {  	s24 =	simm.s32 @!p0 $0x4;
	p1 =	por p1, p0;
	[sflag:s2] =	ssyncset.done @!p0 $0x0  }
0x173: {  	s6 =	sadd.s32 @!p0 $0xA000, s31;
	[sflag:s2] =	ssyncadd.s32 @!p0 $0xFFFFC000;
	s2 =	simm.s32 @!p0 $0xF000  }
0x174: {  	[spmem:s1] =	stream.indirect.scatter.add.f32 @!p0 [tilespmem:s2], [sflag:$0x4], $0x80, s6, s18, $0xb8;
	[tilespmem:$0x1DC40] =	vst v63  }
0x175: {  	s2 =	simm.s32 @!p1 $0x80;
	s18 =	sshra.s32 @!p1 s25, $0x2;
	_ =	swait.ge @!p0 [sflag:s24], $0x4000  }
0x176: {  	s6 =	simm.s32 @!p1 $0xF000;
	s18 =	sadd.s32 @!p1 $0x5100, s18;
	[sflag:s24] =	ssyncset.done @!p0 $0x0  }
0x177: {  	[sflag:s24] =	ssyncadd.s32 @!p0 $0xFFFFC000;
	s24 =	simm.s32 @!p2 $0x2;
	p0 =	por p2, p2  }
0x178: {  	[tilespmem:s6], [sflag:$0x1] =	stream.indirect.gather @!p1 [hbm4b:s4+s2], $0x80, s18, s2, $0xb8;
	[tilespmem:$0x1DC40] =	vst v63  }
0x179: {  	_ =	swait.ge @!p0 [sflag:s24], $0x4000  }
0x17a: {  	[sflag:s24] =	ssyncset.done @!p0 $0x0  }
0x17b: {  	s0 =	sadd.s32 @!p2 $0xA080, s0;
	s2 =	simm.s32 @!p0 $0x3;
	[sflag:s24] =	ssyncadd.s32 @!p0 $0xFFFFC000  }
0x17c: {  	[spmem:s1] =	stream.indirect.scatter.add.f32 @!p0 [tilespmem:s10], [sflag:$0x3], $0x80, s0, s9, $0xb8;
	[tilespmem:$0x1DC40] =	vst v63  }
0x17d: {  	_ =	swait.ge @!p0 [sflag:s2], $0x4000  }
0x17e: {  	[sflag:s2] =	ssyncset.done @!p0 $0x0  }
0x17f: {  	[sflag:s2] =	ssyncadd.s32 @!p0 $0xFFFFC000  }
0x180: {  	[bflag:$0x0] =	sbarrier.arrive $0xFFFF  }
0x181: {  	[hbm:s19], [sflag:s22] =	dma.local [spmem:s23], $0xD80  }
0x182: {  	_ =	swait.ge [sflag:s11], $0xD80  }
0x183: {  	[sflag:s11] =	ssyncset.done $0x0  }
0x184: {  	[sflag:s11] =	ssyncadd.s32 $0xFFFFF280  }
0x185: {  	s25 =	simm.s32 $0x200;
	s24 =	simm.s32 $0x0;
	s23 =	sld [smem:$0x2]  }
.LBB2_20:
0x186: {  	p0 =	sne.s32 s25, $0xFE00;
	[tilespmem:s24+$0xF070] =	vst v4  }
0x187: {  	[tilespmem:s24+$0xF000] =	vst v4  }
0x188: {  	[tilespmem:s24+$0xF010] =	vst v4  }
.Ltmp9:
0x189: {  	[tilespmem:s24+$0xF020] =	vst v4;
	(pc) =	sbr.rel @p0 .LBB2_20-.Ltmp9, $4  }
0x18a: {  	[tilespmem:s24+$0xF030] =	vst v4  }
0x18b: {  	[tilespmem:s24+$0xF040] =	vst v4  }
0x18c: {  	[tilespmem:s24+$0xF050] =	vst v4  }
0x18d: {  	[tilespmem:s24+$0xF060] =	vst v4;
	s24 =	sshra.s32 s25, $0x2;
	s25 =	sadd.s32 $0x200, s25  }
0x18e: {  	[tilespmem:s24+$0xF070] =	vst v4  }
0x18f: {  	[tilespmem:s24+$0xF000] =	vst v4  }
0x190: {  	[tilespmem:s24+$0xF010] =	vst v4  }
0x191: {  	[tilespmem:s24+$0xF020] =	vst v4  }
0x192: {  	[tilespmem:s24+$0xF030] =	vst v4  }
0x193: {  	[tilespmem:s24+$0xF040] =	vst v4  }
0x194: {  	[tilespmem:s24+$0xF050] =	vst v4;
	s0 =	sadd.s32 $0x7F, s23  }
0x195: {  	[tilespmem:s24+$0xF060] =	vst v4;
	s2 =	sshra.s32 s0, $0x1F  }
0x196: {  	[spmem:s8] =	stream.linear.scatter [tilespmem:s17], [sflag:$0x3], $0x4000, $0x38;
	[tilespmem:$0x1DC40] =	vst v63  }
0x197: {  	s6 =	sand.u32 $0x7F, s0;
	p0 =	slt.s32 s0, $0x1;
	_ =	swait.ge [sflag:s11], $0x4000  }
0x198: {  	s2 =	sshrl.u32 s2, $0x19;
	p1 =	sne.s32 s6, $0x0;
	[sflag:s11] =	ssyncset.done $0x0  }
0x199: {  	s0 =	sadd.s32 s2, s0;
	p0 =	por !p0, !p1;
	s31 =	rddreg [dreg:$0x5]  }
0x19a: {  	s2 =	simm.s32 $0x1;
	[sflag:s11] =	ssyncadd.s32 $0xFFFFC000;
	p0 =	por !p0, !p0  }
0x19b: {  	[spmem:s31] =	stream.linear.scatter [tilespmem:s17], [sflag:$0x3], $0x2800, $0x38;
	[tilespmem:$0x1DC40] =	vst v63  }
0x19c: {  	s0 =	sshra.s32 s0, $0x7;
	s2 =	simm.s32 @!p0 $0x0  }
0x19d: {  	_ =	swait.ge [sflag:s11], $0x2800;
	s23 =	ssub.s32 s0, s2  }
0x19e: {  	[sflag:s11] =	ssyncset.done $0x0;
	p0 =	slt.s32 s23, $0x1  }
0x19f: {  	p1 =	sle.s32 s23, $0x0;
	[sflag:s11] =	ssyncadd.s32 $0xFFFFD800;
	s0 =	simm.s32 @!p0 $0x80  }
0x1a0: {  	s2 =	simm.s32 @!p0 $0x0;
	s6 =	simm.s32 @!p0 $0xF000;
	[bflag:$0x0] =	sbarrier.arrive $0xFFFF  }
0x1a1: {  	[tilespmem:s6], [sflag:$0x1] =	stream.indirect.gather @!p0 [hbm4b:s4+s0], $0x80, s2, s0, $0xb8;
	[tilespmem:$0x1DC40] =	vst v63  }
0x1a2: {  	p0 =	sle.u32 @!p1 s23, $0x1  }
0x1a3: {  	s0 =	simm.s32 @!p1 $0x1;
	p0 =	por p0, p1  }
0x1a4: {  	s2 =	simm.s32 @!p0 $0x80;
	s6 =	simm.s32 @!p0 $0x80;
	s9 =	simm.s32 @!p0 $0x13000  }
0x1a5: {  	[tilespmem:s9], [sflag:$0x2] =	stream.indirect.gather @!p0 [hbm4b:s4+s6], $0x80, s2, s6, $0xb8;
	[tilespmem:$0x1DC40] =	vst v63  }
0x1a6: {  	s10 =	simm.s32 @!p1 $0x80;
	p2 =	sle.u32 @!p1 s23, $0x2;
	_ =	swait.ge @!p1 [sflag:s0], $0x4000  }
0x1a7: {  	s18 =	simm.s32 @!p1 $0x4;
	p2 =	por p2, p1;
	[sflag:s0] =	ssyncset.done @!p1 $0x0  }
0x1a8: {  	s2 =	simm.s32 @!p1 $0xC800;
	[sflag:s0] =	ssyncadd.s32 @!p1 $0xFFFFC000;
	s0 =	simm.s32 @!p1 $0xF000  }
0x1a9: {  	[spmem:s1] =	stream.indirect.scatter.add.f32 @!p1 [tilespmem:s0], [sflag:$0x4], $0x80, s2, s10, $0xb8;
	[tilespmem:$0x1DC40] =	vst v63  }
0x1aa: {  	s24 =	simm.s32 $0x400;
	s0 =	simm.s32 @!p2 $0x80;
	_ =	swait.ge @!p1 [sflag:s18], $0x4000  }
0x1ab: {  	s2 =	simm.s32 @!p2 $0xF000;
	s10 =	simm.s32 @!p0 $0x2;
	[sflag:s18] =	ssyncset.done @!p1 $0x0  }
0x1ac: {  	[sflag:s18] =	ssyncadd.s32 @!p1 $0xFFFFC000;
	s18 =	simm.s32 @!p2 $0x100;
	p1 =	por p0, p0  }
0x1ad: {  	[tilespmem:s2], [sflag:$0x1] =	stream.indirect.gather @!p2 [hbm4b:s4+s0], $0x80, s18, s0, $0xb8;
	[tilespmem:$0x1DC40] =	vst v63  }
0x1ae: {  	s25 =	simm.s32 $0x800;
	s26 =	simm.s32 $0x2;
	_ =	swait.ge @!p1 [sflag:s10], $0x4000  }
0x1af: {  	s0 =	simm.s32 @!p0 $0xC880;
	p0 =	sle.s32 s23, $0x2;
	[sflag:s10] =	ssyncset.done @!p1 $0x0  }
0x1b0: {  	s29 =	simm.s32 @!p1 $0x3;
	s30 =	simm.s32 @!p0 $0x100;
	[sflag:s10] =	ssyncadd.s32 @!p1 $0xFFFFC000  }
0x1b1: {  	[spmem:s1] =	stream.indirect.scatter.add.f32 @!p1 [tilespmem:s9], [sflag:$0x3], $0x80, s0, s6, $0xb8;
	[tilespmem:$0x1DC40] =	vst v63  }
0x1b2: {  	p2 =	sle.u32 @!p0 s23, $0x3;
	s28 =	simm.s32 @!p0 $0x4;
	_ =	swait.ge @!p1 [sflag:s29], $0x4000  }
.LBB2_22:
0x1b3: {  	p2 =	por p2, p0  }
0x1b4: {  	s0 =	sadd.s32 @!p0 $0xC800, s30;
	[sflag:s29] =	ssyncset.done @!p1 $0x0;
	s2 =	smov.u32 s25  }
0x1b5: {  	s9 =	simm.s32 @!p0 $0x1;
	s6 =	sshra.s32 @!p2 s24, $0x2;
	[sflag:s29] =	ssyncadd.s32 @!p1 $0xFFFFC000  }
0x1b6: {  	s18 =	simm.s32 @!p2 $0x80;
	s31 =	simm.s32 @!p2 $0x13000;
	s10 =	sadd.s32 @!p2 $0x80, s6  }
0x1b7: {  	[tilespmem:s31], [sflag:$0x2] =	stream.indirect.gather @!p2 [hbm4b:s4+s18], $0x80, s10, s18, $0xb8;
	[tilespmem:$0x1DC40] =	vst v63  }
0x1b8: {  	s25 =	sadd.s32 $0x400, s25;
	s6 =	sadd.s32 @!p2 $0xC880, s6;
	_ =	swait.ge @!p0 [sflag:s9], $0x4000  }
0x1b9: {  	p1 =	sge.u32 @!p0 s28, s23;
	s10 =	simm.s32 @!p0 $0x80;
	[sflag:s9] =	ssyncset.done @!p0 $0x0  }
0x1ba: {  	s28 =	simm.s32 @!p0 $0x4;
	[sflag:s9] =	ssyncadd.s32 @!p0 $0xFFFFC000;
	s9 =	simm.s32 @!p0 $0xF000  }
0x1bb: {  	[spmem:s1] =	stream.indirect.scatter.add.f32 @!p0 [tilespmem:s9], [sflag:$0x4], $0x80, s0, s10, $0xb8;
	[tilespmem:$0x1DC40] =	vst v63  }
0x1bc: {  	p3 =	sne.s32 s25, $0xA000;
	p4 =	por p1, p0;
	_ =	swait.ge @!p0 [sflag:s28], $0x4000  }
0x1bd: {  	s0 =	simm.s32 @!p4 $0x80;
	s9 =	simm.s32 @!p4 $0xF000;
	[sflag:s28] =	ssyncset.done @!p0 $0x0  }
0x1be: {  	s10 =	sshra.s32 @!p4 s24, $0x2;
	[sflag:s28] =	ssyncadd.s32 @!p0 $0xFFFFC000;
	s28 =	simm.s32 @!p2 $0x2  }
0x1bf: {  	p1 =	por p2, p2;
	s24 =	smov.u32 s2;
	s10 =	sadd.s32 @!p4 $0x100, s10  }
0x1c0: {  	[tilespmem:s9], [sflag:$0x1] =	stream.indirect.gather @!p4 [hbm4b:s4+s0], $0x80, s10, s0, $0xb8;
	[tilespmem:$0x1DC40] =	vst v63  }
.Ltmp10:
0x1c1: {  	s26 =	sadd.s32 $0x2, s26;
	_ =	swait.ge @!p1 [sflag:s28], $0x4000;
	(pc) =	sbr.rel @p3 .LBB2_22-.Ltmp10, $4  }
0x1c2: {  	s29 =	simm.s32 @!p1 $0x3;
	p0 =	sge.s32 s26, s23;
	[sflag:s28] =	ssyncset.done @!p1 $0x0  }
0x1c3: {  	s30 =	sshra.s32 @!p0 s24, $0x2;
	s0 =	sadd.s32 @!p0 $0x1, s26;
	[sflag:s28] =	ssyncadd.s32 @!p1 $0xFFFFC000  }
0x1c4: {  	[spmem:s1] =	stream.indirect.scatter.add.f32 @!p1 [tilespmem:s31], [sflag:$0x3], $0x80, s6, s18, $0xb8;
	[tilespmem:$0x1DC40] =	vst v63  }
0x1c5: {  	p2 =	sge.u32 @!p0 s0, s23;
	s28 =	sadd.s32 @!p0 $0x2, s26;
	_ =	swait.ge @!p1 [sflag:s29], $0x4000  }
0x1c6: {  	p2 =	por p2, p0;
	[sflag:s29] =	ssyncset.done @!p1 $0x0  }
0x1c7: {  	s2 =	simm.s32 @!p0 $0x1;
	s0 =	sshra.s32 @!p2 s24, $0x2;
	[sflag:s29] =	ssyncadd.s32 @!p1 $0xFFFFC000  }
0x1c8: {  	s9 =	simm.s32 @!p2 $0x80;
	s10 =	simm.s32 @!p2 $0x13000;
	s6 =	sadd.s32 @!p2 $0x80, s0  }
0x1c9: {  	[tilespmem:s10], [sflag:$0x2] =	stream.indirect.gather @!p2 [hbm4b:s4+s9], $0x80, s6, s9, $0xb8;
	[tilespmem:$0x1DC40] =	vst v63  }
0x1ca: {  	s18 =	simm.s32 @!p0 $0x80;
	p1 =	sge.u32 @!p0 s28, s23;
	_ =	swait.ge @!p0 [sflag:s2], $0x4000  }
0x1cb: {  	s23 =	simm.s32 @!p0 $0x4;
	p1 =	por p1, p0;
	[sflag:s2] =	ssyncset.done @!p0 $0x0  }
0x1cc: {  	s6 =	sadd.s32 @!p0 $0xC800, s30;
	[sflag:s2] =	ssyncadd.s32 @!p0 $0xFFFFC000;
	s2 =	simm.s32 @!p0 $0xF000  }
0x1cd: {  	[spmem:s1] =	stream.indirect.scatter.add.f32 @!p0 [tilespmem:s2], [sflag:$0x4], $0x80, s6, s18, $0xb8;
	[tilespmem:$0x1DC40] =	vst v63  }
0x1ce: {  	s2 =	simm.s32 @!p1 $0x80;
	s18 =	sshra.s32 @!p1 s24, $0x2;
	_ =	swait.ge @!p0 [sflag:s23], $0x4000  }
0x1cf: {  	s6 =	simm.s32 @!p1 $0xF000;
	s18 =	sadd.s32 @!p1 $0x100, s18;
	[sflag:s23] =	ssyncset.done @!p0 $0x0  }
0x1d0: {  	[sflag:s23] =	ssyncadd.s32 @!p0 $0xFFFFC000;
	s23 =	simm.s32 @!p2 $0x2;
	p0 =	por p2, p2  }
0x1d1: {  	[tilespmem:s6], [sflag:$0x1] =	stream.indirect.gather @!p1 [hbm4b:s4+s2], $0x80, s18, s2, $0xb8;
	[tilespmem:$0x1DC40] =	vst v63  }
0x1d2: {  	_ =	swait.ge @!p0 [sflag:s23], $0x4000  }
0x1d3: {  	[sflag:s23] =	ssyncset.done @!p0 $0x0  }
0x1d4: {  	s0 =	sadd.s32 @!p2 $0xC880, s0;
	s2 =	simm.s32 @!p0 $0x3;
	[sflag:s23] =	ssyncadd.s32 @!p0 $0xFFFFC000  }
0x1d5: {  	[spmem:s1] =	stream.indirect.scatter.add.f32 @!p0 [tilespmem:s10], [sflag:$0x3], $0x80, s0, s9, $0xb8;
	[tilespmem:$0x1DC40] =	vst v63  }
0x1d6: {  	_ =	swait.ge @!p0 [sflag:s2], $0x4000  }
0x1d7: {  	[sflag:s2] =	ssyncset.done @!p0 $0x0  }
0x1d8: {  	[sflag:s2] =	ssyncadd.s32 @!p0 $0xFFFFC000  }
0x1d9: {  	s30 =	sshrl.u32 s8, $0x3;
	[bflag:$0x0] =	sbarrier.arrive $0xFFFF  }
0x1da: {  	[hbm:s20], [sflag:s22] =	dma.local [spmem:s30], $0xD00  }
0x1db: {  	_ =	swait.ge [sflag:s11], $0xD00  }
0x1dc: {  	s21 =	sadd.s32 $0x1, s21;
	s31 =	rddreg [dreg:$0x6]  }
0x1dd: {  	p0 =	sne.s32 s21, s31  }
.Ltmp11:
0x1de: {  	_ = 	snop;
	(pc) =	sbr.rel @p0 .LBB2_1-.Ltmp11, $3  }
0x1df: {  	_ =	sdelay $0x1  }
0x1e0: {  	[sflag:s11] =	ssyncset.done $0x0  }
0x1e1: {  	[sflag:s11] =	ssyncadd.s32 $0xFFFFF300  }
0x1e2: {  	_ =	sfence.sel $0x180000  }
0x1e3: {  	[bflag:$0x0] =	sbarrier.arrive $0xFFFF  }
0x1e4: {  	_ =	strace $0x9000004D  }
0x1e5: {  	s0 =	stileid.u32;
	[bflag:$0x2] =	sbarrier.arrive $0xFFFF  }
0x1e6: {  	p0 =	sne.s32 s0, $0x0;
	s0 =	rddreg [dreg:$0x3]  }
0x1e7: {  	s0 =	sadd.s32 @!p0 $0x100000, s0  }
0x1e8: {  	[sflag:s0] =	ssyncadd.tile.s32 @!p0 $0x1;
	_ =	shalt  }
.Lfunc_end2:
_tile_overlayer_lowered:
.L_overlay_start_2:
0x1e9: {  	(tag) =	ssettag $0x2  }
0x1ea: {  	s0 =	rddreg [dreg:$0x0];
	s2 =	stileid.u32  }
0x1eb: {  	s1 =	rddreg [dreg:$0x1];
	p0 =	sne.s32 s2, $0x0  }
0x1ec: {  	s3 =	rddreg [dreg:$0x2];
	[bflag:$0x3] =	sbarrier.arrive $0xFFFF;
	s2 =	simm.s32 @!p0 $0x1C03  }
0x1ed: {  	[timem:s3], [sflag:s2] =	dma.local @!p0 [hbm:s0], s1  }
0x1ee: {  	s0 =	simm.s32 @!p0 $0x3  }
0x1ef: {  	_ =	swait.ge @!p0 [sflag:s0], s1  }
0x1f0: {  	s1 =	ssub.s32 @!p0 $0x0, s1;
	[sflag:s0] =	ssyncset.done @!p0 $0x0  }
0x1f1: {  	[sflag:s0] =	ssyncadd.s32 @!p0 s1  }
0x1f2: {  	[bflag:$0x3] =	sbarrier.arrive $0xFFFF  }
0x1f3: {  	_ =	shalt  }

// kernel: kernel.8.cloned.1.call-start
scs
__scs_entry_jumppad:
0x0: {  	(pc) =	sbr.rel $0x88, $3  }
0x1: {  	(tag) =	ssettag $0x0;
	lr =	simm.s32 $0x1  }
0x2: {  	[smem:$0x3F89] =	sst lr;
	_ =	strace $0xD0000000  }
0x3: {  	_ = 	snop  }
0x4: {  	_ = 	snop  }
0x5: {  	_ = 	snop  }
0x6: {  	_ = 	snop  }
0x7: {  	_ = 	snop  }
__scs_overlays_trampoline_lowered:
0x8: {  	[smem:$0x3F98] =	sst s0  }
0x9: {  	[smem:$0x3F99] =	sst s1  }
0xa: {  	[smem:$0x3F9A] =	sst s2  }
0xb: {  	[smem:$0x3F9B] =	sst s3  }
0xc: {  	[smem:$0x3F9C] =	sst s4  }
0xd: {  	[smem:$0x3F9D] =	sst s5  }
0xe: {  	[smem:$0x3F9E] =	sst s6  }
0xf: {  	[smem:$0x3F9F] =	sst s7  }
0x10: {  	[smem:$0x3FA0] =	sst s8  }
0x11: {  	[smem:$0x3FA1] =	sst s9;
	s0 =	simm.s32 @!p0 $0x0  }
0x12: {  	s1 =	sld [smem:$0x3F87];
	s0 =	simm.s32 @p0 $0x1  }
0x13: {  	[smem:$0x3FA2] =	sst s0;
	s0 =	simm.s32 @!p1 $0x0  }
0x14: {  	s2 =	sld [smem:$0x3F86];
	s0 =	simm.s32 @p1 $0x1  }
0x15: {  	[smem:$0x3FA3] =	sst s0;
	s0 =	simm.s32 @!p2 $0x0  }
0x16: {  	s3 =	sld [smem:$0x3FDB];
	s0 =	simm.s32 @p2 $0x1  }
0x17: {  	s4 =	simm.s32 $0x1BF5;
	[smem:$0x3FA5] =	sst s0  }
0x18: {  	s0 =	sld [smem:$0x3F88];
	_ =	swait.ge [sflag:s4], $0x0  }
0x19: {  	s7 =	sld [smem:$0x3F89]  }
0x1a: {  	s8 =	sadd.s32 $0xFFFFE003, lr  }
0x1b: {  	s9 =	sadd.s32 $0xFFFFFEF7, lr;
	s5 =	simm.s32 $0xFFFFFFFF;
	p2 =	slt.u32 s8, $0xFFFFF086  }
0x1c: {  	p1 =	slt.u32 s9, $0xF7A;
	s5 =	simm.s32 @!p2 $0x0  }
0x1d: {  	s5 =	simm.s32 @p1 $0x1;
	p0 =	seq.s32 s7, s2  }
0x1e: {  	s7 =	smul.u32 @!p0 $0xF7A, s2;
	p2 =	seq.s32 @!p0 s5, $0x0  }
0x1f: {  	s9 =	smul.u32 $0xF7A, s1;
	s8 =	simm.s32 @!p0 $0x1BF5;
	p2 =	por !p2, p0  }
0x20: {  	[sflag:s8] =	ssyncset.s32 @!p0 $0xFFFFF086;
	s6 =	sadd.s32 @!p0 s3, s7;
	s7 =	simm.s32 @!p0 $0x108  }
0x21: {  	s3 =	sadd.s32 s3, s9;
	s6 =	sadd.s32 @!p0 $0x88, s6;
	s7 =	simm.s32 @p2 $0x1082  }
0x22: {  	[simem:s7], [sflag:s8] =	dma.local @!p0 [hbm:s6], $0xF7A  }
0x23: {  	s9 =	sor.u32 $0xD0000000, s2;
	s6 =	simm.s32 $0x108;
	_ =	swait.ge @!p0 [sflag:s8], $0x0  }
0x24: {  	s3 =	sadd.s32 $0x88, s3;
	s6 =	simm.s32 @!p1 $0x1082;
	[sflag:s4] =	ssyncset.s32 $0xFFFFF086  }
0x25: {  	[simem:s6], [sflag:s4] =	dma.local [hbm:s3], $0xF7A  }
0x26: {  	[smem:$0x3F89] =	sst s1;
	(tag) =	ssettag s2;
	_ =	strace s9  }
0x27: {  	s1 =	sld [smem:$0x3F99]  }
0x28: {  	s2 =	sld [smem:$0x3F9A]  }
0x29: {  	s4 =	sld [smem:$0x3F9C]  }
0x2a: {  	p0 =	seq.s32 s5, $0x0;
	s5 =	sld [smem:$0x3F9D]  }
0x2b: {  	s6 =	sld [smem:$0x3F9E]  }
0x2c: {  	s7 =	sld [smem:$0x3F9F]  }
0x2d: {  	s3 =	simm.s32 $0x108;
	s8 =	sld [smem:$0x3FA0]  }
0x2e: {  	s3 =	simm.s32 @!p0 $0x1082;
	s9 =	sld [smem:$0x3FA1]  }
0x2f: {  	lr =	sadd.s32 s0, s3;
	s0 =	sld [smem:$0x3F98]  }
0x30: {  	s3 =	sld [smem:$0x3F9B]  }
0x31: {  	[smem:$0x3FA4] =	sst s10  }
0x32: {  	s10 =	sld [smem:$0x3FA2];
	_ =	sdelay $0x3  }
0x33: {  	p0 =	seq.s32 s10, $0x1;
	s10 =	sld [smem:$0x3FA4];
	_ =	sdelay $0x3  }
0x34: {  	[smem:$0x3FA4] =	sst s10  }
0x35: {  	s10 =	sld [smem:$0x3FA3];
	_ =	sdelay $0x3  }
0x36: {  	p1 =	seq.s32 s10, $0x1;
	s10 =	sld [smem:$0x3FA4];
	_ =	sdelay $0x3  }
0x37: {  	[smem:$0x3FA4] =	sst s10  }
0x38: {  	s10 =	sld [smem:$0x3FA5]  }
0x39: {  	_ = 	snop;
	(pc) =	sbr.ind lr, $3  }
0x3a: {  	_ = 	snop  }
0x3b: {  	_ = 	snop  }
0x3c: {  	p2 =	seq.s32 s10, $0x1;
	s10 =	sld [smem:$0x3FA4]  }
0x3d: {  	_ =	shalt  }
0x3e: {  	_ =	shalt  }
0x3f: {  	_ =	shalt  }
0x40: {  	_ =	shalt  }
0x41: {  	_ =	shalt  }
0x42: {  	_ =	shalt  }
0x43: {  	_ =	shalt  }
0x44: {  	_ =	shalt  }
0x45: {  	_ =	shalt  }
0x46: {  	_ =	shalt  }
0x47: {  	_ =	shalt  }
0x48: {  	_ =	shalt  }
0x49: {  	_ =	shalt  }
0x4a: {  	_ =	shalt  }
0x4b: {  	_ =	shalt  }
0x4c: {  	_ =	shalt  }
0x4d: {  	_ =	shalt  }
0x4e: {  	_ =	shalt  }
0x4f: {  	_ =	shalt  }
0x50: {  	_ =	shalt  }
0x51: {  	_ =	shalt  }
0x52: {  	_ =	shalt  }
0x53: {  	_ =	shalt  }
0x54: {  	_ =	shalt  }
0x55: {  	_ =	shalt  }
0x56: {  	_ =	shalt  }
0x57: {  	_ =	shalt  }
0x58: {  	_ =	shalt  }
0x59: {  	_ =	shalt  }
0x5a: {  	_ =	shalt  }
0x5b: {  	_ =	shalt  }
0x5c: {  	_ =	shalt  }
0x5d: {  	_ =	shalt  }
0x5e: {  	_ =	shalt  }
0x5f: {  	_ =	shalt  }
0x60: {  	_ =	shalt  }
0x61: {  	_ =	shalt  }
0x62: {  	_ =	shalt  }
0x63: {  	_ =	shalt  }
0x64: {  	_ =	shalt  }
0x65: {  	_ =	shalt  }
0x66: {  	_ =	shalt  }
0x67: {  	_ =	shalt  }
0x68: {  	_ =	shalt  }
0x69: {  	_ =	shalt  }
0x6a: {  	_ =	shalt  }
0x6b: {  	_ =	shalt  }
0x6c: {  	_ =	shalt  }
0x6d: {  	_ =	shalt  }
0x6e: {  	_ =	shalt  }
0x6f: {  	_ =	shalt  }
0x70: {  	_ =	shalt  }
0x71: {  	_ =	shalt  }
0x72: {  	_ =	shalt  }
0x73: {  	_ =	shalt  }
0x74: {  	_ =	shalt  }
0x75: {  	_ =	shalt  }
0x76: {  	_ =	shalt  }
0x77: {  	_ =	shalt  }
0x78: {  	_ =	shalt  }
0x79: {  	_ =	shalt  }
0x7a: {  	_ =	shalt  }
0x7b: {  	_ =	shalt  }
0x7c: {  	_ =	shalt  }
0x7d: {  	_ =	shalt  }
0x7e: {  	_ =	shalt  }
0x7f: {  	_ =	shalt  }
0x80: {  	_ =	shalt  }
0x81: {  	_ =	shalt  }
0x82: {  	_ =	shalt  }
0x83: {  	_ =	shalt  }
0x84: {  	_ =	shalt  }
0x85: {  	_ =	shalt  }
0x86: {  	_ =	shalt  }
0x87: {  	_ =	shalt  }
.Lfunc_end0:
.L_simem_size_0:
called_computation_lowered:
.L_overlay_start_0:
0x88: {  	s2 =	sld [smem:$0x3FD9]  }
0x89: {  	s3 =	sld [smem:$0x3FFE];
	_ =	sdelay $0x1  }
0x8a: {  	s1 =	srdreg.scid  }
0x8b: {  	s0 =	sand.u32 $0x1, s1  }
0x8c: {  	s15 =	sshll.u32 s0, $0xA;
	s2 =	sadd.s32 s3, s2  }
0x8d: {  	s2 =	sadd.s32 s2, s15  }
0x8e: {  	[smem:$0x3FB0] =	sst s2  }
0x8f: {  	_ = 	snop  }
0x90: {  	s2 =	sld [smem:$0x3FD0];
	_ =	sdelay $0x2  }
0x91: {  	s16 =	simm.s32 $0xA;
	s4 =	simm.s32 $0x10  }
0x92: {  	[smem:s4], [sflag:s16] =	dma.local [hbm:s2], $0x1  }
0x93: {  	_ =	swait.eq [sflag:s16], $0x1  }
0x94: {  	[sflag:s16] =	ssyncset.done $0x0  }
0x95: {  	s17 =	sld [smem:$0x10];
	[sflag:s16] =	ssyncadd.s32 $0xFFFFFFFF  }
0x96: {  	s18 =	sld [smem:$0x11];
	(tm) =	ssettm $0x1  }
0x97: {  	s19 =	sld [smem:$0x3FFB];
	_ =	sdelay $0x3  }
0x98: {  	_ =	strace s19  }
0x99: {  	s4 =	sld [smem:$0x3FFC];
	_ =	sdelay $0x3  }
0x9a: {  	_ =	strace s4  }
0x9b: {  	s4 =	sld [smem:$0x3FFD];
	_ =	sdelay $0x3  }
0x9c: {  	_ =	strace s4  }
0x9d: {  	_ =	strace $0x8FFFFFFF  }
0x9e: {  	s20 =	sld [smem:$0x3FDB];
	_ =	sdelay $0x1  }
0x9f: {  	s5 =	simm.s32 $_scs_section_size  }
0xa0: {  	s6 =	simm.s32 $_size__tile_overlayer_lowered;
	s7 =	simm.s32 $_tile_overlayer_lowered  }
0xa1: {  	s23 =	simm.s32 $0x1BFF;
	s22 =	sshll.u32 s7, $0x1;
	s4 =	sadd.s32 s5, s20  }
0xa2: {  	s8 =	simm.s32 $0x0;
	s21 =	sshll.u32 s6, $0x1;
	s6 =	sadd.s32 s22, s4  }
0xa3: {  	[timem:s8], [sflag:s23] =	dma.local [hbm:s6], s21  }
0xa4: {  	_ =	swait.ge [sflag:s23], s21  }
0xa5: {  	s5 =	ssub.s32 $0x0, s21;
	[sflag:s23] =	ssyncset.done $0x0  }
0xa6: {  	[sflag:s23] =	ssyncadd.s32 s5;
	_ =	sdelay $0x1  }
0xa7: {  	s24 =	simm.s32 $0x1B8B  }
0xa8: {  	_ =	swait.ge [sflag:s24], $0x1  }
0xa9: {  	[sflag:s24] =	ssyncset.done $0x0  }
0xaa: {  	s25 =	simm.s32 $0x1B8E;
	[sflag:s24] =	ssyncadd.s32 $0xFFFFFFFF  }
0xab: {  	s26 =	simm.s32 $execute0_lowered;
	[smem:$0x3FD2] =	sst s25  }
0xac: {  	s5 =	sshll.u32 s26, $0x1;
	_ =	strace $0x80000046;
	[dreg:$0x1] =	wrdreg $0xFFFFFFFF  }
0xad: {  	s28 =	simm.s32 $_size_execute0_lowered;
	s4 =	sadd.s32 s4, s5;
	[dreg:$0x0] =	wrdreg $0x0  }
0xae: {  	s5 =	sshll.u32 s28, $0x1;
	[dreg:$0x2] =	wrdreg s4  }
0xaf: {  	[dreg:$0x3] =	wrdreg s5  }
0xb0: {  	[dreg:$0x4] =	wrdreg $0xC0  }
0xb1: {  	_ =	task [dreg:s8], $0x5FFFF  }
0xb2: {  	[dreg:$0x1] =	wrdreg $0xFFFFFFFF  }
0xb3: {  	[dreg:$0x0] =	wrdreg $0x60  }
0xb4: {  	[dreg:$0x2] =	wrdreg s18  }
0xb5: {  	[dreg:$0x3] =	wrdreg s17  }
0xb6: {  	[dreg:$0x4] =	wrdreg $0x9  }
0xb7: {  	_ =	task.clear_ibuf [dreg:s8], $0x5FFFF;
	_ =	strace $0x90000046  }
0xb8: {  	s29 =	simm.s32 $0x9;
	_ =	strace $0x80000048  }
0xb9: {  	_ =	swait.ge [sflag:s29], $0x1  }
0xba: {  	[sflag:s29] =	ssyncadd.s32 $0xFFFFFFFF  }
0xbb: {  	_ =	strace $0x90000048  }
0xbc: {  	_ =	sfence  }
0xbd: {  	s30 =	sld [smem:$0x0];
	_ =	sdelay $0x2  }
0xbe: {  	s31 =	sshll.u32 s1, $0xD;
	s1 =	sshrl.u32 s1, $0x2  }
0xbf: {  	s3 =	sand.u32 $0x4000, s31;
	s1 =	sadd.s32 s1, s30  }
0xc0: {  	s0 =	sor.u32 s3, s0;
	s1 =	sshll.u32 s1, $0x11  }
0xc1: {  	s0 =	sor.u32 s1, s0  }
0xc2: {  	s0 =	sadd.s32 $0x8F2B, s0  }
0xc3: {  	[sflag:s0] =	ssyncadd.remote.s32 $0x1  }
0xc4: {  	_ =	sfence.sel $0xFFFF  }
0xc5: {  	[dreg:$0x0] =	wrdreg $0xFFFFFFFF;
	(pc) =	sbr.abs _section_cstart, $3  }
0xc6: {  	[dreg:$0x1] =	wrdreg $0xFFFFFFFF  }
0xc7: {  	_ =	task.clear_ibuf [dreg:s8], $0x2FFFF;
	_ =	strace $0x9FFFFFFF  }
0xc8: {  	(tm) =	ssettm $0x7FFFFFFF  }
0xc9: {  	_ =	shalt  }
tec
execute0_lowered:
.L_overlay_start_1:
0x0: {  	(tag) =	ssettag $0x1  }
0x1: {  	s3 =	rddreg [dreg:$0x0];
	s1 =	srdreg.scid  }
0x2: {  	s0 =	stileid.u32;
	s4 =	rddreg [dreg:$0x1];
	s9 =	simm.s32 $0x400  }
0x3: {  	s10 =	simm.s32 $0x0;
	s5 =	sand.u32 $0x1, s1;
	s2 =	sshll.u32 s0, $0x1  }
0x4: {  	s1 =	rddreg [dreg:$0x2];
	s7 =	sshrl.u32 s0, $0x2;
	s6 =	sor.u32 s5, s2  }
0x5: {  	s2 =	simm.s32 $0x0;
	s7 =	smul.u32 $0x14000, s7;
	s5 =	ssub.s32 $0x2, s5  }
0x6: {  	s8 =	sshll.u32 s6, $0x7;
	[smem:$0x7FF] =	sst s2;
	s6 =	smul.u32 $0x500, s6  }
0x7: {  	s31 =	sshrl.u32 s5, $0x1;
	s8 =	sand.u32 $0x380, s8;
	_ =	strace $0x80000047  }
0x8: {  	s5 =	ssub.s32 s5, s31;
	s7 =	sor.u32 s7, s8;
	s3 =	sadd.s32 s3, s6  }
0x9: {  	s5 =	smax.u32 s5, $0x1;
	s6 =	simm.s32 $0x1;
	s7 =	sshrl.u32 s7, $0x3  }
0xa: {  	v0 =	vimm.f32 $0.0e+00;
	v1 =	vimm.f32 $1.000000000e+00;
	s8 =	simm.s32 $0x80;
	s4 =	sadd.s32 s4, s7;
	s7 =	simm.s32 $0x2800  }
.LBB2_1:
0xb: {  	[tilespmem:s2], [sflag:$0x1] =	stream.linear.gather [hbm4b:s3+s2], $0x2800, $0x38;
	[tilespmem:$0x5000] =	vst v63  }
0xc: {  	_ =	swait.ge [sflag:s6], $0x2800  }
0xd: {  	[sflag:s6] =	ssyncset.done $0x0  }
0xe: {  	s11 =	simm.s32 $0x0;
	[sflag:s6] =	ssyncadd.s32 $0xFFFFD800  }
.LBB2_2:
0xf: {  	p0 =	sne.s32 s11, $0x9FC0  }
.Ltmp0:
0x10: {  	_ = 	snop;
	(pc) =	sbr.rel @p0 .LBB2_2-.Ltmp0, $3  }
0x11: {  	_ =	sdelay $0x1  }
0x12: {  	s12 =	sshra.s32 s11, $0x2  }
0x13: {  	s11 =	sadd.s32 $0x40, s11;
	[tilespmem:s12+$0x2800] =	vst v0  }
0x14: {  	s11 =	simm.s32 $0x1C0  }
.LBB2_4:
0x15: {  	s12 =	sshra.s32 s11, $0x2  }
0x16: {  	v2 =	vld [tilespmem:s12+$0xFFFFFF90];
	_ =	sdelay $0x4  }
0x17: {  	v2 =	vshrl.u32 v2, $0x10;
	_ =	sdelay $0x4  }
0x18: {  	[tilespmem:v2+s7+$0x0] =	vst.idx.add.f32.msk $0xffff, v1  }
0x19: {  	v2 =	vld [tilespmem:s12+$0xFFFFFFA0];
	_ =	sdelay $0x4  }
0x1a: {  	v2 =	vshrl.u32 v2, $0x10;
	_ =	sdelay $0x4  }
0x1b: {  	[tilespmem:v2+s7+$0x0] =	vst.idx.add.f32.msk $0xffff, v1  }
0x1c: {  	v2 =	vld [tilespmem:s12+$0xFFFFFFB0];
	_ =	sdelay $0x4  }
0x1d: {  	v2 =	vshrl.u32 v2, $0x10;
	_ =	sdelay $0x4  }
0x1e: {  	[tilespmem:v2+s7+$0x0] =	vst.idx.add.f32.msk $0xffff, v1  }
0x1f: {  	v2 =	vld [tilespmem:s12+$0xFFFFFFC0];
	_ =	sdelay $0x4  }
0x20: {  	v2 =	vshrl.u32 v2, $0x10;
	_ =	sdelay $0x4  }
0x21: {  	[tilespmem:v2+s7+$0x0] =	vst.idx.add.f32.msk $0xffff, v1  }
0x22: {  	v2 =	vld [tilespmem:s12+$0xFFFFFFD0];
	_ =	sdelay $0x4  }
0x23: {  	v2 =	vshrl.u32 v2, $0x10;
	_ =	sdelay $0x4  }
0x24: {  	[tilespmem:v2+s7+$0x0] =	vst.idx.add.f32.msk $0xffff, v1  }
0x25: {  	v2 =	vld [tilespmem:s12+$0xFFFFFFE0];
	_ =	sdelay $0x4  }
0x26: {  	v2 =	vshrl.u32 v2, $0x10;
	_ =	sdelay $0x4  }
0x27: {  	[tilespmem:v2+s7+$0x0] =	vst.idx.add.f32.msk $0xffff, v1  }
0x28: {  	v2 =	vld [tilespmem:s12+$0xFFFFFFF0];
	_ =	sdelay $0x4  }
0x29: {  	v2 =	vshrl.u32 v2, $0x10;
	_ =	sdelay $0x4  }
0x2a: {  	[tilespmem:v2+s7+$0x0] =	vst.idx.add.f32.msk $0xffff, v1  }
0x2b: {  	v2 =	vld [tilespmem:s12+$0x0];
	_ =	sdelay $0x4  }
0x2c: {  	p0 =	sne.s32 s11, $0x9FC0;
	v2 =	vshrl.u32 v2, $0x10  }
.Ltmp1:
0x2d: {  	_ = 	snop;
	(pc) =	sbr.rel @p0 .LBB2_4-.Ltmp1, $2  }
0x2e: {  	_ =	sdelay $0x2  }
0x2f: {  	s11 =	sadd.s32 $0x200, s11;
	[tilespmem:v2+s7+$0x0] =	vst.idx.add.f32.msk $0xffff, v1  }
0x30: {  	s10 =	sadd.s32 $0x1, s10  }
0x31: {  	p0 =	sne.s32 s10, s5  }
.Ltmp2:
0x32: {  	_ = 	snop;
	(pc) =	sbr.rel @p0 .LBB2_1-.Ltmp2, $4  }
0x33: {  	[hbm4b:s4+s8] =	stream.strided.scatter [tilespmem:s7], [sflag:$0x1], $0x2800, s9, s8, $0x38;
	[tilespmem:$0x5000] =	vst v63  }
0x34: {  	_ =	swait.ge [sflag:s6], $0x2800  }
0x35: {  	[sflag:s6] =	ssyncset.done $0x0  }
0x36: {  	[sflag:s6] =	ssyncadd.s32 $0xFFFFD800  }
0x37: {  	_ =	sfence.sel $0x180000  }
0x38: {  	[bflag:$0x0] =	sbarrier.arrive $0xFFFF  }
0x39: {  	p0 =	sne.s32 s0, $0x0;
	_ =	strace $0x90000047  }
0x3a: {  	s0 =	sadd.s32 @!p0 $0x100000, s1;
	[bflag:$0x2] =	sbarrier.arrive $0xFFFF  }
0x3b: {  	[sflag:s0] =	ssyncadd.tile.s32 @!p0 $0x1;
	_ =	shalt  }
.Lfunc_end2:
_tile_overlayer_lowered:
.L_overlay_start_2:
0x3c: {  	(tag) =	ssettag $0x2  }
0x3d: {  	s0 =	rddreg [dreg:$0x0];
	s2 =	stileid.u32  }
0x3e: {  	s1 =	rddreg [dreg:$0x1];
	p0 =	sne.s32 s2, $0x0  }
0x3f: {  	s3 =	rddreg [dreg:$0x2];
	[bflag:$0x3] =	sbarrier.arrive $0xFFFF;
	s2 =	simm.s32 @!p0 $0x1C01  }
0x40: {  	[timem:s3], [sflag:s2] =	dma.local @!p0 [hbm:s0], s1  }
0x41: {  	s0 =	simm.s32 @!p0 $0x1  }
0x42: {  	_ =	swait.ge @!p0 [sflag:s0], s1  }
0x43: {  	s1 =	ssub.s32 @!p0 $0x0, s1;
	[sflag:s0] =	ssyncset.done @!p0 $0x0  }
0x44: {  	[sflag:s0] =	ssyncadd.s32 @!p0 s1  }
0x45: {  	[bflag:$0x3] =	sbarrier.arrive $0xFFFF  }
0x46: {  	_ =	shalt  }

</sc_bundles>
